<compile_context>
chip_gen: v7x
topology: tpu7x:2x2x1
jax: 0.10.2.dev20260603
libtpu: 0.0.44.dev20260713+nightly
codegen_flags: <defaults>
</compile_context>

<pallas_src>
import functools

import jax
import jax.numpy as jnp
from jax import lax
from jax.experimental import pallas as pl
from jax.experimental.pallas import tpu as pltpu
from jax.experimental.pallas import tpu_sc as plsc

N_NODES = 10000
N_EDGES = 320000
D_IN = 128
D_HID = 128
D_OUT = 64

NC = 2
NS = 16
NW = NC * NS
K = 64
NCHUNK = N_EDGES // K
CPW = 160
NCHUNK_PAD = CPW * NW
N_PAD = 10240
ROWS_PER_TILE = N_PAD // NS
PAD_NODE = N_PAD - 1
NBUF = 4
HALF = 40

_mesh = lambda: plsc.VectorSubcoreMesh(core_axis_name="c", subcore_axis_name="s")


def _worker_id():
    return lax.axis_index("s") * NC + lax.axis_index("c")


@functools.partial(
    pl.kernel,
    out_type=jax.ShapeDtypeStruct((NC, 1, N_PAD), jnp.float32),
    mesh=_mesh(),
    scratch_types=[
        pltpu.VMEM((K,), jnp.float32),
        pltpu.VMEM((ROWS_PER_TILE,), jnp.float32),
        pltpu.VMEM((CPW, K), jnp.int32),
        pltpu.VMEM_SHARED((N_PAD,), jnp.float32),
        pltpu.SemaphoreType.DMA,
    ],
)
def _deg_kernel(dst_hbm, deg_hbm, ones_v, zbuf, didx, acc, sem):
    w = _worker_id()
    s_ax = lax.axis_index("s")
    c_ax = lax.axis_index("c")

    for j in range(K // 16):
        ones_v[pl.ds(j * 16, 16)] = jnp.ones((16,), jnp.float32)
    for j in range(ROWS_PER_TILE // 16):
        zbuf[pl.ds(j * 16, 16)] = jnp.zeros((16,), jnp.float32)

    base = s_ax * ROWS_PER_TILE
    pltpu.sync_copy(zbuf, acc.at[pl.ds(base, ROWS_PER_TILE)])
    pltpu.sync_copy(dst_hbm.at[pl.ds(w * CPW, CPW)], didx)
    plsc.subcore_barrier()

    def fire(j, _):
        pltpu.async_copy(ones_v, acc.at[didx.at[j]], sem, add=True)
        return 0
    lax.fori_loop(0, CPW, fire, 0, unroll=False)

    def drain(j, _):
        pltpu.make_async_copy(ones_v, acc.at[didx.at[0]], sem).wait()
        return 0
    lax.fori_loop(0, CPW, drain, 0, unroll=False)

    plsc.subcore_barrier()
    pltpu.sync_copy(acc.at[pl.ds(base, ROWS_PER_TILE)],
                    deg_hbm.at[c_ax, 0, pl.ds(base, ROWS_PER_TILE)])


@functools.partial(
    pl.kernel,
    out_type=jax.ShapeDtypeStruct((NC, N_PAD, D_HID), jnp.float32),
    mesh=_mesh(),
    scratch_types=[
        pltpu.VMEM((NBUF, K, D_HID), jnp.float32),
        pltpu.VMEM((HALF, K), jnp.int32),
        pltpu.VMEM((HALF, K), jnp.int32),
        pltpu.VMEM_SHARED((N_PAD, D_HID), jnp.float32),
        [pltpu.SemaphoreType.DMA] * NBUF,
    ],
)
def _agg_kernel(xws_hbm, src_hbm, dst_hbm, agg_hbm, rows, sidx, didx, acc, gsem):
    w = _worker_id()
    s_ax = lax.axis_index("s")
    c_ax = lax.axis_index("c")

    def fz(i, _):
        for j in range(D_HID // 16):
            rows[0, i, pl.ds(j * 16, 16)] = jnp.zeros((16,), jnp.float32)
        return 0
    lax.fori_loop(0, K, fz, 0, unroll=False)
    base = s_ax * ROWS_PER_TILE
    for i in range(ROWS_PER_TILE // K):
        pltpu.sync_copy(rows.at[0], acc.at[pl.ds(base + i * K, K)])
    plsc.subcore_barrier()

    for h in range(CPW // HALF):
        hb = w * CPW + h * HALF
        pltpu.sync_copy(src_hbm.at[pl.ds(hb, HALF)], sidx)
        pltpu.sync_copy(dst_hbm.at[pl.ds(hb, HALF)], didx)
        for b in range(NBUF):
            pltpu.async_copy(xws_hbm.at[sidx.at[b]], rows.at[b], gsem[b])

        def outer(g, _):
            for b in range(NBUF):
                j = g * NBUF + b
                pltpu.make_async_copy(xws_hbm.at[sidx.at[b]], rows.at[b],
                                      gsem[b]).wait()
                pltpu.sync_copy(rows.at[b], acc.at[didx.at[j]], add=True)
                nxt = j + NBUF
                @pl.when(nxt < HALF)
                def _():
                    pltpu.async_copy(xws_hbm.at[sidx.at[nxt]], rows.at[b],
                                     gsem[b])
            return 0
        lax.fori_loop(0, HALF // NBUF, outer, 0, unroll=False)

    plsc.subcore_barrier()
    for i in range(ROWS_PER_TILE // K):
        pltpu.sync_copy(acc.at[pl.ds(base + i * K, K)],
                        agg_hbm.at[c_ax, pl.ds(base + i * K, K)])


RBX = 1024


def _xws_body(x_ref, w_ref, deg_ref, o_ref):
    deg = deg_ref[0, :, 0:1] + deg_ref[1, :, 0:1] + 1.0
    dinv = lax.rsqrt(deg)
    xw = jnp.dot(x_ref[...], w_ref[...], preferred_element_type=jnp.float32)
    o_ref[...] = xw * dinv


def _xws_call(x_pad, W_g, deg_parts):
    return pl.pallas_call(
        _xws_body,
        grid=(N_PAD // RBX,),
        in_specs=[
            pl.BlockSpec((RBX, D_IN), lambda i: (i, 0)),
            pl.BlockSpec((D_IN, D_HID), lambda i: (0, 0)),
            pl.BlockSpec((NC, RBX, 1), lambda i: (0, i, 0)),
        ],
        out_specs=pl.BlockSpec((RBX, D_HID), lambda i: (i, 0)),
        out_shape=jax.ShapeDtypeStruct((N_PAD, D_HID), jnp.float32),
    )(x_pad, W_g, deg_parts)


RBH = 1000


def _head_body(agg_ref, xws_ref, deg_ref, bg_ref, wl_ref, bl_ref, o_ref):
    deg = deg_ref[0, :, 0:1] + deg_ref[1, :, 0:1] + 1.0
    dinv = lax.rsqrt(deg)
    pre = (agg_ref[0] + agg_ref[1] + xws_ref[...]) * dinv + bg_ref[...]
    h = jnp.maximum(pre, 0.0)
    o_ref[...] = jnp.dot(h, wl_ref[...], preferred_element_type=jnp.float32) + bl_ref[...]


def _head_call(agg_parts, xws, deg_parts, b_g, W_l, b_l):
    return pl.pallas_call(
        _head_body,
        grid=(N_NODES // RBH,),
        in_specs=[
            pl.BlockSpec((NC, RBH, D_HID), lambda i: (0, i, 0)),
            pl.BlockSpec((RBH, D_HID), lambda i: (i, 0)),
            pl.BlockSpec((NC, RBH, 1), lambda i: (0, i, 0)),
            pl.BlockSpec((1, D_HID), lambda i: (0, 0)),
            pl.BlockSpec((D_HID, D_OUT), lambda i: (0, 0)),
            pl.BlockSpec((1, D_OUT), lambda i: (0, 0)),
        ],
        out_specs=pl.BlockSpec((RBH, D_OUT), lambda i: (i, 0)),
        out_shape=jax.ShapeDtypeStruct((N_NODES, D_OUT), jnp.float32),
    )(agg_parts, xws, deg_parts, b_g, W_l, b_l)


def kernel(x, edge_index, W_g, b_g, W_l, b_l):
    ei = edge_index.astype(jnp.int32).reshape(2, NCHUNK, K)
    npadc = NCHUNK_PAD - NCHUNK
    padv = (N_NODES +
            jnp.arange(npadc * K, dtype=jnp.int32) % (N_PAD - N_NODES))
    pad = jnp.broadcast_to(padv.reshape(1, npadc, K), (2, npadc, K))
    ei = jnp.concatenate([ei, pad], axis=1)
    src, dst = ei[0], ei[1]
    x_pad = jnp.pad(x, ((0, N_PAD - N_NODES), (0, 0)))
    deg_parts = _deg_kernel(dst).reshape(NC, N_PAD, 1)
    xws = _xws_call(x_pad, W_g, deg_parts)
    agg_parts = _agg_kernel(xws, src, dst)
    return _head_call(agg_parts, xws, deg_parts,
                      b_g.reshape(1, D_HID), W_l, b_l.reshape(1, D_OUT))

# --- scband reference (transcript-rebuilt; emitter-appended) ---
"""Pipeline reference for scband-gcn-t-16020228014647 (READ-ONLY COPY).

The authoritative reference and input builder live on the scoring server;
editing this copy changes nothing except your own understanding.
"""

import jax, jax.numpy as jnp
import numpy as np

N_NODES = 10000
N_EDGES = 320000
D_IN = 128
D_HID = 128
D_OUT = 64


def setup_inputs(seed: int = 0) -> dict:
    key = jax.random.key(seed)
    k1, k2, k3, k4, k5, k6 = jax.random.split(key, 6)
    x = jax.random.normal(k1, (N_NODES, D_IN), dtype=jnp.float32)
    edge_index = jax.random.randint(k2, (2, N_EDGES), 0, N_NODES, dtype=jnp.int64)
    # GCNConv weight (glorot-ish) and bias
    W_g = jax.random.normal(k3, (D_IN, D_HID), dtype=jnp.float32) * (1.0 / np.sqrt(D_IN))
    b_g = jnp.zeros((D_HID,), dtype=jnp.float32)
    # Linear head
    W_l = jax.random.normal(k4, (D_HID, D_OUT), dtype=jnp.float32) * (1.0 / np.sqrt(D_HID))
    b_l = jnp.zeros((D_OUT,), dtype=jnp.float32)
    return {"x": x, "edge_index": edge_index, "W_g": W_g, "b_g": b_g, "W_l": W_l, "b_l": b_l}


def _gcn_conv(x, edge_index, W, b):
    N = x.shape[0]
    src = edge_index[0]
    dst = edge_index[1]
    # add self loops (GCNConv default)
    loop = jnp.arange(N, dtype=edge_index.dtype)
    src = jnp.concatenate([src, loop])
    dst = jnp.concatenate([dst, loop])
    # symmetric normalization D^{-1/2} A D^{-1/2}
    deg = jax.ops.segment_sum(jnp.ones_like(dst, dtype=x.dtype), dst, num_segments=N)
    deg_inv_sqrt = jnp.where(deg > 0, 1.0 / jnp.sqrt(deg), 0.0)
    norm = deg_inv_sqrt[src] * deg_inv_sqrt[dst]
    xw = x @ W
    msg = xw[src] * norm[:, None]
    out = jax.ops.segment_sum(msg, dst, num_segments=N)
    return out + b


def reference(x, edge_index, W_g, b_g, W_l, b_l):
    # graph_layers: GCNConv + ReLU
    h = _gcn_conv(x, edge_index, W_g, b_g)
    h = jax.nn.relu(h)
    # linear_layers: Linear head
    out = h @ W_l + b_l
    return out

if __name__ == "__main__":
    import jax
    _d = setup_inputs()
    print(jax.jit(kernel)(*tuple(_d.values())))

</pallas_src>

<mosaic_0001>
#map = affine_map<(d0, d1) -> (0, 0)>
#map1 = affine_map<(d0, d1) -> (0, 0, 0)>
module attributes {stable_mosaic.version = 14 : i64} {
  func.func @_deg_kernel(%arg0: i32, %arg1: i32, %arg2: memref<5120x64xi32, #tpu.memory_space<hbm>>, %arg3: memref<2x1x10240xf32, #tpu.memory_space<hbm>>, %arg4: memref<64xf32, #tpu.memory_space<vmem>>, %arg5: memref<640xf32, #tpu.memory_space<vmem>>, %arg6: memref<160x64xi32, #tpu.memory_space<vmem>>, %arg7: memref<10240xf32, #tpu.memory_space<vmem_shared>>, %arg8: memref<!tpu.dma_semaphore, #tpu.memory_space<semaphore_mem>>) attributes {dimension_semantics = [#tpu.dimension_semantics<core_parallel>, #tpu.dimension_semantics<subcore_parallel>], iteration_bounds = array<i64: 2, 16>, scalar_prefetch = 0 : i64, scratch_operands = 5 : i64, tpu.core_type = #tpu.core_type<sc_vector_subcore>, window_params = [{transform_indices = #map}, {transform_indices = #map1}]} {
    %mul3A = arith.constant 2 : i32
    %mul3A_0 = arith.muli %arg1, %mul3A : i32
    %add3A = arith.addi %mul3A_0, %arg0 : i32
    %broadcast_in_dim3A = arith.constant 1.000000e+00 : f32
    %broadcast_in_dim3A_1 = vector.broadcast %broadcast_in_dim3A : f32 to vector<16xf32>
    %swap3A = arith.constant 0 : index
    %swap3A_2 = tpu.vector_load %arg4[%swap3A] {strides = array<i32>} : memref<64xf32, #tpu.memory_space<vmem>>, vector<16xf32>,
    %swap3A_3 = vector.shape_cast %swap3A_2 : vector<16xf32> to vector<16xf32>
    %swap3A_4 = vector.shape_cast %broadcast_in_dim3A_1 : vector<16xf32> to vector<16xf32>
    tpu.vector_store %arg4[%swap3A], %swap3A_4 {strides = array<i32>} : memref<64xf32, #tpu.memory_space<vmem>>, vector<16xf32>,
    %broadcast_in_dim3A_5 = arith.constant 1.000000e+00 : f32
    %broadcast_in_dim3A_6 = vector.broadcast %broadcast_in_dim3A_5 : f32 to vector<16xf32>
    %swap3A_7 = arith.constant 16 : index
    %swap3A_8 = tpu.vector_load %arg4[%swap3A_7] {strides = array<i32>} : memref<64xf32, #tpu.memory_space<vmem>>, vector<16xf32>,
    %swap3A_9 = vector.shape_cast %swap3A_8 : vector<16xf32> to vector<16xf32>
    %swap3A_10 = vector.shape_cast %broadcast_in_dim3A_6 : vector<16xf32> to vector<16xf32>
    tpu.vector_store %arg4[%swap3A_7], %swap3A_10 {strides = array<i32>} : memref<64xf32, #tpu.memory_space<vmem>>, vector<16xf32>,
    %broadcast_in_dim3A_11 = arith.constant 1.000000e+00 : f32
    %broadcast_in_dim3A_12 = vector.broadcast %broadcast_in_dim3A_11 : f32 to vector<16xf32>
    %swap3A_13 = arith.constant 32 : index
    %swap3A_14 = tpu.vector_load %arg4[%swap3A_13] {strides = array<i32>} : memref<64xf32, #tpu.memory_space<vmem>>, vector<16xf32>,
    %swap3A_15 = vector.shape_cast %swap3A_14 : vector<16xf32> to vector<16xf32>
    %swap3A_16 = vector.shape_cast %broadcast_in_dim3A_12 : vector<16xf32> to vector<16xf32>
    tpu.vector_store %arg4[%swap3A_13], %swap3A_16 {strides = array<i32>} : memref<64xf32, #tpu.memory_space<vmem>>, vector<16xf32>,
    %broadcast_in_dim3A_17 = arith.constant 1.000000e+00 : f32
    %broadcast_in_dim3A_18 = vector.broadcast %broadcast_in_dim3A_17 : f32 to vector<16xf32>
    %swap3A_19 = arith.constant 48 : index
    %swap3A_20 = tpu.vector_load %arg4[%swap3A_19] {strides = array<i32>} : memref<64xf32, #tpu.memory_space<vmem>>, vector<16xf32>,
    %swap3A_21 = vector.shape_cast %swap3A_20 : vector<16xf32> to vector<16xf32>
    %swap3A_22 = vector.shape_cast %broadcast_in_dim3A_18 : vector<16xf32> to vector<16xf32>
    tpu.vector_store %arg4[%swap3A_19], %swap3A_22 {strides = array<i32>} : memref<64xf32, #tpu.memory_space<vmem>>, vector<16xf32>,
    %broadcast_in_dim3A_23 = arith.constant 0.000000e+00 : f32
    %broadcast_in_dim3A_24 = vector.broadcast %broadcast_in_dim3A_23 : f32 to vector<16xf32>
    %swap3A_25 = arith.constant 0 : index
    %swap3A_26 = tpu.vector_load %arg5[%swap3A_25] {strides = array<i32>} : memref<640xf32, #tpu.memory_space<vmem>>, vector<16xf32>,
    %swap3A_27 = vector.shape_cast %swap3A_26 : vector<16xf32> to vector<16xf32>
    %swap3A_28 = vector.shape_cast %broadcast_in_dim3A_24 : vector<16xf32> to vector<16xf32>
    tpu.vector_store %arg5[%swap3A_25], %swap3A_28 {strides = array<i32>} : memref<640xf32, #tpu.memory_space<vmem>>, vector<16xf32>,
    %broadcast_in_dim3A_29 = arith.constant 0.000000e+00 : f32
    %broadcast_in_dim3A_30 = vector.broadcast %broadcast_in_dim3A_29 : f32 to vector<16xf32>
    %swap3A_31 = arith.constant 16 : index
    %swap3A_32 = tpu.vector_load %arg5[%swap3A_31] {strides = array<i32>} : memref<640xf32, #tpu.memory_space<vmem>>, vector<16xf32>,
    %swap3A_33 = vector.shape_cast %swap3A_32 : vector<16xf32> to vector<16xf32>
    %swap3A_34 = vector.shape_cast %broadcast_in_dim3A_30 : vector<16xf32> to vector<16xf32>
    tpu.vector_store %arg5[%swap3A_31], %swap3A_34 {strides = array<i32>} : memref<640xf32, #tpu.memory_space<vmem>>, vector<16xf32>,
    %broadcast_in_dim3A_35 = arith.constant 0.000000e+00 : f32
    %broadcast_in_dim3A_36 = vector.broadcast %broadcast_in_dim3A_35 : f32 to vector<16xf32>
    %swap3A_37 = arith.constant 32 : index
    %swap3A_38 = tpu.vector_load %arg5[%swap3A_37] {strides = array<i32>} : memref<640xf32, #tpu.memory_space<vmem>>, vector<16xf32>,
    %swap3A_39 = vector.shape_cast %swap3A_38 : vector<16xf32> to vector<16xf32>
    %swap3A_40 = vector.shape_cast %broadcast_in_dim3A_36 : vector<16xf32> to vector<16xf32>
    tpu.vector_store %arg5[%swap3A_37], %swap3A_40 {strides = array<i32>} : memref<640xf32, #tpu.memory_space<vmem>>, vector<16xf32>,
    %broadcast_in_dim3A_41 = arith.constant 0.000000e+00 : f32
    %broadcast_in_dim3A_42 = vector.broadcast %broadcast_in_dim3A_41 : f32 to vector<16xf32>
    %swap3A_43 = arith.constant 48 : index
    %swap3A_44 = tpu.vector_load %arg5[%swap3A_43] {strides = array<i32>} : memref<640xf32, #tpu.memory_space<vmem>>, vector<16xf32>,
    %swap3A_45 = vector.shape_cast %swap3A_44 : vector<16xf32> to vector<16xf32>
    %swap3A_46 = vector.shape_cast %broadcast_in_dim3A_42 : vector<16xf32> to vector<16xf32>
    tpu.vector_store %arg5[%swap3A_43], %swap3A_46 {strides = array<i32>} : memref<640xf32, #tpu.memory_space<vmem>>, vector<16xf32>,
    %broadcast_in_dim3A_47 = arith.constant 0.000000e+00 : f32
    %broadcast_in_dim3A_48 = vector.broadcast %broadcast_in_dim3A_47 : f32 to vector<16xf32>
    %swap3A_49 = arith.constant 64 : index
    %swap3A_50 = tpu.vector_load %arg5[%swap3A_49] {strides = array<i32>} : memref<640xf32, #tpu.memory_space<vmem>>, vector<16xf32>,
    %swap3A_51 = vector.shape_cast %swap3A_50 : vector<16xf32> to vector<16xf32>
    %swap3A_52 = vector.shape_cast %broadcast_in_dim3A_48 : vector<16xf32> to vector<16xf32>
    tpu.vector_store %arg5[%swap3A_49], %swap3A_52 {strides = array<i32>} : memref<640xf32, #tpu.memory_space<vmem>>, vector<16xf32>,
    %broadcast_in_dim3A_53 = arith.constant 0.000000e+00 : f32
    %broadcast_in_dim3A_54 = vector.broadcast %broadcast_in_dim3A_53 : f32 to vector<16xf32>
    %swap3A_55 = arith.constant 80 : index
    %swap3A_56 = tpu.vector_load %arg5[%swap3A_55] {strides = array<i32>} : memref<640xf32, #tpu.memory_space<vmem>>, vector<16xf32>,
    %swap3A_57 = vector.shape_cast %swap3A_56 : vector<16xf32> to vector<16xf32>
    %swap3A_58 = vector.shape_cast %broadcast_in_dim3A_54 : vector<16xf32> to vector<16xf32>
    tpu.vector_store %arg5[%swap3A_55], %swap3A_58 {strides = array<i32>} : memref<640xf32, #tpu.memory_space<vmem>>, vector<16xf32>,
    %broadcast_in_dim3A_59 = arith.constant 0.000000e+00 : f32
    %broadcast_in_dim3A_60 = vector.broadcast %broadcast_in_dim3A_59 : f32 to vector<16xf32>
    %swap3A_61 = arith.constant 96 : index
    %swap3A_62 = tpu.vector_load %arg5[%swap3A_61] {strides = array<i32>} : memref<640xf32, #tpu.memory_space<vmem>>, vector<16xf32>,
    %swap3A_63 = vector.shape_cast %swap3A_62 : vector<16xf32> to vector<16xf32>
    %swap3A_64 = vector.shape_cast %broadcast_in_dim3A_60 : vector<16xf32> to vector<16xf32>
    tpu.vector_store %arg5[%swap3A_61], %swap3A_64 {strides = array<i32>} : memref<640xf32, #tpu.memory_space<vmem>>, vector<16xf32>,
    %broadcast_in_dim3A_65 = arith.constant 0.000000e+00 : f32
    %broadcast_in_dim3A_66 = vector.broadcast %broadcast_in_dim3A_65 : f32 to vector<16xf32>
    %swap3A_67 = arith.constant 112 : index
    %swap3A_68 = tpu.vector_load %arg5[%swap3A_67] {strides = array<i32>} : memref<640xf32, #tpu.memory_space<vmem>>, vector<16xf32>,
    %swap3A_69 = vector.shape_cast %swap3A_68 : vector<16xf32> to vector<16xf32>
    %swap3A_70 = vector.shape_cast %broadcast_in_dim3A_66 : vector<16xf32> to vector<16xf32>
    tpu.vector_store %arg5[%swap3A_67], %swap3A_70 {strides = array<i32>} : memref<640xf32, #tpu.memory_space<vmem>>, vector<16xf32>,
    %broadcast_in_dim3A_71 = arith.constant 0.000000e+00 : f32
    %broadcast_in_dim3A_72 = vector.broadcast %broadcast_in_dim3A_71 : f32 to vector<16xf32>
    %swap3A_73 = arith.constant 128 : index
    %swap3A_74 = tpu.vector_load %arg5[%swap3A_73] {strides = array<i32>} : memref<640xf32, #tpu.memory_space<vmem>>, vector<16xf32>,
    %swap3A_75 = vector.shape_cast %swap3A_74 : vector<16xf32> to vector<16xf32>
    %swap3A_76 = vector.shape_cast %broadcast_in_dim3A_72 : vector<16xf32> to vector<16xf32>
    tpu.vector_store %arg5[%swap3A_73], %swap3A_76 {strides = array<i32>} : memref<640xf32, #tpu.memory_space<vmem>>, vector<16xf32>,
    %broadcast_in_dim3A_77 = arith.constant 0.000000e+00 : f32
    %broadcast_in_dim3A_78 = vector.broadcast %broadcast_in_dim3A_77 : f32 to vector<16xf32>
    %swap3A_79 = arith.constant 144 : index
    %swap3A_80 = tpu.vector_load %arg5[%swap3A_79] {strides = array<i32>} : memref<640xf32, #tpu.memory_space<vmem>>, vector<16xf32>,
    %swap3A_81 = vector.shape_cast %swap3A_80 : vector<16xf32> to vector<16xf32>
    %swap3A_82 = vector.shape_cast %broadcast_in_dim3A_78 : vector<16xf32> to vector<16xf32>
    tpu.vector_store %arg5[%swap3A_79], %swap3A_82 {strides = array<i32>} : memref<640xf32, #tpu.memory_space<vmem>>, vector<16xf32>,
    %broadcast_in_dim3A_83 = arith.constant 0.000000e+00 : f32
    %broadcast_in_dim3A_84 = vector.broadcast %broadcast_in_dim3A_83 : f32 to vector<16xf32>
    %swap3A_85 = arith.constant 160 : index
    %swap3A_86 = tpu.vector_load %arg5[%swap3A_85] {strides = array<i32>} : memref<640xf32, #tpu.memory_space<vmem>>, vector<16xf32>,
    %swap3A_87 = vector.shape_cast %swap3A_86 : vector<16xf32> to vector<16xf32>
    %swap3A_88 = vector.shape_cast %broadcast_in_dim3A_84 : vector<16xf32> to vector<16xf32>
    tpu.vector_store %arg5[%swap3A_85], %swap3A_88 {strides = array<i32>} : memref<640xf32, #tpu.memory_space<vmem>>, vector<16xf32>,
    %broadcast_in_dim3A_89 = arith.constant 0.000000e+00 : f32
    %broadcast_in_dim3A_90 = vector.broadcast %broadcast_in_dim3A_89 : f32 to vector<16xf32>
    %swap3A_91 = arith.constant 176 : index
    %swap3A_92 = tpu.vector_load %arg5[%swap3A_91] {strides = array<i32>} : memref<640xf32, #tpu.memory_space<vmem>>, vector<16xf32>,
    %swap3A_93 = vector.shape_cast %swap3A_92 : vector<16xf32> to vector<16xf32>
    %swap3A_94 = vector.shape_cast %broadcast_in_dim3A_90 : vector<16xf32> to vector<16xf32>
    tpu.vector_store %arg5[%swap3A_91], %swap3A_94 {strides = array<i32>} : memref<640xf32, #tpu.memory_space<vmem>>, vector<16xf32>,
    %broadcast_in_dim3A_95 = arith.constant 0.000000e+00 : f32
    %broadcast_in_dim3A_96 = vector.broadcast %broadcast_in_dim3A_95 : f32 to vector<16xf32>
    %swap3A_97 = arith.constant 192 : index
    %swap3A_98 = tpu.vector_load %arg5[%swap3A_97] {strides = array<i32>} : memref<640xf32, #tpu.memory_space<vmem>>, vector<16xf32>,
    %swap3A_99 = vector.shape_cast %swap3A_98 : vector<16xf32> to vector<16xf32>
    %swap3A_100 = vector.shape_cast %broadcast_in_dim3A_96 : vector<16xf32> to vector<16xf32>
    tpu.vector_store %arg5[%swap3A_97], %swap3A_100 {strides = array<i32>} : memref<640xf32, #tpu.memory_space<vmem>>, vector<16xf32>,
    %broadcast_in_dim3A_101 = arith.constant 0.000000e+00 : f32
    %broadcast_in_dim3A_102 = vector.broadcast %broadcast_in_dim3A_101 : f32 to vector<16xf32>
    %swap3A_103 = arith.constant 208 : index
    %swap3A_104 = tpu.vector_load %arg5[%swap3A_103] {strides = array<i32>} : memref<640xf32, #tpu.memory_space<vmem>>, vector<16xf32>,
    %swap3A_105 = vector.shape_cast %swap3A_104 : vector<16xf32> to vector<16xf32>
    %swap3A_106 = vector.shape_cast %broadcast_in_dim3A_102 : vector<16xf32> to vector<16xf32>
    tpu.vector_store %arg5[%swap3A_103], %swap3A_106 {strides = array<i32>} : memref<640xf32, #tpu.memory_space<vmem>>, vector<16xf32>,
    %broadcast_in_dim3A_107 = arith.constant 0.000000e+00 : f32
    %broadcast_in_dim3A_108 = vector.broadcast %broadcast_in_dim3A_107 : f32 to vector<16xf32>
    %swap3A_109 = arith.constant 224 : index
    %swap3A_110 = tpu.vector_load %arg5[%swap3A_109] {strides = array<i32>} : memref<640xf32, #tpu.memory_space<vmem>>, vector<16xf32>,
    %swap3A_111 = vector.shape_cast %swap3A_110 : vector<16xf32> to vector<16xf32>
    %swap3A_112 = vector.shape_cast %broadcast_in_dim3A_108 : vector<16xf32> to vector<16xf32>
    tpu.vector_store %arg5[%swap3A_109], %swap3A_112 {strides = array<i32>} : memref<640xf32, #tpu.memory_space<vmem>>, vector<16xf32>,
    %broadcast_in_dim3A_113 = arith.constant 0.000000e+00 : f32
    %broadcast_in_dim3A_114 = vector.broadcast %broadcast_in_dim3A_113 : f32 to vector<16xf32>
    %swap3A_115 = arith.constant 240 : index
    %swap3A_116 = tpu.vector_load %arg5[%swap3A_115] {strides = array<i32>} : memref<640xf32, #tpu.memory_space<vmem>>, vector<16xf32>,
    %swap3A_117 = vector.shape_cast %swap3A_116 : vector<16xf32> to vector<16xf32>
    %swap3A_118 = vector.shape_cast %broadcast_in_dim3A_114 : vector<16xf32> to vector<16xf32>
    tpu.vector_store %arg5[%swap3A_115], %swap3A_118 {strides = array<i32>} : memref<640xf32, #tpu.memory_space<vmem>>, vector<16xf32>,
    %broadcast_in_dim3A_119 = arith.constant 0.000000e+00 : f32
    %broadcast_in_dim3A_120 = vector.broadcast %broadcast_in_dim3A_119 : f32 to vector<16xf32>
    %swap3A_121 = arith.constant 256 : index
    %swap3A_122 = tpu.vector_load %arg5[%swap3A_121] {strides = array<i32>} : memref<640xf32, #tpu.memory_space<vmem>>, vector<16xf32>,
    %swap3A_123 = vector.shape_cast %swap3A_122 : vector<16xf32> to vector<16xf32>
    %swap3A_124 = vector.shape_cast %broadcast_in_dim3A_120 : vector<16xf32> to vector<16xf32>
    tpu.vector_store %arg5[%swap3A_121], %swap3A_124 {strides = array<i32>} : memref<640xf32, #tpu.memory_space<vmem>>, vector<16xf32>,
    %broadcast_in_dim3A_125 = arith.constant 0.000000e+00 : f32
    %broadcast_in_dim3A_126 = vector.broadcast %broadcast_in_dim3A_125 : f32 to vector<16xf32>
    %swap3A_127 = arith.constant 272 : index
    %swap3A_128 = tpu.vector_load %arg5[%swap3A_127] {strides = array<i32>} : memref<640xf32, #tpu.memory_space<vmem>>, vector<16xf32>,
    %swap3A_129 = vector.shape_cast %swap3A_128 : vector<16xf32> to vector<16xf32>
    %swap3A_130 = vector.shape_cast %broadcast_in_dim3A_126 : vector<16xf32> to vector<16xf32>
    tpu.vector_store %arg5[%swap3A_127], %swap3A_130 {strides = array<i32>} : memref<640xf32, #tpu.memory_space<vmem>>, vector<16xf32>,
    %broadcast_in_dim3A_131 = arith.constant 0.000000e+00 : f32
    %broadcast_in_dim3A_132 = vector.broadcast %broadcast_in_dim3A_131 : f32 to vector<16xf32>
    %swap3A_133 = arith.constant 288 : index
    %swap3A_134 = tpu.vector_load %arg5[%swap3A_133] {strides = array<i32>} : memref<640xf32, #tpu.memory_space<vmem>>, vector<16xf32>,
    %swap3A_135 = vector.shape_cast %swap3A_134 : vector<16xf32> to vector<16xf32>
    %swap3A_136 = vector.shape_cast %broadcast_in_dim3A_132 : vector<16xf32> to vector<16xf32>
    tpu.vector_store %arg5[%swap3A_133], %swap3A_136 {strides = array<i32>} : memref<640xf32, #tpu.memory_space<vmem>>, vector<16xf32>,
    %broadcast_in_dim3A_137 = arith.constant 0.000000e+00 : f32
    %broadcast_in_dim3A_138 = vector.broadcast %broadcast_in_dim3A_137 : f32 to vector<16xf32>
    %swap3A_139 = arith.constant 304 : index
    %swap3A_140 = tpu.vector_load %arg5[%swap3A_139] {strides = array<i32>} : memref<640xf32, #tpu.memory_space<vmem>>, vector<16xf32>,
    %swap3A_141 = vector.shape_cast %swap3A_140 : vector<16xf32> to vector<16xf32>
    %swap3A_142 = vector.shape_cast %broadcast_in_dim3A_138 : vector<16xf32> to vector<16xf32>
    tpu.vector_store %arg5[%swap3A_139], %swap3A_142 {strides = array<i32>} : memref<640xf32, #tpu.memory_space<vmem>>, vector<16xf32>,
    %broadcast_in_dim3A_143 = arith.constant 0.000000e+00 : f32
    %broadcast_in_dim3A_144 = vector.broadcast %broadcast_in_dim3A_143 : f32 to vector<16xf32>
    %swap3A_145 = arith.constant 320 : index
    %swap3A_146 = tpu.vector_load %arg5[%swap3A_145] {strides = array<i32>} : memref<640xf32, #tpu.memory_space<vmem>>, vector<16xf32>,
    %swap3A_147 = vector.shape_cast %swap3A_146 : vector<16xf32> to vector<16xf32>
    %swap3A_148 = vector.shape_cast %broadcast_in_dim3A_144 : vector<16xf32> to vector<16xf32>
    tpu.vector_store %arg5[%swap3A_145], %swap3A_148 {strides = array<i32>} : memref<640xf32, #tpu.memory_space<vmem>>, vector<16xf32>,
    %broadcast_in_dim3A_149 = arith.constant 0.000000e+00 : f32
    %broadcast_in_dim3A_150 = vector.broadcast %broadcast_in_dim3A_149 : f32 to vector<16xf32>
    %swap3A_151 = arith.constant 336 : index
    %swap3A_152 = tpu.vector_load %arg5[%swap3A_151] {strides = array<i32>} : memref<640xf32, #tpu.memory_space<vmem>>, vector<16xf32>,
    %swap3A_153 = vector.shape_cast %swap3A_152 : vector<16xf32> to vector<16xf32>
    %swap3A_154 = vector.shape_cast %broadcast_in_dim3A_150 : vector<16xf32> to vector<16xf32>
    tpu.vector_store %arg5[%swap3A_151], %swap3A_154 {strides = array<i32>} : memref<640xf32, #tpu.memory_space<vmem>>, vector<16xf32>,
    %broadcast_in_dim3A_155 = arith.constant 0.000000e+00 : f32
    %broadcast_in_dim3A_156 = vector.broadcast %broadcast_in_dim3A_155 : f32 to vector<16xf32>
    %swap3A_157 = arith.constant 352 : index
    %swap3A_158 = tpu.vector_load %arg5[%swap3A_157] {strides = array<i32>} : memref<640xf32, #tpu.memory_space<vmem>>, vector<16xf32>,
    %swap3A_159 = vector.shape_cast %swap3A_158 : vector<16xf32> to vector<16xf32>
    %swap3A_160 = vector.shape_cast %broadcast_in_dim3A_156 : vector<16xf32> to vector<16xf32>
    tpu.vector_store %arg5[%swap3A_157], %swap3A_160 {strides = array<i32>} : memref<640xf32, #tpu.memory_space<vmem>>, vector<16xf32>,
    %broadcast_in_dim3A_161 = arith.constant 0.000000e+00 : f32
    %broadcast_in_dim3A_162 = vector.broadcast %broadcast_in_dim3A_161 : f32 to vector<16xf32>
    %swap3A_163 = arith.constant 368 : index
    %swap3A_164 = tpu.vector_load %arg5[%swap3A_163] {strides = array<i32>} : memref<640xf32, #tpu.memory_space<vmem>>, vector<16xf32>,
    %swap3A_165 = vector.shape_cast %swap3A_164 : vector<16xf32> to vector<16xf32>
    %swap3A_166 = vector.shape_cast %broadcast_in_dim3A_162 : vector<16xf32> to vector<16xf32>
    tpu.vector_store %arg5[%swap3A_163], %swap3A_166 {strides = array<i32>} : memref<640xf32, #tpu.memory_space<vmem>>, vector<16xf32>,
    %broadcast_in_dim3A_167 = arith.constant 0.000000e+00 : f32
    %broadcast_in_dim3A_168 = vector.broadcast %broadcast_in_dim3A_167 : f32 to vector<16xf32>
    %swap3A_169 = arith.constant 384 : index
    %swap3A_170 = tpu.vector_load %arg5[%swap3A_169] {strides = array<i32>} : memref<640xf32, #tpu.memory_space<vmem>>, vector<16xf32>,
    %swap3A_171 = vector.shape_cast %swap3A_170 : vector<16xf32> to vector<16xf32>
    %swap3A_172 = vector.shape_cast %broadcast_in_dim3A_168 : vector<16xf32> to vector<16xf32>
    tpu.vector_store %arg5[%swap3A_169], %swap3A_172 {strides = array<i32>} : memref<640xf32, #tpu.memory_space<vmem>>, vector<16xf32>,
    %broadcast_in_dim3A_173 = arith.constant 0.000000e+00 : f32
    %broadcast_in_dim3A_174 = vector.broadcast %broadcast_in_dim3A_173 : f32 to vector<16xf32>
    %swap3A_175 = arith.constant 400 : index
    %swap3A_176 = tpu.vector_load %arg5[%swap3A_175] {strides = array<i32>} : memref<640xf32, #tpu.memory_space<vmem>>, vector<16xf32>,
    %swap3A_177 = vector.shape_cast %swap3A_176 : vector<16xf32> to vector<16xf32>
    %swap3A_178 = vector.shape_cast %broadcast_in_dim3A_174 : vector<16xf32> to vector<16xf32>
    tpu.vector_store %arg5[%swap3A_175], %swap3A_178 {strides = array<i32>} : memref<640xf32, #tpu.memory_space<vmem>>, vector<16xf32>,
    %broadcast_in_dim3A_179 = arith.constant 0.000000e+00 : f32
    %broadcast_in_dim3A_180 = vector.broadcast %broadcast_in_dim3A_179 : f32 to vector<16xf32>
    %swap3A_181 = arith.constant 416 : index
    %swap3A_182 = tpu.vector_load %arg5[%swap3A_181] {strides = array<i32>} : memref<640xf32, #tpu.memory_space<vmem>>, vector<16xf32>,
    %swap3A_183 = vector.shape_cast %swap3A_182 : vector<16xf32> to vector<16xf32>
    %swap3A_184 = vector.shape_cast %broadcast_in_dim3A_180 : vector<16xf32> to vector<16xf32>
    tpu.vector_store %arg5[%swap3A_181], %swap3A_184 {strides = array<i32>} : memref<640xf32, #tpu.memory_space<vmem>>, vector<16xf32>,
    %broadcast_in_dim3A_185 = arith.constant 0.000000e+00 : f32
    %broadcast_in_dim3A_186 = vector.broadcast %broadcast_in_dim3A_185 : f32 to vector<16xf32>
    %swap3A_187 = arith.constant 432 : index
    %swap3A_188 = tpu.vector_load %arg5[%swap3A_187] {strides = array<i32>} : memref<640xf32, #tpu.memory_space<vmem>>, vector<16xf32>,
    %swap3A_189 = vector.shape_cast %swap3A_188 : vector<16xf32> to vector<16xf32>
    %swap3A_190 = vector.shape_cast %broadcast_in_dim3A_186 : vector<16xf32> to vector<16xf32>
    tpu.vector_store %arg5[%swap3A_187], %swap3A_190 {strides = array<i32>} : memref<640xf32, #tpu.memory_space<vmem>>, vector<16xf32>,
    %broadcast_in_dim3A_191 = arith.constant 0.000000e+00 : f32
    %broadcast_in_dim3A_192 = vector.broadcast %broadcast_in_dim3A_191 : f32 to vector<16xf32>
    %swap3A_193 = arith.constant 448 : index
    %swap3A_194 = tpu.vector_load %arg5[%swap3A_193] {strides = array<i32>} : memref<640xf32, #tpu.memory_space<vmem>>, vector<16xf32>,
    %swap3A_195 = vector.shape_cast %swap3A_194 : vector<16xf32> to vector<16xf32>
    %swap3A_196 = vector.shape_cast %broadcast_in_dim3A_192 : vector<16xf32> to vector<16xf32>
    tpu.vector_store %arg5[%swap3A_193], %swap3A_196 {strides = array<i32>} : memref<640xf32, #tpu.memory_space<vmem>>, vector<16xf32>,
    %broadcast_in_dim3A_197 = arith.constant 0.000000e+00 : f32
    %broadcast_in_dim3A_198 = vector.broadcast %broadcast_in_dim3A_197 : f32 to vector<16xf32>
    %swap3A_199 = arith.constant 464 : index
    %swap3A_200 = tpu.vector_load %arg5[%swap3A_199] {strides = array<i32>} : memref<640xf32, #tpu.memory_space<vmem>>, vector<16xf32>,
    %swap3A_201 = vector.shape_cast %swap3A_200 : vector<16xf32> to vector<16xf32>
    %swap3A_202 = vector.shape_cast %broadcast_in_dim3A_198 : vector<16xf32> to vector<16xf32>
    tpu.vector_store %arg5[%swap3A_199], %swap3A_202 {strides = array<i32>} : memref<640xf32, #tpu.memory_space<vmem>>, vector<16xf32>,
    %broadcast_in_dim3A_203 = arith.constant 0.000000e+00 : f32
    %broadcast_in_dim3A_204 = vector.broadcast %broadcast_in_dim3A_203 : f32 to vector<16xf32>
    %swap3A_205 = arith.constant 480 : index
    %swap3A_206 = tpu.vector_load %arg5[%swap3A_205] {strides = array<i32>} : memref<640xf32, #tpu.memory_space<vmem>>, vector<16xf32>,
    %swap3A_207 = vector.shape_cast %swap3A_206 : vector<16xf32> to vector<16xf32>
    %swap3A_208 = vector.shape_cast %broadcast_in_dim3A_204 : vector<16xf32> to vector<16xf32>
    tpu.vector_store %arg5[%swap3A_205], %swap3A_208 {strides = array<i32>} : memref<640xf32, #tpu.memory_space<vmem>>, vector<16xf32>,
    %broadcast_in_dim3A_209 = arith.constant 0.000000e+00 : f32
    %broadcast_in_dim3A_210 = vector.broadcast %broadcast_in_dim3A_209 : f32 to vector<16xf32>
    %swap3A_211 = arith.constant 496 : index
    %swap3A_212 = tpu.vector_load %arg5[%swap3A_211] {strides = array<i32>} : memref<640xf32, #tpu.memory_space<vmem>>, vector<16xf32>,
    %swap3A_213 = vector.shape_cast %swap3A_212 : vector<16xf32> to vector<16xf32>
    %swap3A_214 = vector.shape_cast %broadcast_in_dim3A_210 : vector<16xf32> to vector<16xf32>
    tpu.vector_store %arg5[%swap3A_211], %swap3A_214 {strides = array<i32>} : memref<640xf32, #tpu.memory_space<vmem>>, vector<16xf32>,
    %broadcast_in_dim3A_215 = arith.constant 0.000000e+00 : f32
    %broadcast_in_dim3A_216 = vector.broadcast %broadcast_in_dim3A_215 : f32 to vector<16xf32>
    %swap3A_217 = arith.constant 512 : index
    %swap3A_218 = tpu.vector_load %arg5[%swap3A_217] {strides = array<i32>} : memref<640xf32, #tpu.memory_space<vmem>>, vector<16xf32>,
    %swap3A_219 = vector.shape_cast %swap3A_218 : vector<16xf32> to vector<16xf32>
    %swap3A_220 = vector.shape_cast %broadcast_in_dim3A_216 : vector<16xf32> to vector<16xf32>
    tpu.vector_store %arg5[%swap3A_217], %swap3A_220 {strides = array<i32>} : memref<640xf32, #tpu.memory_space<vmem>>, vector<16xf32>,
    %broadcast_in_dim3A_221 = arith.constant 0.000000e+00 : f32
    %broadcast_in_dim3A_222 = vector.broadcast %broadcast_in_dim3A_221 : f32 to vector<16xf32>
    %swap3A_223 = arith.constant 528 : index
    %swap3A_224 = tpu.vector_load %arg5[%swap3A_223] {strides = array<i32>} : memref<640xf32, #tpu.memory_space<vmem>>, vector<16xf32>,
    %swap3A_225 = vector.shape_cast %swap3A_224 : vector<16xf32> to vector<16xf32>
    %swap3A_226 = vector.shape_cast %broadcast_in_dim3A_222 : vector<16xf32> to vector<16xf32>
    tpu.vector_store %arg5[%swap3A_223], %swap3A_226 {strides = array<i32>} : memref<640xf32, #tpu.memory_space<vmem>>, vector<16xf32>,
    %broadcast_in_dim3A_227 = arith.constant 0.000000e+00 : f32
    %broadcast_in_dim3A_228 = vector.broadcast %broadcast_in_dim3A_227 : f32 to vector<16xf32>
    %swap3A_229 = arith.constant 544 : index
    %swap3A_230 = tpu.vector_load %arg5[%swap3A_229] {strides = array<i32>} : memref<640xf32, #tpu.memory_space<vmem>>, vector<16xf32>,
    %swap3A_231 = vector.shape_cast %swap3A_230 : vector<16xf32> to vector<16xf32>
    %swap3A_232 = vector.shape_cast %broadcast_in_dim3A_228 : vector<16xf32> to vector<16xf32>
    tpu.vector_store %arg5[%swap3A_229], %swap3A_232 {strides = array<i32>} : memref<640xf32, #tpu.memory_space<vmem>>, vector<16xf32>,
    %broadcast_in_dim3A_233 = arith.constant 0.000000e+00 : f32
    %broadcast_in_dim3A_234 = vector.broadcast %broadcast_in_dim3A_233 : f32 to vector<16xf32>
    %swap3A_235 = arith.constant 560 : index
    %swap3A_236 = tpu.vector_load %arg5[%swap3A_235] {strides = array<i32>} : memref<640xf32, #tpu.memory_space<vmem>>, vector<16xf32>,
    %swap3A_237 = vector.shape_cast %swap3A_236 : vector<16xf32> to vector<16xf32>
    %swap3A_238 = vector.shape_cast %broadcast_in_dim3A_234 : vector<16xf32> to vector<16xf32>
    tpu.vector_store %arg5[%swap3A_235], %swap3A_238 {strides = array<i32>} : memref<640xf32, #tpu.memory_space<vmem>>, vector<16xf32>,
    %broadcast_in_dim3A_239 = arith.constant 0.000000e+00 : f32
    %broadcast_in_dim3A_240 = vector.broadcast %broadcast_in_dim3A_239 : f32 to vector<16xf32>
    %swap3A_241 = arith.constant 576 : index
    %swap3A_242 = tpu.vector_load %arg5[%swap3A_241] {strides = array<i32>} : memref<640xf32, #tpu.memory_space<vmem>>, vector<16xf32>,
    %swap3A_243 = vector.shape_cast %swap3A_242 : vector<16xf32> to vector<16xf32>
    %swap3A_244 = vector.shape_cast %broadcast_in_dim3A_240 : vector<16xf32> to vector<16xf32>
    tpu.vector_store %arg5[%swap3A_241], %swap3A_244 {strides = array<i32>} : memref<640xf32, #tpu.memory_space<vmem>>, vector<16xf32>,
    %broadcast_in_dim3A_245 = arith.constant 0.000000e+00 : f32
    %broadcast_in_dim3A_246 = vector.broadcast %broadcast_in_dim3A_245 : f32 to vector<16xf32>
    %swap3A_247 = arith.constant 592 : index
    %swap3A_248 = tpu.vector_load %arg5[%swap3A_247] {strides = array<i32>} : memref<640xf32, #tpu.memory_space<vmem>>, vector<16xf32>,
    %swap3A_249 = vector.shape_cast %swap3A_248 : vector<16xf32> to vector<16xf32>
    %swap3A_250 = vector.shape_cast %broadcast_in_dim3A_246 : vector<16xf32> to vector<16xf32>
    tpu.vector_store %arg5[%swap3A_247], %swap3A_250 {strides = array<i32>} : memref<640xf32, #tpu.memory_space<vmem>>, vector<16xf32>,
    %broadcast_in_dim3A_251 = arith.constant 0.000000e+00 : f32
    %broadcast_in_dim3A_252 = vector.broadcast %broadcast_in_dim3A_251 : f32 to vector<16xf32>
    %swap3A_253 = arith.constant 608 : index
    %swap3A_254 = tpu.vector_load %arg5[%swap3A_253] {strides = array<i32>} : memref<640xf32, #tpu.memory_space<vmem>>, vector<16xf32>,
    %swap3A_255 = vector.shape_cast %swap3A_254 : vector<16xf32> to vector<16xf32>
    %swap3A_256 = vector.shape_cast %broadcast_in_dim3A_252 : vector<16xf32> to vector<16xf32>
    tpu.vector_store %arg5[%swap3A_253], %swap3A_256 {strides = array<i32>} : memref<640xf32, #tpu.memory_space<vmem>>, vector<16xf32>,
    %broadcast_in_dim3A_257 = arith.constant 0.000000e+00 : f32
    %broadcast_in_dim3A_258 = vector.broadcast %broadcast_in_dim3A_257 : f32 to vector<16xf32>
    %swap3A_259 = arith.constant 624 : index
    %swap3A_260 = tpu.vector_load %arg5[%swap3A_259] {strides = array<i32>} : memref<640xf32, #tpu.memory_space<vmem>>, vector<16xf32>,
    %swap3A_261 = vector.shape_cast %swap3A_260 : vector<16xf32> to vector<16xf32>
    %swap3A_262 = vector.shape_cast %broadcast_in_dim3A_258 : vector<16xf32> to vector<16xf32>
    tpu.vector_store %arg5[%swap3A_259], %swap3A_262 {strides = array<i32>} : memref<640xf32, #tpu.memory_space<vmem>>, vector<16xf32>,
    %mul3A_263 = arith.constant 640 : i32
    %mul3A_264 = arith.muli %arg1, %mul3A_263 : i32
    "tpu.region"() ({
      %run_scoped3A_281 = tpu.sem_alloc : memref<!tpu.dma_semaphore, #tpu.memory_space<semaphore_mem>>
      %dma_start3A = tpu.memref_slice %arg7[%mul3A_264] : memref<10240xf32, #tpu.memory_space<vmem_shared>> -> memref<640xf32, #tpu.memory_space<vmem_shared>>
      %dma_start3A_282 = tpu.memref_slice %arg7[%mul3A_264] : memref<10240xf32, #tpu.memory_space<vmem_shared>> -> memref<640xf32, #tpu.memory_space<vmem_shared>>
      tpu.enqueue_dma source(%arg5 : memref<640xf32, #tpu.memory_space<vmem>>) target(%dma_start3A_282 : memref<640xf32, #tpu.memory_space<vmem_shared>>) target_semaphore(%run_scoped3A_281 : memref<!tpu.dma_semaphore, #tpu.memory_space<semaphore_mem>>)
      %dma_wait3A = tpu.memref_slice %arg7[%mul3A_264] : memref<10240xf32, #tpu.memory_space<vmem_shared>> -> memref<640xf32, #tpu.memory_space<vmem_shared>>
      %dma_wait3A_283 = tpu.memref_slice %arg7[%mul3A_264] : memref<10240xf32, #tpu.memory_space<vmem_shared>> -> memref<640xf32, #tpu.memory_space<vmem_shared>>
      tpu.wait_dma2 semaphore(%run_scoped3A_281 : memref<!tpu.dma_semaphore, #tpu.memory_space<semaphore_mem>>) src(%arg5 : memref<640xf32, #tpu.memory_space<vmem>>) dst(%dma_wait3A_283 : memref<640xf32, #tpu.memory_space<vmem_shared>>)
      tpu.yield
    }) : () -> ()
    %mul3A_265 = arith.constant 160 : i32
    %mul3A_266 = arith.muli %add3A, %mul3A_265 : i32
    "tpu.region"() ({
      %run_scoped3A_281 = tpu.sem_alloc : memref<!tpu.dma_semaphore, #tpu.memory_space<semaphore_mem>>
      %dma_start3A = arith.constant 0 : i32
      %dma_start3A_282 = tpu.memref_slice %arg2[%mul3A_266, %dma_start3A] : memref<5120x64xi32, #tpu.memory_space<hbm>> -> memref<160x64xi32, #tpu.memory_space<hbm>>
      %dma_start3A_283 = arith.constant 0 : i32
      %dma_start3A_284 = tpu.memref_slice %arg2[%mul3A_266, %dma_start3A_283] : memref<5120x64xi32, #tpu.memory_space<hbm>> -> memref<160x64xi32, #tpu.memory_space<hbm>>
      tpu.enqueue_dma source(%dma_start3A_284 : memref<160x64xi32, #tpu.memory_space<hbm>>) target(%arg6 : memref<160x64xi32, #tpu.memory_space<vmem>>) target_semaphore(%run_scoped3A_281 : memref<!tpu.dma_semaphore, #tpu.memory_space<semaphore_mem>>)
      %dma_wait3A = arith.constant 0 : i32
      %dma_wait3A_285 = tpu.memref_slice %arg2[%mul3A_266, %dma_wait3A] : memref<5120x64xi32, #tpu.memory_space<hbm>> -> memref<160x64xi32, #tpu.memory_space<hbm>>
      %dma_wait3A_286 = arith.constant 0 : i32
      %dma_wait3A_287 = tpu.memref_slice %arg2[%mul3A_266, %dma_wait3A_286] : memref<5120x64xi32, #tpu.memory_space<hbm>> -> memref<160x64xi32, #tpu.memory_space<hbm>>
      tpu.wait_dma2 semaphore(%run_scoped3A_281 : memref<!tpu.dma_semaphore, #tpu.memory_space<semaphore_mem>>) src(%dma_wait3A_287 : memref<160x64xi32, #tpu.memory_space<hbm>>) dst(%arg6 : memref<160x64xi32, #tpu.memory_space<vmem>>)
      tpu.yield
    }) : () -> ()
    %barrier3A = arith.constant 0 : index
    tpu.barrier barrier_id(%barrier3A)
    %scan3A = arith.constant 0 : i32
    %scan3A_267 = arith.constant 0 : i32
    %scan3A_268 = arith.constant 160 : i32
    %scan3A_269 = arith.addi %scan3A_267, %scan3A_268 : i32
    %scan3A_270 = arith.constant 1 : i32
    %scan3A_271 = scf.for %scan3A_281 = %scan3A_267 to %scan3A_269 step %scan3A_270 iter_args(%scan3A_282 = %scan3A) -> (i32)  : i32 {
      %dma_start3A = arith.constant 0 : i32
      %dma_start3A_283 = tpu.memref_slice %arg6[%scan3A_281, %dma_start3A] : memref<160x64xi32, #tpu.memory_space<vmem>> -> memref<1x64xi32, #tpu.memory_space<vmem>>
      %dma_start3A_284 = tpu.memref_squeeze %dma_start3A_283 : memref<1x64xi32, #tpu.memory_space<vmem>> -> memref<64xi32, #tpu.memory_space<vmem>>
      %dma_start3A_285 = arith.constant 0 : i32
      %dma_start3A_286 = tpu.memref_slice %arg7[%dma_start3A_285] : memref<10240xf32, #tpu.memory_space<vmem_shared>> -> memref<10240xf32, #tpu.memory_space<vmem_shared>>
      tpu.enqueue_indirect_dma source(%arg4 : memref<64xf32, #tpu.memory_space<vmem>>) target(%dma_start3A_286 : memref<10240xf32, #tpu.memory_space<vmem_shared>>) offsets(%dma_start3A_284 : memref<64xi32, #tpu.memory_space<vmem>>) semaphore(%arg8 : memref<!tpu.dma_semaphore, #tpu.memory_space<semaphore_mem>>) {add = true}
      %scan3A_287 = arith.constant 0 : i32
      scf.yield %scan3A_287 : i32
    }
    %scan3A_272 = arith.constant 160 : i32
    %scan3A_273 = arith.constant 0 : i32
    %scan3A_274 = arith.constant 0 : i32
    %scan3A_275 = arith.constant 160 : i32
    %scan3A_276 = arith.addi %scan3A_274, %scan3A_275 : i32
    %scan3A_277 = arith.constant 1 : i32
    %scan3A_278 = scf.for %scan3A_281 = %scan3A_274 to %scan3A_276 step %scan3A_277 iter_args(%scan3A_282 = %scan3A_273) -> (i32)  : i32 {
      %dma_wait3A = arith.constant 0 : i32
      %dma_wait3A_283 = arith.constant 0 : i32
      %dma_wait3A_284 = tpu.memref_slice %arg6[%dma_wait3A, %dma_wait3A_283] : memref<160x64xi32, #tpu.memory_space<vmem>> -> memref<1x64xi32, #tpu.memory_space<vmem>>
      %dma_wait3A_285 = tpu.memref_squeeze %dma_wait3A_284 : memref<1x64xi32, #tpu.memory_space<vmem>> -> memref<64xi32, #tpu.memory_space<vmem>>
      %dma_wait3A_286 = arith.constant 0 : i32
      %dma_wait3A_287 = tpu.memref_slice %arg7[%dma_wait3A_286] : memref<10240xf32, #tpu.memory_space<vmem_shared>> -> memref<10240xf32, #tpu.memory_space<vmem_shared>>
      tpu.wait_indirect_dma semaphore(%arg8 : memref<!tpu.dma_semaphore, #tpu.memory_space<semaphore_mem>>) src(%arg4 : memref<64xf32, #tpu.memory_space<vmem>>) dst(%dma_wait3A_287 : memref<10240xf32, #tpu.memory_space<vmem_shared>>)
      %scan3A_288 = arith.constant 0 : i32
      scf.yield %scan3A_288 : i32
    }
    %scan3A_279 = arith.constant 160 : i32
    %barrier3A_280 = arith.constant 0 : index
    tpu.barrier barrier_id(%barrier3A_280)
    %run_scoped3A = arith.constant 0 : i32
    "tpu.region"() ({
      %run_scoped3A_281 = tpu.sem_alloc : memref<!tpu.dma_semaphore, #tpu.memory_space<semaphore_mem>>
      %dma_start3A = tpu.memref_slice %arg3[%arg0, %run_scoped3A, %mul3A_264] : memref<2x1x10240xf32, #tpu.memory_space<hbm>> -> memref<1x1x640xf32, #tpu.memory_space<hbm>>
      %dma_start3A_282 = tpu.memref_squeeze %dma_start3A : memref<1x1x640xf32, #tpu.memory_space<hbm>> -> memref<640xf32, #tpu.memory_space<hbm>>
      %dma_start3A_283 = tpu.memref_slice %arg7[%mul3A_264] : memref<10240xf32, #tpu.memory_space<vmem_shared>> -> memref<640xf32, #tpu.memory_space<vmem_shared>>
      tpu.enqueue_dma source(%dma_start3A_283 : memref<640xf32, #tpu.memory_space<vmem_shared>>) target(%dma_start3A_282 : memref<640xf32, #tpu.memory_space<hbm>>) target_semaphore(%run_scoped3A_281 : memref<!tpu.dma_semaphore, #tpu.memory_space<semaphore_mem>>)
      %dma_wait3A = tpu.memref_slice %arg3[%arg0, %run_scoped3A, %mul3A_264] : memref<2x1x10240xf32, #tpu.memory_space<hbm>> -> memref<1x1x640xf32, #tpu.memory_space<hbm>>
      %dma_wait3A_284 = tpu.memref_squeeze %dma_wait3A : memref<1x1x640xf32, #tpu.memory_space<hbm>> -> memref<640xf32, #tpu.memory_space<hbm>>
      %dma_wait3A_285 = tpu.memref_slice %arg7[%mul3A_264] : memref<10240xf32, #tpu.memory_space<vmem_shared>> -> memref<640xf32, #tpu.memory_space<vmem_shared>>
      tpu.wait_dma2 semaphore(%run_scoped3A_281 : memref<!tpu.dma_semaphore, #tpu.memory_space<semaphore_mem>>) src(%dma_wait3A_285 : memref<640xf32, #tpu.memory_space<vmem_shared>>) dst(%dma_wait3A_284 : memref<640xf32, #tpu.memory_space<hbm>>)
      tpu.yield
    }) : () -> ()
    return
  }
}

#map = affine_map<(d0, d1) -> (0, 0)>
#map1 = affine_map<(d0, d1) -> (0, 0, 0)>
module attributes {stable_mosaic.version = 14 : i64} {
  func.func @_agg_kernel(%arg0: i32, %arg1: i32, %arg2: memref<10240x128xf32, #tpu.memory_space<hbm>>, %arg3: memref<5120x64xi32, #tpu.memory_space<hbm>>, %arg4: memref<5120x64xi32, #tpu.memory_space<hbm>>, %arg5: memref<2x10240x128xf32, #tpu.memory_space<hbm>>, %arg6: memref<4x64x128xf32, #tpu.memory_space<vmem>>, %arg7: memref<40x64xi32, #tpu.memory_space<vmem>>, %arg8: memref<40x64xi32, #tpu.memory_space<vmem>>, %arg9: memref<10240x128xf32, #tpu.memory_space<vmem_shared>>, %arg10: memref<!tpu.dma_semaphore, #tpu.memory_space<semaphore_mem>>, %arg11: memref<!tpu.dma_semaphore, #tpu.memory_space<semaphore_mem>>, %arg12: memref<!tpu.dma_semaphore, #tpu.memory_space<semaphore_mem>>, %arg13: memref<!tpu.dma_semaphore, #tpu.memory_space<semaphore_mem>>) attributes {dimension_semantics = [#tpu.dimension_semantics<core_parallel>, #tpu.dimension_semantics<subcore_parallel>], iteration_bounds = array<i64: 2, 16>, scalar_prefetch = 0 : i64, scratch_operands = 8 : i64, tpu.core_type = #tpu.core_type<sc_vector_subcore>, window_params = [{transform_indices = #map}, {transform_indices = #map}, {transform_indices = #map}, {transform_indices = #map1}]} {
    %mul3A = arith.constant 2 : i32
    %mul3A_0 = arith.muli %arg1, %mul3A : i32
    %add3A = arith.addi %mul3A_0, %arg0 : i32
    %scan3A = arith.constant 0 : i32
    %scan3A_1 = arith.constant 0 : i32
    %scan3A_2 = arith.constant 64 : i32
    %scan3A_3 = arith.addi %scan3A_1, %scan3A_2 : i32
    %scan3A_4 = arith.constant 1 : i32
    %scan3A_5 = scf.for %scan3A_314 = %scan3A_1 to %scan3A_3 step %scan3A_4 iter_args(%scan3A_315 = %scan3A) -> (i32)  : i32 {
      %broadcast_in_dim3A = arith.constant 0.000000e+00 : f32
      %broadcast_in_dim3A_316 = vector.broadcast %broadcast_in_dim3A : f32 to vector<16xf32>
      %swap3A = arith.constant 0 : i32
      %swap3A_317 = arith.index_cast %swap3A : i32 to index
      %swap3A_318 = arith.index_cast %scan3A_314 : i32 to index
      %swap3A_319 = arith.constant 0 : index
      %swap3A_320 = tpu.vector_load %arg6[%swap3A_317, %swap3A_318, %swap3A_319] {strides = array<i32>} : memref<4x64x128xf32, #tpu.memory_space<vmem>>, vector<1x1x16xf32>,
      %swap3A_321 = vector.shape_cast %swap3A_320 : vector<1x1x16xf32> to vector<16xf32>
      %swap3A_322 = vector.shape_cast %broadcast_in_dim3A_316 : vector<16xf32> to vector<1x1x16xf32>
      tpu.vector_store %arg6[%swap3A_317, %swap3A_318, %swap3A_319], %swap3A_322 {strides = array<i32>} : memref<4x64x128xf32, #tpu.memory_space<vmem>>, vector<1x1x16xf32>,
      %broadcast_in_dim3A_323 = arith.constant 0.000000e+00 : f32
      %broadcast_in_dim3A_324 = vector.broadcast %broadcast_in_dim3A_323 : f32 to vector<16xf32>
      %swap3A_325 = arith.constant 0 : i32
      %swap3A_326 = arith.index_cast %swap3A_325 : i32 to index
      %swap3A_327 = arith.index_cast %scan3A_314 : i32 to index
      %swap3A_328 = arith.constant 16 : index
      %swap3A_329 = tpu.vector_load %arg6[%swap3A_326, %swap3A_327, %swap3A_328] {strides = array<i32>} : memref<4x64x128xf32, #tpu.memory_space<vmem>>, vector<1x1x16xf32>,
      %swap3A_330 = vector.shape_cast %swap3A_329 : vector<1x1x16xf32> to vector<16xf32>
      %swap3A_331 = vector.shape_cast %broadcast_in_dim3A_324 : vector<16xf32> to vector<1x1x16xf32>
      tpu.vector_store %arg6[%swap3A_326, %swap3A_327, %swap3A_328], %swap3A_331 {strides = array<i32>} : memref<4x64x128xf32, #tpu.memory_space<vmem>>, vector<1x1x16xf32>,
      %broadcast_in_dim3A_332 = arith.constant 0.000000e+00 : f32
      %broadcast_in_dim3A_333 = vector.broadcast %broadcast_in_dim3A_332 : f32 to vector<16xf32>
      %swap3A_334 = arith.constant 0 : i32
      %swap3A_335 = arith.index_cast %swap3A_334 : i32 to index
      %swap3A_336 = arith.index_cast %scan3A_314 : i32 to index
      %swap3A_337 = arith.constant 32 : index
      %swap3A_338 = tpu.vector_load %arg6[%swap3A_335, %swap3A_336, %swap3A_337] {strides = array<i32>} : memref<4x64x128xf32, #tpu.memory_space<vmem>>, vector<1x1x16xf32>,
      %swap3A_339 = vector.shape_cast %swap3A_338 : vector<1x1x16xf32> to vector<16xf32>
      %swap3A_340 = vector.shape_cast %broadcast_in_dim3A_333 : vector<16xf32> to vector<1x1x16xf32>
      tpu.vector_store %arg6[%swap3A_335, %swap3A_336, %swap3A_337], %swap3A_340 {strides = array<i32>} : memref<4x64x128xf32, #tpu.memory_space<vmem>>, vector<1x1x16xf32>,
      %broadcast_in_dim3A_341 = arith.constant 0.000000e+00 : f32
      %broadcast_in_dim3A_342 = vector.broadcast %broadcast_in_dim3A_341 : f32 to vector<16xf32>
      %swap3A_343 = arith.constant 0 : i32
      %swap3A_344 = arith.index_cast %swap3A_343 : i32 to index
      %swap3A_345 = arith.index_cast %scan3A_314 : i32 to index
      %swap3A_346 = arith.constant 48 : index
      %swap3A_347 = tpu.vector_load %arg6[%swap3A_344, %swap3A_345, %swap3A_346] {strides = array<i32>} : memref<4x64x128xf32, #tpu.memory_space<vmem>>, vector<1x1x16xf32>,
      %swap3A_348 = vector.shape_cast %swap3A_347 : vector<1x1x16xf32> to vector<16xf32>
      %swap3A_349 = vector.shape_cast %broadcast_in_dim3A_342 : vector<16xf32> to vector<1x1x16xf32>
      tpu.vector_store %arg6[%swap3A_344, %swap3A_345, %swap3A_346], %swap3A_349 {strides = array<i32>} : memref<4x64x128xf32, #tpu.memory_space<vmem>>, vector<1x1x16xf32>,
      %broadcast_in_dim3A_350 = arith.constant 0.000000e+00 : f32
      %broadcast_in_dim3A_351 = vector.broadcast %broadcast_in_dim3A_350 : f32 to vector<16xf32>
      %swap3A_352 = arith.constant 0 : i32
      %swap3A_353 = arith.index_cast %swap3A_352 : i32 to index
      %swap3A_354 = arith.index_cast %scan3A_314 : i32 to index
      %swap3A_355 = arith.constant 64 : index
      %swap3A_356 = tpu.vector_load %arg6[%swap3A_353, %swap3A_354, %swap3A_355] {strides = array<i32>} : memref<4x64x128xf32, #tpu.memory_space<vmem>>, vector<1x1x16xf32>,
      %swap3A_357 = vector.shape_cast %swap3A_356 : vector<1x1x16xf32> to vector<16xf32>
      %swap3A_358 = vector.shape_cast %broadcast_in_dim3A_351 : vector<16xf32> to vector<1x1x16xf32>
      tpu.vector_store %arg6[%swap3A_353, %swap3A_354, %swap3A_355], %swap3A_358 {strides = array<i32>} : memref<4x64x128xf32, #tpu.memory_space<vmem>>, vector<1x1x16xf32>,
      %broadcast_in_dim3A_359 = arith.constant 0.000000e+00 : f32
      %broadcast_in_dim3A_360 = vector.broadcast %broadcast_in_dim3A_359 : f32 to vector<16xf32>
      %swap3A_361 = arith.constant 0 : i32
      %swap3A_362 = arith.index_cast %swap3A_361 : i32 to index
      %swap3A_363 = arith.index_cast %scan3A_314 : i32 to index
      %swap3A_364 = arith.constant 80 : index
      %swap3A_365 = tpu.vector_load %arg6[%swap3A_362, %swap3A_363, %swap3A_364] {strides = array<i32>} : memref<4x64x128xf32, #tpu.memory_space<vmem>>, vector<1x1x16xf32>,
      %swap3A_366 = vector.shape_cast %swap3A_365 : vector<1x1x16xf32> to vector<16xf32>
      %swap3A_367 = vector.shape_cast %broadcast_in_dim3A_360 : vector<16xf32> to vector<1x1x16xf32>
      tpu.vector_store %arg6[%swap3A_362, %swap3A_363, %swap3A_364], %swap3A_367 {strides = array<i32>} : memref<4x64x128xf32, #tpu.memory_space<vmem>>, vector<1x1x16xf32>,
      %broadcast_in_dim3A_368 = arith.constant 0.000000e+00 : f32
      %broadcast_in_dim3A_369 = vector.broadcast %broadcast_in_dim3A_368 : f32 to vector<16xf32>
      %swap3A_370 = arith.constant 0 : i32
      %swap3A_371 = arith.index_cast %swap3A_370 : i32 to index
      %swap3A_372 = arith.index_cast %scan3A_314 : i32 to index
      %swap3A_373 = arith.constant 96 : index
      %swap3A_374 = tpu.vector_load %arg6[%swap3A_371, %swap3A_372, %swap3A_373] {strides = array<i32>} : memref<4x64x128xf32, #tpu.memory_space<vmem>>, vector<1x1x16xf32>,
      %swap3A_375 = vector.shape_cast %swap3A_374 : vector<1x1x16xf32> to vector<16xf32>
      %swap3A_376 = vector.shape_cast %broadcast_in_dim3A_369 : vector<16xf32> to vector<1x1x16xf32>
      tpu.vector_store %arg6[%swap3A_371, %swap3A_372, %swap3A_373], %swap3A_376 {strides = array<i32>} : memref<4x64x128xf32, #tpu.memory_space<vmem>>, vector<1x1x16xf32>,
      %broadcast_in_dim3A_377 = arith.constant 0.000000e+00 : f32
      %broadcast_in_dim3A_378 = vector.broadcast %broadcast_in_dim3A_377 : f32 to vector<16xf32>
      %swap3A_379 = arith.constant 0 : i32
      %swap3A_380 = arith.index_cast %swap3A_379 : i32 to index
      %swap3A_381 = arith.index_cast %scan3A_314 : i32 to index
      %swap3A_382 = arith.constant 112 : index
      %swap3A_383 = tpu.vector_load %arg6[%swap3A_380, %swap3A_381, %swap3A_382] {strides = array<i32>} : memref<4x64x128xf32, #tpu.memory_space<vmem>>, vector<1x1x16xf32>,
      %swap3A_384 = vector.shape_cast %swap3A_383 : vector<1x1x16xf32> to vector<16xf32>
      %swap3A_385 = vector.shape_cast %broadcast_in_dim3A_378 : vector<16xf32> to vector<1x1x16xf32>
      tpu.vector_store %arg6[%swap3A_380, %swap3A_381, %swap3A_382], %swap3A_385 {strides = array<i32>} : memref<4x64x128xf32, #tpu.memory_space<vmem>>, vector<1x1x16xf32>,
      %scan3A_386 = arith.constant 0 : i32
      scf.yield %scan3A_386 : i32
    }
    %scan3A_6 = arith.constant 64 : i32
    %mul3A_7 = arith.constant 640 : i32
    %mul3A_8 = arith.muli %arg1, %mul3A_7 : i32
    %add3A_9 = arith.constant 0 : i32
    %add3A_10 = arith.addi %mul3A_8, %add3A_9 : i32
    %run_scoped3A = arith.constant 0 : i32
    "tpu.region"() ({
      %run_scoped3A_314 = tpu.sem_alloc : memref<!tpu.dma_semaphore, #tpu.memory_space<semaphore_mem>>
      %dma_start3A_315 = arith.constant 0 : i32
      %dma_start3A_316 = arith.constant 0 : i32
      %dma_start3A_317 = tpu.memref_slice %arg6[%run_scoped3A, %dma_start3A_315, %dma_start3A_316] : memref<4x64x128xf32, #tpu.memory_space<vmem>> -> memref<1x64x128xf32, #tpu.memory_space<vmem>>
      %dma_start3A_318 = tpu.memref_squeeze %dma_start3A_317 : memref<1x64x128xf32, #tpu.memory_space<vmem>> -> memref<64x128xf32, #tpu.memory_space<vmem>>
      %dma_start3A_319 = arith.constant 0 : i32
      %dma_start3A_320 = tpu.memref_slice %arg9[%add3A_10, %dma_start3A_319] : memref<10240x128xf32, #tpu.memory_space<vmem_shared>> -> memref<64x128xf32, #tpu.memory_space<vmem_shared>>
      %dma_start3A_321 = arith.constant 0 : i32
      %dma_start3A_322 = tpu.memref_slice %arg9[%add3A_10, %dma_start3A_321] : memref<10240x128xf32, #tpu.memory_space<vmem_shared>> -> memref<64x128xf32, #tpu.memory_space<vmem_shared>>
      %dma_start3A_323 = arith.constant 0 : i32
      %dma_start3A_324 = arith.constant 0 : i32
      %dma_start3A_325 = tpu.memref_slice %arg6[%run_scoped3A, %dma_start3A_323, %dma_start3A_324] : memref<4x64x128xf32, #tpu.memory_space<vmem>> -> memref<1x64x128xf32, #tpu.memory_space<vmem>>
      %dma_start3A_326 = tpu.memref_squeeze %dma_start3A_325 : memref<1x64x128xf32, #tpu.memory_space<vmem>> -> memref<64x128xf32, #tpu.memory_space<vmem>>
      tpu.enqueue_dma source(%dma_start3A_326 : memref<64x128xf32, #tpu.memory_space<vmem>>) target(%dma_start3A_322 : memref<64x128xf32, #tpu.memory_space<vmem_shared>>) target_semaphore(%run_scoped3A_314 : memref<!tpu.dma_semaphore, #tpu.memory_space<semaphore_mem>>)
      %dma_wait3A = arith.constant 0 : i32
      %dma_wait3A_327 = arith.constant 0 : i32
      %dma_wait3A_328 = tpu.memref_slice %arg6[%run_scoped3A, %dma_wait3A, %dma_wait3A_327] : memref<4x64x128xf32, #tpu.memory_space<vmem>> -> memref<1x64x128xf32, #tpu.memory_space<vmem>>
      %dma_wait3A_329 = tpu.memref_squeeze %dma_wait3A_328 : memref<1x64x128xf32, #tpu.memory_space<vmem>> -> memref<64x128xf32, #tpu.memory_space<vmem>>
      %dma_wait3A_330 = arith.constant 0 : i32
      %dma_wait3A_331 = tpu.memref_slice %arg9[%add3A_10, %dma_wait3A_330] : memref<10240x128xf32, #tpu.memory_space<vmem_shared>> -> memref<64x128xf32, #tpu.memory_space<vmem_shared>>
      %dma_wait3A_332 = arith.constant 0 : i32
      %dma_wait3A_333 = tpu.memref_slice %arg9[%add3A_10, %dma_wait3A_332] : memref<10240x128xf32, #tpu.memory_space<vmem_shared>> -> memref<64x128xf32, #tpu.memory_space<vmem_shared>>
      %dma_wait3A_334 = arith.constant 0 : i32
      %dma_wait3A_335 = arith.constant 0 : i32
      %dma_wait3A_336 = tpu.memref_slice %arg6[%run_scoped3A, %dma_wait3A_334, %dma_wait3A_335] : memref<4x64x128xf32, #tpu.memory_space<vmem>> -> memref<1x64x128xf32, #tpu.memory_space<vmem>>
      %dma_wait3A_337 = tpu.memref_squeeze %dma_wait3A_336 : memref<1x64x128xf32, #tpu.memory_space<vmem>> -> memref<64x128xf32, #tpu.memory_space<vmem>>
      tpu.wait_dma2 semaphore(%run_scoped3A_314 : memref<!tpu.dma_semaphore, #tpu.memory_space<semaphore_mem>>) src(%dma_wait3A_337 : memref<64x128xf32, #tpu.memory_space<vmem>>) dst(%dma_wait3A_333 : memref<64x128xf32, #tpu.memory_space<vmem_shared>>)
      tpu.yield
    }) : () -> ()
    %add3A_11 = arith.constant 64 : i32
    %add3A_12 = arith.addi %mul3A_8, %add3A_11 : i32
    %run_scoped3A_13 = arith.constant 0 : i32
    "tpu.region"() ({
      %run_scoped3A_314 = tpu.sem_alloc : memref<!tpu.dma_semaphore, #tpu.memory_space<semaphore_mem>>
      %dma_start3A_315 = arith.constant 0 : i32
      %dma_start3A_316 = arith.constant 0 : i32
      %dma_start3A_317 = tpu.memref_slice %arg6[%run_scoped3A_13, %dma_start3A_315, %dma_start3A_316] : memref<4x64x128xf32, #tpu.memory_space<vmem>> -> memref<1x64x128xf32, #tpu.memory_space<vmem>>
      %dma_start3A_318 = tpu.memref_squeeze %dma_start3A_317 : memref<1x64x128xf32, #tpu.memory_space<vmem>> -> memref<64x128xf32, #tpu.memory_space<vmem>>
      %dma_start3A_319 = arith.constant 0 : i32
      %dma_start3A_320 = tpu.memref_slice %arg9[%add3A_12, %dma_start3A_319] : memref<10240x128xf32, #tpu.memory_space<vmem_shared>> -> memref<64x128xf32, #tpu.memory_space<vmem_shared>>
      %dma_start3A_321 = arith.constant 0 : i32
      %dma_start3A_322 = tpu.memref_slice %arg9[%add3A_12, %dma_start3A_321] : memref<10240x128xf32, #tpu.memory_space<vmem_shared>> -> memref<64x128xf32, #tpu.memory_space<vmem_shared>>
      %dma_start3A_323 = arith.constant 0 : i32
      %dma_start3A_324 = arith.constant 0 : i32
      %dma_start3A_325 = tpu.memref_slice %arg6[%run_scoped3A_13, %dma_start3A_323, %dma_start3A_324] : memref<4x64x128xf32, #tpu.memory_space<vmem>> -> memref<1x64x128xf32, #tpu.memory_space<vmem>>
      %dma_start3A_326 = tpu.memref_squeeze %dma_start3A_325 : memref<1x64x128xf32, #tpu.memory_space<vmem>> -> memref<64x128xf32, #tpu.memory_space<vmem>>
      tpu.enqueue_dma source(%dma_start3A_326 : memref<64x128xf32, #tpu.memory_space<vmem>>) target(%dma_start3A_322 : memref<64x128xf32, #tpu.memory_space<vmem_shared>>) target_semaphore(%run_scoped3A_314 : memref<!tpu.dma_semaphore, #tpu.memory_space<semaphore_mem>>)
      %dma_wait3A = arith.constant 0 : i32
      %dma_wait3A_327 = arith.constant 0 : i32
      %dma_wait3A_328 = tpu.memref_slice %arg6[%run_scoped3A_13, %dma_wait3A, %dma_wait3A_327] : memref<4x64x128xf32, #tpu.memory_space<vmem>> -> memref<1x64x128xf32, #tpu.memory_space<vmem>>
      %dma_wait3A_329 = tpu.memref_squeeze %dma_wait3A_328 : memref<1x64x128xf32, #tpu.memory_space<vmem>> -> memref<64x128xf32, #tpu.memory_space<vmem>>
      %dma_wait3A_330 = arith.constant 0 : i32
      %dma_wait3A_331 = tpu.memref_slice %arg9[%add3A_12, %dma_wait3A_330] : memref<10240x128xf32, #tpu.memory_space<vmem_shared>> -> memref<64x128xf32, #tpu.memory_space<vmem_shared>>
      %dma_wait3A_332 = arith.constant 0 : i32
      %dma_wait3A_333 = tpu.memref_slice %arg9[%add3A_12, %dma_wait3A_332] : memref<10240x128xf32, #tpu.memory_space<vmem_shared>> -> memref<64x128xf32, #tpu.memory_space<vmem_shared>>
      %dma_wait3A_334 = arith.constant 0 : i32
      %dma_wait3A_335 = arith.constant 0 : i32
      %dma_wait3A_336 = tpu.memref_slice %arg6[%run_scoped3A_13, %dma_wait3A_334, %dma_wait3A_335] : memref<4x64x128xf32, #tpu.memory_space<vmem>> -> memref<1x64x128xf32, #tpu.memory_space<vmem>>
      %dma_wait3A_337 = tpu.memref_squeeze %dma_wait3A_336 : memref<1x64x128xf32, #tpu.memory_space<vmem>> -> memref<64x128xf32, #tpu.memory_space<vmem>>
      tpu.wait_dma2 semaphore(%run_scoped3A_314 : memref<!tpu.dma_semaphore, #tpu.memory_space<semaphore_mem>>) src(%dma_wait3A_337 : memref<64x128xf32, #tpu.memory_space<vmem>>) dst(%dma_wait3A_333 : memref<64x128xf32, #tpu.memory_space<vmem_shared>>)
      tpu.yield
    }) : () -> ()
    %add3A_14 = arith.constant 128 : i32
    %add3A_15 = arith.addi %mul3A_8, %add3A_14 : i32
    %run_scoped3A_16 = arith.constant 0 : i32
    "tpu.region"() ({
      %run_scoped3A_314 = tpu.sem_alloc : memref<!tpu.dma_semaphore, #tpu.memory_space<semaphore_mem>>
      %dma_start3A_315 = arith.constant 0 : i32
      %dma_start3A_316 = arith.constant 0 : i32
      %dma_start3A_317 = tpu.memref_slice %arg6[%run_scoped3A_16, %dma_start3A_315, %dma_start3A_316] : memref<4x64x128xf32, #tpu.memory_space<vmem>> -> memref<1x64x128xf32, #tpu.memory_space<vmem>>
      %dma_start3A_318 = tpu.memref_squeeze %dma_start3A_317 : memref<1x64x128xf32, #tpu.memory_space<vmem>> -> memref<64x128xf32, #tpu.memory_space<vmem>>
      %dma_start3A_319 = arith.constant 0 : i32
      %dma_start3A_320 = tpu.memref_slice %arg9[%add3A_15, %dma_start3A_319] : memref<10240x128xf32, #tpu.memory_space<vmem_shared>> -> memref<64x128xf32, #tpu.memory_space<vmem_shared>>
      %dma_start3A_321 = arith.constant 0 : i32
      %dma_start3A_322 = tpu.memref_slice %arg9[%add3A_15, %dma_start3A_321] : memref<10240x128xf32, #tpu.memory_space<vmem_shared>> -> memref<64x128xf32, #tpu.memory_space<vmem_shared>>
      %dma_start3A_323 = arith.constant 0 : i32
      %dma_start3A_324 = arith.constant 0 : i32
      %dma_start3A_325 = tpu.memref_slice %arg6[%run_scoped3A_16, %dma_start3A_323, %dma_start3A_324] : memref<4x64x128xf32, #tpu.memory_space<vmem>> -> memref<1x64x128xf32, #tpu.memory_space<vmem>>
      %dma_start3A_326 = tpu.memref_squeeze %dma_start3A_325 : memref<1x64x128xf32, #tpu.memory_space<vmem>> -> memref<64x128xf32, #tpu.memory_space<vmem>>
      tpu.enqueue_dma source(%dma_start3A_326 : memref<64x128xf32, #tpu.memory_space<vmem>>) target(%dma_start3A_322 : memref<64x128xf32, #tpu.memory_space<vmem_shared>>) target_semaphore(%run_scoped3A_314 : memref<!tpu.dma_semaphore, #tpu.memory_space<semaphore_mem>>)
      %dma_wait3A = arith.constant 0 : i32
      %dma_wait3A_327 = arith.constant 0 : i32
      %dma_wait3A_328 = tpu.memref_slice %arg6[%run_scoped3A_16, %dma_wait3A, %dma_wait3A_327] : memref<4x64x128xf32, #tpu.memory_space<vmem>> -> memref<1x64x128xf32, #tpu.memory_space<vmem>>
      %dma_wait3A_329 = tpu.memref_squeeze %dma_wait3A_328 : memref<1x64x128xf32, #tpu.memory_space<vmem>> -> memref<64x128xf32, #tpu.memory_space<vmem>>
      %dma_wait3A_330 = arith.constant 0 : i32
      %dma_wait3A_331 = tpu.memref_slice %arg9[%add3A_15, %dma_wait3A_330] : memref<10240x128xf32, #tpu.memory_space<vmem_shared>> -> memref<64x128xf32, #tpu.memory_space<vmem_shared>>
      %dma_wait3A_332 = arith.constant 0 : i32
      %dma_wait3A_333 = tpu.memref_slice %arg9[%add3A_15, %dma_wait3A_332] : memref<10240x128xf32, #tpu.memory_space<vmem_shared>> -> memref<64x128xf32, #tpu.memory_space<vmem_shared>>
      %dma_wait3A_334 = arith.constant 0 : i32
      %dma_wait3A_335 = arith.constant 0 : i32
      %dma_wait3A_336 = tpu.memref_slice %arg6[%run_scoped3A_16, %dma_wait3A_334, %dma_wait3A_335] : memref<4x64x128xf32, #tpu.memory_space<vmem>> -> memref<1x64x128xf32, #tpu.memory_space<vmem>>
      %dma_wait3A_337 = tpu.memref_squeeze %dma_wait3A_336 : memref<1x64x128xf32, #tpu.memory_space<vmem>> -> memref<64x128xf32, #tpu.memory_space<vmem>>
      tpu.wait_dma2 semaphore(%run_scoped3A_314 : memref<!tpu.dma_semaphore, #tpu.memory_space<semaphore_mem>>) src(%dma_wait3A_337 : memref<64x128xf32, #tpu.memory_space<vmem>>) dst(%dma_wait3A_333 : memref<64x128xf32, #tpu.memory_space<vmem_shared>>)
      tpu.yield
    }) : () -> ()
    %add3A_17 = arith.constant 192 : i32
    %add3A_18 = arith.addi %mul3A_8, %add3A_17 : i32
    %run_scoped3A_19 = arith.constant 0 : i32
    "tpu.region"() ({
      %run_scoped3A_314 = tpu.sem_alloc : memref<!tpu.dma_semaphore, #tpu.memory_space<semaphore_mem>>
      %dma_start3A_315 = arith.constant 0 : i32
      %dma_start3A_316 = arith.constant 0 : i32
      %dma_start3A_317 = tpu.memref_slice %arg6[%run_scoped3A_19, %dma_start3A_315, %dma_start3A_316] : memref<4x64x128xf32, #tpu.memory_space<vmem>> -> memref<1x64x128xf32, #tpu.memory_space<vmem>>
      %dma_start3A_318 = tpu.memref_squeeze %dma_start3A_317 : memref<1x64x128xf32, #tpu.memory_space<vmem>> -> memref<64x128xf32, #tpu.memory_space<vmem>>
      %dma_start3A_319 = arith.constant 0 : i32
      %dma_start3A_320 = tpu.memref_slice %arg9[%add3A_18, %dma_start3A_319] : memref<10240x128xf32, #tpu.memory_space<vmem_shared>> -> memref<64x128xf32, #tpu.memory_space<vmem_shared>>
      %dma_start3A_321 = arith.constant 0 : i32
      %dma_start3A_322 = tpu.memref_slice %arg9[%add3A_18, %dma_start3A_321] : memref<10240x128xf32, #tpu.memory_space<vmem_shared>> -> memref<64x128xf32, #tpu.memory_space<vmem_shared>>
      %dma_start3A_323 = arith.constant 0 : i32
      %dma_start3A_324 = arith.constant 0 : i32
      %dma_start3A_325 = tpu.memref_slice %arg6[%run_scoped3A_19, %dma_start3A_323, %dma_start3A_324] : memref<4x64x128xf32, #tpu.memory_space<vmem>> -> memref<1x64x128xf32, #tpu.memory_space<vmem>>
      %dma_start3A_326 = tpu.memref_squeeze %dma_start3A_325 : memref<1x64x128xf32, #tpu.memory_space<vmem>> -> memref<64x128xf32, #tpu.memory_space<vmem>>
      tpu.enqueue_dma source(%dma_start3A_326 : memref<64x128xf32, #tpu.memory_space<vmem>>) target(%dma_start3A_322 : memref<64x128xf32, #tpu.memory_space<vmem_shared>>) target_semaphore(%run_scoped3A_314 : memref<!tpu.dma_semaphore, #tpu.memory_space<semaphore_mem>>)
      %dma_wait3A = arith.constant 0 : i32
      %dma_wait3A_327 = arith.constant 0 : i32
      %dma_wait3A_328 = tpu.memref_slice %arg6[%run_scoped3A_19, %dma_wait3A, %dma_wait3A_327] : memref<4x64x128xf32, #tpu.memory_space<vmem>> -> memref<1x64x128xf32, #tpu.memory_space<vmem>>
      %dma_wait3A_329 = tpu.memref_squeeze %dma_wait3A_328 : memref<1x64x128xf32, #tpu.memory_space<vmem>> -> memref<64x128xf32, #tpu.memory_space<vmem>>
      %dma_wait3A_330 = arith.constant 0 : i32
      %dma_wait3A_331 = tpu.memref_slice %arg9[%add3A_18, %dma_wait3A_330] : memref<10240x128xf32, #tpu.memory_space<vmem_shared>> -> memref<64x128xf32, #tpu.memory_space<vmem_shared>>
      %dma_wait3A_332 = arith.constant 0 : i32
      %dma_wait3A_333 = tpu.memref_slice %arg9[%add3A_18, %dma_wait3A_332] : memref<10240x128xf32, #tpu.memory_space<vmem_shared>> -> memref<64x128xf32, #tpu.memory_space<vmem_shared>>
      %dma_wait3A_334 = arith.constant 0 : i32
      %dma_wait3A_335 = arith.constant 0 : i32
      %dma_wait3A_336 = tpu.memref_slice %arg6[%run_scoped3A_19, %dma_wait3A_334, %dma_wait3A_335] : memref<4x64x128xf32, #tpu.memory_space<vmem>> -> memref<1x64x128xf32, #tpu.memory_space<vmem>>
      %dma_wait3A_337 = tpu.memref_squeeze %dma_wait3A_336 : memref<1x64x128xf32, #tpu.memory_space<vmem>> -> memref<64x128xf32, #tpu.memory_space<vmem>>
      tpu.wait_dma2 semaphore(%run_scoped3A_314 : memref<!tpu.dma_semaphore, #tpu.memory_space<semaphore_mem>>) src(%dma_wait3A_337 : memref<64x128xf32, #tpu.memory_space<vmem>>) dst(%dma_wait3A_333 : memref<64x128xf32, #tpu.memory_space<vmem_shared>>)
      tpu.yield
    }) : () -> ()
    %add3A_20 = arith.constant 256 : i32
    %add3A_21 = arith.addi %mul3A_8, %add3A_20 : i32
    %run_scoped3A_22 = arith.constant 0 : i32
    "tpu.region"() ({
      %run_scoped3A_314 = tpu.sem_alloc : memref<!tpu.dma_semaphore, #tpu.memory_space<semaphore_mem>>
      %dma_start3A_315 = arith.constant 0 : i32
      %dma_start3A_316 = arith.constant 0 : i32
      %dma_start3A_317 = tpu.memref_slice %arg6[%run_scoped3A_22, %dma_start3A_315, %dma_start3A_316] : memref<4x64x128xf32, #tpu.memory_space<vmem>> -> memref<1x64x128xf32, #tpu.memory_space<vmem>>
      %dma_start3A_318 = tpu.memref_squeeze %dma_start3A_317 : memref<1x64x128xf32, #tpu.memory_space<vmem>> -> memref<64x128xf32, #tpu.memory_space<vmem>>
      %dma_start3A_319 = arith.constant 0 : i32
      %dma_start3A_320 = tpu.memref_slice %arg9[%add3A_21, %dma_start3A_319] : memref<10240x128xf32, #tpu.memory_space<vmem_shared>> -> memref<64x128xf32, #tpu.memory_space<vmem_shared>>
      %dma_start3A_321 = arith.constant 0 : i32
      %dma_start3A_322 = tpu.memref_slice %arg9[%add3A_21, %dma_start3A_321] : memref<10240x128xf32, #tpu.memory_space<vmem_shared>> -> memref<64x128xf32, #tpu.memory_space<vmem_shared>>
      %dma_start3A_323 = arith.constant 0 : i32
      %dma_start3A_324 = arith.constant 0 : i32
      %dma_start3A_325 = tpu.memref_slice %arg6[%run_scoped3A_22, %dma_start3A_323, %dma_start3A_324] : memref<4x64x128xf32, #tpu.memory_space<vmem>> -> memref<1x64x128xf32, #tpu.memory_space<vmem>>
      %dma_start3A_326 = tpu.memref_squeeze %dma_start3A_325 : memref<1x64x128xf32, #tpu.memory_space<vmem>> -> memref<64x128xf32, #tpu.memory_space<vmem>>
      tpu.enqueue_dma source(%dma_start3A_326 : memref<64x128xf32, #tpu.memory_space<vmem>>) target(%dma_start3A_322 : memref<64x128xf32, #tpu.memory_space<vmem_shared>>) target_semaphore(%run_scoped3A_314 : memref<!tpu.dma_semaphore, #tpu.memory_space<semaphore_mem>>)
      %dma_wait3A = arith.constant 0 : i32
      %dma_wait3A_327 = arith.constant 0 : i32
      %dma_wait3A_328 = tpu.memref_slice %arg6[%run_scoped3A_22, %dma_wait3A, %dma_wait3A_327] : memref<4x64x128xf32, #tpu.memory_space<vmem>> -> memref<1x64x128xf32, #tpu.memory_space<vmem>>
      %dma_wait3A_329 = tpu.memref_squeeze %dma_wait3A_328 : memref<1x64x128xf32, #tpu.memory_space<vmem>> -> memref<64x128xf32, #tpu.memory_space<vmem>>
      %dma_wait3A_330 = arith.constant 0 : i32
      %dma_wait3A_331 = tpu.memref_slice %arg9[%add3A_21, %dma_wait3A_330] : memref<10240x128xf32, #tpu.memory_space<vmem_shared>> -> memref<64x128xf32, #tpu.memory_space<vmem_shared>>
      %dma_wait3A_332 = arith.constant 0 : i32
      %dma_wait3A_333 = tpu.memref_slice %arg9[%add3A_21, %dma_wait3A_332] : memref<10240x128xf32, #tpu.memory_space<vmem_shared>> -> memref<64x128xf32, #tpu.memory_space<vmem_shared>>
      %dma_wait3A_334 = arith.constant 0 : i32
      %dma_wait3A_335 = arith.constant 0 : i32
      %dma_wait3A_336 = tpu.memref_slice %arg6[%run_scoped3A_22, %dma_wait3A_334, %dma_wait3A_335] : memref<4x64x128xf32, #tpu.memory_space<vmem>> -> memref<1x64x128xf32, #tpu.memory_space<vmem>>
      %dma_wait3A_337 = tpu.memref_squeeze %dma_wait3A_336 : memref<1x64x128xf32, #tpu.memory_space<vmem>> -> memref<64x128xf32, #tpu.memory_space<vmem>>
      tpu.wait_dma2 semaphore(%run_scoped3A_314 : memref<!tpu.dma_semaphore, #tpu.memory_space<semaphore_mem>>) src(%dma_wait3A_337 : memref<64x128xf32, #tpu.memory_space<vmem>>) dst(%dma_wait3A_333 : memref<64x128xf32, #tpu.memory_space<vmem_shared>>)
      tpu.yield
    }) : () -> ()
    %add3A_23 = arith.constant 320 : i32
    %add3A_24 = arith.addi %mul3A_8, %add3A_23 : i32
    %run_scoped3A_25 = arith.constant 0 : i32
    "tpu.region"() ({
      %run_scoped3A_314 = tpu.sem_alloc : memref<!tpu.dma_semaphore, #tpu.memory_space<semaphore_mem>>
      %dma_start3A_315 = arith.constant 0 : i32
      %dma_start3A_316 = arith.constant 0 : i32
      %dma_start3A_317 = tpu.memref_slice %arg6[%run_scoped3A_25, %dma_start3A_315, %dma_start3A_316] : memref<4x64x128xf32, #tpu.memory_space<vmem>> -> memref<1x64x128xf32, #tpu.memory_space<vmem>>
      %dma_start3A_318 = tpu.memref_squeeze %dma_start3A_317 : memref<1x64x128xf32, #tpu.memory_space<vmem>> -> memref<64x128xf32, #tpu.memory_space<vmem>>
      %dma_start3A_319 = arith.constant 0 : i32
      %dma_start3A_320 = tpu.memref_slice %arg9[%add3A_24, %dma_start3A_319] : memref<10240x128xf32, #tpu.memory_space<vmem_shared>> -> memref<64x128xf32, #tpu.memory_space<vmem_shared>>
      %dma_start3A_321 = arith.constant 0 : i32
      %dma_start3A_322 = tpu.memref_slice %arg9[%add3A_24, %dma_start3A_321] : memref<10240x128xf32, #tpu.memory_space<vmem_shared>> -> memref<64x128xf32, #tpu.memory_space<vmem_shared>>
      %dma_start3A_323 = arith.constant 0 : i32
      %dma_start3A_324 = arith.constant 0 : i32
      %dma_start3A_325 = tpu.memref_slice %arg6[%run_scoped3A_25, %dma_start3A_323, %dma_start3A_324] : memref<4x64x128xf32, #tpu.memory_space<vmem>> -> memref<1x64x128xf32, #tpu.memory_space<vmem>>
      %dma_start3A_326 = tpu.memref_squeeze %dma_start3A_325 : memref<1x64x128xf32, #tpu.memory_space<vmem>> -> memref<64x128xf32, #tpu.memory_space<vmem>>
      tpu.enqueue_dma source(%dma_start3A_326 : memref<64x128xf32, #tpu.memory_space<vmem>>) target(%dma_start3A_322 : memref<64x128xf32, #tpu.memory_space<vmem_shared>>) target_semaphore(%run_scoped3A_314 : memref<!tpu.dma_semaphore, #tpu.memory_space<semaphore_mem>>)
      %dma_wait3A = arith.constant 0 : i32
      %dma_wait3A_327 = arith.constant 0 : i32
      %dma_wait3A_328 = tpu.memref_slice %arg6[%run_scoped3A_25, %dma_wait3A, %dma_wait3A_327] : memref<4x64x128xf32, #tpu.memory_space<vmem>> -> memref<1x64x128xf32, #tpu.memory_space<vmem>>
      %dma_wait3A_329 = tpu.memref_squeeze %dma_wait3A_328 : memref<1x64x128xf32, #tpu.memory_space<vmem>> -> memref<64x128xf32, #tpu.memory_space<vmem>>
      %dma_wait3A_330 = arith.constant 0 : i32
      %dma_wait3A_331 = tpu.memref_slice %arg9[%add3A_24, %dma_wait3A_330] : memref<10240x128xf32, #tpu.memory_space<vmem_shared>> -> memref<64x128xf32, #tpu.memory_space<vmem_shared>>
      %dma_wait3A_332 = arith.constant 0 : i32
      %dma_wait3A_333 = tpu.memref_slice %arg9[%add3A_24, %dma_wait3A_332] : memref<10240x128xf32, #tpu.memory_space<vmem_shared>> -> memref<64x128xf32, #tpu.memory_space<vmem_shared>>
      %dma_wait3A_334 = arith.constant 0 : i32
      %dma_wait3A_335 = arith.constant 0 : i32
      %dma_wait3A_336 = tpu.memref_slice %arg6[%run_scoped3A_25, %dma_wait3A_334, %dma_wait3A_335] : memref<4x64x128xf32, #tpu.memory_space<vmem>> -> memref<1x64x128xf32, #tpu.memory_space<vmem>>
      %dma_wait3A_337 = tpu.memref_squeeze %dma_wait3A_336 : memref<1x64x128xf32, #tpu.memory_space<vmem>> -> memref<64x128xf32, #tpu.memory_space<vmem>>
      tpu.wait_dma2 semaphore(%run_scoped3A_314 : memref<!tpu.dma_semaphore, #tpu.memory_space<semaphore_mem>>) src(%dma_wait3A_337 : memref<64x128xf32, #tpu.memory_space<vmem>>) dst(%dma_wait3A_333 : memref<64x128xf32, #tpu.memory_space<vmem_shared>>)
      tpu.yield
    }) : () -> ()
    %add3A_26 = arith.constant 384 : i32
    %add3A_27 = arith.addi %mul3A_8, %add3A_26 : i32
    %run_scoped3A_28 = arith.constant 0 : i32
    "tpu.region"() ({
      %run_scoped3A_314 = tpu.sem_alloc : memref<!tpu.dma_semaphore, #tpu.memory_space<semaphore_mem>>
      %dma_start3A_315 = arith.constant 0 : i32
      %dma_start3A_316 = arith.constant 0 : i32
      %dma_start3A_317 = tpu.memref_slice %arg6[%run_scoped3A_28, %dma_start3A_315, %dma_start3A_316] : memref<4x64x128xf32, #tpu.memory_space<vmem>> -> memref<1x64x128xf32, #tpu.memory_space<vmem>>
      %dma_start3A_318 = tpu.memref_squeeze %dma_start3A_317 : memref<1x64x128xf32, #tpu.memory_space<vmem>> -> memref<64x128xf32, #tpu.memory_space<vmem>>
      %dma_start3A_319 = arith.constant 0 : i32
      %dma_start3A_320 = tpu.memref_slice %arg9[%add3A_27, %dma_start3A_319] : memref<10240x128xf32, #tpu.memory_space<vmem_shared>> -> memref<64x128xf32, #tpu.memory_space<vmem_shared>>
      %dma_start3A_321 = arith.constant 0 : i32
      %dma_start3A_322 = tpu.memref_slice %arg9[%add3A_27, %dma_start3A_321] : memref<10240x128xf32, #tpu.memory_space<vmem_shared>> -> memref<64x128xf32, #tpu.memory_space<vmem_shared>>
      %dma_start3A_323 = arith.constant 0 : i32
      %dma_start3A_324 = arith.constant 0 : i32
      %dma_start3A_325 = tpu.memref_slice %arg6[%run_scoped3A_28, %dma_start3A_323, %dma_start3A_324] : memref<4x64x128xf32, #tpu.memory_space<vmem>> -> memref<1x64x128xf32, #tpu.memory_space<vmem>>
      %dma_start3A_326 = tpu.memref_squeeze %dma_start3A_325 : memref<1x64x128xf32, #tpu.memory_space<vmem>> -> memref<64x128xf32, #tpu.memory_space<vmem>>
      tpu.enqueue_dma source(%dma_start3A_326 : memref<64x128xf32, #tpu.memory_space<vmem>>) target(%dma_start3A_322 : memref<64x128xf32, #tpu.memory_space<vmem_shared>>) target_semaphore(%run_scoped3A_314 : memref<!tpu.dma_semaphore, #tpu.memory_space<semaphore_mem>>)
      %dma_wait3A = arith.constant 0 : i32
      %dma_wait3A_327 = arith.constant 0 : i32
      %dma_wait3A_328 = tpu.memref_slice %arg6[%run_scoped3A_28, %dma_wait3A, %dma_wait3A_327] : memref<4x64x128xf32, #tpu.memory_space<vmem>> -> memref<1x64x128xf32, #tpu.memory_space<vmem>>
      %dma_wait3A_329 = tpu.memref_squeeze %dma_wait3A_328 : memref<1x64x128xf32, #tpu.memory_space<vmem>> -> memref<64x128xf32, #tpu.memory_space<vmem>>
      %dma_wait3A_330 = arith.constant 0 : i32
      %dma_wait3A_331 = tpu.memref_slice %arg9[%add3A_27, %dma_wait3A_330] : memref<10240x128xf32, #tpu.memory_space<vmem_shared>> -> memref<64x128xf32, #tpu.memory_space<vmem_shared>>
      %dma_wait3A_332 = arith.constant 0 : i32
      %dma_wait3A_333 = tpu.memref_slice %arg9[%add3A_27, %dma_wait3A_332] : memref<10240x128xf32, #tpu.memory_space<vmem_shared>> -> memref<64x128xf32, #tpu.memory_space<vmem_shared>>
      %dma_wait3A_334 = arith.constant 0 : i32
      %dma_wait3A_335 = arith.constant 0 : i32
      %dma_wait3A_336 = tpu.memref_slice %arg6[%run_scoped3A_28, %dma_wait3A_334, %dma_wait3A_335] : memref<4x64x128xf32, #tpu.memory_space<vmem>> -> memref<1x64x128xf32, #tpu.memory_space<vmem>>
      %dma_wait3A_337 = tpu.memref_squeeze %dma_wait3A_336 : memref<1x64x128xf32, #tpu.memory_space<vmem>> -> memref<64x128xf32, #tpu.memory_space<vmem>>
      tpu.wait_dma2 semaphore(%run_scoped3A_314 : memref<!tpu.dma_semaphore, #tpu.memory_space<semaphore_mem>>) src(%dma_wait3A_337 : memref<64x128xf32, #tpu.memory_space<vmem>>) dst(%dma_wait3A_333 : memref<64x128xf32, #tpu.memory_space<vmem_shared>>)
      tpu.yield
    }) : () -> ()
    %add3A_29 = arith.constant 448 : i32
    %add3A_30 = arith.addi %mul3A_8, %add3A_29 : i32
    %run_scoped3A_31 = arith.constant 0 : i32
    "tpu.region"() ({
      %run_scoped3A_314 = tpu.sem_alloc : memref<!tpu.dma_semaphore, #tpu.memory_space<semaphore_mem>>
      %dma_start3A_315 = arith.constant 0 : i32
      %dma_start3A_316 = arith.constant 0 : i32
      %dma_start3A_317 = tpu.memref_slice %arg6[%run_scoped3A_31, %dma_start3A_315, %dma_start3A_316] : memref<4x64x128xf32, #tpu.memory_space<vmem>> -> memref<1x64x128xf32, #tpu.memory_space<vmem>>
      %dma_start3A_318 = tpu.memref_squeeze %dma_start3A_317 : memref<1x64x128xf32, #tpu.memory_space<vmem>> -> memref<64x128xf32, #tpu.memory_space<vmem>>
      %dma_start3A_319 = arith.constant 0 : i32
      %dma_start3A_320 = tpu.memref_slice %arg9[%add3A_30, %dma_start3A_319] : memref<10240x128xf32, #tpu.memory_space<vmem_shared>> -> memref<64x128xf32, #tpu.memory_space<vmem_shared>>
      %dma_start3A_321 = arith.constant 0 : i32
      %dma_start3A_322 = tpu.memref_slice %arg9[%add3A_30, %dma_start3A_321] : memref<10240x128xf32, #tpu.memory_space<vmem_shared>> -> memref<64x128xf32, #tpu.memory_space<vmem_shared>>
      %dma_start3A_323 = arith.constant 0 : i32
      %dma_start3A_324 = arith.constant 0 : i32
      %dma_start3A_325 = tpu.memref_slice %arg6[%run_scoped3A_31, %dma_start3A_323, %dma_start3A_324] : memref<4x64x128xf32, #tpu.memory_space<vmem>> -> memref<1x64x128xf32, #tpu.memory_space<vmem>>
      %dma_start3A_326 = tpu.memref_squeeze %dma_start3A_325 : memref<1x64x128xf32, #tpu.memory_space<vmem>> -> memref<64x128xf32, #tpu.memory_space<vmem>>
      tpu.enqueue_dma source(%dma_start3A_326 : memref<64x128xf32, #tpu.memory_space<vmem>>) target(%dma_start3A_322 : memref<64x128xf32, #tpu.memory_space<vmem_shared>>) target_semaphore(%run_scoped3A_314 : memref<!tpu.dma_semaphore, #tpu.memory_space<semaphore_mem>>)
      %dma_wait3A = arith.constant 0 : i32
      %dma_wait3A_327 = arith.constant 0 : i32
      %dma_wait3A_328 = tpu.memref_slice %arg6[%run_scoped3A_31, %dma_wait3A, %dma_wait3A_327] : memref<4x64x128xf32, #tpu.memory_space<vmem>> -> memref<1x64x128xf32, #tpu.memory_space<vmem>>
      %dma_wait3A_329 = tpu.memref_squeeze %dma_wait3A_328 : memref<1x64x128xf32, #tpu.memory_space<vmem>> -> memref<64x128xf32, #tpu.memory_space<vmem>>
      %dma_wait3A_330 = arith.constant 0 : i32
      %dma_wait3A_331 = tpu.memref_slice %arg9[%add3A_30, %dma_wait3A_330] : memref<10240x128xf32, #tpu.memory_space<vmem_shared>> -> memref<64x128xf32, #tpu.memory_space<vmem_shared>>
      %dma_wait3A_332 = arith.constant 0 : i32
      %dma_wait3A_333 = tpu.memref_slice %arg9[%add3A_30, %dma_wait3A_332] : memref<10240x128xf32, #tpu.memory_space<vmem_shared>> -> memref<64x128xf32, #tpu.memory_space<vmem_shared>>
      %dma_wait3A_334 = arith.constant 0 : i32
      %dma_wait3A_335 = arith.constant 0 : i32
      %dma_wait3A_336 = tpu.memref_slice %arg6[%run_scoped3A_31, %dma_wait3A_334, %dma_wait3A_335] : memref<4x64x128xf32, #tpu.memory_space<vmem>> -> memref<1x64x128xf32, #tpu.memory_space<vmem>>
      %dma_wait3A_337 = tpu.memref_squeeze %dma_wait3A_336 : memref<1x64x128xf32, #tpu.memory_space<vmem>> -> memref<64x128xf32, #tpu.memory_space<vmem>>
      tpu.wait_dma2 semaphore(%run_scoped3A_314 : memref<!tpu.dma_semaphore, #tpu.memory_space<semaphore_mem>>) src(%dma_wait3A_337 : memref<64x128xf32, #tpu.memory_space<vmem>>) dst(%dma_wait3A_333 : memref<64x128xf32, #tpu.memory_space<vmem_shared>>)
      tpu.yield
    }) : () -> ()
    %add3A_32 = arith.constant 512 : i32
    %add3A_33 = arith.addi %mul3A_8, %add3A_32 : i32
    %run_scoped3A_34 = arith.constant 0 : i32
    "tpu.region"() ({
      %run_scoped3A_314 = tpu.sem_alloc : memref<!tpu.dma_semaphore, #tpu.memory_space<semaphore_mem>>
      %dma_start3A_315 = arith.constant 0 : i32
      %dma_start3A_316 = arith.constant 0 : i32
      %dma_start3A_317 = tpu.memref_slice %arg6[%run_scoped3A_34, %dma_start3A_315, %dma_start3A_316] : memref<4x64x128xf32, #tpu.memory_space<vmem>> -> memref<1x64x128xf32, #tpu.memory_space<vmem>>
      %dma_start3A_318 = tpu.memref_squeeze %dma_start3A_317 : memref<1x64x128xf32, #tpu.memory_space<vmem>> -> memref<64x128xf32, #tpu.memory_space<vmem>>
      %dma_start3A_319 = arith.constant 0 : i32
      %dma_start3A_320 = tpu.memref_slice %arg9[%add3A_33, %dma_start3A_319] : memref<10240x128xf32, #tpu.memory_space<vmem_shared>> -> memref<64x128xf32, #tpu.memory_space<vmem_shared>>
      %dma_start3A_321 = arith.constant 0 : i32
      %dma_start3A_322 = tpu.memref_slice %arg9[%add3A_33, %dma_start3A_321] : memref<10240x128xf32, #tpu.memory_space<vmem_shared>> -> memref<64x128xf32, #tpu.memory_space<vmem_shared>>
      %dma_start3A_323 = arith.constant 0 : i32
      %dma_start3A_324 = arith.constant 0 : i32
      %dma_start3A_325 = tpu.memref_slice %arg6[%run_scoped3A_34, %dma_start3A_323, %dma_start3A_324] : memref<4x64x128xf32, #tpu.memory_space<vmem>> -> memref<1x64x128xf32, #tpu.memory_space<vmem>>
      %dma_start3A_326 = tpu.memref_squeeze %dma_start3A_325 : memref<1x64x128xf32, #tpu.memory_space<vmem>> -> memref<64x128xf32, #tpu.memory_space<vmem>>
      tpu.enqueue_dma source(%dma_start3A_326 : memref<64x128xf32, #tpu.memory_space<vmem>>) target(%dma_start3A_322 : memref<64x128xf32, #tpu.memory_space<vmem_shared>>) target_semaphore(%run_scoped3A_314 : memref<!tpu.dma_semaphore, #tpu.memory_space<semaphore_mem>>)
      %dma_wait3A = arith.constant 0 : i32
      %dma_wait3A_327 = arith.constant 0 : i32
      %dma_wait3A_328 = tpu.memref_slice %arg6[%run_scoped3A_34, %dma_wait3A, %dma_wait3A_327] : memref<4x64x128xf32, #tpu.memory_space<vmem>> -> memref<1x64x128xf32, #tpu.memory_space<vmem>>
      %dma_wait3A_329 = tpu.memref_squeeze %dma_wait3A_328 : memref<1x64x128xf32, #tpu.memory_space<vmem>> -> memref<64x128xf32, #tpu.memory_space<vmem>>
      %dma_wait3A_330 = arith.constant 0 : i32
      %dma_wait3A_331 = tpu.memref_slice %arg9[%add3A_33, %dma_wait3A_330] : memref<10240x128xf32, #tpu.memory_space<vmem_shared>> -> memref<64x128xf32, #tpu.memory_space<vmem_shared>>
      %dma_wait3A_332 = arith.constant 0 : i32
      %dma_wait3A_333 = tpu.memref_slice %arg9[%add3A_33, %dma_wait3A_332] : memref<10240x128xf32, #tpu.memory_space<vmem_shared>> -> memref<64x128xf32, #tpu.memory_space<vmem_shared>>
      %dma_wait3A_334 = arith.constant 0 : i32
      %dma_wait3A_335 = arith.constant 0 : i32
      %dma_wait3A_336 = tpu.memref_slice %arg6[%run_scoped3A_34, %dma_wait3A_334, %dma_wait3A_335] : memref<4x64x128xf32, #tpu.memory_space<vmem>> -> memref<1x64x128xf32, #tpu.memory_space<vmem>>
      %dma_wait3A_337 = tpu.memref_squeeze %dma_wait3A_336 : memref<1x64x128xf32, #tpu.memory_space<vmem>> -> memref<64x128xf32, #tpu.memory_space<vmem>>
      tpu.wait_dma2 semaphore(%run_scoped3A_314 : memref<!tpu.dma_semaphore, #tpu.memory_space<semaphore_mem>>) src(%dma_wait3A_337 : memref<64x128xf32, #tpu.memory_space<vmem>>) dst(%dma_wait3A_333 : memref<64x128xf32, #tpu.memory_space<vmem_shared>>)
      tpu.yield
    }) : () -> ()
    %add3A_35 = arith.constant 576 : i32
    %add3A_36 = arith.addi %mul3A_8, %add3A_35 : i32
    %run_scoped3A_37 = arith.constant 0 : i32
    "tpu.region"() ({
      %run_scoped3A_314 = tpu.sem_alloc : memref<!tpu.dma_semaphore, #tpu.memory_space<semaphore_mem>>
      %dma_start3A_315 = arith.constant 0 : i32
      %dma_start3A_316 = arith.constant 0 : i32
      %dma_start3A_317 = tpu.memref_slice %arg6[%run_scoped3A_37, %dma_start3A_315, %dma_start3A_316] : memref<4x64x128xf32, #tpu.memory_space<vmem>> -> memref<1x64x128xf32, #tpu.memory_space<vmem>>
      %dma_start3A_318 = tpu.memref_squeeze %dma_start3A_317 : memref<1x64x128xf32, #tpu.memory_space<vmem>> -> memref<64x128xf32, #tpu.memory_space<vmem>>
      %dma_start3A_319 = arith.constant 0 : i32
      %dma_start3A_320 = tpu.memref_slice %arg9[%add3A_36, %dma_start3A_319] : memref<10240x128xf32, #tpu.memory_space<vmem_shared>> -> memref<64x128xf32, #tpu.memory_space<vmem_shared>>
      %dma_start3A_321 = arith.constant 0 : i32
      %dma_start3A_322 = tpu.memref_slice %arg9[%add3A_36, %dma_start3A_321] : memref<10240x128xf32, #tpu.memory_space<vmem_shared>> -> memref<64x128xf32, #tpu.memory_space<vmem_shared>>
      %dma_start3A_323 = arith.constant 0 : i32
      %dma_start3A_324 = arith.constant 0 : i32
      %dma_start3A_325 = tpu.memref_slice %arg6[%run_scoped3A_37, %dma_start3A_323, %dma_start3A_324] : memref<4x64x128xf32, #tpu.memory_space<vmem>> -> memref<1x64x128xf32, #tpu.memory_space<vmem>>
      %dma_start3A_326 = tpu.memref_squeeze %dma_start3A_325 : memref<1x64x128xf32, #tpu.memory_space<vmem>> -> memref<64x128xf32, #tpu.memory_space<vmem>>
      tpu.enqueue_dma source(%dma_start3A_326 : memref<64x128xf32, #tpu.memory_space<vmem>>) target(%dma_start3A_322 : memref<64x128xf32, #tpu.memory_space<vmem_shared>>) target_semaphore(%run_scoped3A_314 : memref<!tpu.dma_semaphore, #tpu.memory_space<semaphore_mem>>)
      %dma_wait3A = arith.constant 0 : i32
      %dma_wait3A_327 = arith.constant 0 : i32
      %dma_wait3A_328 = tpu.memref_slice %arg6[%run_scoped3A_37, %dma_wait3A, %dma_wait3A_327] : memref<4x64x128xf32, #tpu.memory_space<vmem>> -> memref<1x64x128xf32, #tpu.memory_space<vmem>>
      %dma_wait3A_329 = tpu.memref_squeeze %dma_wait3A_328 : memref<1x64x128xf32, #tpu.memory_space<vmem>> -> memref<64x128xf32, #tpu.memory_space<vmem>>
      %dma_wait3A_330 = arith.constant 0 : i32
      %dma_wait3A_331 = tpu.memref_slice %arg9[%add3A_36, %dma_wait3A_330] : memref<10240x128xf32, #tpu.memory_space<vmem_shared>> -> memref<64x128xf32, #tpu.memory_space<vmem_shared>>
      %dma_wait3A_332 = arith.constant 0 : i32
      %dma_wait3A_333 = tpu.memref_slice %arg9[%add3A_36, %dma_wait3A_332] : memref<10240x128xf32, #tpu.memory_space<vmem_shared>> -> memref<64x128xf32, #tpu.memory_space<vmem_shared>>
      %dma_wait3A_334 = arith.constant 0 : i32
      %dma_wait3A_335 = arith.constant 0 : i32
      %dma_wait3A_336 = tpu.memref_slice %arg6[%run_scoped3A_37, %dma_wait3A_334, %dma_wait3A_335] : memref<4x64x128xf32, #tpu.memory_space<vmem>> -> memref<1x64x128xf32, #tpu.memory_space<vmem>>
      %dma_wait3A_337 = tpu.memref_squeeze %dma_wait3A_336 : memref<1x64x128xf32, #tpu.memory_space<vmem>> -> memref<64x128xf32, #tpu.memory_space<vmem>>
      tpu.wait_dma2 semaphore(%run_scoped3A_314 : memref<!tpu.dma_semaphore, #tpu.memory_space<semaphore_mem>>) src(%dma_wait3A_337 : memref<64x128xf32, #tpu.memory_space<vmem>>) dst(%dma_wait3A_333 : memref<64x128xf32, #tpu.memory_space<vmem_shared>>)
      tpu.yield
    }) : () -> ()
    %barrier3A = arith.constant 0 : index
    tpu.barrier barrier_id(%barrier3A)
    %mul3A_38 = arith.constant 160 : i32
    %mul3A_39 = arith.muli %add3A, %mul3A_38 : i32
    %add3A_40 = arith.constant 0 : i32
    %add3A_41 = arith.addi %mul3A_39, %add3A_40 : i32
    "tpu.region"() ({
      %run_scoped3A_314 = tpu.sem_alloc : memref<!tpu.dma_semaphore, #tpu.memory_space<semaphore_mem>>
      %dma_start3A_315 = arith.constant 0 : i32
      %dma_start3A_316 = tpu.memref_slice %arg3[%add3A_41, %dma_start3A_315] : memref<5120x64xi32, #tpu.memory_space<hbm>> -> memref<40x64xi32, #tpu.memory_space<hbm>>
      %dma_start3A_317 = arith.constant 0 : i32
      %dma_start3A_318 = tpu.memref_slice %arg3[%add3A_41, %dma_start3A_317] : memref<5120x64xi32, #tpu.memory_space<hbm>> -> memref<40x64xi32, #tpu.memory_space<hbm>>
      tpu.enqueue_dma source(%dma_start3A_318 : memref<40x64xi32, #tpu.memory_space<hbm>>) target(%arg7 : memref<40x64xi32, #tpu.memory_space<vmem>>) target_semaphore(%run_scoped3A_314 : memref<!tpu.dma_semaphore, #tpu.memory_space<semaphore_mem>>)
      %dma_wait3A = arith.constant 0 : i32
      %dma_wait3A_319 = tpu.memref_slice %arg3[%add3A_41, %dma_wait3A] : memref<5120x64xi32, #tpu.memory_space<hbm>> -> memref<40x64xi32, #tpu.memory_space<hbm>>
      %dma_wait3A_320 = arith.constant 0 : i32
      %dma_wait3A_321 = tpu.memref_slice %arg3[%add3A_41, %dma_wait3A_320] : memref<5120x64xi32, #tpu.memory_space<hbm>> -> memref<40x64xi32, #tpu.memory_space<hbm>>
      tpu.wait_dma2 semaphore(%run_scoped3A_314 : memref<!tpu.dma_semaphore, #tpu.memory_space<semaphore_mem>>) src(%dma_wait3A_321 : memref<40x64xi32, #tpu.memory_space<hbm>>) dst(%arg7 : memref<40x64xi32, #tpu.memory_space<vmem>>)
      tpu.yield
    }) : () -> ()
    "tpu.region"() ({
      %run_scoped3A_314 = tpu.sem_alloc : memref<!tpu.dma_semaphore, #tpu.memory_space<semaphore_mem>>
      %dma_start3A_315 = arith.constant 0 : i32
      %dma_start3A_316 = tpu.memref_slice %arg4[%add3A_41, %dma_start3A_315] : memref<5120x64xi32, #tpu.memory_space<hbm>> -> memref<40x64xi32, #tpu.memory_space<hbm>>
      %dma_start3A_317 = arith.constant 0 : i32
      %dma_start3A_318 = tpu.memref_slice %arg4[%add3A_41, %dma_start3A_317] : memref<5120x64xi32, #tpu.memory_space<hbm>> -> memref<40x64xi32, #tpu.memory_space<hbm>>
      tpu.enqueue_dma source(%dma_start3A_318 : memref<40x64xi32, #tpu.memory_space<hbm>>) target(%arg8 : memref<40x64xi32, #tpu.memory_space<vmem>>) target_semaphore(%run_scoped3A_314 : memref<!tpu.dma_semaphore, #tpu.memory_space<semaphore_mem>>)
      %dma_wait3A = arith.constant 0 : i32
      %dma_wait3A_319 = tpu.memref_slice %arg4[%add3A_41, %dma_wait3A] : memref<5120x64xi32, #tpu.memory_space<hbm>> -> memref<40x64xi32, #tpu.memory_space<hbm>>
      %dma_wait3A_320 = arith.constant 0 : i32
      %dma_wait3A_321 = tpu.memref_slice %arg4[%add3A_41, %dma_wait3A_320] : memref<5120x64xi32, #tpu.memory_space<hbm>> -> memref<40x64xi32, #tpu.memory_space<hbm>>
      tpu.wait_dma2 semaphore(%run_scoped3A_314 : memref<!tpu.dma_semaphore, #tpu.memory_space<semaphore_mem>>) src(%dma_wait3A_321 : memref<40x64xi32, #tpu.memory_space<hbm>>) dst(%arg8 : memref<40x64xi32, #tpu.memory_space<vmem>>)
      tpu.yield
    }) : () -> ()
    %dma_start3A = arith.constant 0 : i32
    %dma_start3A_42 = arith.constant 0 : i32
    %dma_start3A_43 = arith.constant 0 : i32
    %dma_start3A_44 = arith.constant 0 : i32
    %dma_start3A_45 = tpu.memref_slice %arg6[%dma_start3A_42, %dma_start3A_43, %dma_start3A_44] : memref<4x64x128xf32, #tpu.memory_space<vmem>> -> memref<1x64x128xf32, #tpu.memory_space<vmem>>
    %dma_start3A_46 = tpu.memref_squeeze %dma_start3A_45 : memref<1x64x128xf32, #tpu.memory_space<vmem>> -> memref<64x128xf32, #tpu.memory_space<vmem>>
    %dma_start3A_47 = arith.constant 0 : i32
    %dma_start3A_48 = tpu.memref_slice %arg7[%dma_start3A, %dma_start3A_47] : memref<40x64xi32, #tpu.memory_space<vmem>> -> memref<1x64xi32, #tpu.memory_space<vmem>>
    %dma_start3A_49 = tpu.memref_squeeze %dma_start3A_48 : memref<1x64xi32, #tpu.memory_space<vmem>> -> memref<64xi32, #tpu.memory_space<vmem>>
    %dma_start3A_50 = arith.constant 0 : i32
    %dma_start3A_51 = arith.constant 0 : i32
    %dma_start3A_52 = tpu.memref_slice %arg2[%dma_start3A_50, %dma_start3A_51] : memref<10240x128xf32, #tpu.memory_space<hbm>> -> memref<10240x128xf32, #tpu.memory_space<hbm>>
    tpu.enqueue_indirect_dma source(%dma_start3A_52 : memref<10240x128xf32, #tpu.memory_space<hbm>>) target(%dma_start3A_46 : memref<64x128xf32, #tpu.memory_space<vmem>>) offsets(%dma_start3A_49 : memref<64xi32, #tpu.memory_space<vmem>>) semaphore(%arg10 : memref<!tpu.dma_semaphore, #tpu.memory_space<semaphore_mem>>)
    %dma_start3A_53 = arith.constant 1 : i32
    %dma_start3A_54 = arith.constant 1 : i32
    %dma_start3A_55 = arith.constant 0 : i32
    %dma_start3A_56 = arith.constant 0 : i32
    %dma_start3A_57 = tpu.memref_slice %arg6[%dma_start3A_54, %dma_start3A_55, %dma_start3A_56] : memref<4x64x128xf32, #tpu.memory_space<vmem>> -> memref<1x64x128xf32, #tpu.memory_space<vmem>>
    %dma_start3A_58 = tpu.memref_squeeze %dma_start3A_57 : memref<1x64x128xf32, #tpu.memory_space<vmem>> -> memref<64x128xf32, #tpu.memory_space<vmem>>
    %dma_start3A_59 = arith.constant 0 : i32
    %dma_start3A_60 = tpu.memref_slice %arg7[%dma_start3A_53, %dma_start3A_59] : memref<40x64xi32, #tpu.memory_space<vmem>> -> memref<1x64xi32, #tpu.memory_space<vmem>>
    %dma_start3A_61 = tpu.memref_squeeze %dma_start3A_60 : memref<1x64xi32, #tpu.memory_space<vmem>> -> memref<64xi32, #tpu.memory_space<vmem>>
    %dma_start3A_62 = arith.constant 0 : i32
    %dma_start3A_63 = arith.constant 0 : i32
    %dma_start3A_64 = tpu.memref_slice %arg2[%dma_start3A_62, %dma_start3A_63] : memref<10240x128xf32, #tpu.memory_space<hbm>> -> memref<10240x128xf32, #tpu.memory_space<hbm>>
    tpu.enqueue_indirect_dma source(%dma_start3A_64 : memref<10240x128xf32, #tpu.memory_space<hbm>>) target(%dma_start3A_58 : memref<64x128xf32, #tpu.memory_space<vmem>>) offsets(%dma_start3A_61 : memref<64xi32, #tpu.memory_space<vmem>>) semaphore(%arg11 : memref<!tpu.dma_semaphore, #tpu.memory_space<semaphore_mem>>)
    %dma_start3A_65 = arith.constant 2 : i32
    %dma_start3A_66 = arith.constant 2 : i32
    %dma_start3A_67 = arith.constant 0 : i32
    %dma_start3A_68 = arith.constant 0 : i32
    %dma_start3A_69 = tpu.memref_slice %arg6[%dma_start3A_66, %dma_start3A_67, %dma_start3A_68] : memref<4x64x128xf32, #tpu.memory_space<vmem>> -> memref<1x64x128xf32, #tpu.memory_space<vmem>>
    %dma_start3A_70 = tpu.memref_squeeze %dma_start3A_69 : memref<1x64x128xf32, #tpu.memory_space<vmem>> -> memref<64x128xf32, #tpu.memory_space<vmem>>
    %dma_start3A_71 = arith.constant 0 : i32
    %dma_start3A_72 = tpu.memref_slice %arg7[%dma_start3A_65, %dma_start3A_71] : memref<40x64xi32, #tpu.memory_space<vmem>> -> memref<1x64xi32, #tpu.memory_space<vmem>>
    %dma_start3A_73 = tpu.memref_squeeze %dma_start3A_72 : memref<1x64xi32, #tpu.memory_space<vmem>> -> memref<64xi32, #tpu.memory_space<vmem>>
    %dma_start3A_74 = arith.constant 0 : i32
    %dma_start3A_75 = arith.constant 0 : i32
    %dma_start3A_76 = tpu.memref_slice %arg2[%dma_start3A_74, %dma_start3A_75] : memref<10240x128xf32, #tpu.memory_space<hbm>> -> memref<10240x128xf32, #tpu.memory_space<hbm>>
    tpu.enqueue_indirect_dma source(%dma_start3A_76 : memref<10240x128xf32, #tpu.memory_space<hbm>>) target(%dma_start3A_70 : memref<64x128xf32, #tpu.memory_space<vmem>>) offsets(%dma_start3A_73 : memref<64xi32, #tpu.memory_space<vmem>>) semaphore(%arg12 : memref<!tpu.dma_semaphore, #tpu.memory_space<semaphore_mem>>)
    %dma_start3A_77 = arith.constant 3 : i32
    %dma_start3A_78 = arith.constant 3 : i32
    %dma_start3A_79 = arith.constant 0 : i32
    %dma_start3A_80 = arith.constant 0 : i32
    %dma_start3A_81 = tpu.memref_slice %arg6[%dma_start3A_78, %dma_start3A_79, %dma_start3A_80] : memref<4x64x128xf32, #tpu.memory_space<vmem>> -> memref<1x64x128xf32, #tpu.memory_space<vmem>>
    %dma_start3A_82 = tpu.memref_squeeze %dma_start3A_81 : memref<1x64x128xf32, #tpu.memory_space<vmem>> -> memref<64x128xf32, #tpu.memory_space<vmem>>
    %dma_start3A_83 = arith.constant 0 : i32
    %dma_start3A_84 = tpu.memref_slice %arg7[%dma_start3A_77, %dma_start3A_83] : memref<40x64xi32, #tpu.memory_space<vmem>> -> memref<1x64xi32, #tpu.memory_space<vmem>>
    %dma_start3A_85 = tpu.memref_squeeze %dma_start3A_84 : memref<1x64xi32, #tpu.memory_space<vmem>> -> memref<64xi32, #tpu.memory_space<vmem>>
    %dma_start3A_86 = arith.constant 0 : i32
    %dma_start3A_87 = arith.constant 0 : i32
    %dma_start3A_88 = tpu.memref_slice %arg2[%dma_start3A_86, %dma_start3A_87] : memref<10240x128xf32, #tpu.memory_space<hbm>> -> memref<10240x128xf32, #tpu.memory_space<hbm>>
    tpu.enqueue_indirect_dma source(%dma_start3A_88 : memref<10240x128xf32, #tpu.memory_space<hbm>>) target(%dma_start3A_82 : memref<64x128xf32, #tpu.memory_space<vmem>>) offsets(%dma_start3A_85 : memref<64xi32, #tpu.memory_space<vmem>>) semaphore(%arg13 : memref<!tpu.dma_semaphore, #tpu.memory_space<semaphore_mem>>)
    %scan3A_89 = arith.constant 0 : i32
    %scan3A_90 = arith.constant 0 : i32
    %scan3A_91 = arith.constant 10 : i32
    %scan3A_92 = arith.addi %scan3A_90, %scan3A_91 : i32
    %scan3A_93 = arith.constant 1 : i32
    %scan3A_94 = scf.for %scan3A_314 = %scan3A_90 to %scan3A_92 step %scan3A_93 iter_args(%scan3A_315 = %scan3A_89) -> (i32)  : i32 {
      %mul3A_316 = arith.constant 4 : i32
      %mul3A_317 = arith.muli %scan3A_314, %mul3A_316 : i32
      %add3A_318 = arith.constant 0 : i32
      %add3A_319 = arith.addi %mul3A_317, %add3A_318 : i32
      %dma_wait3A = arith.constant 0 : i32
      %dma_wait3A_320 = arith.constant 0 : i32
      %dma_wait3A_321 = arith.constant 0 : i32
      %dma_wait3A_322 = arith.constant 0 : i32
      %dma_wait3A_323 = tpu.memref_slice %arg6[%dma_wait3A_320, %dma_wait3A_321, %dma_wait3A_322] : memref<4x64x128xf32, #tpu.memory_space<vmem>> -> memref<1x64x128xf32, #tpu.memory_space<vmem>>
      %dma_wait3A_324 = tpu.memref_squeeze %dma_wait3A_323 : memref<1x64x128xf32, #tpu.memory_space<vmem>> -> memref<64x128xf32, #tpu.memory_space<vmem>>
      %dma_wait3A_325 = arith.constant 0 : i32
      %dma_wait3A_326 = tpu.memref_slice %arg7[%dma_wait3A, %dma_wait3A_325] : memref<40x64xi32, #tpu.memory_space<vmem>> -> memref<1x64xi32, #tpu.memory_space<vmem>>
      %dma_wait3A_327 = tpu.memref_squeeze %dma_wait3A_326 : memref<1x64xi32, #tpu.memory_space<vmem>> -> memref<64xi32, #tpu.memory_space<vmem>>
      %dma_wait3A_328 = arith.constant 0 : i32
      %dma_wait3A_329 = arith.constant 0 : i32
      %dma_wait3A_330 = tpu.memref_slice %arg2[%dma_wait3A_328, %dma_wait3A_329] : memref<10240x128xf32, #tpu.memory_space<hbm>> -> memref<10240x128xf32, #tpu.memory_space<hbm>>
      tpu.wait_indirect_dma semaphore(%arg10 : memref<!tpu.dma_semaphore, #tpu.memory_space<semaphore_mem>>) src(%dma_wait3A_330 : memref<10240x128xf32, #tpu.memory_space<hbm>>) dst(%dma_wait3A_324 : memref<64x128xf32, #tpu.memory_space<vmem>>)
      %run_scoped3A_331 = arith.constant 0 : i32
      "tpu.region"() ({
        %run_scoped3A_409 = tpu.sem_alloc : memref<!tpu.dma_semaphore, #tpu.memory_space<semaphore_mem>>
        %dma_start3A_410 = arith.constant 0 : i32
        %dma_start3A_411 = arith.constant 0 : i32
        %dma_start3A_412 = tpu.memref_slice %arg6[%run_scoped3A_331, %dma_start3A_410, %dma_start3A_411] : memref<4x64x128xf32, #tpu.memory_space<vmem>> -> memref<1x64x128xf32, #tpu.memory_space<vmem>>
        %dma_start3A_413 = tpu.memref_squeeze %dma_start3A_412 : memref<1x64x128xf32, #tpu.memory_space<vmem>> -> memref<64x128xf32, #tpu.memory_space<vmem>>
        %dma_start3A_414 = arith.constant 0 : i32
        %dma_start3A_415 = tpu.memref_slice %arg8[%add3A_319, %dma_start3A_414] : memref<40x64xi32, #tpu.memory_space<vmem>> -> memref<1x64xi32, #tpu.memory_space<vmem>>
        %dma_start3A_416 = tpu.memref_squeeze %dma_start3A_415 : memref<1x64xi32, #tpu.memory_space<vmem>> -> memref<64xi32, #tpu.memory_space<vmem>>
        %dma_start3A_417 = arith.constant 0 : i32
        %dma_start3A_418 = arith.constant 0 : i32
        %dma_start3A_419 = tpu.memref_slice %arg9[%dma_start3A_417, %dma_start3A_418] : memref<10240x128xf32, #tpu.memory_space<vmem_shared>> -> memref<10240x128xf32, #tpu.memory_space<vmem_shared>>
        tpu.enqueue_indirect_dma source(%dma_start3A_413 : memref<64x128xf32, #tpu.memory_space<vmem>>) target(%dma_start3A_419 : memref<10240x128xf32, #tpu.memory_space<vmem_shared>>) offsets(%dma_start3A_416 : memref<64xi32, #tpu.memory_space<vmem>>) semaphore(%run_scoped3A_409 : memref<!tpu.dma_semaphore, #tpu.memory_space<semaphore_mem>>) {add = true}
        %dma_wait3A_420 = arith.constant 0 : i32
        %dma_wait3A_421 = arith.constant 0 : i32
        %dma_wait3A_422 = tpu.memref_slice %arg6[%run_scoped3A_331, %dma_wait3A_420, %dma_wait3A_421] : memref<4x64x128xf32, #tpu.memory_space<vmem>> -> memref<1x64x128xf32, #tpu.memory_space<vmem>>
        %dma_wait3A_423 = tpu.memref_squeeze %dma_wait3A_422 : memref<1x64x128xf32, #tpu.memory_space<vmem>> -> memref<64x128xf32, #tpu.memory_space<vmem>>
        %dma_wait3A_424 = arith.constant 0 : i32
        %dma_wait3A_425 = tpu.memref_slice %arg8[%add3A_319, %dma_wait3A_424] : memref<40x64xi32, #tpu.memory_space<vmem>> -> memref<1x64xi32, #tpu.memory_space<vmem>>
        %dma_wait3A_426 = tpu.memref_squeeze %dma_wait3A_425 : memref<1x64xi32, #tpu.memory_space<vmem>> -> memref<64xi32, #tpu.memory_space<vmem>>
        %dma_wait3A_427 = arith.constant 0 : i32
        %dma_wait3A_428 = arith.constant 0 : i32
        %dma_wait3A_429 = tpu.memref_slice %arg9[%dma_wait3A_427, %dma_wait3A_428] : memref<10240x128xf32, #tpu.memory_space<vmem_shared>> -> memref<10240x128xf32, #tpu.memory_space<vmem_shared>>
        tpu.wait_indirect_dma semaphore(%run_scoped3A_409 : memref<!tpu.dma_semaphore, #tpu.memory_space<semaphore_mem>>) src(%dma_wait3A_423 : memref<64x128xf32, #tpu.memory_space<vmem>>) dst(%dma_wait3A_429 : memref<10240x128xf32, #tpu.memory_space<vmem_shared>>)
        tpu.yield
      }) : () -> ()
      %add3A_332 = arith.constant 4 : i32
      %add3A_333 = arith.addi %add3A_319, %add3A_332 : i32
      %lt3A = arith.constant 40 : i32
      %lt3A_334 = arith.cmpi slt, %add3A_333, %lt3A : i32
      %convert_element_type3A = arith.extui %lt3A_334 : i1 to i32
      %cond3A = arith.constant 0 : i32
      %cond3A_335 = arith.cmpi ne, %convert_element_type3A, %cond3A : i32
      scf.if %cond3A_335 {
        %dma_start3A_409 = arith.constant 0 : i32
        %dma_start3A_410 = arith.constant 0 : i32
        %dma_start3A_411 = arith.constant 0 : i32
        %dma_start3A_412 = tpu.memref_slice %arg6[%dma_start3A_409, %dma_start3A_410, %dma_start3A_411] : memref<4x64x128xf32, #tpu.memory_space<vmem>> -> memref<1x64x128xf32, #tpu.memory_space<vmem>>
        %dma_start3A_413 = tpu.memref_squeeze %dma_start3A_412 : memref<1x64x128xf32, #tpu.memory_space<vmem>> -> memref<64x128xf32, #tpu.memory_space<vmem>>
        %dma_start3A_414 = arith.constant 0 : i32
        %dma_start3A_415 = tpu.memref_slice %arg7[%add3A_333, %dma_start3A_414] : memref<40x64xi32, #tpu.memory_space<vmem>> -> memref<1x64xi32, #tpu.memory_space<vmem>>
        %dma_start3A_416 = tpu.memref_squeeze %dma_start3A_415 : memref<1x64xi32, #tpu.memory_space<vmem>> -> memref<64xi32, #tpu.memory_space<vmem>>
        %dma_start3A_417 = arith.constant 0 : i32
        %dma_start3A_418 = arith.constant 0 : i32
        %dma_start3A_419 = tpu.memref_slice %arg2[%dma_start3A_417, %dma_start3A_418] : memref<10240x128xf32, #tpu.memory_space<hbm>> -> memref<10240x128xf32, #tpu.memory_space<hbm>>
        tpu.enqueue_indirect_dma source(%dma_start3A_419 : memref<10240x128xf32, #tpu.memory_space<hbm>>) target(%dma_start3A_413 : memref<64x128xf32, #tpu.memory_space<vmem>>) offsets(%dma_start3A_416 : memref<64xi32, #tpu.memory_space<vmem>>) semaphore(%arg10 : memref<!tpu.dma_semaphore, #tpu.memory_space<semaphore_mem>>)
      } else {
      }
      %mul3A_336 = arith.constant 4 : i32
      %mul3A_337 = arith.muli %scan3A_314, %mul3A_336 : i32
      %add3A_338 = arith.constant 1 : i32
      %add3A_339 = arith.addi %mul3A_337, %add3A_338 : i32
      %dma_wait3A_340 = arith.constant 1 : i32
      %dma_wait3A_341 = arith.constant 1 : i32
      %dma_wait3A_342 = arith.constant 0 : i32
      %dma_wait3A_343 = arith.constant 0 : i32
      %dma_wait3A_344 = tpu.memref_slice %arg6[%dma_wait3A_341, %dma_wait3A_342, %dma_wait3A_343] : memref<4x64x128xf32, #tpu.memory_space<vmem>> -> memref<1x64x128xf32, #tpu.memory_space<vmem>>
      %dma_wait3A_345 = tpu.memref_squeeze %dma_wait3A_344 : memref<1x64x128xf32, #tpu.memory_space<vmem>> -> memref<64x128xf32, #tpu.memory_space<vmem>>
      %dma_wait3A_346 = arith.constant 0 : i32
      %dma_wait3A_347 = tpu.memref_slice %arg7[%dma_wait3A_340, %dma_wait3A_346] : memref<40x64xi32, #tpu.memory_space<vmem>> -> memref<1x64xi32, #tpu.memory_space<vmem>>
      %dma_wait3A_348 = tpu.memref_squeeze %dma_wait3A_347 : memref<1x64xi32, #tpu.memory_space<vmem>> -> memref<64xi32, #tpu.memory_space<vmem>>
      %dma_wait3A_349 = arith.constant 0 : i32
      %dma_wait3A_350 = arith.constant 0 : i32
      %dma_wait3A_351 = tpu.memref_slice %arg2[%dma_wait3A_349, %dma_wait3A_350] : memref<10240x128xf32, #tpu.memory_space<hbm>> -> memref<10240x128xf32, #tpu.memory_space<hbm>>
      tpu.wait_indirect_dma semaphore(%arg11 : memref<!tpu.dma_semaphore, #tpu.memory_space<semaphore_mem>>) src(%dma_wait3A_351 : memref<10240x128xf32, #tpu.memory_space<hbm>>) dst(%dma_wait3A_345 : memref<64x128xf32, #tpu.memory_space<vmem>>)
      %run_scoped3A_352 = arith.constant 1 : i32
      "tpu.region"() ({
        %run_scoped3A_409 = tpu.sem_alloc : memref<!tpu.dma_semaphore, #tpu.memory_space<semaphore_mem>>
        %dma_start3A_410 = arith.constant 0 : i32
        %dma_start3A_411 = arith.constant 0 : i32
        %dma_start3A_412 = tpu.memref_slice %arg6[%run_scoped3A_352, %dma_start3A_410, %dma_start3A_411] : memref<4x64x128xf32, #tpu.memory_space<vmem>> -> memref<1x64x128xf32, #tpu.memory_space<vmem>>
        %dma_start3A_413 = tpu.memref_squeeze %dma_start3A_412 : memref<1x64x128xf32, #tpu.memory_space<vmem>> -> memref<64x128xf32, #tpu.memory_space<vmem>>
        %dma_start3A_414 = arith.constant 0 : i32
        %dma_start3A_415 = tpu.memref_slice %arg8[%add3A_339, %dma_start3A_414] : memref<40x64xi32, #tpu.memory_space<vmem>> -> memref<1x64xi32, #tpu.memory_space<vmem>>
        %dma_start3A_416 = tpu.memref_squeeze %dma_start3A_415 : memref<1x64xi32, #tpu.memory_space<vmem>> -> memref<64xi32, #tpu.memory_space<vmem>>
        %dma_start3A_417 = arith.constant 0 : i32
        %dma_start3A_418 = arith.constant 0 : i32
        %dma_start3A_419 = tpu.memref_slice %arg9[%dma_start3A_417, %dma_start3A_418] : memref<10240x128xf32, #tpu.memory_space<vmem_shared>> -> memref<10240x128xf32, #tpu.memory_space<vmem_shared>>
        tpu.enqueue_indirect_dma source(%dma_start3A_413 : memref<64x128xf32, #tpu.memory_space<vmem>>) target(%dma_start3A_419 : memref<10240x128xf32, #tpu.memory_space<vmem_shared>>) offsets(%dma_start3A_416 : memref<64xi32, #tpu.memory_space<vmem>>) semaphore(%run_scoped3A_409 : memref<!tpu.dma_semaphore, #tpu.memory_space<semaphore_mem>>) {add = true}
        %dma_wait3A_420 = arith.constant 0 : i32
        %dma_wait3A_421 = arith.constant 0 : i32
        %dma_wait3A_422 = tpu.memref_slice %arg6[%run_scoped3A_352, %dma_wait3A_420, %dma_wait3A_421] : memref<4x64x128xf32, #tpu.memory_space<vmem>> -> memref<1x64x128xf32, #tpu.memory_space<vmem>>
        %dma_wait3A_423 = tpu.memref_squeeze %dma_wait3A_422 : memref<1x64x128xf32, #tpu.memory_space<vmem>> -> memref<64x128xf32, #tpu.memory_space<vmem>>
        %dma_wait3A_424 = arith.constant 0 : i32
        %dma_wait3A_425 = tpu.memref_slice %arg8[%add3A_339, %dma_wait3A_424] : memref<40x64xi32, #tpu.memory_space<vmem>> -> memref<1x64xi32, #tpu.memory_space<vmem>>
        %dma_wait3A_426 = tpu.memref_squeeze %dma_wait3A_425 : memref<1x64xi32, #tpu.memory_space<vmem>> -> memref<64xi32, #tpu.memory_space<vmem>>
        %dma_wait3A_427 = arith.constant 0 : i32
        %dma_wait3A_428 = arith.constant 0 : i32
        %dma_wait3A_429 = tpu.memref_slice %arg9[%dma_wait3A_427, %dma_wait3A_428] : memref<10240x128xf32, #tpu.memory_space<vmem_shared>> -> memref<10240x128xf32, #tpu.memory_space<vmem_shared>>
        tpu.wait_indirect_dma semaphore(%run_scoped3A_409 : memref<!tpu.dma_semaphore, #tpu.memory_space<semaphore_mem>>) src(%dma_wait3A_423 : memref<64x128xf32, #tpu.memory_space<vmem>>) dst(%dma_wait3A_429 : memref<10240x128xf32, #tpu.memory_space<vmem_shared>>)
        tpu.yield
      }) : () -> ()
      %add3A_353 = arith.constant 4 : i32
      %add3A_354 = arith.addi %add3A_339, %add3A_353 : i32
      %lt3A_355 = arith.constant 40 : i32
      %lt3A_356 = arith.cmpi slt, %add3A_354, %lt3A_355 : i32
      %convert_element_type3A_357 = arith.extui %lt3A_356 : i1 to i32
      %cond3A_358 = arith.constant 0 : i32
      %cond3A_359 = arith.cmpi ne, %convert_element_type3A_357, %cond3A_358 : i32
      scf.if %cond3A_359 {
        %dma_start3A_409 = arith.constant 1 : i32
        %dma_start3A_410 = arith.constant 0 : i32
        %dma_start3A_411 = arith.constant 0 : i32
        %dma_start3A_412 = tpu.memref_slice %arg6[%dma_start3A_409, %dma_start3A_410, %dma_start3A_411] : memref<4x64x128xf32, #tpu.memory_space<vmem>> -> memref<1x64x128xf32, #tpu.memory_space<vmem>>
        %dma_start3A_413 = tpu.memref_squeeze %dma_start3A_412 : memref<1x64x128xf32, #tpu.memory_space<vmem>> -> memref<64x128xf32, #tpu.memory_space<vmem>>
        %dma_start3A_414 = arith.constant 0 : i32
        %dma_start3A_415 = tpu.memref_slice %arg7[%add3A_354, %dma_start3A_414] : memref<40x64xi32, #tpu.memory_space<vmem>> -> memref<1x64xi32, #tpu.memory_space<vmem>>
        %dma_start3A_416 = tpu.memref_squeeze %dma_start3A_415 : memref<1x64xi32, #tpu.memory_space<vmem>> -> memref<64xi32, #tpu.memory_space<vmem>>
        %dma_start3A_417 = arith.constant 0 : i32
        %dma_start3A_418 = arith.constant 0 : i32
        %dma_start3A_419 = tpu.memref_slice %arg2[%dma_start3A_417, %dma_start3A_418] : memref<10240x128xf32, #tpu.memory_space<hbm>> -> memref<10240x128xf32, #tpu.memory_space<hbm>>
        tpu.enqueue_indirect_dma source(%dma_start3A_419 : memref<10240x128xf32, #tpu.memory_space<hbm>>) target(%dma_start3A_413 : memref<64x128xf32, #tpu.memory_space<vmem>>) offsets(%dma_start3A_416 : memref<64xi32, #tpu.memory_space<vmem>>) semaphore(%arg11 : memref<!tpu.dma_semaphore, #tpu.memory_space<semaphore_mem>>)
      } else {
      }
      %mul3A_360 = arith.constant 4 : i32
      %mul3A_361 = arith.muli %scan3A_314, %mul3A_360 : i32
      %add3A_362 = arith.constant 2 : i32
      %add3A_363 = arith.addi %mul3A_361, %add3A_362 : i32
      %dma_wait3A_364 = arith.constant 2 : i32
      %dma_wait3A_365 = arith.constant 2 : i32
      %dma_wait3A_366 = arith.constant 0 : i32
      %dma_wait3A_367 = arith.constant 0 : i32
      %dma_wait3A_368 = tpu.memref_slice %arg6[%dma_wait3A_365, %dma_wait3A_366, %dma_wait3A_367] : memref<4x64x128xf32, #tpu.memory_space<vmem>> -> memref<1x64x128xf32, #tpu.memory_space<vmem>>
      %dma_wait3A_369 = tpu.memref_squeeze %dma_wait3A_368 : memref<1x64x128xf32, #tpu.memory_space<vmem>> -> memref<64x128xf32, #tpu.memory_space<vmem>>
      %dma_wait3A_370 = arith.constant 0 : i32
      %dma_wait3A_371 = tpu.memref_slice %arg7[%dma_wait3A_364, %dma_wait3A_370] : memref<40x64xi32, #tpu.memory_space<vmem>> -> memref<1x64xi32, #tpu.memory_space<vmem>>
      %dma_wait3A_372 = tpu.memref_squeeze %dma_wait3A_371 : memref<1x64xi32, #tpu.memory_space<vmem>> -> memref<64xi32, #tpu.memory_space<vmem>>
      %dma_wait3A_373 = arith.constant 0 : i32
      %dma_wait3A_374 = arith.constant 0 : i32
      %dma_wait3A_375 = tpu.memref_slice %arg2[%dma_wait3A_373, %dma_wait3A_374] : memref<10240x128xf32, #tpu.memory_space<hbm>> -> memref<10240x128xf32, #tpu.memory_space<hbm>>
      tpu.wait_indirect_dma semaphore(%arg12 : memref<!tpu.dma_semaphore, #tpu.memory_space<semaphore_mem>>) src(%dma_wait3A_375 : memref<10240x128xf32, #tpu.memory_space<hbm>>) dst(%dma_wait3A_369 : memref<64x128xf32, #tpu.memory_space<vmem>>)
      %run_scoped3A_376 = arith.constant 2 : i32
      "tpu.region"() ({
        %run_scoped3A_409 = tpu.sem_alloc : memref<!tpu.dma_semaphore, #tpu.memory_space<semaphore_mem>>
        %dma_start3A_410 = arith.constant 0 : i32
        %dma_start3A_411 = arith.constant 0 : i32
        %dma_start3A_412 = tpu.memref_slice %arg6[%run_scoped3A_376, %dma_start3A_410, %dma_start3A_411] : memref<4x64x128xf32, #tpu.memory_space<vmem>> -> memref<1x64x128xf32, #tpu.memory_space<vmem>>
        %dma_start3A_413 = tpu.memref_squeeze %dma_start3A_412 : memref<1x64x128xf32, #tpu.memory_space<vmem>> -> memref<64x128xf32, #tpu.memory_space<vmem>>
        %dma_start3A_414 = arith.constant 0 : i32
        %dma_start3A_415 = tpu.memref_slice %arg8[%add3A_363, %dma_start3A_414] : memref<40x64xi32, #tpu.memory_space<vmem>> -> memref<1x64xi32, #tpu.memory_space<vmem>>
        %dma_start3A_416 = tpu.memref_squeeze %dma_start3A_415 : memref<1x64xi32, #tpu.memory_space<vmem>> -> memref<64xi32, #tpu.memory_space<vmem>>
        %dma_start3A_417 = arith.constant 0 : i32
        %dma_start3A_418 = arith.constant 0 : i32
        %dma_start3A_419 = tpu.memref_slice %arg9[%dma_start3A_417, %dma_start3A_418] : memref<10240x128xf32, #tpu.memory_space<vmem_shared>> -> memref<10240x128xf32, #tpu.memory_space<vmem_shared>>
        tpu.enqueue_indirect_dma source(%dma_start3A_413 : memref<64x128xf32, #tpu.memory_space<vmem>>) target(%dma_start3A_419 : memref<10240x128xf32, #tpu.memory_space<vmem_shared>>) offsets(%dma_start3A_416 : memref<64xi32, #tpu.memory_space<vmem>>) semaphore(%run_scoped3A_409 : memref<!tpu.dma_semaphore, #tpu.memory_space<semaphore_mem>>) {add = true}
        %dma_wait3A_420 = arith.constant 0 : i32
        %dma_wait3A_421 = arith.constant 0 : i32
        %dma_wait3A_422 = tpu.memref_slice %arg6[%run_scoped3A_376, %dma_wait3A_420, %dma_wait3A_421] : memref<4x64x128xf32, #tpu.memory_space<vmem>> -> memref<1x64x128xf32, #tpu.memory_space<vmem>>
        %dma_wait3A_423 = tpu.memref_squeeze %dma_wait3A_422 : memref<1x64x128xf32, #tpu.memory_space<vmem>> -> memref<64x128xf32, #tpu.memory_space<vmem>>
        %dma_wait3A_424 = arith.constant 0 : i32
        %dma_wait3A_425 = tpu.memref_slice %arg8[%add3A_363, %dma_wait3A_424] : memref<40x64xi32, #tpu.memory_space<vmem>> -> memref<1x64xi32, #tpu.memory_space<vmem>>
        %dma_wait3A_426 = tpu.memref_squeeze %dma_wait3A_425 : memref<1x64xi32, #tpu.memory_space<vmem>> -> memref<64xi32, #tpu.memory_space<vmem>>
        %dma_wait3A_427 = arith.constant 0 : i32
        %dma_wait3A_428 = arith.constant 0 : i32
        %dma_wait3A_429 = tpu.memref_slice %arg9[%dma_wait3A_427, %dma_wait3A_428] : memref<10240x128xf32, #tpu.memory_space<vmem_shared>> -> memref<10240x128xf32, #tpu.memory_space<vmem_shared>>
        tpu.wait_indirect_dma semaphore(%run_scoped3A_409 : memref<!tpu.dma_semaphore, #tpu.memory_space<semaphore_mem>>) src(%dma_wait3A_423 : memref<64x128xf32, #tpu.memory_space<vmem>>) dst(%dma_wait3A_429 : memref<10240x128xf32, #tpu.memory_space<vmem_shared>>)
        tpu.yield
      }) : () -> ()
      %add3A_377 = arith.constant 4 : i32
      %add3A_378 = arith.addi %add3A_363, %add3A_377 : i32
      %lt3A_379 = arith.constant 40 : i32
      %lt3A_380 = arith.cmpi slt, %add3A_378, %lt3A_379 : i32
      %convert_element_type3A_381 = arith.extui %lt3A_380 : i1 to i32
      %cond3A_382 = arith.constant 0 : i32
      %cond3A_383 = arith.cmpi ne, %convert_element_type3A_381, %cond3A_382 : i32
      scf.if %cond3A_383 {
        %dma_start3A_409 = arith.constant 2 : i32
        %dma_start3A_410 = arith.constant 0 : i32
        %dma_start3A_411 = arith.constant 0 : i32
        %dma_start3A_412 = tpu.memref_slice %arg6[%dma_start3A_409, %dma_start3A_410, %dma_start3A_411] : memref<4x64x128xf32, #tpu.memory_space<vmem>> -> memref<1x64x128xf32, #tpu.memory_space<vmem>>
        %dma_start3A_413 = tpu.memref_squeeze %dma_start3A_412 : memref<1x64x128xf32, #tpu.memory_space<vmem>> -> memref<64x128xf32, #tpu.memory_space<vmem>>
        %dma_start3A_414 = arith.constant 0 : i32
        %dma_start3A_415 = tpu.memref_slice %arg7[%add3A_378, %dma_start3A_414] : memref<40x64xi32, #tpu.memory_space<vmem>> -> memref<1x64xi32, #tpu.memory_space<vmem>>
        %dma_start3A_416 = tpu.memref_squeeze %dma_start3A_415 : memref<1x64xi32, #tpu.memory_space<vmem>> -> memref<64xi32, #tpu.memory_space<vmem>>
        %dma_start3A_417 = arith.constant 0 : i32
        %dma_start3A_418 = arith.constant 0 : i32
        %dma_start3A_419 = tpu.memref_slice %arg2[%dma_start3A_417, %dma_start3A_418] : memref<10240x128xf32, #tpu.memory_space<hbm>> -> memref<10240x128xf32, #tpu.memory_space<hbm>>
        tpu.enqueue_indirect_dma source(%dma_start3A_419 : memref<10240x128xf32, #tpu.memory_space<hbm>>) target(%dma_start3A_413 : memref<64x128xf32, #tpu.memory_space<vmem>>) offsets(%dma_start3A_416 : memref<64xi32, #tpu.memory_space<vmem>>) semaphore(%arg12 : memref<!tpu.dma_semaphore, #tpu.memory_space<semaphore_mem>>)
      } else {
      }
      %mul3A_384 = arith.constant 4 : i32
      %mul3A_385 = arith.muli %scan3A_314, %mul3A_384 : i32
      %add3A_386 = arith.constant 3 : i32
      %add3A_387 = arith.addi %mul3A_385, %add3A_386 : i32
      %dma_wait3A_388 = arith.constant 3 : i32
      %dma_wait3A_389 = arith.constant 3 : i32
      %dma_wait3A_390 = arith.constant 0 : i32
      %dma_wait3A_391 = arith.constant 0 : i32
      %dma_wait3A_392 = tpu.memref_slice %arg6[%dma_wait3A_389, %dma_wait3A_390, %dma_wait3A_391] : memref<4x64x128xf32, #tpu.memory_space<vmem>> -> memref<1x64x128xf32, #tpu.memory_space<vmem>>
      %dma_wait3A_393 = tpu.memref_squeeze %dma_wait3A_392 : memref<1x64x128xf32, #tpu.memory_space<vmem>> -> memref<64x128xf32, #tpu.memory_space<vmem>>
      %dma_wait3A_394 = arith.constant 0 : i32
      %dma_wait3A_395 = tpu.memref_slice %arg7[%dma_wait3A_388, %dma_wait3A_394] : memref<40x64xi32, #tpu.memory_space<vmem>> -> memref<1x64xi32, #tpu.memory_space<vmem>>
      %dma_wait3A_396 = tpu.memref_squeeze %dma_wait3A_395 : memref<1x64xi32, #tpu.memory_space<vmem>> -> memref<64xi32, #tpu.memory_space<vmem>>
      %dma_wait3A_397 = arith.constant 0 : i32
      %dma_wait3A_398 = arith.constant 0 : i32
      %dma_wait3A_399 = tpu.memref_slice %arg2[%dma_wait3A_397, %dma_wait3A_398] : memref<10240x128xf32, #tpu.memory_space<hbm>> -> memref<10240x128xf32, #tpu.memory_space<hbm>>
      tpu.wait_indirect_dma semaphore(%arg13 : memref<!tpu.dma_semaphore, #tpu.memory_space<semaphore_mem>>) src(%dma_wait3A_399 : memref<10240x128xf32, #tpu.memory_space<hbm>>) dst(%dma_wait3A_393 : memref<64x128xf32, #tpu.memory_space<vmem>>)
      %run_scoped3A_400 = arith.constant 3 : i32
      "tpu.region"() ({
        %run_scoped3A_409 = tpu.sem_alloc : memref<!tpu.dma_semaphore, #tpu.memory_space<semaphore_mem>>
        %dma_start3A_410 = arith.constant 0 : i32
        %dma_start3A_411 = arith.constant 0 : i32
        %dma_start3A_412 = tpu.memref_slice %arg6[%run_scoped3A_400, %dma_start3A_410, %dma_start3A_411] : memref<4x64x128xf32, #tpu.memory_space<vmem>> -> memref<1x64x128xf32, #tpu.memory_space<vmem>>
        %dma_start3A_413 = tpu.memref_squeeze %dma_start3A_412 : memref<1x64x128xf32, #tpu.memory_space<vmem>> -> memref<64x128xf32, #tpu.memory_space<vmem>>
        %dma_start3A_414 = arith.constant 0 : i32
        %dma_start3A_415 = tpu.memref_slice %arg8[%add3A_387, %dma_start3A_414] : memref<40x64xi32, #tpu.memory_space<vmem>> -> memref<1x64xi32, #tpu.memory_space<vmem>>
        %dma_start3A_416 = tpu.memref_squeeze %dma_start3A_415 : memref<1x64xi32, #tpu.memory_space<vmem>> -> memref<64xi32, #tpu.memory_space<vmem>>
        %dma_start3A_417 = arith.constant 0 : i32
        %dma_start3A_418 = arith.constant 0 : i32
        %dma_start3A_419 = tpu.memref_slice %arg9[%dma_start3A_417, %dma_start3A_418] : memref<10240x128xf32, #tpu.memory_space<vmem_shared>> -> memref<10240x128xf32, #tpu.memory_space<vmem_shared>>
        tpu.enqueue_indirect_dma source(%dma_start3A_413 : memref<64x128xf32, #tpu.memory_space<vmem>>) target(%dma_start3A_419 : memref<10240x128xf32, #tpu.memory_space<vmem_shared>>) offsets(%dma_start3A_416 : memref<64xi32, #tpu.memory_space<vmem>>) semaphore(%run_scoped3A_409 : memref<!tpu.dma_semaphore, #tpu.memory_space<semaphore_mem>>) {add = true}
        %dma_wait3A_420 = arith.constant 0 : i32
        %dma_wait3A_421 = arith.constant 0 : i32
        %dma_wait3A_422 = tpu.memref_slice %arg6[%run_scoped3A_400, %dma_wait3A_420, %dma_wait3A_421] : memref<4x64x128xf32, #tpu.memory_space<vmem>> -> memref<1x64x128xf32, #tpu.memory_space<vmem>>
        %dma_wait3A_423 = tpu.memref_squeeze %dma_wait3A_422 : memref<1x64x128xf32, #tpu.memory_space<vmem>> -> memref<64x128xf32, #tpu.memory_space<vmem>>
        %dma_wait3A_424 = arith.constant 0 : i32
        %dma_wait3A_425 = tpu.memref_slice %arg8[%add3A_387, %dma_wait3A_424] : memref<40x64xi32, #tpu.memory_space<vmem>> -> memref<1x64xi32, #tpu.memory_space<vmem>>
        %dma_wait3A_426 = tpu.memref_squeeze %dma_wait3A_425 : memref<1x64xi32, #tpu.memory_space<vmem>> -> memref<64xi32, #tpu.memory_space<vmem>>
        %dma_wait3A_427 = arith.constant 0 : i32
        %dma_wait3A_428 = arith.constant 0 : i32
        %dma_wait3A_429 = tpu.memref_slice %arg9[%dma_wait3A_427, %dma_wait3A_428] : memref<10240x128xf32, #tpu.memory_space<vmem_shared>> -> memref<10240x128xf32, #tpu.memory_space<vmem_shared>>
        tpu.wait_indirect_dma semaphore(%run_scoped3A_409 : memref<!tpu.dma_semaphore, #tpu.memory_space<semaphore_mem>>) src(%dma_wait3A_423 : memref<64x128xf32, #tpu.memory_space<vmem>>) dst(%dma_wait3A_429 : memref<10240x128xf32, #tpu.memory_space<vmem_shared>>)
        tpu.yield
      }) : () -> ()
      %add3A_401 = arith.constant 4 : i32
      %add3A_402 = arith.addi %add3A_387, %add3A_401 : i32
      %lt3A_403 = arith.constant 40 : i32
      %lt3A_404 = arith.cmpi slt, %add3A_402, %lt3A_403 : i32
      %convert_element_type3A_405 = arith.extui %lt3A_404 : i1 to i32
      %cond3A_406 = arith.constant 0 : i32
      %cond3A_407 = arith.cmpi ne, %convert_element_type3A_405, %cond3A_406 : i32
      scf.if %cond3A_407 {
        %dma_start3A_409 = arith.constant 3 : i32
        %dma_start3A_410 = arith.constant 0 : i32
        %dma_start3A_411 = arith.constant 0 : i32
        %dma_start3A_412 = tpu.memref_slice %arg6[%dma_start3A_409, %dma_start3A_410, %dma_start3A_411] : memref<4x64x128xf32, #tpu.memory_space<vmem>> -> memref<1x64x128xf32, #tpu.memory_space<vmem>>
        %dma_start3A_413 = tpu.memref_squeeze %dma_start3A_412 : memref<1x64x128xf32, #tpu.memory_space<vmem>> -> memref<64x128xf32, #tpu.memory_space<vmem>>
        %dma_start3A_414 = arith.constant 0 : i32
        %dma_start3A_415 = tpu.memref_slice %arg7[%add3A_402, %dma_start3A_414] : memref<40x64xi32, #tpu.memory_space<vmem>> -> memref<1x64xi32, #tpu.memory_space<vmem>>
        %dma_start3A_416 = tpu.memref_squeeze %dma_start3A_415 : memref<1x64xi32, #tpu.memory_space<vmem>> -> memref<64xi32, #tpu.memory_space<vmem>>
        %dma_start3A_417 = arith.constant 0 : i32
        %dma_start3A_418 = arith.constant 0 : i32
        %dma_start3A_419 = tpu.memref_slice %arg2[%dma_start3A_417, %dma_start3A_418] : memref<10240x128xf32, #tpu.memory_space<hbm>> -> memref<10240x128xf32, #tpu.memory_space<hbm>>
        tpu.enqueue_indirect_dma source(%dma_start3A_419 : memref<10240x128xf32, #tpu.memory_space<hbm>>) target(%dma_start3A_413 : memref<64x128xf32, #tpu.memory_space<vmem>>) offsets(%dma_start3A_416 : memref<64xi32, #tpu.memory_space<vmem>>) semaphore(%arg13 : memref<!tpu.dma_semaphore, #tpu.memory_space<semaphore_mem>>)
      } else {
      }
      %scan3A_408 = arith.constant 0 : i32
      scf.yield %scan3A_408 : i32
    }
    %scan3A_95 = arith.constant 10 : i32
    %mul3A_96 = arith.constant 160 : i32
    %mul3A_97 = arith.muli %add3A, %mul3A_96 : i32
    %add3A_98 = arith.constant 40 : i32
    %add3A_99 = arith.addi %mul3A_97, %add3A_98 : i32
    "tpu.region"() ({
      %run_scoped3A_314 = tpu.sem_alloc : memref<!tpu.dma_semaphore, #tpu.memory_space<semaphore_mem>>
      %dma_start3A_315 = arith.constant 0 : i32
      %dma_start3A_316 = tpu.memref_slice %arg3[%add3A_99, %dma_start3A_315] : memref<5120x64xi32, #tpu.memory_space<hbm>> -> memref<40x64xi32, #tpu.memory_space<hbm>>
      %dma_start3A_317 = arith.constant 0 : i32
      %dma_start3A_318 = tpu.memref_slice %arg3[%add3A_99, %dma_start3A_317] : memref<5120x64xi32, #tpu.memory_space<hbm>> -> memref<40x64xi32, #tpu.memory_space<hbm>>
      tpu.enqueue_dma source(%dma_start3A_318 : memref<40x64xi32, #tpu.memory_space<hbm>>) target(%arg7 : memref<40x64xi32, #tpu.memory_space<vmem>>) target_semaphore(%run_scoped3A_314 : memref<!tpu.dma_semaphore, #tpu.memory_space<semaphore_mem>>)
      %dma_wait3A = arith.constant 0 : i32
      %dma_wait3A_319 = tpu.memref_slice %arg3[%add3A_99, %dma_wait3A] : memref<5120x64xi32, #tpu.memory_space<hbm>> -> memref<40x64xi32, #tpu.memory_space<hbm>>
      %dma_wait3A_320 = arith.constant 0 : i32
      %dma_wait3A_321 = tpu.memref_slice %arg3[%add3A_99, %dma_wait3A_320] : memref<5120x64xi32, #tpu.memory_space<hbm>> -> memref<40x64xi32, #tpu.memory_space<hbm>>
      tpu.wait_dma2 semaphore(%run_scoped3A_314 : memref<!tpu.dma_semaphore, #tpu.memory_space<semaphore_mem>>) src(%dma_wait3A_321 : memref<40x64xi32, #tpu.memory_space<hbm>>) dst(%arg7 : memref<40x64xi32, #tpu.memory_space<vmem>>)
      tpu.yield
    }) : () -> ()
    "tpu.region"() ({
      %run_scoped3A_314 = tpu.sem_alloc : memref<!tpu.dma_semaphore, #tpu.memory_space<semaphore_mem>>
      %dma_start3A_315 = arith.constant 0 : i32
      %dma_start3A_316 = tpu.memref_slice %arg4[%add3A_99, %dma_start3A_315] : memref<5120x64xi32, #tpu.memory_space<hbm>> -> memref<40x64xi32, #tpu.memory_space<hbm>>
      %dma_start3A_317 = arith.constant 0 : i32
      %dma_start3A_318 = tpu.memref_slice %arg4[%add3A_99, %dma_start3A_317] : memref<5120x64xi32, #tpu.memory_space<hbm>> -> memref<40x64xi32, #tpu.memory_space<hbm>>
      tpu.enqueue_dma source(%dma_start3A_318 : memref<40x64xi32, #tpu.memory_space<hbm>>) target(%arg8 : memref<40x64xi32, #tpu.memory_space<vmem>>) target_semaphore(%run_scoped3A_314 : memref<!tpu.dma_semaphore, #tpu.memory_space<semaphore_mem>>)
      %dma_wait3A = arith.constant 0 : i32
      %dma_wait3A_319 = tpu.memref_slice %arg4[%add3A_99, %dma_wait3A] : memref<5120x64xi32, #tpu.memory_space<hbm>> -> memref<40x64xi32, #tpu.memory_space<hbm>>
      %dma_wait3A_320 = arith.constant 0 : i32
      %dma_wait3A_321 = tpu.memref_slice %arg4[%add3A_99, %dma_wait3A_320] : memref<5120x64xi32, #tpu.memory_space<hbm>> -> memref<40x64xi32, #tpu.memory_space<hbm>>
      tpu.wait_dma2 semaphore(%run_scoped3A_314 : memref<!tpu.dma_semaphore, #tpu.memory_space<semaphore_mem>>) src(%dma_wait3A_321 : memref<40x64xi32, #tpu.memory_space<hbm>>) dst(%arg8 : memref<40x64xi32, #tpu.memory_space<vmem>>)
      tpu.yield
    }) : () -> ()
    %dma_start3A_100 = arith.constant 0 : i32
    %dma_start3A_101 = arith.constant 0 : i32
    %dma_start3A_102 = arith.constant 0 : i32
    %dma_start3A_103 = arith.constant 0 : i32
    %dma_start3A_104 = tpu.memref_slice %arg6[%dma_start3A_101, %dma_start3A_102, %dma_start3A_103] : memref<4x64x128xf32, #tpu.memory_space<vmem>> -> memref<1x64x128xf32, #tpu.memory_space<vmem>>
    %dma_start3A_105 = tpu.memref_squeeze %dma_start3A_104 : memref<1x64x128xf32, #tpu.memory_space<vmem>> -> memref<64x128xf32, #tpu.memory_space<vmem>>
    %dma_start3A_106 = arith.constant 0 : i32
    %dma_start3A_107 = tpu.memref_slice %arg7[%dma_start3A_100, %dma_start3A_106] : memref<40x64xi32, #tpu.memory_space<vmem>> -> memref<1x64xi32, #tpu.memory_space<vmem>>
    %dma_start3A_108 = tpu.memref_squeeze %dma_start3A_107 : memref<1x64xi32, #tpu.memory_space<vmem>> -> memref<64xi32, #tpu.memory_space<vmem>>
    %dma_start3A_109 = arith.constant 0 : i32
    %dma_start3A_110 = arith.constant 0 : i32
    %dma_start3A_111 = tpu.memref_slice %arg2[%dma_start3A_109, %dma_start3A_110] : memref<10240x128xf32, #tpu.memory_space<hbm>> -> memref<10240x128xf32, #tpu.memory_space<hbm>>
    tpu.enqueue_indirect_dma source(%dma_start3A_111 : memref<10240x128xf32, #tpu.memory_space<hbm>>) target(%dma_start3A_105 : memref<64x128xf32, #tpu.memory_space<vmem>>) offsets(%dma_start3A_108 : memref<64xi32, #tpu.memory_space<vmem>>) semaphore(%arg10 : memref<!tpu.dma_semaphore, #tpu.memory_space<semaphore_mem>>)
    %dma_start3A_112 = arith.constant 1 : i32
    %dma_start3A_113 = arith.constant 1 : i32
    %dma_start3A_114 = arith.constant 0 : i32
    %dma_start3A_115 = arith.constant 0 : i32
    %dma_start3A_116 = tpu.memref_slice %arg6[%dma_start3A_113, %dma_start3A_114, %dma_start3A_115] : memref<4x64x128xf32, #tpu.memory_space<vmem>> -> memref<1x64x128xf32, #tpu.memory_space<vmem>>
    %dma_start3A_117 = tpu.memref_squeeze %dma_start3A_116 : memref<1x64x128xf32, #tpu.memory_space<vmem>> -> memref<64x128xf32, #tpu.memory_space<vmem>>
    %dma_start3A_118 = arith.constant 0 : i32
    %dma_start3A_119 = tpu.memref_slice %arg7[%dma_start3A_112, %dma_start3A_118] : memref<40x64xi32, #tpu.memory_space<vmem>> -> memref<1x64xi32, #tpu.memory_space<vmem>>
    %dma_start3A_120 = tpu.memref_squeeze %dma_start3A_119 : memref<1x64xi32, #tpu.memory_space<vmem>> -> memref<64xi32, #tpu.memory_space<vmem>>
    %dma_start3A_121 = arith.constant 0 : i32
    %dma_start3A_122 = arith.constant 0 : i32
    %dma_start3A_123 = tpu.memref_slice %arg2[%dma_start3A_121, %dma_start3A_122] : memref<10240x128xf32, #tpu.memory_space<hbm>> -> memref<10240x128xf32, #tpu.memory_space<hbm>>
    tpu.enqueue_indirect_dma source(%dma_start3A_123 : memref<10240x128xf32, #tpu.memory_space<hbm>>) target(%dma_start3A_117 : memref<64x128xf32, #tpu.memory_space<vmem>>) offsets(%dma_start3A_120 : memref<64xi32, #tpu.memory_space<vmem>>) semaphore(%arg11 : memref<!tpu.dma_semaphore, #tpu.memory_space<semaphore_mem>>)
    %dma_start3A_124 = arith.constant 2 : i32
    %dma_start3A_125 = arith.constant 2 : i32
    %dma_start3A_126 = arith.constant 0 : i32
    %dma_start3A_127 = arith.constant 0 : i32
    %dma_start3A_128 = tpu.memref_slice %arg6[%dma_start3A_125, %dma_start3A_126, %dma_start3A_127] : memref<4x64x128xf32, #tpu.memory_space<vmem>> -> memref<1x64x128xf32, #tpu.memory_space<vmem>>
    %dma_start3A_129 = tpu.memref_squeeze %dma_start3A_128 : memref<1x64x128xf32, #tpu.memory_space<vmem>> -> memref<64x128xf32, #tpu.memory_space<vmem>>
    %dma_start3A_130 = arith.constant 0 : i32
    %dma_start3A_131 = tpu.memref_slice %arg7[%dma_start3A_124, %dma_start3A_130] : memref<40x64xi32, #tpu.memory_space<vmem>> -> memref<1x64xi32, #tpu.memory_space<vmem>>
    %dma_start3A_132 = tpu.memref_squeeze %dma_start3A_131 : memref<1x64xi32, #tpu.memory_space<vmem>> -> memref<64xi32, #tpu.memory_space<vmem>>
    %dma_start3A_133 = arith.constant 0 : i32
    %dma_start3A_134 = arith.constant 0 : i32
    %dma_start3A_135 = tpu.memref_slice %arg2[%dma_start3A_133, %dma_start3A_134] : memref<10240x128xf32, #tpu.memory_space<hbm>> -> memref<10240x128xf32, #tpu.memory_space<hbm>>
    tpu.enqueue_indirect_dma source(%dma_start3A_135 : memref<10240x128xf32, #tpu.memory_space<hbm>>) target(%dma_start3A_129 : memref<64x128xf32, #tpu.memory_space<vmem>>) offsets(%dma_start3A_132 : memref<64xi32, #tpu.memory_space<vmem>>) semaphore(%arg12 : memref<!tpu.dma_semaphore, #tpu.memory_space<semaphore_mem>>)
    %dma_start3A_136 = arith.constant 3 : i32
    %dma_start3A_137 = arith.constant 3 : i32
    %dma_start3A_138 = arith.constant 0 : i32
    %dma_start3A_139 = arith.constant 0 : i32
    %dma_start3A_140 = tpu.memref_slice %arg6[%dma_start3A_137, %dma_start3A_138, %dma_start3A_139] : memref<4x64x128xf32, #tpu.memory_space<vmem>> -> memref<1x64x128xf32, #tpu.memory_space<vmem>>
    %dma_start3A_141 = tpu.memref_squeeze %dma_start3A_140 : memref<1x64x128xf32, #tpu.memory_space<vmem>> -> memref<64x128xf32, #tpu.memory_space<vmem>>
    %dma_start3A_142 = arith.constant 0 : i32
    %dma_start3A_143 = tpu.memref_slice %arg7[%dma_start3A_136, %dma_start3A_142] : memref<40x64xi32, #tpu.memory_space<vmem>> -> memref<1x64xi32, #tpu.memory_space<vmem>>
    %dma_start3A_144 = tpu.memref_squeeze %dma_start3A_143 : memref<1x64xi32, #tpu.memory_space<vmem>> -> memref<64xi32, #tpu.memory_space<vmem>>
    %dma_start3A_145 = arith.constant 0 : i32
    %dma_start3A_146 = arith.constant 0 : i32
    %dma_start3A_147 = tpu.memref_slice %arg2[%dma_start3A_145, %dma_start3A_146] : memref<10240x128xf32, #tpu.memory_space<hbm>> -> memref<10240x128xf32, #tpu.memory_space<hbm>>
    tpu.enqueue_indirect_dma source(%dma_start3A_147 : memref<10240x128xf32, #tpu.memory_space<hbm>>) target(%dma_start3A_141 : memref<64x128xf32, #tpu.memory_space<vmem>>) offsets(%dma_start3A_144 : memref<64xi32, #tpu.memory_space<vmem>>) semaphore(%arg13 : memref<!tpu.dma_semaphore, #tpu.memory_space<semaphore_mem>>)
    %scan3A_148 = arith.constant 0 : i32
    %scan3A_149 = arith.constant 0 : i32
    %scan3A_150 = arith.constant 10 : i32
    %scan3A_151 = arith.addi %scan3A_149, %scan3A_150 : i32
    %scan3A_152 = arith.constant 1 : i32
    %scan3A_153 = scf.for %scan3A_314 = %scan3A_149 to %scan3A_151 step %scan3A_152 iter_args(%scan3A_315 = %scan3A_148) -> (i32)  : i32 {
      %mul3A_316 = arith.constant 4 : i32
      %mul3A_317 = arith.muli %scan3A_314, %mul3A_316 : i32
      %add3A_318 = arith.constant 0 : i32
      %add3A_319 = arith.addi %mul3A_317, %add3A_318 : i32
      %dma_wait3A = arith.constant 0 : i32
      %dma_wait3A_320 = arith.constant 0 : i32
      %dma_wait3A_321 = arith.constant 0 : i32
      %dma_wait3A_322 = arith.constant 0 : i32
      %dma_wait3A_323 = tpu.memref_slice %arg6[%dma_wait3A_320, %dma_wait3A_321, %dma_wait3A_322] : memref<4x64x128xf32, #tpu.memory_space<vmem>> -> memref<1x64x128xf32, #tpu.memory_space<vmem>>
      %dma_wait3A_324 = tpu.memref_squeeze %dma_wait3A_323 : memref<1x64x128xf32, #tpu.memory_space<vmem>> -> memref<64x128xf32, #tpu.memory_space<vmem>>
      %dma_wait3A_325 = arith.constant 0 : i32
      %dma_wait3A_326 = tpu.memref_slice %arg7[%dma_wait3A, %dma_wait3A_325] : memref<40x64xi32, #tpu.memory_space<vmem>> -> memref<1x64xi32, #tpu.memory_space<vmem>>
      %dma_wait3A_327 = tpu.memref_squeeze %dma_wait3A_326 : memref<1x64xi32, #tpu.memory_space<vmem>> -> memref<64xi32, #tpu.memory_space<vmem>>
      %dma_wait3A_328 = arith.constant 0 : i32
      %dma_wait3A_329 = arith.constant 0 : i32
      %dma_wait3A_330 = tpu.memref_slice %arg2[%dma_wait3A_328, %dma_wait3A_329] : memref<10240x128xf32, #tpu.memory_space<hbm>> -> memref<10240x128xf32, #tpu.memory_space<hbm>>
      tpu.wait_indirect_dma semaphore(%arg10 : memref<!tpu.dma_semaphore, #tpu.memory_space<semaphore_mem>>) src(%dma_wait3A_330 : memref<10240x128xf32, #tpu.memory_space<hbm>>) dst(%dma_wait3A_324 : memref<64x128xf32, #tpu.memory_space<vmem>>)
      %run_scoped3A_331 = arith.constant 0 : i32
      "tpu.region"() ({
        %run_scoped3A_409 = tpu.sem_alloc : memref<!tpu.dma_semaphore, #tpu.memory_space<semaphore_mem>>
        %dma_start3A_410 = arith.constant 0 : i32
        %dma_start3A_411 = arith.constant 0 : i32
        %dma_start3A_412 = tpu.memref_slice %arg6[%run_scoped3A_331, %dma_start3A_410, %dma_start3A_411] : memref<4x64x128xf32, #tpu.memory_space<vmem>> -> memref<1x64x128xf32, #tpu.memory_space<vmem>>
        %dma_start3A_413 = tpu.memref_squeeze %dma_start3A_412 : memref<1x64x128xf32, #tpu.memory_space<vmem>> -> memref<64x128xf32, #tpu.memory_space<vmem>>
        %dma_start3A_414 = arith.constant 0 : i32
        %dma_start3A_415 = tpu.memref_slice %arg8[%add3A_319, %dma_start3A_414] : memref<40x64xi32, #tpu.memory_space<vmem>> -> memref<1x64xi32, #tpu.memory_space<vmem>>
        %dma_start3A_416 = tpu.memref_squeeze %dma_start3A_415 : memref<1x64xi32, #tpu.memory_space<vmem>> -> memref<64xi32, #tpu.memory_space<vmem>>
        %dma_start3A_417 = arith.constant 0 : i32
        %dma_start3A_418 = arith.constant 0 : i32
        %dma_start3A_419 = tpu.memref_slice %arg9[%dma_start3A_417, %dma_start3A_418] : memref<10240x128xf32, #tpu.memory_space<vmem_shared>> -> memref<10240x128xf32, #tpu.memory_space<vmem_shared>>
        tpu.enqueue_indirect_dma source(%dma_start3A_413 : memref<64x128xf32, #tpu.memory_space<vmem>>) target(%dma_start3A_419 : memref<10240x128xf32, #tpu.memory_space<vmem_shared>>) offsets(%dma_start3A_416 : memref<64xi32, #tpu.memory_space<vmem>>) semaphore(%run_scoped3A_409 : memref<!tpu.dma_semaphore, #tpu.memory_space<semaphore_mem>>) {add = true}
        %dma_wait3A_420 = arith.constant 0 : i32
        %dma_wait3A_421 = arith.constant 0 : i32
        %dma_wait3A_422 = tpu.memref_slice %arg6[%run_scoped3A_331, %dma_wait3A_420, %dma_wait3A_421] : memref<4x64x128xf32, #tpu.memory_space<vmem>> -> memref<1x64x128xf32, #tpu.memory_space<vmem>>
        %dma_wait3A_423 = tpu.memref_squeeze %dma_wait3A_422 : memref<1x64x128xf32, #tpu.memory_space<vmem>> -> memref<64x128xf32, #tpu.memory_space<vmem>>
        %dma_wait3A_424 = arith.constant 0 : i32
        %dma_wait3A_425 = tpu.memref_slice %arg8[%add3A_319, %dma_wait3A_424] : memref<40x64xi32, #tpu.memory_space<vmem>> -> memref<1x64xi32, #tpu.memory_space<vmem>>
        %dma_wait3A_426 = tpu.memref_squeeze %dma_wait3A_425 : memref<1x64xi32, #tpu.memory_space<vmem>> -> memref<64xi32, #tpu.memory_space<vmem>>
        %dma_wait3A_427 = arith.constant 0 : i32
        %dma_wait3A_428 = arith.constant 0 : i32
        %dma_wait3A_429 = tpu.memref_slice %arg9[%dma_wait3A_427, %dma_wait3A_428] : memref<10240x128xf32, #tpu.memory_space<vmem_shared>> -> memref<10240x128xf32, #tpu.memory_space<vmem_shared>>
        tpu.wait_indirect_dma semaphore(%run_scoped3A_409 : memref<!tpu.dma_semaphore, #tpu.memory_space<semaphore_mem>>) src(%dma_wait3A_423 : memref<64x128xf32, #tpu.memory_space<vmem>>) dst(%dma_wait3A_429 : memref<10240x128xf32, #tpu.memory_space<vmem_shared>>)
        tpu.yield
      }) : () -> ()
      %add3A_332 = arith.constant 4 : i32
      %add3A_333 = arith.addi %add3A_319, %add3A_332 : i32
      %lt3A = arith.constant 40 : i32
      %lt3A_334 = arith.cmpi slt, %add3A_333, %lt3A : i32
      %convert_element_type3A = arith.extui %lt3A_334 : i1 to i32
      %cond3A = arith.constant 0 : i32
      %cond3A_335 = arith.cmpi ne, %convert_element_type3A, %cond3A : i32
      scf.if %cond3A_335 {
        %dma_start3A_409 = arith.constant 0 : i32
        %dma_start3A_410 = arith.constant 0 : i32
        %dma_start3A_411 = arith.constant 0 : i32
        %dma_start3A_412 = tpu.memref_slice %arg6[%dma_start3A_409, %dma_start3A_410, %dma_start3A_411] : memref<4x64x128xf32, #tpu.memory_space<vmem>> -> memref<1x64x128xf32, #tpu.memory_space<vmem>>
        %dma_start3A_413 = tpu.memref_squeeze %dma_start3A_412 : memref<1x64x128xf32, #tpu.memory_space<vmem>> -> memref<64x128xf32, #tpu.memory_space<vmem>>
        %dma_start3A_414 = arith.constant 0 : i32
        %dma_start3A_415 = tpu.memref_slice %arg7[%add3A_333, %dma_start3A_414] : memref<40x64xi32, #tpu.memory_space<vmem>> -> memref<1x64xi32, #tpu.memory_space<vmem>>
        %dma_start3A_416 = tpu.memref_squeeze %dma_start3A_415 : memref<1x64xi32, #tpu.memory_space<vmem>> -> memref<64xi32, #tpu.memory_space<vmem>>
        %dma_start3A_417 = arith.constant 0 : i32
        %dma_start3A_418 = arith.constant 0 : i32
        %dma_start3A_419 = tpu.memref_slice %arg2[%dma_start3A_417, %dma_start3A_418] : memref<10240x128xf32, #tpu.memory_space<hbm>> -> memref<10240x128xf32, #tpu.memory_space<hbm>>
        tpu.enqueue_indirect_dma source(%dma_start3A_419 : memref<10240x128xf32, #tpu.memory_space<hbm>>) target(%dma_start3A_413 : memref<64x128xf32, #tpu.memory_space<vmem>>) offsets(%dma_start3A_416 : memref<64xi32, #tpu.memory_space<vmem>>) semaphore(%arg10 : memref<!tpu.dma_semaphore, #tpu.memory_space<semaphore_mem>>)
      } else {
      }
      %mul3A_336 = arith.constant 4 : i32
      %mul3A_337 = arith.muli %scan3A_314, %mul3A_336 : i32
      %add3A_338 = arith.constant 1 : i32
      %add3A_339 = arith.addi %mul3A_337, %add3A_338 : i32
      %dma_wait3A_340 = arith.constant 1 : i32
      %dma_wait3A_341 = arith.constant 1 : i32
      %dma_wait3A_342 = arith.constant 0 : i32
      %dma_wait3A_343 = arith.constant 0 : i32
      %dma_wait3A_344 = tpu.memref_slice %arg6[%dma_wait3A_341, %dma_wait3A_342, %dma_wait3A_343] : memref<4x64x128xf32, #tpu.memory_space<vmem>> -> memref<1x64x128xf32, #tpu.memory_space<vmem>>
      %dma_wait3A_345 = tpu.memref_squeeze %dma_wait3A_344 : memref<1x64x128xf32, #tpu.memory_space<vmem>> -> memref<64x128xf32, #tpu.memory_space<vmem>>
      %dma_wait3A_346 = arith.constant 0 : i32
      %dma_wait3A_347 = tpu.memref_slice %arg7[%dma_wait3A_340, %dma_wait3A_346] : memref<40x64xi32, #tpu.memory_space<vmem>> -> memref<1x64xi32, #tpu.memory_space<vmem>>
      %dma_wait3A_348 = tpu.memref_squeeze %dma_wait3A_347 : memref<1x64xi32, #tpu.memory_space<vmem>> -> memref<64xi32, #tpu.memory_space<vmem>>
      %dma_wait3A_349 = arith.constant 0 : i32
      %dma_wait3A_350 = arith.constant 0 : i32
      %dma_wait3A_351 = tpu.memref_slice %arg2[%dma_wait3A_349, %dma_wait3A_350] : memref<10240x128xf32, #tpu.memory_space<hbm>> -> memref<10240x128xf32, #tpu.memory_space<hbm>>
      tpu.wait_indirect_dma semaphore(%arg11 : memref<!tpu.dma_semaphore, #tpu.memory_space<semaphore_mem>>) src(%dma_wait3A_351 : memref<10240x128xf32, #tpu.memory_space<hbm>>) dst(%dma_wait3A_345 : memref<64x128xf32, #tpu.memory_space<vmem>>)
      %run_scoped3A_352 = arith.constant 1 : i32
      "tpu.region"() ({
        %run_scoped3A_409 = tpu.sem_alloc : memref<!tpu.dma_semaphore, #tpu.memory_space<semaphore_mem>>
        %dma_start3A_410 = arith.constant 0 : i32
        %dma_start3A_411 = arith.constant 0 : i32
        %dma_start3A_412 = tpu.memref_slice %arg6[%run_scoped3A_352, %dma_start3A_410, %dma_start3A_411] : memref<4x64x128xf32, #tpu.memory_space<vmem>> -> memref<1x64x128xf32, #tpu.memory_space<vmem>>
        %dma_start3A_413 = tpu.memref_squeeze %dma_start3A_412 : memref<1x64x128xf32, #tpu.memory_space<vmem>> -> memref<64x128xf32, #tpu.memory_space<vmem>>
        %dma_start3A_414 = arith.constant 0 : i32
        %dma_start3A_415 = tpu.memref_slice %arg8[%add3A_339, %dma_start3A_414] : memref<40x64xi32, #tpu.memory_space<vmem>> -> memref<1x64xi32, #tpu.memory_space<vmem>>
        %dma_start3A_416 = tpu.memref_squeeze %dma_start3A_415 : memref<1x64xi32, #tpu.memory_space<vmem>> -> memref<64xi32, #tpu.memory_space<vmem>>
        %dma_start3A_417 = arith.constant 0 : i32
        %dma_start3A_418 = arith.constant 0 : i32
        %dma_start3A_419 = tpu.memref_slice %arg9[%dma_start3A_417, %dma_start3A_418] : memref<10240x128xf32, #tpu.memory_space<vmem_shared>> -> memref<10240x128xf32, #tpu.memory_space<vmem_shared>>
        tpu.enqueue_indirect_dma source(%dma_start3A_413 : memref<64x128xf32, #tpu.memory_space<vmem>>) target(%dma_start3A_419 : memref<10240x128xf32, #tpu.memory_space<vmem_shared>>) offsets(%dma_start3A_416 : memref<64xi32, #tpu.memory_space<vmem>>) semaphore(%run_scoped3A_409 : memref<!tpu.dma_semaphore, #tpu.memory_space<semaphore_mem>>) {add = true}
        %dma_wait3A_420 = arith.constant 0 : i32
        %dma_wait3A_421 = arith.constant 0 : i32
        %dma_wait3A_422 = tpu.memref_slice %arg6[%run_scoped3A_352, %dma_wait3A_420, %dma_wait3A_421] : memref<4x64x128xf32, #tpu.memory_space<vmem>> -> memref<1x64x128xf32, #tpu.memory_space<vmem>>
        %dma_wait3A_423 = tpu.memref_squeeze %dma_wait3A_422 : memref<1x64x128xf32, #tpu.memory_space<vmem>> -> memref<64x128xf32, #tpu.memory_space<vmem>>
        %dma_wait3A_424 = arith.constant 0 : i32
        %dma_wait3A_425 = tpu.memref_slice %arg8[%add3A_339, %dma_wait3A_424] : memref<40x64xi32, #tpu.memory_space<vmem>> -> memref<1x64xi32, #tpu.memory_space<vmem>>
        %dma_wait3A_426 = tpu.memref_squeeze %dma_wait3A_425 : memref<1x64xi32, #tpu.memory_space<vmem>> -> memref<64xi32, #tpu.memory_space<vmem>>
        %dma_wait3A_427 = arith.constant 0 : i32
        %dma_wait3A_428 = arith.constant 0 : i32
        %dma_wait3A_429 = tpu.memref_slice %arg9[%dma_wait3A_427, %dma_wait3A_428] : memref<10240x128xf32, #tpu.memory_space<vmem_shared>> -> memref<10240x128xf32, #tpu.memory_space<vmem_shared>>
        tpu.wait_indirect_dma semaphore(%run_scoped3A_409 : memref<!tpu.dma_semaphore, #tpu.memory_space<semaphore_mem>>) src(%dma_wait3A_423 : memref<64x128xf32, #tpu.memory_space<vmem>>) dst(%dma_wait3A_429 : memref<10240x128xf32, #tpu.memory_space<vmem_shared>>)
        tpu.yield
      }) : () -> ()
      %add3A_353 = arith.constant 4 : i32
      %add3A_354 = arith.addi %add3A_339, %add3A_353 : i32
      %lt3A_355 = arith.constant 40 : i32
      %lt3A_356 = arith.cmpi slt, %add3A_354, %lt3A_355 : i32
      %convert_element_type3A_357 = arith.extui %lt3A_356 : i1 to i32
      %cond3A_358 = arith.constant 0 : i32
      %cond3A_359 = arith.cmpi ne, %convert_element_type3A_357, %cond3A_358 : i32
      scf.if %cond3A_359 {
        %dma_start3A_409 = arith.constant 1 : i32
        %dma_start3A_410 = arith.constant 0 : i32
        %dma_start3A_411 = arith.constant 0 : i32
        %dma_start3A_412 = tpu.memref_slice %arg6[%dma_start3A_409, %dma_start3A_410, %dma_start3A_411] : memref<4x64x128xf32, #tpu.memory_space<vmem>> -> memref<1x64x128xf32, #tpu.memory_space<vmem>>
        %dma_start3A_413 = tpu.memref_squeeze %dma_start3A_412 : memref<1x64x128xf32, #tpu.memory_space<vmem>> -> memref<64x128xf32, #tpu.memory_space<vmem>>
        %dma_start3A_414 = arith.constant 0 : i32
        %dma_start3A_415 = tpu.memref_slice %arg7[%add3A_354, %dma_start3A_414] : memref<40x64xi32, #tpu.memory_space<vmem>> -> memref<1x64xi32, #tpu.memory_space<vmem>>
        %dma_start3A_416 = tpu.memref_squeeze %dma_start3A_415 : memref<1x64xi32, #tpu.memory_space<vmem>> -> memref<64xi32, #tpu.memory_space<vmem>>
        %dma_start3A_417 = arith.constant 0 : i32
        %dma_start3A_418 = arith.constant 0 : i32
        %dma_start3A_419 = tpu.memref_slice %arg2[%dma_start3A_417, %dma_start3A_418] : memref<10240x128xf32, #tpu.memory_space<hbm>> -> memref<10240x128xf32, #tpu.memory_space<hbm>>
        tpu.enqueue_indirect_dma source(%dma_start3A_419 : memref<10240x128xf32, #tpu.memory_space<hbm>>) target(%dma_start3A_413 : memref<64x128xf32, #tpu.memory_space<vmem>>) offsets(%dma_start3A_416 : memref<64xi32, #tpu.memory_space<vmem>>) semaphore(%arg11 : memref<!tpu.dma_semaphore, #tpu.memory_space<semaphore_mem>>)
      } else {
      }
      %mul3A_360 = arith.constant 4 : i32
      %mul3A_361 = arith.muli %scan3A_314, %mul3A_360 : i32
      %add3A_362 = arith.constant 2 : i32
      %add3A_363 = arith.addi %mul3A_361, %add3A_362 : i32
      %dma_wait3A_364 = arith.constant 2 : i32
      %dma_wait3A_365 = arith.constant 2 : i32
      %dma_wait3A_366 = arith.constant 0 : i32
      %dma_wait3A_367 = arith.constant 0 : i32
      %dma_wait3A_368 = tpu.memref_slice %arg6[%dma_wait3A_365, %dma_wait3A_366, %dma_wait3A_367] : memref<4x64x128xf32, #tpu.memory_space<vmem>> -> memref<1x64x128xf32, #tpu.memory_space<vmem>>
      %dma_wait3A_369 = tpu.memref_squeeze %dma_wait3A_368 : memref<1x64x128xf32, #tpu.memory_space<vmem>> -> memref<64x128xf32, #tpu.memory_space<vmem>>
      %dma_wait3A_370 = arith.constant 0 : i32
      %dma_wait3A_371 = tpu.memref_slice %arg7[%dma_wait3A_364, %dma_wait3A_370] : memref<40x64xi32, #tpu.memory_space<vmem>> -> memref<1x64xi32, #tpu.memory_space<vmem>>
      %dma_wait3A_372 = tpu.memref_squeeze %dma_wait3A_371 : memref<1x64xi32, #tpu.memory_space<vmem>> -> memref<64xi32, #tpu.memory_space<vmem>>
      %dma_wait3A_373 = arith.constant 0 : i32
      %dma_wait3A_374 = arith.constant 0 : i32
      %dma_wait3A_375 = tpu.memref_slice %arg2[%dma_wait3A_373, %dma_wait3A_374] : memref<10240x128xf32, #tpu.memory_space<hbm>> -> memref<10240x128xf32, #tpu.memory_space<hbm>>
      tpu.wait_indirect_dma semaphore(%arg12 : memref<!tpu.dma_semaphore, #tpu.memory_space<semaphore_mem>>) src(%dma_wait3A_375 : memref<10240x128xf32, #tpu.memory_space<hbm>>) dst(%dma_wait3A_369 : memref<64x128xf32, #tpu.memory_space<vmem>>)
      %run_scoped3A_376 = arith.constant 2 : i32
      "tpu.region"() ({
        %run_scoped3A_409 = tpu.sem_alloc : memref<!tpu.dma_semaphore, #tpu.memory_space<semaphore_mem>>
        %dma_start3A_410 = arith.constant 0 : i32
        %dma_start3A_411 = arith.constant 0 : i32
        %dma_start3A_412 = tpu.memref_slice %arg6[%run_scoped3A_376, %dma_start3A_410, %dma_start3A_411] : memref<4x64x128xf32, #tpu.memory_space<vmem>> -> memref<1x64x128xf32, #tpu.memory_space<vmem>>
        %dma_start3A_413 = tpu.memref_squeeze %dma_start3A_412 : memref<1x64x128xf32, #tpu.memory_space<vmem>> -> memref<64x128xf32, #tpu.memory_space<vmem>>
        %dma_start3A_414 = arith.constant 0 : i32
        %dma_start3A_415 = tpu.memref_slice %arg8[%add3A_363, %dma_start3A_414] : memref<40x64xi32, #tpu.memory_space<vmem>> -> memref<1x64xi32, #tpu.memory_space<vmem>>
        %dma_start3A_416 = tpu.memref_squeeze %dma_start3A_415 : memref<1x64xi32, #tpu.memory_space<vmem>> -> memref<64xi32, #tpu.memory_space<vmem>>
        %dma_start3A_417 = arith.constant 0 : i32
        %dma_start3A_418 = arith.constant 0 : i32
        %dma_start3A_419 = tpu.memref_slice %arg9[%dma_start3A_417, %dma_start3A_418] : memref<10240x128xf32, #tpu.memory_space<vmem_shared>> -> memref<10240x128xf32, #tpu.memory_space<vmem_shared>>
        tpu.enqueue_indirect_dma source(%dma_start3A_413 : memref<64x128xf32, #tpu.memory_space<vmem>>) target(%dma_start3A_419 : memref<10240x128xf32, #tpu.memory_space<vmem_shared>>) offsets(%dma_start3A_416 : memref<64xi32, #tpu.memory_space<vmem>>) semaphore(%run_scoped3A_409 : memref<!tpu.dma_semaphore, #tpu.memory_space<semaphore_mem>>) {add = true}
        %dma_wait3A_420 = arith.constant 0 : i32
        %dma_wait3A_421 = arith.constant 0 : i32
        %dma_wait3A_422 = tpu.memref_slice %arg6[%run_scoped3A_376, %dma_wait3A_420, %dma_wait3A_421] : memref<4x64x128xf32, #tpu.memory_space<vmem>> -> memref<1x64x128xf32, #tpu.memory_space<vmem>>
        %dma_wait3A_423 = tpu.memref_squeeze %dma_wait3A_422 : memref<1x64x128xf32, #tpu.memory_space<vmem>> -> memref<64x128xf32, #tpu.memory_space<vmem>>
        %dma_wait3A_424 = arith.constant 0 : i32
        %dma_wait3A_425 = tpu.memref_slice %arg8[%add3A_363, %dma_wait3A_424] : memref<40x64xi32, #tpu.memory_space<vmem>> -> memref<1x64xi32, #tpu.memory_space<vmem>>
        %dma_wait3A_426 = tpu.memref_squeeze %dma_wait3A_425 : memref<1x64xi32, #tpu.memory_space<vmem>> -> memref<64xi32, #tpu.memory_space<vmem>>
        %dma_wait3A_427 = arith.constant 0 : i32
        %dma_wait3A_428 = arith.constant 0 : i32
        %dma_wait3A_429 = tpu.memref_slice %arg9[%dma_wait3A_427, %dma_wait3A_428] : memref<10240x128xf32, #tpu.memory_space<vmem_shared>> -> memref<10240x128xf32, #tpu.memory_space<vmem_shared>>
        tpu.wait_indirect_dma semaphore(%run_scoped3A_409 : memref<!tpu.dma_semaphore, #tpu.memory_space<semaphore_mem>>) src(%dma_wait3A_423 : memref<64x128xf32, #tpu.memory_space<vmem>>) dst(%dma_wait3A_429 : memref<10240x128xf32, #tpu.memory_space<vmem_shared>>)
        tpu.yield
      }) : () -> ()
      %add3A_377 = arith.constant 4 : i32
      %add3A_378 = arith.addi %add3A_363, %add3A_377 : i32
      %lt3A_379 = arith.constant 40 : i32
      %lt3A_380 = arith.cmpi slt, %add3A_378, %lt3A_379 : i32
      %convert_element_type3A_381 = arith.extui %lt3A_380 : i1 to i32
      %cond3A_382 = arith.constant 0 : i32
      %cond3A_383 = arith.cmpi ne, %convert_element_type3A_381, %cond3A_382 : i32
      scf.if %cond3A_383 {
        %dma_start3A_409 = arith.constant 2 : i32
        %dma_start3A_410 = arith.constant 0 : i32
        %dma_start3A_411 = arith.constant 0 : i32
        %dma_start3A_412 = tpu.memref_slice %arg6[%dma_start3A_409, %dma_start3A_410, %dma_start3A_411] : memref<4x64x128xf32, #tpu.memory_space<vmem>> -> memref<1x64x128xf32, #tpu.memory_space<vmem>>
        %dma_start3A_413 = tpu.memref_squeeze %dma_start3A_412 : memref<1x64x128xf32, #tpu.memory_space<vmem>> -> memref<64x128xf32, #tpu.memory_space<vmem>>
        %dma_start3A_414 = arith.constant 0 : i32
        %dma_start3A_415 = tpu.memref_slice %arg7[%add3A_378, %dma_start3A_414] : memref<40x64xi32, #tpu.memory_space<vmem>> -> memref<1x64xi32, #tpu.memory_space<vmem>>
        %dma_start3A_416 = tpu.memref_squeeze %dma_start3A_415 : memref<1x64xi32, #tpu.memory_space<vmem>> -> memref<64xi32, #tpu.memory_space<vmem>>
        %dma_start3A_417 = arith.constant 0 : i32
        %dma_start3A_418 = arith.constant 0 : i32
        %dma_start3A_419 = tpu.memref_slice %arg2[%dma_start3A_417, %dma_start3A_418] : memref<10240x128xf32, #tpu.memory_space<hbm>> -> memref<10240x128xf32, #tpu.memory_space<hbm>>
        tpu.enqueue_indirect_dma source(%dma_start3A_419 : memref<10240x128xf32, #tpu.memory_space<hbm>>) target(%dma_start3A_413 : memref<64x128xf32, #tpu.memory_space<vmem>>) offsets(%dma_start3A_416 : memref<64xi32, #tpu.memory_space<vmem>>) semaphore(%arg12 : memref<!tpu.dma_semaphore, #tpu.memory_space<semaphore_mem>>)
      } else {
      }
      %mul3A_384 = arith.constant 4 : i32
      %mul3A_385 = arith.muli %scan3A_314, %mul3A_384 : i32
      %add3A_386 = arith.constant 3 : i32
      %add3A_387 = arith.addi %mul3A_385, %add3A_386 : i32
      %dma_wait3A_388 = arith.constant 3 : i32
      %dma_wait3A_389 = arith.constant 3 : i32
      %dma_wait3A_390 = arith.constant 0 : i32
      %dma_wait3A_391 = arith.constant 0 : i32
      %dma_wait3A_392 = tpu.memref_slice %arg6[%dma_wait3A_389, %dma_wait3A_390, %dma_wait3A_391] : memref<4x64x128xf32, #tpu.memory_space<vmem>> -> memref<1x64x128xf32, #tpu.memory_space<vmem>>
      %dma_wait3A_393 = tpu.memref_squeeze %dma_wait3A_392 : memref<1x64x128xf32, #tpu.memory_space<vmem>> -> memref<64x128xf32, #tpu.memory_space<vmem>>
      %dma_wait3A_394 = arith.constant 0 : i32
      %dma_wait3A_395 = tpu.memref_slice %arg7[%dma_wait3A_388, %dma_wait3A_394] : memref<40x64xi32, #tpu.memory_space<vmem>> -> memref<1x64xi32, #tpu.memory_space<vmem>>
      %dma_wait3A_396 = tpu.memref_squeeze %dma_wait3A_395 : memref<1x64xi32, #tpu.memory_space<vmem>> -> memref<64xi32, #tpu.memory_space<vmem>>
      %dma_wait3A_397 = arith.constant 0 : i32
      %dma_wait3A_398 = arith.constant 0 : i32
      %dma_wait3A_399 = tpu.memref_slice %arg2[%dma_wait3A_397, %dma_wait3A_398] : memref<10240x128xf32, #tpu.memory_space<hbm>> -> memref<10240x128xf32, #tpu.memory_space<hbm>>
      tpu.wait_indirect_dma semaphore(%arg13 : memref<!tpu.dma_semaphore, #tpu.memory_space<semaphore_mem>>) src(%dma_wait3A_399 : memref<10240x128xf32, #tpu.memory_space<hbm>>) dst(%dma_wait3A_393 : memref<64x128xf32, #tpu.memory_space<vmem>>)
      %run_scoped3A_400 = arith.constant 3 : i32
      "tpu.region"() ({
        %run_scoped3A_409 = tpu.sem_alloc : memref<!tpu.dma_semaphore, #tpu.memory_space<semaphore_mem>>
        %dma_start3A_410 = arith.constant 0 : i32
        %dma_start3A_411 = arith.constant 0 : i32
        %dma_start3A_412 = tpu.memref_slice %arg6[%run_scoped3A_400, %dma_start3A_410, %dma_start3A_411] : memref<4x64x128xf32, #tpu.memory_space<vmem>> -> memref<1x64x128xf32, #tpu.memory_space<vmem>>
        %dma_start3A_413 = tpu.memref_squeeze %dma_start3A_412 : memref<1x64x128xf32, #tpu.memory_space<vmem>> -> memref<64x128xf32, #tpu.memory_space<vmem>>
        %dma_start3A_414 = arith.constant 0 : i32
        %dma_start3A_415 = tpu.memref_slice %arg8[%add3A_387, %dma_start3A_414] : memref<40x64xi32, #tpu.memory_space<vmem>> -> memref<1x64xi32, #tpu.memory_space<vmem>>
        %dma_start3A_416 = tpu.memref_squeeze %dma_start3A_415 : memref<1x64xi32, #tpu.memory_space<vmem>> -> memref<64xi32, #tpu.memory_space<vmem>>
        %dma_start3A_417 = arith.constant 0 : i32
        %dma_start3A_418 = arith.constant 0 : i32
        %dma_start3A_419 = tpu.memref_slice %arg9[%dma_start3A_417, %dma_start3A_418] : memref<10240x128xf32, #tpu.memory_space<vmem_shared>> -> memref<10240x128xf32, #tpu.memory_space<vmem_shared>>
        tpu.enqueue_indirect_dma source(%dma_start3A_413 : memref<64x128xf32, #tpu.memory_space<vmem>>) target(%dma_start3A_419 : memref<10240x128xf32, #tpu.memory_space<vmem_shared>>) offsets(%dma_start3A_416 : memref<64xi32, #tpu.memory_space<vmem>>) semaphore(%run_scoped3A_409 : memref<!tpu.dma_semaphore, #tpu.memory_space<semaphore_mem>>) {add = true}
        %dma_wait3A_420 = arith.constant 0 : i32
        %dma_wait3A_421 = arith.constant 0 : i32
        %dma_wait3A_422 = tpu.memref_slice %arg6[%run_scoped3A_400, %dma_wait3A_420, %dma_wait3A_421] : memref<4x64x128xf32, #tpu.memory_space<vmem>> -> memref<1x64x128xf32, #tpu.memory_space<vmem>>
        %dma_wait3A_423 = tpu.memref_squeeze %dma_wait3A_422 : memref<1x64x128xf32, #tpu.memory_space<vmem>> -> memref<64x128xf32, #tpu.memory_space<vmem>>
        %dma_wait3A_424 = arith.constant 0 : i32
        %dma_wait3A_425 = tpu.memref_slice %arg8[%add3A_387, %dma_wait3A_424] : memref<40x64xi32, #tpu.memory_space<vmem>> -> memref<1x64xi32, #tpu.memory_space<vmem>>
        %dma_wait3A_426 = tpu.memref_squeeze %dma_wait3A_425 : memref<1x64xi32, #tpu.memory_space<vmem>> -> memref<64xi32, #tpu.memory_space<vmem>>
        %dma_wait3A_427 = arith.constant 0 : i32
        %dma_wait3A_428 = arith.constant 0 : i32
        %dma_wait3A_429 = tpu.memref_slice %arg9[%dma_wait3A_427, %dma_wait3A_428] : memref<10240x128xf32, #tpu.memory_space<vmem_shared>> -> memref<10240x128xf32, #tpu.memory_space<vmem_shared>>
        tpu.wait_indirect_dma semaphore(%run_scoped3A_409 : memref<!tpu.dma_semaphore, #tpu.memory_space<semaphore_mem>>) src(%dma_wait3A_423 : memref<64x128xf32, #tpu.memory_space<vmem>>) dst(%dma_wait3A_429 : memref<10240x128xf32, #tpu.memory_space<vmem_shared>>)
        tpu.yield
      }) : () -> ()
      %add3A_401 = arith.constant 4 : i32
      %add3A_402 = arith.addi %add3A_387, %add3A_401 : i32
      %lt3A_403 = arith.constant 40 : i32
      %lt3A_404 = arith.cmpi slt, %add3A_402, %lt3A_403 : i32
      %convert_element_type3A_405 = arith.extui %lt3A_404 : i1 to i32
      %cond3A_406 = arith.constant 0 : i32
      %cond3A_407 = arith.cmpi ne, %convert_element_type3A_405, %cond3A_406 : i32
      scf.if %cond3A_407 {
        %dma_start3A_409 = arith.constant 3 : i32
        %dma_start3A_410 = arith.constant 0 : i32
        %dma_start3A_411 = arith.constant 0 : i32
        %dma_start3A_412 = tpu.memref_slice %arg6[%dma_start3A_409, %dma_start3A_410, %dma_start3A_411] : memref<4x64x128xf32, #tpu.memory_space<vmem>> -> memref<1x64x128xf32, #tpu.memory_space<vmem>>
        %dma_start3A_413 = tpu.memref_squeeze %dma_start3A_412 : memref<1x64x128xf32, #tpu.memory_space<vmem>> -> memref<64x128xf32, #tpu.memory_space<vmem>>
        %dma_start3A_414 = arith.constant 0 : i32
        %dma_start3A_415 = tpu.memref_slice %arg7[%add3A_402, %dma_start3A_414] : memref<40x64xi32, #tpu.memory_space<vmem>> -> memref<1x64xi32, #tpu.memory_space<vmem>>
        %dma_start3A_416 = tpu.memref_squeeze %dma_start3A_415 : memref<1x64xi32, #tpu.memory_space<vmem>> -> memref<64xi32, #tpu.memory_space<vmem>>
        %dma_start3A_417 = arith.constant 0 : i32
        %dma_start3A_418 = arith.constant 0 : i32
        %dma_start3A_419 = tpu.memref_slice %arg2[%dma_start3A_417, %dma_start3A_418] : memref<10240x128xf32, #tpu.memory_space<hbm>> -> memref<10240x128xf32, #tpu.memory_space<hbm>>
        tpu.enqueue_indirect_dma source(%dma_start3A_419 : memref<10240x128xf32, #tpu.memory_space<hbm>>) target(%dma_start3A_413 : memref<64x128xf32, #tpu.memory_space<vmem>>) offsets(%dma_start3A_416 : memref<64xi32, #tpu.memory_space<vmem>>) semaphore(%arg13 : memref<!tpu.dma_semaphore, #tpu.memory_space<semaphore_mem>>)
      } else {
      }
      %scan3A_408 = arith.constant 0 : i32
      scf.yield %scan3A_408 : i32
    }
    %scan3A_154 = arith.constant 10 : i32
    %mul3A_155 = arith.constant 160 : i32
    %mul3A_156 = arith.muli %add3A, %mul3A_155 : i32
    %add3A_157 = arith.constant 80 : i32
    %add3A_158 = arith.addi %mul3A_156, %add3A_157 : i32
    "tpu.region"() ({
      %run_scoped3A_314 = tpu.sem_alloc : memref<!tpu.dma_semaphore, #tpu.memory_space<semaphore_mem>>
      %dma_start3A_315 = arith.constant 0 : i32
      %dma_start3A_316 = tpu.memref_slice %arg3[%add3A_158, %dma_start3A_315] : memref<5120x64xi32, #tpu.memory_space<hbm>> -> memref<40x64xi32, #tpu.memory_space<hbm>>
      %dma_start3A_317 = arith.constant 0 : i32
      %dma_start3A_318 = tpu.memref_slice %arg3[%add3A_158, %dma_start3A_317] : memref<5120x64xi32, #tpu.memory_space<hbm>> -> memref<40x64xi32, #tpu.memory_space<hbm>>
      tpu.enqueue_dma source(%dma_start3A_318 : memref<40x64xi32, #tpu.memory_space<hbm>>) target(%arg7 : memref<40x64xi32, #tpu.memory_space<vmem>>) target_semaphore(%run_scoped3A_314 : memref<!tpu.dma_semaphore, #tpu.memory_space<semaphore_mem>>)
      %dma_wait3A = arith.constant 0 : i32
      %dma_wait3A_319 = tpu.memref_slice %arg3[%add3A_158, %dma_wait3A] : memref<5120x64xi32, #tpu.memory_space<hbm>> -> memref<40x64xi32, #tpu.memory_space<hbm>>
      %dma_wait3A_320 = arith.constant 0 : i32
      %dma_wait3A_321 = tpu.memref_slice %arg3[%add3A_158, %dma_wait3A_320] : memref<5120x64xi32, #tpu.memory_space<hbm>> -> memref<40x64xi32, #tpu.memory_space<hbm>>
      tpu.wait_dma2 semaphore(%run_scoped3A_314 : memref<!tpu.dma_semaphore, #tpu.memory_space<semaphore_mem>>) src(%dma_wait3A_321 : memref<40x64xi32, #tpu.memory_space<hbm>>) dst(%arg7 : memref<40x64xi32, #tpu.memory_space<vmem>>)
      tpu.yield
    }) : () -> ()
    "tpu.region"() ({
      %run_scoped3A_314 = tpu.sem_alloc : memref<!tpu.dma_semaphore, #tpu.memory_space<semaphore_mem>>
      %dma_start3A_315 = arith.constant 0 : i32
      %dma_start3A_316 = tpu.memref_slice %arg4[%add3A_158, %dma_start3A_315] : memref<5120x64xi32, #tpu.memory_space<hbm>> -> memref<40x64xi32, #tpu.memory_space<hbm>>
      %dma_start3A_317 = arith.constant 0 : i32
      %dma_start3A_318 = tpu.memref_slice %arg4[%add3A_158, %dma_start3A_317] : memref<5120x64xi32, #tpu.memory_space<hbm>> -> memref<40x64xi32, #tpu.memory_space<hbm>>
      tpu.enqueue_dma source(%dma_start3A_318 : memref<40x64xi32, #tpu.memory_space<hbm>>) target(%arg8 : memref<40x64xi32, #tpu.memory_space<vmem>>) target_semaphore(%run_scoped3A_314 : memref<!tpu.dma_semaphore, #tpu.memory_space<semaphore_mem>>)
      %dma_wait3A = arith.constant 0 : i32
      %dma_wait3A_319 = tpu.memref_slice %arg4[%add3A_158, %dma_wait3A] : memref<5120x64xi32, #tpu.memory_space<hbm>> -> memref<40x64xi32, #tpu.memory_space<hbm>>
      %dma_wait3A_320 = arith.constant 0 : i32
      %dma_wait3A_321 = tpu.memref_slice %arg4[%add3A_158, %dma_wait3A_320] : memref<5120x64xi32, #tpu.memory_space<hbm>> -> memref<40x64xi32, #tpu.memory_space<hbm>>
      tpu.wait_dma2 semaphore(%run_scoped3A_314 : memref<!tpu.dma_semaphore, #tpu.memory_space<semaphore_mem>>) src(%dma_wait3A_321 : memref<40x64xi32, #tpu.memory_space<hbm>>) dst(%arg8 : memref<40x64xi32, #tpu.memory_space<vmem>>)
      tpu.yield
    }) : () -> ()
    %dma_start3A_159 = arith.constant 0 : i32
    %dma_start3A_160 = arith.constant 0 : i32
    %dma_start3A_161 = arith.constant 0 : i32
    %dma_start3A_162 = arith.constant 0 : i32
    %dma_start3A_163 = tpu.memref_slice %arg6[%dma_start3A_160, %dma_start3A_161, %dma_start3A_162] : memref<4x64x128xf32, #tpu.memory_space<vmem>> -> memref<1x64x128xf32, #tpu.memory_space<vmem>>
    %dma_start3A_164 = tpu.memref_squeeze %dma_start3A_163 : memref<1x64x128xf32, #tpu.memory_space<vmem>> -> memref<64x128xf32, #tpu.memory_space<vmem>>
    %dma_start3A_165 = arith.constant 0 : i32
    %dma_start3A_166 = tpu.memref_slice %arg7[%dma_start3A_159, %dma_start3A_165] : memref<40x64xi32, #tpu.memory_space<vmem>> -> memref<1x64xi32, #tpu.memory_space<vmem>>
    %dma_start3A_167 = tpu.memref_squeeze %dma_start3A_166 : memref<1x64xi32, #tpu.memory_space<vmem>> -> memref<64xi32, #tpu.memory_space<vmem>>
    %dma_start3A_168 = arith.constant 0 : i32
    %dma_start3A_169 = arith.constant 0 : i32
    %dma_start3A_170 = tpu.memref_slice %arg2[%dma_start3A_168, %dma_start3A_169] : memref<10240x128xf32, #tpu.memory_space<hbm>> -> memref<10240x128xf32, #tpu.memory_space<hbm>>
    tpu.enqueue_indirect_dma source(%dma_start3A_170 : memref<10240x128xf32, #tpu.memory_space<hbm>>) target(%dma_start3A_164 : memref<64x128xf32, #tpu.memory_space<vmem>>) offsets(%dma_start3A_167 : memref<64xi32, #tpu.memory_space<vmem>>) semaphore(%arg10 : memref<!tpu.dma_semaphore, #tpu.memory_space<semaphore_mem>>)
    %dma_start3A_171 = arith.constant 1 : i32
    %dma_start3A_172 = arith.constant 1 : i32
    %dma_start3A_173 = arith.constant 0 : i32
    %dma_start3A_174 = arith.constant 0 : i32
    %dma_start3A_175 = tpu.memref_slice %arg6[%dma_start3A_172, %dma_start3A_173, %dma_start3A_174] : memref<4x64x128xf32, #tpu.memory_space<vmem>> -> memref<1x64x128xf32, #tpu.memory_space<vmem>>
    %dma_start3A_176 = tpu.memref_squeeze %dma_start3A_175 : memref<1x64x128xf32, #tpu.memory_space<vmem>> -> memref<64x128xf32, #tpu.memory_space<vmem>>
    %dma_start3A_177 = arith.constant 0 : i32
    %dma_start3A_178 = tpu.memref_slice %arg7[%dma_start3A_171, %dma_start3A_177] : memref<40x64xi32, #tpu.memory_space<vmem>> -> memref<1x64xi32, #tpu.memory_space<vmem>>
    %dma_start3A_179 = tpu.memref_squeeze %dma_start3A_178 : memref<1x64xi32, #tpu.memory_space<vmem>> -> memref<64xi32, #tpu.memory_space<vmem>>
    %dma_start3A_180 = arith.constant 0 : i32
    %dma_start3A_181 = arith.constant 0 : i32
    %dma_start3A_182 = tpu.memref_slice %arg2[%dma_start3A_180, %dma_start3A_181] : memref<10240x128xf32, #tpu.memory_space<hbm>> -> memref<10240x128xf32, #tpu.memory_space<hbm>>
    tpu.enqueue_indirect_dma source(%dma_start3A_182 : memref<10240x128xf32, #tpu.memory_space<hbm>>) target(%dma_start3A_176 : memref<64x128xf32, #tpu.memory_space<vmem>>) offsets(%dma_start3A_179 : memref<64xi32, #tpu.memory_space<vmem>>) semaphore(%arg11 : memref<!tpu.dma_semaphore, #tpu.memory_space<semaphore_mem>>)
    %dma_start3A_183 = arith.constant 2 : i32
    %dma_start3A_184 = arith.constant 2 : i32
    %dma_start3A_185 = arith.constant 0 : i32
    %dma_start3A_186 = arith.constant 0 : i32
    %dma_start3A_187 = tpu.memref_slice %arg6[%dma_start3A_184, %dma_start3A_185, %dma_start3A_186] : memref<4x64x128xf32, #tpu.memory_space<vmem>> -> memref<1x64x128xf32, #tpu.memory_space<vmem>>
    %dma_start3A_188 = tpu.memref_squeeze %dma_start3A_187 : memref<1x64x128xf32, #tpu.memory_space<vmem>> -> memref<64x128xf32, #tpu.memory_space<vmem>>
    %dma_start3A_189 = arith.constant 0 : i32
    %dma_start3A_190 = tpu.memref_slice %arg7[%dma_start3A_183, %dma_start3A_189] : memref<40x64xi32, #tpu.memory_space<vmem>> -> memref<1x64xi32, #tpu.memory_space<vmem>>
    %dma_start3A_191 = tpu.memref_squeeze %dma_start3A_190 : memref<1x64xi32, #tpu.memory_space<vmem>> -> memref<64xi32, #tpu.memory_space<vmem>>
    %dma_start3A_192 = arith.constant 0 : i32
    %dma_start3A_193 = arith.constant 0 : i32
    %dma_start3A_194 = tpu.memref_slice %arg2[%dma_start3A_192, %dma_start3A_193] : memref<10240x128xf32, #tpu.memory_space<hbm>> -> memref<10240x128xf32, #tpu.memory_space<hbm>>
    tpu.enqueue_indirect_dma source(%dma_start3A_194 : memref<10240x128xf32, #tpu.memory_space<hbm>>) target(%dma_start3A_188 : memref<64x128xf32, #tpu.memory_space<vmem>>) offsets(%dma_start3A_191 : memref<64xi32, #tpu.memory_space<vmem>>) semaphore(%arg12 : memref<!tpu.dma_semaphore, #tpu.memory_space<semaphore_mem>>)
    %dma_start3A_195 = arith.constant 3 : i32
    %dma_start3A_196 = arith.constant 3 : i32
    %dma_start3A_197 = arith.constant 0 : i32
    %dma_start3A_198 = arith.constant 0 : i32
    %dma_start3A_199 = tpu.memref_slice %arg6[%dma_start3A_196, %dma_start3A_197, %dma_start3A_198] : memref<4x64x128xf32, #tpu.memory_space<vmem>> -> memref<1x64x128xf32, #tpu.memory_space<vmem>>
    %dma_start3A_200 = tpu.memref_squeeze %dma_start3A_199 : memref<1x64x128xf32, #tpu.memory_space<vmem>> -> memref<64x128xf32, #tpu.memory_space<vmem>>
    %dma_start3A_201 = arith.constant 0 : i32
    %dma_start3A_202 = tpu.memref_slice %arg7[%dma_start3A_195, %dma_start3A_201] : memref<40x64xi32, #tpu.memory_space<vmem>> -> memref<1x64xi32, #tpu.memory_space<vmem>>
    %dma_start3A_203 = tpu.memref_squeeze %dma_start3A_202 : memref<1x64xi32, #tpu.memory_space<vmem>> -> memref<64xi32, #tpu.memory_space<vmem>>
    %dma_start3A_204 = arith.constant 0 : i32
    %dma_start3A_205 = arith.constant 0 : i32
    %dma_start3A_206 = tpu.memref_slice %arg2[%dma_start3A_204, %dma_start3A_205] : memref<10240x128xf32, #tpu.memory_space<hbm>> -> memref<10240x128xf32, #tpu.memory_space<hbm>>
    tpu.enqueue_indirect_dma source(%dma_start3A_206 : memref<10240x128xf32, #tpu.memory_space<hbm>>) target(%dma_start3A_200 : memref<64x128xf32, #tpu.memory_space<vmem>>) offsets(%dma_start3A_203 : memref<64xi32, #tpu.memory_space<vmem>>) semaphore(%arg13 : memref<!tpu.dma_semaphore, #tpu.memory_space<semaphore_mem>>)
    %scan3A_207 = arith.constant 0 : i32
    %scan3A_208 = arith.constant 0 : i32
    %scan3A_209 = arith.constant 10 : i32
    %scan3A_210 = arith.addi %scan3A_208, %scan3A_209 : i32
    %scan3A_211 = arith.constant 1 : i32
    %scan3A_212 = scf.for %scan3A_314 = %scan3A_208 to %scan3A_210 step %scan3A_211 iter_args(%scan3A_315 = %scan3A_207) -> (i32)  : i32 {
      %mul3A_316 = arith.constant 4 : i32
      %mul3A_317 = arith.muli %scan3A_314, %mul3A_316 : i32
      %add3A_318 = arith.constant 0 : i32
      %add3A_319 = arith.addi %mul3A_317, %add3A_318 : i32
      %dma_wait3A = arith.constant 0 : i32
      %dma_wait3A_320 = arith.constant 0 : i32
      %dma_wait3A_321 = arith.constant 0 : i32
      %dma_wait3A_322 = arith.constant 0 : i32
      %dma_wait3A_323 = tpu.memref_slice %arg6[%dma_wait3A_320, %dma_wait3A_321, %dma_wait3A_322] : memref<4x64x128xf32, #tpu.memory_space<vmem>> -> memref<1x64x128xf32, #tpu.memory_space<vmem>>
      %dma_wait3A_324 = tpu.memref_squeeze %dma_wait3A_323 : memref<1x64x128xf32, #tpu.memory_space<vmem>> -> memref<64x128xf32, #tpu.memory_space<vmem>>
      %dma_wait3A_325 = arith.constant 0 : i32
      %dma_wait3A_326 = tpu.memref_slice %arg7[%dma_wait3A, %dma_wait3A_325] : memref<40x64xi32, #tpu.memory_space<vmem>> -> memref<1x64xi32, #tpu.memory_space<vmem>>
      %dma_wait3A_327 = tpu.memref_squeeze %dma_wait3A_326 : memref<1x64xi32, #tpu.memory_space<vmem>> -> memref<64xi32, #tpu.memory_space<vmem>>
      %dma_wait3A_328 = arith.constant 0 : i32
      %dma_wait3A_329 = arith.constant 0 : i32
      %dma_wait3A_330 = tpu.memref_slice %arg2[%dma_wait3A_328, %dma_wait3A_329] : memref<10240x128xf32, #tpu.memory_space<hbm>> -> memref<10240x128xf32, #tpu.memory_space<hbm>>
      tpu.wait_indirect_dma semaphore(%arg10 : memref<!tpu.dma_semaphore, #tpu.memory_space<semaphore_mem>>) src(%dma_wait3A_330 : memref<10240x128xf32, #tpu.memory_space<hbm>>) dst(%dma_wait3A_324 : memref<64x128xf32, #tpu.memory_space<vmem>>)
      %run_scoped3A_331 = arith.constant 0 : i32
      "tpu.region"() ({
        %run_scoped3A_409 = tpu.sem_alloc : memref<!tpu.dma_semaphore, #tpu.memory_space<semaphore_mem>>
        %dma_start3A_410 = arith.constant 0 : i32
        %dma_start3A_411 = arith.constant 0 : i32
        %dma_start3A_412 = tpu.memref_slice %arg6[%run_scoped3A_331, %dma_start3A_410, %dma_start3A_411] : memref<4x64x128xf32, #tpu.memory_space<vmem>> -> memref<1x64x128xf32, #tpu.memory_space<vmem>>
        %dma_start3A_413 = tpu.memref_squeeze %dma_start3A_412 : memref<1x64x128xf32, #tpu.memory_space<vmem>> -> memref<64x128xf32, #tpu.memory_space<vmem>>
        %dma_start3A_414 = arith.constant 0 : i32
        %dma_start3A_415 = tpu.memref_slice %arg8[%add3A_319, %dma_start3A_414] : memref<40x64xi32, #tpu.memory_space<vmem>> -> memref<1x64xi32, #tpu.memory_space<vmem>>
        %dma_start3A_416 = tpu.memref_squeeze %dma_start3A_415 : memref<1x64xi32, #tpu.memory_space<vmem>> -> memref<64xi32, #tpu.memory_space<vmem>>
        %dma_start3A_417 = arith.constant 0 : i32
        %dma_start3A_418 = arith.constant 0 : i32
        %dma_start3A_419 = tpu.memref_slice %arg9[%dma_start3A_417, %dma_start3A_418] : memref<10240x128xf32, #tpu.memory_space<vmem_shared>> -> memref<10240x128xf32, #tpu.memory_space<vmem_shared>>
        tpu.enqueue_indirect_dma source(%dma_start3A_413 : memref<64x128xf32, #tpu.memory_space<vmem>>) target(%dma_start3A_419 : memref<10240x128xf32, #tpu.memory_space<vmem_shared>>) offsets(%dma_start3A_416 : memref<64xi32, #tpu.memory_space<vmem>>) semaphore(%run_scoped3A_409 : memref<!tpu.dma_semaphore, #tpu.memory_space<semaphore_mem>>) {add = true}
        %dma_wait3A_420 = arith.constant 0 : i32
        %dma_wait3A_421 = arith.constant 0 : i32
        %dma_wait3A_422 = tpu.memref_slice %arg6[%run_scoped3A_331, %dma_wait3A_420, %dma_wait3A_421] : memref<4x64x128xf32, #tpu.memory_space<vmem>> -> memref<1x64x128xf32, #tpu.memory_space<vmem>>
        %dma_wait3A_423 = tpu.memref_squeeze %dma_wait3A_422 : memref<1x64x128xf32, #tpu.memory_space<vmem>> -> memref<64x128xf32, #tpu.memory_space<vmem>>
        %dma_wait3A_424 = arith.constant 0 : i32
        %dma_wait3A_425 = tpu.memref_slice %arg8[%add3A_319, %dma_wait3A_424] : memref<40x64xi32, #tpu.memory_space<vmem>> -> memref<1x64xi32, #tpu.memory_space<vmem>>
        %dma_wait3A_426 = tpu.memref_squeeze %dma_wait3A_425 : memref<1x64xi32, #tpu.memory_space<vmem>> -> memref<64xi32, #tpu.memory_space<vmem>>
        %dma_wait3A_427 = arith.constant 0 : i32
        %dma_wait3A_428 = arith.constant 0 : i32
        %dma_wait3A_429 = tpu.memref_slice %arg9[%dma_wait3A_427, %dma_wait3A_428] : memref<10240x128xf32, #tpu.memory_space<vmem_shared>> -> memref<10240x128xf32, #tpu.memory_space<vmem_shared>>
        tpu.wait_indirect_dma semaphore(%run_scoped3A_409 : memref<!tpu.dma_semaphore, #tpu.memory_space<semaphore_mem>>) src(%dma_wait3A_423 : memref<64x128xf32, #tpu.memory_space<vmem>>) dst(%dma_wait3A_429 : memref<10240x128xf32, #tpu.memory_space<vmem_shared>>)
        tpu.yield
      }) : () -> ()
      %add3A_332 = arith.constant 4 : i32
      %add3A_333 = arith.addi %add3A_319, %add3A_332 : i32
      %lt3A = arith.constant 40 : i32
      %lt3A_334 = arith.cmpi slt, %add3A_333, %lt3A : i32
      %convert_element_type3A = arith.extui %lt3A_334 : i1 to i32
      %cond3A = arith.constant 0 : i32
      %cond3A_335 = arith.cmpi ne, %convert_element_type3A, %cond3A : i32
      scf.if %cond3A_335 {
        %dma_start3A_409 = arith.constant 0 : i32
        %dma_start3A_410 = arith.constant 0 : i32
        %dma_start3A_411 = arith.constant 0 : i32
        %dma_start3A_412 = tpu.memref_slice %arg6[%dma_start3A_409, %dma_start3A_410, %dma_start3A_411] : memref<4x64x128xf32, #tpu.memory_space<vmem>> -> memref<1x64x128xf32, #tpu.memory_space<vmem>>
        %dma_start3A_413 = tpu.memref_squeeze %dma_start3A_412 : memref<1x64x128xf32, #tpu.memory_space<vmem>> -> memref<64x128xf32, #tpu.memory_space<vmem>>
        %dma_start3A_414 = arith.constant 0 : i32
        %dma_start3A_415 = tpu.memref_slice %arg7[%add3A_333, %dma_start3A_414] : memref<40x64xi32, #tpu.memory_space<vmem>> -> memref<1x64xi32, #tpu.memory_space<vmem>>
        %dma_start3A_416 = tpu.memref_squeeze %dma_start3A_415 : memref<1x64xi32, #tpu.memory_space<vmem>> -> memref<64xi32, #tpu.memory_space<vmem>>
        %dma_start3A_417 = arith.constant 0 : i32
        %dma_start3A_418 = arith.constant 0 : i32
        %dma_start3A_419 = tpu.memref_slice %arg2[%dma_start3A_417, %dma_start3A_418] : memref<10240x128xf32, #tpu.memory_space<hbm>> -> memref<10240x128xf32, #tpu.memory_space<hbm>>
        tpu.enqueue_indirect_dma source(%dma_start3A_419 : memref<10240x128xf32, #tpu.memory_space<hbm>>) target(%dma_start3A_413 : memref<64x128xf32, #tpu.memory_space<vmem>>) offsets(%dma_start3A_416 : memref<64xi32, #tpu.memory_space<vmem>>) semaphore(%arg10 : memref<!tpu.dma_semaphore, #tpu.memory_space<semaphore_mem>>)
      } else {
      }
      %mul3A_336 = arith.constant 4 : i32
      %mul3A_337 = arith.muli %scan3A_314, %mul3A_336 : i32
      %add3A_338 = arith.constant 1 : i32
      %add3A_339 = arith.addi %mul3A_337, %add3A_338 : i32
      %dma_wait3A_340 = arith.constant 1 : i32
      %dma_wait3A_341 = arith.constant 1 : i32
      %dma_wait3A_342 = arith.constant 0 : i32
      %dma_wait3A_343 = arith.constant 0 : i32
      %dma_wait3A_344 = tpu.memref_slice %arg6[%dma_wait3A_341, %dma_wait3A_342, %dma_wait3A_343] : memref<4x64x128xf32, #tpu.memory_space<vmem>> -> memref<1x64x128xf32, #tpu.memory_space<vmem>>
      %dma_wait3A_345 = tpu.memref_squeeze %dma_wait3A_344 : memref<1x64x128xf32, #tpu.memory_space<vmem>> -> memref<64x128xf32, #tpu.memory_space<vmem>>
      %dma_wait3A_346 = arith.constant 0 : i32
      %dma_wait3A_347 = tpu.memref_slice %arg7[%dma_wait3A_340, %dma_wait3A_346] : memref<40x64xi32, #tpu.memory_space<vmem>> -> memref<1x64xi32, #tpu.memory_space<vmem>>
      %dma_wait3A_348 = tpu.memref_squeeze %dma_wait3A_347 : memref<1x64xi32, #tpu.memory_space<vmem>> -> memref<64xi32, #tpu.memory_space<vmem>>
      %dma_wait3A_349 = arith.constant 0 : i32
      %dma_wait3A_350 = arith.constant 0 : i32
      %dma_wait3A_351 = tpu.memref_slice %arg2[%dma_wait3A_349, %dma_wait3A_350] : memref<10240x128xf32, #tpu.memory_space<hbm>> -> memref<10240x128xf32, #tpu.memory_space<hbm>>
      tpu.wait_indirect_dma semaphore(%arg11 : memref<!tpu.dma_semaphore, #tpu.memory_space<semaphore_mem>>) src(%dma_wait3A_351 : memref<10240x128xf32, #tpu.memory_space<hbm>>) dst(%dma_wait3A_345 : memref<64x128xf32, #tpu.memory_space<vmem>>)
      %run_scoped3A_352 = arith.constant 1 : i32
      "tpu.region"() ({
        %run_scoped3A_409 = tpu.sem_alloc : memref<!tpu.dma_semaphore, #tpu.memory_space<semaphore_mem>>
        %dma_start3A_410 = arith.constant 0 : i32
        %dma_start3A_411 = arith.constant 0 : i32
        %dma_start3A_412 = tpu.memref_slice %arg6[%run_scoped3A_352, %dma_start3A_410, %dma_start3A_411] : memref<4x64x128xf32, #tpu.memory_space<vmem>> -> memref<1x64x128xf32, #tpu.memory_space<vmem>>
        %dma_start3A_413 = tpu.memref_squeeze %dma_start3A_412 : memref<1x64x128xf32, #tpu.memory_space<vmem>> -> memref<64x128xf32, #tpu.memory_space<vmem>>
        %dma_start3A_414 = arith.constant 0 : i32
        %dma_start3A_415 = tpu.memref_slice %arg8[%add3A_339, %dma_start3A_414] : memref<40x64xi32, #tpu.memory_space<vmem>> -> memref<1x64xi32, #tpu.memory_space<vmem>>
        %dma_start3A_416 = tpu.memref_squeeze %dma_start3A_415 : memref<1x64xi32, #tpu.memory_space<vmem>> -> memref<64xi32, #tpu.memory_space<vmem>>
        %dma_start3A_417 = arith.constant 0 : i32
        %dma_start3A_418 = arith.constant 0 : i32
        %dma_start3A_419 = tpu.memref_slice %arg9[%dma_start3A_417, %dma_start3A_418] : memref<10240x128xf32, #tpu.memory_space<vmem_shared>> -> memref<10240x128xf32, #tpu.memory_space<vmem_shared>>
        tpu.enqueue_indirect_dma source(%dma_start3A_413 : memref<64x128xf32, #tpu.memory_space<vmem>>) target(%dma_start3A_419 : memref<10240x128xf32, #tpu.memory_space<vmem_shared>>) offsets(%dma_start3A_416 : memref<64xi32, #tpu.memory_space<vmem>>) semaphore(%run_scoped3A_409 : memref<!tpu.dma_semaphore, #tpu.memory_space<semaphore_mem>>) {add = true}
        %dma_wait3A_420 = arith.constant 0 : i32
        %dma_wait3A_421 = arith.constant 0 : i32
        %dma_wait3A_422 = tpu.memref_slice %arg6[%run_scoped3A_352, %dma_wait3A_420, %dma_wait3A_421] : memref<4x64x128xf32, #tpu.memory_space<vmem>> -> memref<1x64x128xf32, #tpu.memory_space<vmem>>
        %dma_wait3A_423 = tpu.memref_squeeze %dma_wait3A_422 : memref<1x64x128xf32, #tpu.memory_space<vmem>> -> memref<64x128xf32, #tpu.memory_space<vmem>>
        %dma_wait3A_424 = arith.constant 0 : i32
        %dma_wait3A_425 = tpu.memref_slice %arg8[%add3A_339, %dma_wait3A_424] : memref<40x64xi32, #tpu.memory_space<vmem>> -> memref<1x64xi32, #tpu.memory_space<vmem>>
        %dma_wait3A_426 = tpu.memref_squeeze %dma_wait3A_425 : memref<1x64xi32, #tpu.memory_space<vmem>> -> memref<64xi32, #tpu.memory_space<vmem>>
        %dma_wait3A_427 = arith.constant 0 : i32
        %dma_wait3A_428 = arith.constant 0 : i32
        %dma_wait3A_429 = tpu.memref_slice %arg9[%dma_wait3A_427, %dma_wait3A_428] : memref<10240x128xf32, #tpu.memory_space<vmem_shared>> -> memref<10240x128xf32, #tpu.memory_space<vmem_shared>>
        tpu.wait_indirect_dma semaphore(%run_scoped3A_409 : memref<!tpu.dma_semaphore, #tpu.memory_space<semaphore_mem>>) src(%dma_wait3A_423 : memref<64x128xf32, #tpu.memory_space<vmem>>) dst(%dma_wait3A_429 : memref<10240x128xf32, #tpu.memory_space<vmem_shared>>)
        tpu.yield
      }) : () -> ()
      %add3A_353 = arith.constant 4 : i32
      %add3A_354 = arith.addi %add3A_339, %add3A_353 : i32
      %lt3A_355 = arith.constant 40 : i32
      %lt3A_356 = arith.cmpi slt, %add3A_354, %lt3A_355 : i32
      %convert_element_type3A_357 = arith.extui %lt3A_356 : i1 to i32
      %cond3A_358 = arith.constant 0 : i32
      %cond3A_359 = arith.cmpi ne, %convert_element_type3A_357, %cond3A_358 : i32
      scf.if %cond3A_359 {
        %dma_start3A_409 = arith.constant 1 : i32
        %dma_start3A_410 = arith.constant 0 : i32
        %dma_start3A_411 = arith.constant 0 : i32
        %dma_start3A_412 = tpu.memref_slice %arg6[%dma_start3A_409, %dma_start3A_410, %dma_start3A_411] : memref<4x64x128xf32, #tpu.memory_space<vmem>> -> memref<1x64x128xf32, #tpu.memory_space<vmem>>
        %dma_start3A_413 = tpu.memref_squeeze %dma_start3A_412 : memref<1x64x128xf32, #tpu.memory_space<vmem>> -> memref<64x128xf32, #tpu.memory_space<vmem>>
        %dma_start3A_414 = arith.constant 0 : i32
        %dma_start3A_415 = tpu.memref_slice %arg7[%add3A_354, %dma_start3A_414] : memref<40x64xi32, #tpu.memory_space<vmem>> -> memref<1x64xi32, #tpu.memory_space<vmem>>
        %dma_start3A_416 = tpu.memref_squeeze %dma_start3A_415 : memref<1x64xi32, #tpu.memory_space<vmem>> -> memref<64xi32, #tpu.memory_space<vmem>>
        %dma_start3A_417 = arith.constant 0 : i32
        %dma_start3A_418 = arith.constant 0 : i32
        %dma_start3A_419 = tpu.memref_slice %arg2[%dma_start3A_417, %dma_start3A_418] : memref<10240x128xf32, #tpu.memory_space<hbm>> -> memref<10240x128xf32, #tpu.memory_space<hbm>>
        tpu.enqueue_indirect_dma source(%dma_start3A_419 : memref<10240x128xf32, #tpu.memory_space<hbm>>) target(%dma_start3A_413 : memref<64x128xf32, #tpu.memory_space<vmem>>) offsets(%dma_start3A_416 : memref<64xi32, #tpu.memory_space<vmem>>) semaphore(%arg11 : memref<!tpu.dma_semaphore, #tpu.memory_space<semaphore_mem>>)
      } else {
      }
      %mul3A_360 = arith.constant 4 : i32
      %mul3A_361 = arith.muli %scan3A_314, %mul3A_360 : i32
      %add3A_362 = arith.constant 2 : i32
      %add3A_363 = arith.addi %mul3A_361, %add3A_362 : i32
      %dma_wait3A_364 = arith.constant 2 : i32
      %dma_wait3A_365 = arith.constant 2 : i32
      %dma_wait3A_366 = arith.constant 0 : i32
      %dma_wait3A_367 = arith.constant 0 : i32
      %dma_wait3A_368 = tpu.memref_slice %arg6[%dma_wait3A_365, %dma_wait3A_366, %dma_wait3A_367] : memref<4x64x128xf32, #tpu.memory_space<vmem>> -> memref<1x64x128xf32, #tpu.memory_space<vmem>>
      %dma_wait3A_369 = tpu.memref_squeeze %dma_wait3A_368 : memref<1x64x128xf32, #tpu.memory_space<vmem>> -> memref<64x128xf32, #tpu.memory_space<vmem>>
      %dma_wait3A_370 = arith.constant 0 : i32
      %dma_wait3A_371 = tpu.memref_slice %arg7[%dma_wait3A_364, %dma_wait3A_370] : memref<40x64xi32, #tpu.memory_space<vmem>> -> memref<1x64xi32, #tpu.memory_space<vmem>>
      %dma_wait3A_372 = tpu.memref_squeeze %dma_wait3A_371 : memref<1x64xi32, #tpu.memory_space<vmem>> -> memref<64xi32, #tpu.memory_space<vmem>>
      %dma_wait3A_373 = arith.constant 0 : i32
      %dma_wait3A_374 = arith.constant 0 : i32
      %dma_wait3A_375 = tpu.memref_slice %arg2[%dma_wait3A_373, %dma_wait3A_374] : memref<10240x128xf32, #tpu.memory_space<hbm>> -> memref<10240x128xf32, #tpu.memory_space<hbm>>
      tpu.wait_indirect_dma semaphore(%arg12 : memref<!tpu.dma_semaphore, #tpu.memory_space<semaphore_mem>>) src(%dma_wait3A_375 : memref<10240x128xf32, #tpu.memory_space<hbm>>) dst(%dma_wait3A_369 : memref<64x128xf32, #tpu.memory_space<vmem>>)
      %run_scoped3A_376 = arith.constant 2 : i32
      "tpu.region"() ({
        %run_scoped3A_409 = tpu.sem_alloc : memref<!tpu.dma_semaphore, #tpu.memory_space<semaphore_mem>>
        %dma_start3A_410 = arith.constant 0 : i32
        %dma_start3A_411 = arith.constant 0 : i32
        %dma_start3A_412 = tpu.memref_slice %arg6[%run_scoped3A_376, %dma_start3A_410, %dma_start3A_411] : memref<4x64x128xf32, #tpu.memory_space<vmem>> -> memref<1x64x128xf32, #tpu.memory_space<vmem>>
        %dma_start3A_413 = tpu.memref_squeeze %dma_start3A_412 : memref<1x64x128xf32, #tpu.memory_space<vmem>> -> memref<64x128xf32, #tpu.memory_space<vmem>>
        %dma_start3A_414 = arith.constant 0 : i32
        %dma_start3A_415 = tpu.memref_slice %arg8[%add3A_363, %dma_start3A_414] : memref<40x64xi32, #tpu.memory_space<vmem>> -> memref<1x64xi32, #tpu.memory_space<vmem>>
        %dma_start3A_416 = tpu.memref_squeeze %dma_start3A_415 : memref<1x64xi32, #tpu.memory_space<vmem>> -> memref<64xi32, #tpu.memory_space<vmem>>
        %dma_start3A_417 = arith.constant 0 : i32
        %dma_start3A_418 = arith.constant 0 : i32
        %dma_start3A_419 = tpu.memref_slice %arg9[%dma_start3A_417, %dma_start3A_418] : memref<10240x128xf32, #tpu.memory_space<vmem_shared>> -> memref<10240x128xf32, #tpu.memory_space<vmem_shared>>
        tpu.enqueue_indirect_dma source(%dma_start3A_413 : memref<64x128xf32, #tpu.memory_space<vmem>>) target(%dma_start3A_419 : memref<10240x128xf32, #tpu.memory_space<vmem_shared>>) offsets(%dma_start3A_416 : memref<64xi32, #tpu.memory_space<vmem>>) semaphore(%run_scoped3A_409 : memref<!tpu.dma_semaphore, #tpu.memory_space<semaphore_mem>>) {add = true}
        %dma_wait3A_420 = arith.constant 0 : i32
        %dma_wait3A_421 = arith.constant 0 : i32
        %dma_wait3A_422 = tpu.memref_slice %arg6[%run_scoped3A_376, %dma_wait3A_420, %dma_wait3A_421] : memref<4x64x128xf32, #tpu.memory_space<vmem>> -> memref<1x64x128xf32, #tpu.memory_space<vmem>>
        %dma_wait3A_423 = tpu.memref_squeeze %dma_wait3A_422 : memref<1x64x128xf32, #tpu.memory_space<vmem>> -> memref<64x128xf32, #tpu.memory_space<vmem>>
        %dma_wait3A_424 = arith.constant 0 : i32
        %dma_wait3A_425 = tpu.memref_slice %arg8[%add3A_363, %dma_wait3A_424] : memref<40x64xi32, #tpu.memory_space<vmem>> -> memref<1x64xi32, #tpu.memory_space<vmem>>
        %dma_wait3A_426 = tpu.memref_squeeze %dma_wait3A_425 : memref<1x64xi32, #tpu.memory_space<vmem>> -> memref<64xi32, #tpu.memory_space<vmem>>
        %dma_wait3A_427 = arith.constant 0 : i32
        %dma_wait3A_428 = arith.constant 0 : i32
        %dma_wait3A_429 = tpu.memref_slice %arg9[%dma_wait3A_427, %dma_wait3A_428] : memref<10240x128xf32, #tpu.memory_space<vmem_shared>> -> memref<10240x128xf32, #tpu.memory_space<vmem_shared>>
        tpu.wait_indirect_dma semaphore(%run_scoped3A_409 : memref<!tpu.dma_semaphore, #tpu.memory_space<semaphore_mem>>) src(%dma_wait3A_423 : memref<64x128xf32, #tpu.memory_space<vmem>>) dst(%dma_wait3A_429 : memref<10240x128xf32, #tpu.memory_space<vmem_shared>>)
        tpu.yield
      }) : () -> ()
      %add3A_377 = arith.constant 4 : i32
      %add3A_378 = arith.addi %add3A_363, %add3A_377 : i32
      %lt3A_379 = arith.constant 40 : i32
      %lt3A_380 = arith.cmpi slt, %add3A_378, %lt3A_379 : i32
      %convert_element_type3A_381 = arith.extui %lt3A_380 : i1 to i32
      %cond3A_382 = arith.constant 0 : i32
      %cond3A_383 = arith.cmpi ne, %convert_element_type3A_381, %cond3A_382 : i32
      scf.if %cond3A_383 {
        %dma_start3A_409 = arith.constant 2 : i32
        %dma_start3A_410 = arith.constant 0 : i32
        %dma_start3A_411 = arith.constant 0 : i32
        %dma_start3A_412 = tpu.memref_slice %arg6[%dma_start3A_409, %dma_start3A_410, %dma_start3A_411] : memref<4x64x128xf32, #tpu.memory_space<vmem>> -> memref<1x64x128xf32, #tpu.memory_space<vmem>>
        %dma_start3A_413 = tpu.memref_squeeze %dma_start3A_412 : memref<1x64x128xf32, #tpu.memory_space<vmem>> -> memref<64x128xf32, #tpu.memory_space<vmem>>
        %dma_start3A_414 = arith.constant 0 : i32
        %dma_start3A_415 = tpu.memref_slice %arg7[%add3A_378, %dma_start3A_414] : memref<40x64xi32, #tpu.memory_space<vmem>> -> memref<1x64xi32, #tpu.memory_space<vmem>>
        %dma_start3A_416 = tpu.memref_squeeze %dma_start3A_415 : memref<1x64xi32, #tpu.memory_space<vmem>> -> memref<64xi32, #tpu.memory_space<vmem>>
        %dma_start3A_417 = arith.constant 0 : i32
        %dma_start3A_418 = arith.constant 0 : i32
        %dma_start3A_419 = tpu.memref_slice %arg2[%dma_start3A_417, %dma_start3A_418] : memref<10240x128xf32, #tpu.memory_space<hbm>> -> memref<10240x128xf32, #tpu.memory_space<hbm>>
        tpu.enqueue_indirect_dma source(%dma_start3A_419 : memref<10240x128xf32, #tpu.memory_space<hbm>>) target(%dma_start3A_413 : memref<64x128xf32, #tpu.memory_space<vmem>>) offsets(%dma_start3A_416 : memref<64xi32, #tpu.memory_space<vmem>>) semaphore(%arg12 : memref<!tpu.dma_semaphore, #tpu.memory_space<semaphore_mem>>)
      } else {
      }
      %mul3A_384 = arith.constant 4 : i32
      %mul3A_385 = arith.muli %scan3A_314, %mul3A_384 : i32
      %add3A_386 = arith.constant 3 : i32
      %add3A_387 = arith.addi %mul3A_385, %add3A_386 : i32
      %dma_wait3A_388 = arith.constant 3 : i32
      %dma_wait3A_389 = arith.constant 3 : i32
      %dma_wait3A_390 = arith.constant 0 : i32
      %dma_wait3A_391 = arith.constant 0 : i32
      %dma_wait3A_392 = tpu.memref_slice %arg6[%dma_wait3A_389, %dma_wait3A_390, %dma_wait3A_391] : memref<4x64x128xf32, #tpu.memory_space<vmem>> -> memref<1x64x128xf32, #tpu.memory_space<vmem>>
      %dma_wait3A_393 = tpu.memref_squeeze %dma_wait3A_392 : memref<1x64x128xf32, #tpu.memory_space<vmem>> -> memref<64x128xf32, #tpu.memory_space<vmem>>
      %dma_wait3A_394 = arith.constant 0 : i32
      %dma_wait3A_395 = tpu.memref_slice %arg7[%dma_wait3A_388, %dma_wait3A_394] : memref<40x64xi32, #tpu.memory_space<vmem>> -> memref<1x64xi32, #tpu.memory_space<vmem>>
      %dma_wait3A_396 = tpu.memref_squeeze %dma_wait3A_395 : memref<1x64xi32, #tpu.memory_space<vmem>> -> memref<64xi32, #tpu.memory_space<vmem>>
      %dma_wait3A_397 = arith.constant 0 : i32
      %dma_wait3A_398 = arith.constant 0 : i32
      %dma_wait3A_399 = tpu.memref_slice %arg2[%dma_wait3A_397, %dma_wait3A_398] : memref<10240x128xf32, #tpu.memory_space<hbm>> -> memref<10240x128xf32, #tpu.memory_space<hbm>>
      tpu.wait_indirect_dma semaphore(%arg13 : memref<!tpu.dma_semaphore, #tpu.memory_space<semaphore_mem>>) src(%dma_wait3A_399 : memref<10240x128xf32, #tpu.memory_space<hbm>>) dst(%dma_wait3A_393 : memref<64x128xf32, #tpu.memory_space<vmem>>)
      %run_scoped3A_400 = arith.constant 3 : i32
      "tpu.region"() ({
        %run_scoped3A_409 = tpu.sem_alloc : memref<!tpu.dma_semaphore, #tpu.memory_space<semaphore_mem>>
        %dma_start3A_410 = arith.constant 0 : i32
        %dma_start3A_411 = arith.constant 0 : i32
        %dma_start3A_412 = tpu.memref_slice %arg6[%run_scoped3A_400, %dma_start3A_410, %dma_start3A_411] : memref<4x64x128xf32, #tpu.memory_space<vmem>> -> memref<1x64x128xf32, #tpu.memory_space<vmem>>
        %dma_start3A_413 = tpu.memref_squeeze %dma_start3A_412 : memref<1x64x128xf32, #tpu.memory_space<vmem>> -> memref<64x128xf32, #tpu.memory_space<vmem>>
        %dma_start3A_414 = arith.constant 0 : i32
        %dma_start3A_415 = tpu.memref_slice %arg8[%add3A_387, %dma_start3A_414] : memref<40x64xi32, #tpu.memory_space<vmem>> -> memref<1x64xi32, #tpu.memory_space<vmem>>
        %dma_start3A_416 = tpu.memref_squeeze %dma_start3A_415 : memref<1x64xi32, #tpu.memory_space<vmem>> -> memref<64xi32, #tpu.memory_space<vmem>>
        %dma_start3A_417 = arith.constant 0 : i32
        %dma_start3A_418 = arith.constant 0 : i32
        %dma_start3A_419 = tpu.memref_slice %arg9[%dma_start3A_417, %dma_start3A_418] : memref<10240x128xf32, #tpu.memory_space<vmem_shared>> -> memref<10240x128xf32, #tpu.memory_space<vmem_shared>>
        tpu.enqueue_indirect_dma source(%dma_start3A_413 : memref<64x128xf32, #tpu.memory_space<vmem>>) target(%dma_start3A_419 : memref<10240x128xf32, #tpu.memory_space<vmem_shared>>) offsets(%dma_start3A_416 : memref<64xi32, #tpu.memory_space<vmem>>) semaphore(%run_scoped3A_409 : memref<!tpu.dma_semaphore, #tpu.memory_space<semaphore_mem>>) {add = true}
        %dma_wait3A_420 = arith.constant 0 : i32
        %dma_wait3A_421 = arith.constant 0 : i32
        %dma_wait3A_422 = tpu.memref_slice %arg6[%run_scoped3A_400, %dma_wait3A_420, %dma_wait3A_421] : memref<4x64x128xf32, #tpu.memory_space<vmem>> -> memref<1x64x128xf32, #tpu.memory_space<vmem>>
        %dma_wait3A_423 = tpu.memref_squeeze %dma_wait3A_422 : memref<1x64x128xf32, #tpu.memory_space<vmem>> -> memref<64x128xf32, #tpu.memory_space<vmem>>
        %dma_wait3A_424 = arith.constant 0 : i32
        %dma_wait3A_425 = tpu.memref_slice %arg8[%add3A_387, %dma_wait3A_424] : memref<40x64xi32, #tpu.memory_space<vmem>> -> memref<1x64xi32, #tpu.memory_space<vmem>>
        %dma_wait3A_426 = tpu.memref_squeeze %dma_wait3A_425 : memref<1x64xi32, #tpu.memory_space<vmem>> -> memref<64xi32, #tpu.memory_space<vmem>>
        %dma_wait3A_427 = arith.constant 0 : i32
        %dma_wait3A_428 = arith.constant 0 : i32
        %dma_wait3A_429 = tpu.memref_slice %arg9[%dma_wait3A_427, %dma_wait3A_428] : memref<10240x128xf32, #tpu.memory_space<vmem_shared>> -> memref<10240x128xf32, #tpu.memory_space<vmem_shared>>
        tpu.wait_indirect_dma semaphore(%run_scoped3A_409 : memref<!tpu.dma_semaphore, #tpu.memory_space<semaphore_mem>>) src(%dma_wait3A_423 : memref<64x128xf32, #tpu.memory_space<vmem>>) dst(%dma_wait3A_429 : memref<10240x128xf32, #tpu.memory_space<vmem_shared>>)
        tpu.yield
      }) : () -> ()
      %add3A_401 = arith.constant 4 : i32
      %add3A_402 = arith.addi %add3A_387, %add3A_401 : i32
      %lt3A_403 = arith.constant 40 : i32
      %lt3A_404 = arith.cmpi slt, %add3A_402, %lt3A_403 : i32
      %convert_element_type3A_405 = arith.extui %lt3A_404 : i1 to i32
      %cond3A_406 = arith.constant 0 : i32
      %cond3A_407 = arith.cmpi ne, %convert_element_type3A_405, %cond3A_406 : i32
      scf.if %cond3A_407 {
        %dma_start3A_409 = arith.constant 3 : i32
        %dma_start3A_410 = arith.constant 0 : i32
        %dma_start3A_411 = arith.constant 0 : i32
        %dma_start3A_412 = tpu.memref_slice %arg6[%dma_start3A_409, %dma_start3A_410, %dma_start3A_411] : memref<4x64x128xf32, #tpu.memory_space<vmem>> -> memref<1x64x128xf32, #tpu.memory_space<vmem>>
        %dma_start3A_413 = tpu.memref_squeeze %dma_start3A_412 : memref<1x64x128xf32, #tpu.memory_space<vmem>> -> memref<64x128xf32, #tpu.memory_space<vmem>>
        %dma_start3A_414 = arith.constant 0 : i32
        %dma_start3A_415 = tpu.memref_slice %arg7[%add3A_402, %dma_start3A_414] : memref<40x64xi32, #tpu.memory_space<vmem>> -> memref<1x64xi32, #tpu.memory_space<vmem>>
        %dma_start3A_416 = tpu.memref_squeeze %dma_start3A_415 : memref<1x64xi32, #tpu.memory_space<vmem>> -> memref<64xi32, #tpu.memory_space<vmem>>
        %dma_start3A_417 = arith.constant 0 : i32
        %dma_start3A_418 = arith.constant 0 : i32
        %dma_start3A_419 = tpu.memref_slice %arg2[%dma_start3A_417, %dma_start3A_418] : memref<10240x128xf32, #tpu.memory_space<hbm>> -> memref<10240x128xf32, #tpu.memory_space<hbm>>
        tpu.enqueue_indirect_dma source(%dma_start3A_419 : memref<10240x128xf32, #tpu.memory_space<hbm>>) target(%dma_start3A_413 : memref<64x128xf32, #tpu.memory_space<vmem>>) offsets(%dma_start3A_416 : memref<64xi32, #tpu.memory_space<vmem>>) semaphore(%arg13 : memref<!tpu.dma_semaphore, #tpu.memory_space<semaphore_mem>>)
      } else {
      }
      %scan3A_408 = arith.constant 0 : i32
      scf.yield %scan3A_408 : i32
    }
    %scan3A_213 = arith.constant 10 : i32
    %mul3A_214 = arith.constant 160 : i32
    %mul3A_215 = arith.muli %add3A, %mul3A_214 : i32
    %add3A_216 = arith.constant 120 : i32
    %add3A_217 = arith.addi %mul3A_215, %add3A_216 : i32
    "tpu.region"() ({
      %run_scoped3A_314 = tpu.sem_alloc : memref<!tpu.dma_semaphore, #tpu.memory_space<semaphore_mem>>
      %dma_start3A_315 = arith.constant 0 : i32
      %dma_start3A_316 = tpu.memref_slice %arg3[%add3A_217, %dma_start3A_315] : memref<5120x64xi32, #tpu.memory_space<hbm>> -> memref<40x64xi32, #tpu.memory_space<hbm>>
      %dma_start3A_317 = arith.constant 0 : i32
      %dma_start3A_318 = tpu.memref_slice %arg3[%add3A_217, %dma_start3A_317] : memref<5120x64xi32, #tpu.memory_space<hbm>> -> memref<40x64xi32, #tpu.memory_space<hbm>>
      tpu.enqueue_dma source(%dma_start3A_318 : memref<40x64xi32, #tpu.memory_space<hbm>>) target(%arg7 : memref<40x64xi32, #tpu.memory_space<vmem>>) target_semaphore(%run_scoped3A_314 : memref<!tpu.dma_semaphore, #tpu.memory_space<semaphore_mem>>)
      %dma_wait3A = arith.constant 0 : i32
      %dma_wait3A_319 = tpu.memref_slice %arg3[%add3A_217, %dma_wait3A] : memref<5120x64xi32, #tpu.memory_space<hbm>> -> memref<40x64xi32, #tpu.memory_space<hbm>>
      %dma_wait3A_320 = arith.constant 0 : i32
      %dma_wait3A_321 = tpu.memref_slice %arg3[%add3A_217, %dma_wait3A_320] : memref<5120x64xi32, #tpu.memory_space<hbm>> -> memref<40x64xi32, #tpu.memory_space<hbm>>
      tpu.wait_dma2 semaphore(%run_scoped3A_314 : memref<!tpu.dma_semaphore, #tpu.memory_space<semaphore_mem>>) src(%dma_wait3A_321 : memref<40x64xi32, #tpu.memory_space<hbm>>) dst(%arg7 : memref<40x64xi32, #tpu.memory_space<vmem>>)
      tpu.yield
    }) : () -> ()
    "tpu.region"() ({
      %run_scoped3A_314 = tpu.sem_alloc : memref<!tpu.dma_semaphore, #tpu.memory_space<semaphore_mem>>
      %dma_start3A_315 = arith.constant 0 : i32
      %dma_start3A_316 = tpu.memref_slice %arg4[%add3A_217, %dma_start3A_315] : memref<5120x64xi32, #tpu.memory_space<hbm>> -> memref<40x64xi32, #tpu.memory_space<hbm>>
      %dma_start3A_317 = arith.constant 0 : i32
      %dma_start3A_318 = tpu.memref_slice %arg4[%add3A_217, %dma_start3A_317] : memref<5120x64xi32, #tpu.memory_space<hbm>> -> memref<40x64xi32, #tpu.memory_space<hbm>>
      tpu.enqueue_dma source(%dma_start3A_318 : memref<40x64xi32, #tpu.memory_space<hbm>>) target(%arg8 : memref<40x64xi32, #tpu.memory_space<vmem>>) target_semaphore(%run_scoped3A_314 : memref<!tpu.dma_semaphore, #tpu.memory_space<semaphore_mem>>)
      %dma_wait3A = arith.constant 0 : i32
      %dma_wait3A_319 = tpu.memref_slice %arg4[%add3A_217, %dma_wait3A] : memref<5120x64xi32, #tpu.memory_space<hbm>> -> memref<40x64xi32, #tpu.memory_space<hbm>>
      %dma_wait3A_320 = arith.constant 0 : i32
      %dma_wait3A_321 = tpu.memref_slice %arg4[%add3A_217, %dma_wait3A_320] : memref<5120x64xi32, #tpu.memory_space<hbm>> -> memref<40x64xi32, #tpu.memory_space<hbm>>
      tpu.wait_dma2 semaphore(%run_scoped3A_314 : memref<!tpu.dma_semaphore, #tpu.memory_space<semaphore_mem>>) src(%dma_wait3A_321 : memref<40x64xi32, #tpu.memory_space<hbm>>) dst(%arg8 : memref<40x64xi32, #tpu.memory_space<vmem>>)
      tpu.yield
    }) : () -> ()
    %dma_start3A_218 = arith.constant 0 : i32
    %dma_start3A_219 = arith.constant 0 : i32
    %dma_start3A_220 = arith.constant 0 : i32
    %dma_start3A_221 = arith.constant 0 : i32
    %dma_start3A_222 = tpu.memref_slice %arg6[%dma_start3A_219, %dma_start3A_220, %dma_start3A_221] : memref<4x64x128xf32, #tpu.memory_space<vmem>> -> memref<1x64x128xf32, #tpu.memory_space<vmem>>
    %dma_start3A_223 = tpu.memref_squeeze %dma_start3A_222 : memref<1x64x128xf32, #tpu.memory_space<vmem>> -> memref<64x128xf32, #tpu.memory_space<vmem>>
    %dma_start3A_224 = arith.constant 0 : i32
    %dma_start3A_225 = tpu.memref_slice %arg7[%dma_start3A_218, %dma_start3A_224] : memref<40x64xi32, #tpu.memory_space<vmem>> -> memref<1x64xi32, #tpu.memory_space<vmem>>
    %dma_start3A_226 = tpu.memref_squeeze %dma_start3A_225 : memref<1x64xi32, #tpu.memory_space<vmem>> -> memref<64xi32, #tpu.memory_space<vmem>>
    %dma_start3A_227 = arith.constant 0 : i32
    %dma_start3A_228 = arith.constant 0 : i32
    %dma_start3A_229 = tpu.memref_slice %arg2[%dma_start3A_227, %dma_start3A_228] : memref<10240x128xf32, #tpu.memory_space<hbm>> -> memref<10240x128xf32, #tpu.memory_space<hbm>>
    tpu.enqueue_indirect_dma source(%dma_start3A_229 : memref<10240x128xf32, #tpu.memory_space<hbm>>) target(%dma_start3A_223 : memref<64x128xf32, #tpu.memory_space<vmem>>) offsets(%dma_start3A_226 : memref<64xi32, #tpu.memory_space<vmem>>) semaphore(%arg10 : memref<!tpu.dma_semaphore, #tpu.memory_space<semaphore_mem>>)
    %dma_start3A_230 = arith.constant 1 : i32
    %dma_start3A_231 = arith.constant 1 : i32
    %dma_start3A_232 = arith.constant 0 : i32
    %dma_start3A_233 = arith.constant 0 : i32
    %dma_start3A_234 = tpu.memref_slice %arg6[%dma_start3A_231, %dma_start3A_232, %dma_start3A_233] : memref<4x64x128xf32, #tpu.memory_space<vmem>> -> memref<1x64x128xf32, #tpu.memory_space<vmem>>
    %dma_start3A_235 = tpu.memref_squeeze %dma_start3A_234 : memref<1x64x128xf32, #tpu.memory_space<vmem>> -> memref<64x128xf32, #tpu.memory_space<vmem>>
    %dma_start3A_236 = arith.constant 0 : i32
    %dma_start3A_237 = tpu.memref_slice %arg7[%dma_start3A_230, %dma_start3A_236] : memref<40x64xi32, #tpu.memory_space<vmem>> -> memref<1x64xi32, #tpu.memory_space<vmem>>
    %dma_start3A_238 = tpu.memref_squeeze %dma_start3A_237 : memref<1x64xi32, #tpu.memory_space<vmem>> -> memref<64xi32, #tpu.memory_space<vmem>>
    %dma_start3A_239 = arith.constant 0 : i32
    %dma_start3A_240 = arith.constant 0 : i32
    %dma_start3A_241 = tpu.memref_slice %arg2[%dma_start3A_239, %dma_start3A_240] : memref<10240x128xf32, #tpu.memory_space<hbm>> -> memref<10240x128xf32, #tpu.memory_space<hbm>>
    tpu.enqueue_indirect_dma source(%dma_start3A_241 : memref<10240x128xf32, #tpu.memory_space<hbm>>) target(%dma_start3A_235 : memref<64x128xf32, #tpu.memory_space<vmem>>) offsets(%dma_start3A_238 : memref<64xi32, #tpu.memory_space<vmem>>) semaphore(%arg11 : memref<!tpu.dma_semaphore, #tpu.memory_space<semaphore_mem>>)
    %dma_start3A_242 = arith.constant 2 : i32
    %dma_start3A_243 = arith.constant 2 : i32
    %dma_start3A_244 = arith.constant 0 : i32
    %dma_start3A_245 = arith.constant 0 : i32
    %dma_start3A_246 = tpu.memref_slice %arg6[%dma_start3A_243, %dma_start3A_244, %dma_start3A_245] : memref<4x64x128xf32, #tpu.memory_space<vmem>> -> memref<1x64x128xf32, #tpu.memory_space<vmem>>
    %dma_start3A_247 = tpu.memref_squeeze %dma_start3A_246 : memref<1x64x128xf32, #tpu.memory_space<vmem>> -> memref<64x128xf32, #tpu.memory_space<vmem>>
    %dma_start3A_248 = arith.constant 0 : i32
    %dma_start3A_249 = tpu.memref_slice %arg7[%dma_start3A_242, %dma_start3A_248] : memref<40x64xi32, #tpu.memory_space<vmem>> -> memref<1x64xi32, #tpu.memory_space<vmem>>
    %dma_start3A_250 = tpu.memref_squeeze %dma_start3A_249 : memref<1x64xi32, #tpu.memory_space<vmem>> -> memref<64xi32, #tpu.memory_space<vmem>>
    %dma_start3A_251 = arith.constant 0 : i32
    %dma_start3A_252 = arith.constant 0 : i32
    %dma_start3A_253 = tpu.memref_slice %arg2[%dma_start3A_251, %dma_start3A_252] : memref<10240x128xf32, #tpu.memory_space<hbm>> -> memref<10240x128xf32, #tpu.memory_space<hbm>>
    tpu.enqueue_indirect_dma source(%dma_start3A_253 : memref<10240x128xf32, #tpu.memory_space<hbm>>) target(%dma_start3A_247 : memref<64x128xf32, #tpu.memory_space<vmem>>) offsets(%dma_start3A_250 : memref<64xi32, #tpu.memory_space<vmem>>) semaphore(%arg12 : memref<!tpu.dma_semaphore, #tpu.memory_space<semaphore_mem>>)
    %dma_start3A_254 = arith.constant 3 : i32
    %dma_start3A_255 = arith.constant 3 : i32
    %dma_start3A_256 = arith.constant 0 : i32
    %dma_start3A_257 = arith.constant 0 : i32
    %dma_start3A_258 = tpu.memref_slice %arg6[%dma_start3A_255, %dma_start3A_256, %dma_start3A_257] : memref<4x64x128xf32, #tpu.memory_space<vmem>> -> memref<1x64x128xf32, #tpu.memory_space<vmem>>
    %dma_start3A_259 = tpu.memref_squeeze %dma_start3A_258 : memref<1x64x128xf32, #tpu.memory_space<vmem>> -> memref<64x128xf32, #tpu.memory_space<vmem>>
    %dma_start3A_260 = arith.constant 0 : i32
    %dma_start3A_261 = tpu.memref_slice %arg7[%dma_start3A_254, %dma_start3A_260] : memref<40x64xi32, #tpu.memory_space<vmem>> -> memref<1x64xi32, #tpu.memory_space<vmem>>
    %dma_start3A_262 = tpu.memref_squeeze %dma_start3A_261 : memref<1x64xi32, #tpu.memory_space<vmem>> -> memref<64xi32, #tpu.memory_space<vmem>>
    %dma_start3A_263 = arith.constant 0 : i32
    %dma_start3A_264 = arith.constant 0 : i32
    %dma_start3A_265 = tpu.memref_slice %arg2[%dma_start3A_263, %dma_start3A_264] : memref<10240x128xf32, #tpu.memory_space<hbm>> -> memref<10240x128xf32, #tpu.memory_space<hbm>>
    tpu.enqueue_indirect_dma source(%dma_start3A_265 : memref<10240x128xf32, #tpu.memory_space<hbm>>) target(%dma_start3A_259 : memref<64x128xf32, #tpu.memory_space<vmem>>) offsets(%dma_start3A_262 : memref<64xi32, #tpu.memory_space<vmem>>) semaphore(%arg13 : memref<!tpu.dma_semaphore, #tpu.memory_space<semaphore_mem>>)
    %scan3A_266 = arith.constant 0 : i32
    %scan3A_267 = arith.constant 0 : i32
    %scan3A_268 = arith.constant 10 : i32
    %scan3A_269 = arith.addi %scan3A_267, %scan3A_268 : i32
    %scan3A_270 = arith.constant 1 : i32
    %scan3A_271 = scf.for %scan3A_314 = %scan3A_267 to %scan3A_269 step %scan3A_270 iter_args(%scan3A_315 = %scan3A_266) -> (i32)  : i32 {
      %mul3A_316 = arith.constant 4 : i32
      %mul3A_317 = arith.muli %scan3A_314, %mul3A_316 : i32
      %add3A_318 = arith.constant 0 : i32
      %add3A_319 = arith.addi %mul3A_317, %add3A_318 : i32
      %dma_wait3A = arith.constant 0 : i32
      %dma_wait3A_320 = arith.constant 0 : i32
      %dma_wait3A_321 = arith.constant 0 : i32
      %dma_wait3A_322 = arith.constant 0 : i32
      %dma_wait3A_323 = tpu.memref_slice %arg6[%dma_wait3A_320, %dma_wait3A_321, %dma_wait3A_322] : memref<4x64x128xf32, #tpu.memory_space<vmem>> -> memref<1x64x128xf32, #tpu.memory_space<vmem>>
      %dma_wait3A_324 = tpu.memref_squeeze %dma_wait3A_323 : memref<1x64x128xf32, #tpu.memory_space<vmem>> -> memref<64x128xf32, #tpu.memory_space<vmem>>
      %dma_wait3A_325 = arith.constant 0 : i32
      %dma_wait3A_326 = tpu.memref_slice %arg7[%dma_wait3A, %dma_wait3A_325] : memref<40x64xi32, #tpu.memory_space<vmem>> -> memref<1x64xi32, #tpu.memory_space<vmem>>
      %dma_wait3A_327 = tpu.memref_squeeze %dma_wait3A_326 : memref<1x64xi32, #tpu.memory_space<vmem>> -> memref<64xi32, #tpu.memory_space<vmem>>
      %dma_wait3A_328 = arith.constant 0 : i32
      %dma_wait3A_329 = arith.constant 0 : i32
      %dma_wait3A_330 = tpu.memref_slice %arg2[%dma_wait3A_328, %dma_wait3A_329] : memref<10240x128xf32, #tpu.memory_space<hbm>> -> memref<10240x128xf32, #tpu.memory_space<hbm>>
      tpu.wait_indirect_dma semaphore(%arg10 : memref<!tpu.dma_semaphore, #tpu.memory_space<semaphore_mem>>) src(%dma_wait3A_330 : memref<10240x128xf32, #tpu.memory_space<hbm>>) dst(%dma_wait3A_324 : memref<64x128xf32, #tpu.memory_space<vmem>>)
      %run_scoped3A_331 = arith.constant 0 : i32
      "tpu.region"() ({
        %run_scoped3A_409 = tpu.sem_alloc : memref<!tpu.dma_semaphore, #tpu.memory_space<semaphore_mem>>
        %dma_start3A_410 = arith.constant 0 : i32
        %dma_start3A_411 = arith.constant 0 : i32
        %dma_start3A_412 = tpu.memref_slice %arg6[%run_scoped3A_331, %dma_start3A_410, %dma_start3A_411] : memref<4x64x128xf32, #tpu.memory_space<vmem>> -> memref<1x64x128xf32, #tpu.memory_space<vmem>>
        %dma_start3A_413 = tpu.memref_squeeze %dma_start3A_412 : memref<1x64x128xf32, #tpu.memory_space<vmem>> -> memref<64x128xf32, #tpu.memory_space<vmem>>
        %dma_start3A_414 = arith.constant 0 : i32
        %dma_start3A_415 = tpu.memref_slice %arg8[%add3A_319, %dma_start3A_414] : memref<40x64xi32, #tpu.memory_space<vmem>> -> memref<1x64xi32, #tpu.memory_space<vmem>>
        %dma_start3A_416 = tpu.memref_squeeze %dma_start3A_415 : memref<1x64xi32, #tpu.memory_space<vmem>> -> memref<64xi32, #tpu.memory_space<vmem>>
        %dma_start3A_417 = arith.constant 0 : i32
        %dma_start3A_418 = arith.constant 0 : i32
        %dma_start3A_419 = tpu.memref_slice %arg9[%dma_start3A_417, %dma_start3A_418] : memref<10240x128xf32, #tpu.memory_space<vmem_shared>> -> memref<10240x128xf32, #tpu.memory_space<vmem_shared>>
        tpu.enqueue_indirect_dma source(%dma_start3A_413 : memref<64x128xf32, #tpu.memory_space<vmem>>) target(%dma_start3A_419 : memref<10240x128xf32, #tpu.memory_space<vmem_shared>>) offsets(%dma_start3A_416 : memref<64xi32, #tpu.memory_space<vmem>>) semaphore(%run_scoped3A_409 : memref<!tpu.dma_semaphore, #tpu.memory_space<semaphore_mem>>) {add = true}
        %dma_wait3A_420 = arith.constant 0 : i32
        %dma_wait3A_421 = arith.constant 0 : i32
        %dma_wait3A_422 = tpu.memref_slice %arg6[%run_scoped3A_331, %dma_wait3A_420, %dma_wait3A_421] : memref<4x64x128xf32, #tpu.memory_space<vmem>> -> memref<1x64x128xf32, #tpu.memory_space<vmem>>
        %dma_wait3A_423 = tpu.memref_squeeze %dma_wait3A_422 : memref<1x64x128xf32, #tpu.memory_space<vmem>> -> memref<64x128xf32, #tpu.memory_space<vmem>>
        %dma_wait3A_424 = arith.constant 0 : i32
        %dma_wait3A_425 = tpu.memref_slice %arg8[%add3A_319, %dma_wait3A_424] : memref<40x64xi32, #tpu.memory_space<vmem>> -> memref<1x64xi32, #tpu.memory_space<vmem>>
        %dma_wait3A_426 = tpu.memref_squeeze %dma_wait3A_425 : memref<1x64xi32, #tpu.memory_space<vmem>> -> memref<64xi32, #tpu.memory_space<vmem>>
        %dma_wait3A_427 = arith.constant 0 : i32
        %dma_wait3A_428 = arith.constant 0 : i32
        %dma_wait3A_429 = tpu.memref_slice %arg9[%dma_wait3A_427, %dma_wait3A_428] : memref<10240x128xf32, #tpu.memory_space<vmem_shared>> -> memref<10240x128xf32, #tpu.memory_space<vmem_shared>>
        tpu.wait_indirect_dma semaphore(%run_scoped3A_409 : memref<!tpu.dma_semaphore, #tpu.memory_space<semaphore_mem>>) src(%dma_wait3A_423 : memref<64x128xf32, #tpu.memory_space<vmem>>) dst(%dma_wait3A_429 : memref<10240x128xf32, #tpu.memory_space<vmem_shared>>)
        tpu.yield
      }) : () -> ()
      %add3A_332 = arith.constant 4 : i32
      %add3A_333 = arith.addi %add3A_319, %add3A_332 : i32
      %lt3A = arith.constant 40 : i32
      %lt3A_334 = arith.cmpi slt, %add3A_333, %lt3A : i32
      %convert_element_type3A = arith.extui %lt3A_334 : i1 to i32
      %cond3A = arith.constant 0 : i32
      %cond3A_335 = arith.cmpi ne, %convert_element_type3A, %cond3A : i32
      scf.if %cond3A_335 {
        %dma_start3A_409 = arith.constant 0 : i32
        %dma_start3A_410 = arith.constant 0 : i32
        %dma_start3A_411 = arith.constant 0 : i32
        %dma_start3A_412 = tpu.memref_slice %arg6[%dma_start3A_409, %dma_start3A_410, %dma_start3A_411] : memref<4x64x128xf32, #tpu.memory_space<vmem>> -> memref<1x64x128xf32, #tpu.memory_space<vmem>>
        %dma_start3A_413 = tpu.memref_squeeze %dma_start3A_412 : memref<1x64x128xf32, #tpu.memory_space<vmem>> -> memref<64x128xf32, #tpu.memory_space<vmem>>
        %dma_start3A_414 = arith.constant 0 : i32
        %dma_start3A_415 = tpu.memref_slice %arg7[%add3A_333, %dma_start3A_414] : memref<40x64xi32, #tpu.memory_space<vmem>> -> memref<1x64xi32, #tpu.memory_space<vmem>>
        %dma_start3A_416 = tpu.memref_squeeze %dma_start3A_415 : memref<1x64xi32, #tpu.memory_space<vmem>> -> memref<64xi32, #tpu.memory_space<vmem>>
        %dma_start3A_417 = arith.constant 0 : i32
        %dma_start3A_418 = arith.constant 0 : i32
        %dma_start3A_419 = tpu.memref_slice %arg2[%dma_start3A_417, %dma_start3A_418] : memref<10240x128xf32, #tpu.memory_space<hbm>> -> memref<10240x128xf32, #tpu.memory_space<hbm>>
        tpu.enqueue_indirect_dma source(%dma_start3A_419 : memref<10240x128xf32, #tpu.memory_space<hbm>>) target(%dma_start3A_413 : memref<64x128xf32, #tpu.memory_space<vmem>>) offsets(%dma_start3A_416 : memref<64xi32, #tpu.memory_space<vmem>>) semaphore(%arg10 : memref<!tpu.dma_semaphore, #tpu.memory_space<semaphore_mem>>)
      } else {
      }
      %mul3A_336 = arith.constant 4 : i32
      %mul3A_337 = arith.muli %scan3A_314, %mul3A_336 : i32
      %add3A_338 = arith.constant 1 : i32
      %add3A_339 = arith.addi %mul3A_337, %add3A_338 : i32
      %dma_wait3A_340 = arith.constant 1 : i32
      %dma_wait3A_341 = arith.constant 1 : i32
      %dma_wait3A_342 = arith.constant 0 : i32
      %dma_wait3A_343 = arith.constant 0 : i32
      %dma_wait3A_344 = tpu.memref_slice %arg6[%dma_wait3A_341, %dma_wait3A_342, %dma_wait3A_343] : memref<4x64x128xf32, #tpu.memory_space<vmem>> -> memref<1x64x128xf32, #tpu.memory_space<vmem>>
      %dma_wait3A_345 = tpu.memref_squeeze %dma_wait3A_344 : memref<1x64x128xf32, #tpu.memory_space<vmem>> -> memref<64x128xf32, #tpu.memory_space<vmem>>
      %dma_wait3A_346 = arith.constant 0 : i32
      %dma_wait3A_347 = tpu.memref_slice %arg7[%dma_wait3A_340, %dma_wait3A_346] : memref<40x64xi32, #tpu.memory_space<vmem>> -> memref<1x64xi32, #tpu.memory_space<vmem>>
      %dma_wait3A_348 = tpu.memref_squeeze %dma_wait3A_347 : memref<1x64xi32, #tpu.memory_space<vmem>> -> memref<64xi32, #tpu.memory_space<vmem>>
      %dma_wait3A_349 = arith.constant 0 : i32
      %dma_wait3A_350 = arith.constant 0 : i32
      %dma_wait3A_351 = tpu.memref_slice %arg2[%dma_wait3A_349, %dma_wait3A_350] : memref<10240x128xf32, #tpu.memory_space<hbm>> -> memref<10240x128xf32, #tpu.memory_space<hbm>>
      tpu.wait_indirect_dma semaphore(%arg11 : memref<!tpu.dma_semaphore, #tpu.memory_space<semaphore_mem>>) src(%dma_wait3A_351 : memref<10240x128xf32, #tpu.memory_space<hbm>>) dst(%dma_wait3A_345 : memref<64x128xf32, #tpu.memory_space<vmem>>)
      %run_scoped3A_352 = arith.constant 1 : i32
      "tpu.region"() ({
        %run_scoped3A_409 = tpu.sem_alloc : memref<!tpu.dma_semaphore, #tpu.memory_space<semaphore_mem>>
        %dma_start3A_410 = arith.constant 0 : i32
        %dma_start3A_411 = arith.constant 0 : i32
        %dma_start3A_412 = tpu.memref_slice %arg6[%run_scoped3A_352, %dma_start3A_410, %dma_start3A_411] : memref<4x64x128xf32, #tpu.memory_space<vmem>> -> memref<1x64x128xf32, #tpu.memory_space<vmem>>
        %dma_start3A_413 = tpu.memref_squeeze %dma_start3A_412 : memref<1x64x128xf32, #tpu.memory_space<vmem>> -> memref<64x128xf32, #tpu.memory_space<vmem>>
        %dma_start3A_414 = arith.constant 0 : i32
        %dma_start3A_415 = tpu.memref_slice %arg8[%add3A_339, %dma_start3A_414] : memref<40x64xi32, #tpu.memory_space<vmem>> -> memref<1x64xi32, #tpu.memory_space<vmem>>
        %dma_start3A_416 = tpu.memref_squeeze %dma_start3A_415 : memref<1x64xi32, #tpu.memory_space<vmem>> -> memref<64xi32, #tpu.memory_space<vmem>>
        %dma_start3A_417 = arith.constant 0 : i32
        %dma_start3A_418 = arith.constant 0 : i32
        %dma_start3A_419 = tpu.memref_slice %arg9[%dma_start3A_417, %dma_start3A_418] : memref<10240x128xf32, #tpu.memory_space<vmem_shared>> -> memref<10240x128xf32, #tpu.memory_space<vmem_shared>>
        tpu.enqueue_indirect_dma source(%dma_start3A_413 : memref<64x128xf32, #tpu.memory_space<vmem>>) target(%dma_start3A_419 : memref<10240x128xf32, #tpu.memory_space<vmem_shared>>) offsets(%dma_start3A_416 : memref<64xi32, #tpu.memory_space<vmem>>) semaphore(%run_scoped3A_409 : memref<!tpu.dma_semaphore, #tpu.memory_space<semaphore_mem>>) {add = true}
        %dma_wait3A_420 = arith.constant 0 : i32
        %dma_wait3A_421 = arith.constant 0 : i32
        %dma_wait3A_422 = tpu.memref_slice %arg6[%run_scoped3A_352, %dma_wait3A_420, %dma_wait3A_421] : memref<4x64x128xf32, #tpu.memory_space<vmem>> -> memref<1x64x128xf32, #tpu.memory_space<vmem>>
        %dma_wait3A_423 = tpu.memref_squeeze %dma_wait3A_422 : memref<1x64x128xf32, #tpu.memory_space<vmem>> -> memref<64x128xf32, #tpu.memory_space<vmem>>
        %dma_wait3A_424 = arith.constant 0 : i32
        %dma_wait3A_425 = tpu.memref_slice %arg8[%add3A_339, %dma_wait3A_424] : memref<40x64xi32, #tpu.memory_space<vmem>> -> memref<1x64xi32, #tpu.memory_space<vmem>>
        %dma_wait3A_426 = tpu.memref_squeeze %dma_wait3A_425 : memref<1x64xi32, #tpu.memory_space<vmem>> -> memref<64xi32, #tpu.memory_space<vmem>>
        %dma_wait3A_427 = arith.constant 0 : i32
        %dma_wait3A_428 = arith.constant 0 : i32
        %dma_wait3A_429 = tpu.memref_slice %arg9[%dma_wait3A_427, %dma_wait3A_428] : memref<10240x128xf32, #tpu.memory_space<vmem_shared>> -> memref<10240x128xf32, #tpu.memory_space<vmem_shared>>
        tpu.wait_indirect_dma semaphore(%run_scoped3A_409 : memref<!tpu.dma_semaphore, #tpu.memory_space<semaphore_mem>>) src(%dma_wait3A_423 : memref<64x128xf32, #tpu.memory_space<vmem>>) dst(%dma_wait3A_429 : memref<10240x128xf32, #tpu.memory_space<vmem_shared>>)
        tpu.yield
      }) : () -> ()
      %add3A_353 = arith.constant 4 : i32
      %add3A_354 = arith.addi %add3A_339, %add3A_353 : i32
      %lt3A_355 = arith.constant 40 : i32
      %lt3A_356 = arith.cmpi slt, %add3A_354, %lt3A_355 : i32
      %convert_element_type3A_357 = arith.extui %lt3A_356 : i1 to i32
      %cond3A_358 = arith.constant 0 : i32
      %cond3A_359 = arith.cmpi ne, %convert_element_type3A_357, %cond3A_358 : i32
      scf.if %cond3A_359 {
        %dma_start3A_409 = arith.constant 1 : i32
        %dma_start3A_410 = arith.constant 0 : i32
        %dma_start3A_411 = arith.constant 0 : i32
        %dma_start3A_412 = tpu.memref_slice %arg6[%dma_start3A_409, %dma_start3A_410, %dma_start3A_411] : memref<4x64x128xf32, #tpu.memory_space<vmem>> -> memref<1x64x128xf32, #tpu.memory_space<vmem>>
        %dma_start3A_413 = tpu.memref_squeeze %dma_start3A_412 : memref<1x64x128xf32, #tpu.memory_space<vmem>> -> memref<64x128xf32, #tpu.memory_space<vmem>>
        %dma_start3A_414 = arith.constant 0 : i32
        %dma_start3A_415 = tpu.memref_slice %arg7[%add3A_354, %dma_start3A_414] : memref<40x64xi32, #tpu.memory_space<vmem>> -> memref<1x64xi32, #tpu.memory_space<vmem>>
        %dma_start3A_416 = tpu.memref_squeeze %dma_start3A_415 : memref<1x64xi32, #tpu.memory_space<vmem>> -> memref<64xi32, #tpu.memory_space<vmem>>
        %dma_start3A_417 = arith.constant 0 : i32
        %dma_start3A_418 = arith.constant 0 : i32
        %dma_start3A_419 = tpu.memref_slice %arg2[%dma_start3A_417, %dma_start3A_418] : memref<10240x128xf32, #tpu.memory_space<hbm>> -> memref<10240x128xf32, #tpu.memory_space<hbm>>
        tpu.enqueue_indirect_dma source(%dma_start3A_419 : memref<10240x128xf32, #tpu.memory_space<hbm>>) target(%dma_start3A_413 : memref<64x128xf32, #tpu.memory_space<vmem>>) offsets(%dma_start3A_416 : memref<64xi32, #tpu.memory_space<vmem>>) semaphore(%arg11 : memref<!tpu.dma_semaphore, #tpu.memory_space<semaphore_mem>>)
      } else {
      }
      %mul3A_360 = arith.constant 4 : i32
      %mul3A_361 = arith.muli %scan3A_314, %mul3A_360 : i32
      %add3A_362 = arith.constant 2 : i32
      %add3A_363 = arith.addi %mul3A_361, %add3A_362 : i32
      %dma_wait3A_364 = arith.constant 2 : i32
      %dma_wait3A_365 = arith.constant 2 : i32
      %dma_wait3A_366 = arith.constant 0 : i32
      %dma_wait3A_367 = arith.constant 0 : i32
      %dma_wait3A_368 = tpu.memref_slice %arg6[%dma_wait3A_365, %dma_wait3A_366, %dma_wait3A_367] : memref<4x64x128xf32, #tpu.memory_space<vmem>> -> memref<1x64x128xf32, #tpu.memory_space<vmem>>
      %dma_wait3A_369 = tpu.memref_squeeze %dma_wait3A_368 : memref<1x64x128xf32, #tpu.memory_space<vmem>> -> memref<64x128xf32, #tpu.memory_space<vmem>>
      %dma_wait3A_370 = arith.constant 0 : i32
      %dma_wait3A_371 = tpu.memref_slice %arg7[%dma_wait3A_364, %dma_wait3A_370] : memref<40x64xi32, #tpu.memory_space<vmem>> -> memref<1x64xi32, #tpu.memory_space<vmem>>
      %dma_wait3A_372 = tpu.memref_squeeze %dma_wait3A_371 : memref<1x64xi32, #tpu.memory_space<vmem>> -> memref<64xi32, #tpu.memory_space<vmem>>
      %dma_wait3A_373 = arith.constant 0 : i32
      %dma_wait3A_374 = arith.constant 0 : i32
      %dma_wait3A_375 = tpu.memref_slice %arg2[%dma_wait3A_373, %dma_wait3A_374] : memref<10240x128xf32, #tpu.memory_space<hbm>> -> memref<10240x128xf32, #tpu.memory_space<hbm>>
      tpu.wait_indirect_dma semaphore(%arg12 : memref<!tpu.dma_semaphore, #tpu.memory_space<semaphore_mem>>) src(%dma_wait3A_375 : memref<10240x128xf32, #tpu.memory_space<hbm>>) dst(%dma_wait3A_369 : memref<64x128xf32, #tpu.memory_space<vmem>>)
      %run_scoped3A_376 = arith.constant 2 : i32
      "tpu.region"() ({
        %run_scoped3A_409 = tpu.sem_alloc : memref<!tpu.dma_semaphore, #tpu.memory_space<semaphore_mem>>
        %dma_start3A_410 = arith.constant 0 : i32
        %dma_start3A_411 = arith.constant 0 : i32
        %dma_start3A_412 = tpu.memref_slice %arg6[%run_scoped3A_376, %dma_start3A_410, %dma_start3A_411] : memref<4x64x128xf32, #tpu.memory_space<vmem>> -> memref<1x64x128xf32, #tpu.memory_space<vmem>>
        %dma_start3A_413 = tpu.memref_squeeze %dma_start3A_412 : memref<1x64x128xf32, #tpu.memory_space<vmem>> -> memref<64x128xf32, #tpu.memory_space<vmem>>
        %dma_start3A_414 = arith.constant 0 : i32
        %dma_start3A_415 = tpu.memref_slice %arg8[%add3A_363, %dma_start3A_414] : memref<40x64xi32, #tpu.memory_space<vmem>> -> memref<1x64xi32, #tpu.memory_space<vmem>>
        %dma_start3A_416 = tpu.memref_squeeze %dma_start3A_415 : memref<1x64xi32, #tpu.memory_space<vmem>> -> memref<64xi32, #tpu.memory_space<vmem>>
        %dma_start3A_417 = arith.constant 0 : i32
        %dma_start3A_418 = arith.constant 0 : i32
        %dma_start3A_419 = tpu.memref_slice %arg9[%dma_start3A_417, %dma_start3A_418] : memref<10240x128xf32, #tpu.memory_space<vmem_shared>> -> memref<10240x128xf32, #tpu.memory_space<vmem_shared>>
        tpu.enqueue_indirect_dma source(%dma_start3A_413 : memref<64x128xf32, #tpu.memory_space<vmem>>) target(%dma_start3A_419 : memref<10240x128xf32, #tpu.memory_space<vmem_shared>>) offsets(%dma_start3A_416 : memref<64xi32, #tpu.memory_space<vmem>>) semaphore(%run_scoped3A_409 : memref<!tpu.dma_semaphore, #tpu.memory_space<semaphore_mem>>) {add = true}
        %dma_wait3A_420 = arith.constant 0 : i32
        %dma_wait3A_421 = arith.constant 0 : i32
        %dma_wait3A_422 = tpu.memref_slice %arg6[%run_scoped3A_376, %dma_wait3A_420, %dma_wait3A_421] : memref<4x64x128xf32, #tpu.memory_space<vmem>> -> memref<1x64x128xf32, #tpu.memory_space<vmem>>
        %dma_wait3A_423 = tpu.memref_squeeze %dma_wait3A_422 : memref<1x64x128xf32, #tpu.memory_space<vmem>> -> memref<64x128xf32, #tpu.memory_space<vmem>>
        %dma_wait3A_424 = arith.constant 0 : i32
        %dma_wait3A_425 = tpu.memref_slice %arg8[%add3A_363, %dma_wait3A_424] : memref<40x64xi32, #tpu.memory_space<vmem>> -> memref<1x64xi32, #tpu.memory_space<vmem>>
        %dma_wait3A_426 = tpu.memref_squeeze %dma_wait3A_425 : memref<1x64xi32, #tpu.memory_space<vmem>> -> memref<64xi32, #tpu.memory_space<vmem>>
        %dma_wait3A_427 = arith.constant 0 : i32
        %dma_wait3A_428 = arith.constant 0 : i32
        %dma_wait3A_429 = tpu.memref_slice %arg9[%dma_wait3A_427, %dma_wait3A_428] : memref<10240x128xf32, #tpu.memory_space<vmem_shared>> -> memref<10240x128xf32, #tpu.memory_space<vmem_shared>>
        tpu.wait_indirect_dma semaphore(%run_scoped3A_409 : memref<!tpu.dma_semaphore, #tpu.memory_space<semaphore_mem>>) src(%dma_wait3A_423 : memref<64x128xf32, #tpu.memory_space<vmem>>) dst(%dma_wait3A_429 : memref<10240x128xf32, #tpu.memory_space<vmem_shared>>)
        tpu.yield
      }) : () -> ()
      %add3A_377 = arith.constant 4 : i32
      %add3A_378 = arith.addi %add3A_363, %add3A_377 : i32
      %lt3A_379 = arith.constant 40 : i32
      %lt3A_380 = arith.cmpi slt, %add3A_378, %lt3A_379 : i32
      %convert_element_type3A_381 = arith.extui %lt3A_380 : i1 to i32
      %cond3A_382 = arith.constant 0 : i32
      %cond3A_383 = arith.cmpi ne, %convert_element_type3A_381, %cond3A_382 : i32
      scf.if %cond3A_383 {
        %dma_start3A_409 = arith.constant 2 : i32
        %dma_start3A_410 = arith.constant 0 : i32
        %dma_start3A_411 = arith.constant 0 : i32
        %dma_start3A_412 = tpu.memref_slice %arg6[%dma_start3A_409, %dma_start3A_410, %dma_start3A_411] : memref<4x64x128xf32, #tpu.memory_space<vmem>> -> memref<1x64x128xf32, #tpu.memory_space<vmem>>
        %dma_start3A_413 = tpu.memref_squeeze %dma_start3A_412 : memref<1x64x128xf32, #tpu.memory_space<vmem>> -> memref<64x128xf32, #tpu.memory_space<vmem>>
        %dma_start3A_414 = arith.constant 0 : i32
        %dma_start3A_415 = tpu.memref_slice %arg7[%add3A_378, %dma_start3A_414] : memref<40x64xi32, #tpu.memory_space<vmem>> -> memref<1x64xi32, #tpu.memory_space<vmem>>
        %dma_start3A_416 = tpu.memref_squeeze %dma_start3A_415 : memref<1x64xi32, #tpu.memory_space<vmem>> -> memref<64xi32, #tpu.memory_space<vmem>>
        %dma_start3A_417 = arith.constant 0 : i32
        %dma_start3A_418 = arith.constant 0 : i32
        %dma_start3A_419 = tpu.memref_slice %arg2[%dma_start3A_417, %dma_start3A_418] : memref<10240x128xf32, #tpu.memory_space<hbm>> -> memref<10240x128xf32, #tpu.memory_space<hbm>>
        tpu.enqueue_indirect_dma source(%dma_start3A_419 : memref<10240x128xf32, #tpu.memory_space<hbm>>) target(%dma_start3A_413 : memref<64x128xf32, #tpu.memory_space<vmem>>) offsets(%dma_start3A_416 : memref<64xi32, #tpu.memory_space<vmem>>) semaphore(%arg12 : memref<!tpu.dma_semaphore, #tpu.memory_space<semaphore_mem>>)
      } else {
      }
      %mul3A_384 = arith.constant 4 : i32
      %mul3A_385 = arith.muli %scan3A_314, %mul3A_384 : i32
      %add3A_386 = arith.constant 3 : i32
      %add3A_387 = arith.addi %mul3A_385, %add3A_386 : i32
      %dma_wait3A_388 = arith.constant 3 : i32
      %dma_wait3A_389 = arith.constant 3 : i32
      %dma_wait3A_390 = arith.constant 0 : i32
      %dma_wait3A_391 = arith.constant 0 : i32
      %dma_wait3A_392 = tpu.memref_slice %arg6[%dma_wait3A_389, %dma_wait3A_390, %dma_wait3A_391] : memref<4x64x128xf32, #tpu.memory_space<vmem>> -> memref<1x64x128xf32, #tpu.memory_space<vmem>>
      %dma_wait3A_393 = tpu.memref_squeeze %dma_wait3A_392 : memref<1x64x128xf32, #tpu.memory_space<vmem>> -> memref<64x128xf32, #tpu.memory_space<vmem>>
      %dma_wait3A_394 = arith.constant 0 : i32
      %dma_wait3A_395 = tpu.memref_slice %arg7[%dma_wait3A_388, %dma_wait3A_394] : memref<40x64xi32, #tpu.memory_space<vmem>> -> memref<1x64xi32, #tpu.memory_space<vmem>>
      %dma_wait3A_396 = tpu.memref_squeeze %dma_wait3A_395 : memref<1x64xi32, #tpu.memory_space<vmem>> -> memref<64xi32, #tpu.memory_space<vmem>>
      %dma_wait3A_397 = arith.constant 0 : i32
      %dma_wait3A_398 = arith.constant 0 : i32
      %dma_wait3A_399 = tpu.memref_slice %arg2[%dma_wait3A_397, %dma_wait3A_398] : memref<10240x128xf32, #tpu.memory_space<hbm>> -> memref<10240x128xf32, #tpu.memory_space<hbm>>
      tpu.wait_indirect_dma semaphore(%arg13 : memref<!tpu.dma_semaphore, #tpu.memory_space<semaphore_mem>>) src(%dma_wait3A_399 : memref<10240x128xf32, #tpu.memory_space<hbm>>) dst(%dma_wait3A_393 : memref<64x128xf32, #tpu.memory_space<vmem>>)
      %run_scoped3A_400 = arith.constant 3 : i32
      "tpu.region"() ({
        %run_scoped3A_409 = tpu.sem_alloc : memref<!tpu.dma_semaphore, #tpu.memory_space<semaphore_mem>>
        %dma_start3A_410 = arith.constant 0 : i32
        %dma_start3A_411 = arith.constant 0 : i32
        %dma_start3A_412 = tpu.memref_slice %arg6[%run_scoped3A_400, %dma_start3A_410, %dma_start3A_411] : memref<4x64x128xf32, #tpu.memory_space<vmem>> -> memref<1x64x128xf32, #tpu.memory_space<vmem>>
        %dma_start3A_413 = tpu.memref_squeeze %dma_start3A_412 : memref<1x64x128xf32, #tpu.memory_space<vmem>> -> memref<64x128xf32, #tpu.memory_space<vmem>>
        %dma_start3A_414 = arith.constant 0 : i32
        %dma_start3A_415 = tpu.memref_slice %arg8[%add3A_387, %dma_start3A_414] : memref<40x64xi32, #tpu.memory_space<vmem>> -> memref<1x64xi32, #tpu.memory_space<vmem>>
        %dma_start3A_416 = tpu.memref_squeeze %dma_start3A_415 : memref<1x64xi32, #tpu.memory_space<vmem>> -> memref<64xi32, #tpu.memory_space<vmem>>
        %dma_start3A_417 = arith.constant 0 : i32
        %dma_start3A_418 = arith.constant 0 : i32
        %dma_start3A_419 = tpu.memref_slice %arg9[%dma_start3A_417, %dma_start3A_418] : memref<10240x128xf32, #tpu.memory_space<vmem_shared>> -> memref<10240x128xf32, #tpu.memory_space<vmem_shared>>
        tpu.enqueue_indirect_dma source(%dma_start3A_413 : memref<64x128xf32, #tpu.memory_space<vmem>>) target(%dma_start3A_419 : memref<10240x128xf32, #tpu.memory_space<vmem_shared>>) offsets(%dma_start3A_416 : memref<64xi32, #tpu.memory_space<vmem>>) semaphore(%run_scoped3A_409 : memref<!tpu.dma_semaphore, #tpu.memory_space<semaphore_mem>>) {add = true}
        %dma_wait3A_420 = arith.constant 0 : i32
        %dma_wait3A_421 = arith.constant 0 : i32
        %dma_wait3A_422 = tpu.memref_slice %arg6[%run_scoped3A_400, %dma_wait3A_420, %dma_wait3A_421] : memref<4x64x128xf32, #tpu.memory_space<vmem>> -> memref<1x64x128xf32, #tpu.memory_space<vmem>>
        %dma_wait3A_423 = tpu.memref_squeeze %dma_wait3A_422 : memref<1x64x128xf32, #tpu.memory_space<vmem>> -> memref<64x128xf32, #tpu.memory_space<vmem>>
        %dma_wait3A_424 = arith.constant 0 : i32
        %dma_wait3A_425 = tpu.memref_slice %arg8[%add3A_387, %dma_wait3A_424] : memref<40x64xi32, #tpu.memory_space<vmem>> -> memref<1x64xi32, #tpu.memory_space<vmem>>
        %dma_wait3A_426 = tpu.memref_squeeze %dma_wait3A_425 : memref<1x64xi32, #tpu.memory_space<vmem>> -> memref<64xi32, #tpu.memory_space<vmem>>
        %dma_wait3A_427 = arith.constant 0 : i32
        %dma_wait3A_428 = arith.constant 0 : i32
        %dma_wait3A_429 = tpu.memref_slice %arg9[%dma_wait3A_427, %dma_wait3A_428] : memref<10240x128xf32, #tpu.memory_space<vmem_shared>> -> memref<10240x128xf32, #tpu.memory_space<vmem_shared>>
        tpu.wait_indirect_dma semaphore(%run_scoped3A_409 : memref<!tpu.dma_semaphore, #tpu.memory_space<semaphore_mem>>) src(%dma_wait3A_423 : memref<64x128xf32, #tpu.memory_space<vmem>>) dst(%dma_wait3A_429 : memref<10240x128xf32, #tpu.memory_space<vmem_shared>>)
        tpu.yield
      }) : () -> ()
      %add3A_401 = arith.constant 4 : i32
      %add3A_402 = arith.addi %add3A_387, %add3A_401 : i32
      %lt3A_403 = arith.constant 40 : i32
      %lt3A_404 = arith.cmpi slt, %add3A_402, %lt3A_403 : i32
      %convert_element_type3A_405 = arith.extui %lt3A_404 : i1 to i32
      %cond3A_406 = arith.constant 0 : i32
      %cond3A_407 = arith.cmpi ne, %convert_element_type3A_405, %cond3A_406 : i32
      scf.if %cond3A_407 {
        %dma_start3A_409 = arith.constant 3 : i32
        %dma_start3A_410 = arith.constant 0 : i32
        %dma_start3A_411 = arith.constant 0 : i32
        %dma_start3A_412 = tpu.memref_slice %arg6[%dma_start3A_409, %dma_start3A_410, %dma_start3A_411] : memref<4x64x128xf32, #tpu.memory_space<vmem>> -> memref<1x64x128xf32, #tpu.memory_space<vmem>>
        %dma_start3A_413 = tpu.memref_squeeze %dma_start3A_412 : memref<1x64x128xf32, #tpu.memory_space<vmem>> -> memref<64x128xf32, #tpu.memory_space<vmem>>
        %dma_start3A_414 = arith.constant 0 : i32
        %dma_start3A_415 = tpu.memref_slice %arg7[%add3A_402, %dma_start3A_414] : memref<40x64xi32, #tpu.memory_space<vmem>> -> memref<1x64xi32, #tpu.memory_space<vmem>>
        %dma_start3A_416 = tpu.memref_squeeze %dma_start3A_415 : memref<1x64xi32, #tpu.memory_space<vmem>> -> memref<64xi32, #tpu.memory_space<vmem>>
        %dma_start3A_417 = arith.constant 0 : i32
        %dma_start3A_418 = arith.constant 0 : i32
        %dma_start3A_419 = tpu.memref_slice %arg2[%dma_start3A_417, %dma_start3A_418] : memref<10240x128xf32, #tpu.memory_space<hbm>> -> memref<10240x128xf32, #tpu.memory_space<hbm>>
        tpu.enqueue_indirect_dma source(%dma_start3A_419 : memref<10240x128xf32, #tpu.memory_space<hbm>>) target(%dma_start3A_413 : memref<64x128xf32, #tpu.memory_space<vmem>>) offsets(%dma_start3A_416 : memref<64xi32, #tpu.memory_space<vmem>>) semaphore(%arg13 : memref<!tpu.dma_semaphore, #tpu.memory_space<semaphore_mem>>)
      } else {
      }
      %scan3A_408 = arith.constant 0 : i32
      scf.yield %scan3A_408 : i32
    }
    %scan3A_272 = arith.constant 10 : i32
    %barrier3A_273 = arith.constant 0 : index
    tpu.barrier barrier_id(%barrier3A_273)
    %add3A_274 = arith.constant 0 : i32
    %add3A_275 = arith.addi %mul3A_8, %add3A_274 : i32
    %add3A_276 = arith.constant 0 : i32
    %add3A_277 = arith.addi %mul3A_8, %add3A_276 : i32
    "tpu.region"() ({
      %run_scoped3A_314 = tpu.sem_alloc : memref<!tpu.dma_semaphore, #tpu.memory_space<semaphore_mem>>
      %dma_start3A_315 = arith.constant 0 : i32
      %dma_start3A_316 = tpu.memref_slice %arg5[%arg0, %add3A_277, %dma_start3A_315] : memref<2x10240x128xf32, #tpu.memory_space<hbm>> -> memref<1x64x128xf32, #tpu.memory_space<hbm>>
      %dma_start3A_317 = tpu.memref_squeeze %dma_start3A_316 : memref<1x64x128xf32, #tpu.memory_space<hbm>> -> memref<64x128xf32, #tpu.memory_space<hbm>>
      %dma_start3A_318 = arith.constant 0 : i32
      %dma_start3A_319 = tpu.memref_slice %arg9[%add3A_275, %dma_start3A_318] : memref<10240x128xf32, #tpu.memory_space<vmem_shared>> -> memref<64x128xf32, #tpu.memory_space<vmem_shared>>
      tpu.enqueue_dma source(%dma_start3A_319 : memref<64x128xf32, #tpu.memory_space<vmem_shared>>) target(%dma_start3A_317 : memref<64x128xf32, #tpu.memory_space<hbm>>) target_semaphore(%run_scoped3A_314 : memref<!tpu.dma_semaphore, #tpu.memory_space<semaphore_mem>>)
      %dma_wait3A = arith.constant 0 : i32
      %dma_wait3A_320 = tpu.memref_slice %arg5[%arg0, %add3A_277, %dma_wait3A] : memref<2x10240x128xf32, #tpu.memory_space<hbm>> -> memref<1x64x128xf32, #tpu.memory_space<hbm>>
      %dma_wait3A_321 = tpu.memref_squeeze %dma_wait3A_320 : memref<1x64x128xf32, #tpu.memory_space<hbm>> -> memref<64x128xf32, #tpu.memory_space<hbm>>
      %dma_wait3A_322 = arith.constant 0 : i32
      %dma_wait3A_323 = tpu.memref_slice %arg9[%add3A_275, %dma_wait3A_322] : memref<10240x128xf32, #tpu.memory_space<vmem_shared>> -> memref<64x128xf32, #tpu.memory_space<vmem_shared>>
      tpu.wait_dma2 semaphore(%run_scoped3A_314 : memref<!tpu.dma_semaphore, #tpu.memory_space<semaphore_mem>>) src(%dma_wait3A_323 : memref<64x128xf32, #tpu.memory_space<vmem_shared>>) dst(%dma_wait3A_321 : memref<64x128xf32, #tpu.memory_space<hbm>>)
      tpu.yield
    }) : () -> ()
    %add3A_278 = arith.constant 64 : i32
    %add3A_279 = arith.addi %mul3A_8, %add3A_278 : i32
    %add3A_280 = arith.constant 64 : i32
    %add3A_281 = arith.addi %mul3A_8, %add3A_280 : i32
    "tpu.region"() ({
      %run_scoped3A_314 = tpu.sem_alloc : memref<!tpu.dma_semaphore, #tpu.memory_space<semaphore_mem>>
      %dma_start3A_315 = arith.constant 0 : i32
      %dma_start3A_316 = tpu.memref_slice %arg5[%arg0, %add3A_281, %dma_start3A_315] : memref<2x10240x128xf32, #tpu.memory_space<hbm>> -> memref<1x64x128xf32, #tpu.memory_space<hbm>>
      %dma_start3A_317 = tpu.memref_squeeze %dma_start3A_316 : memref<1x64x128xf32, #tpu.memory_space<hbm>> -> memref<64x128xf32, #tpu.memory_space<hbm>>
      %dma_start3A_318 = arith.constant 0 : i32
      %dma_start3A_319 = tpu.memref_slice %arg9[%add3A_279, %dma_start3A_318] : memref<10240x128xf32, #tpu.memory_space<vmem_shared>> -> memref<64x128xf32, #tpu.memory_space<vmem_shared>>
      tpu.enqueue_dma source(%dma_start3A_319 : memref<64x128xf32, #tpu.memory_space<vmem_shared>>) target(%dma_start3A_317 : memref<64x128xf32, #tpu.memory_space<hbm>>) target_semaphore(%run_scoped3A_314 : memref<!tpu.dma_semaphore, #tpu.memory_space<semaphore_mem>>)
      %dma_wait3A = arith.constant 0 : i32
      %dma_wait3A_320 = tpu.memref_slice %arg5[%arg0, %add3A_281, %dma_wait3A] : memref<2x10240x128xf32, #tpu.memory_space<hbm>> -> memref<1x64x128xf32, #tpu.memory_space<hbm>>
      %dma_wait3A_321 = tpu.memref_squeeze %dma_wait3A_320 : memref<1x64x128xf32, #tpu.memory_space<hbm>> -> memref<64x128xf32, #tpu.memory_space<hbm>>
      %dma_wait3A_322 = arith.constant 0 : i32
      %dma_wait3A_323 = tpu.memref_slice %arg9[%add3A_279, %dma_wait3A_322] : memref<10240x128xf32, #tpu.memory_space<vmem_shared>> -> memref<64x128xf32, #tpu.memory_space<vmem_shared>>
      tpu.wait_dma2 semaphore(%run_scoped3A_314 : memref<!tpu.dma_semaphore, #tpu.memory_space<semaphore_mem>>) src(%dma_wait3A_323 : memref<64x128xf32, #tpu.memory_space<vmem_shared>>) dst(%dma_wait3A_321 : memref<64x128xf32, #tpu.memory_space<hbm>>)
      tpu.yield
    }) : () -> ()
    %add3A_282 = arith.constant 128 : i32
    %add3A_283 = arith.addi %mul3A_8, %add3A_282 : i32
    %add3A_284 = arith.constant 128 : i32
    %add3A_285 = arith.addi %mul3A_8, %add3A_284 : i32
    "tpu.region"() ({
      %run_scoped3A_314 = tpu.sem_alloc : memref<!tpu.dma_semaphore, #tpu.memory_space<semaphore_mem>>
      %dma_start3A_315 = arith.constant 0 : i32
      %dma_start3A_316 = tpu.memref_slice %arg5[%arg0, %add3A_285, %dma_start3A_315] : memref<2x10240x128xf32, #tpu.memory_space<hbm>> -> memref<1x64x128xf32, #tpu.memory_space<hbm>>
      %dma_start3A_317 = tpu.memref_squeeze %dma_start3A_316 : memref<1x64x128xf32, #tpu.memory_space<hbm>> -> memref<64x128xf32, #tpu.memory_space<hbm>>
      %dma_start3A_318 = arith.constant 0 : i32
      %dma_start3A_319 = tpu.memref_slice %arg9[%add3A_283, %dma_start3A_318] : memref<10240x128xf32, #tpu.memory_space<vmem_shared>> -> memref<64x128xf32, #tpu.memory_space<vmem_shared>>
      tpu.enqueue_dma source(%dma_start3A_319 : memref<64x128xf32, #tpu.memory_space<vmem_shared>>) target(%dma_start3A_317 : memref<64x128xf32, #tpu.memory_space<hbm>>) target_semaphore(%run_scoped3A_314 : memref<!tpu.dma_semaphore, #tpu.memory_space<semaphore_mem>>)
      %dma_wait3A = arith.constant 0 : i32
      %dma_wait3A_320 = tpu.memref_slice %arg5[%arg0, %add3A_285, %dma_wait3A] : memref<2x10240x128xf32, #tpu.memory_space<hbm>> -> memref<1x64x128xf32, #tpu.memory_space<hbm>>
      %dma_wait3A_321 = tpu.memref_squeeze %dma_wait3A_320 : memref<1x64x128xf32, #tpu.memory_space<hbm>> -> memref<64x128xf32, #tpu.memory_space<hbm>>
      %dma_wait3A_322 = arith.constant 0 : i32
      %dma_wait3A_323 = tpu.memref_slice %arg9[%add3A_283, %dma_wait3A_322] : memref<10240x128xf32, #tpu.memory_space<vmem_shared>> -> memref<64x128xf32, #tpu.memory_space<vmem_shared>>
      tpu.wait_dma2 semaphore(%run_scoped3A_314 : memref<!tpu.dma_semaphore, #tpu.memory_space<semaphore_mem>>) src(%dma_wait3A_323 : memref<64x128xf32, #tpu.memory_space<vmem_shared>>) dst(%dma_wait3A_321 : memref<64x128xf32, #tpu.memory_space<hbm>>)
      tpu.yield
    }) : () -> ()
    %add3A_286 = arith.constant 192 : i32
    %add3A_287 = arith.addi %mul3A_8, %add3A_286 : i32
    %add3A_288 = arith.constant 192 : i32
    %add3A_289 = arith.addi %mul3A_8, %add3A_288 : i32
    "tpu.region"() ({
      %run_scoped3A_314 = tpu.sem_alloc : memref<!tpu.dma_semaphore, #tpu.memory_space<semaphore_mem>>
      %dma_start3A_315 = arith.constant 0 : i32
      %dma_start3A_316 = tpu.memref_slice %arg5[%arg0, %add3A_289, %dma_start3A_315] : memref<2x10240x128xf32, #tpu.memory_space<hbm>> -> memref<1x64x128xf32, #tpu.memory_space<hbm>>
      %dma_start3A_317 = tpu.memref_squeeze %dma_start3A_316 : memref<1x64x128xf32, #tpu.memory_space<hbm>> -> memref<64x128xf32, #tpu.memory_space<hbm>>
      %dma_start3A_318 = arith.constant 0 : i32
      %dma_start3A_319 = tpu.memref_slice %arg9[%add3A_287, %dma_start3A_318] : memref<10240x128xf32, #tpu.memory_space<vmem_shared>> -> memref<64x128xf32, #tpu.memory_space<vmem_shared>>
      tpu.enqueue_dma source(%dma_start3A_319 : memref<64x128xf32, #tpu.memory_space<vmem_shared>>) target(%dma_start3A_317 : memref<64x128xf32, #tpu.memory_space<hbm>>) target_semaphore(%run_scoped3A_314 : memref<!tpu.dma_semaphore, #tpu.memory_space<semaphore_mem>>)
      %dma_wait3A = arith.constant 0 : i32
      %dma_wait3A_320 = tpu.memref_slice %arg5[%arg0, %add3A_289, %dma_wait3A] : memref<2x10240x128xf32, #tpu.memory_space<hbm>> -> memref<1x64x128xf32, #tpu.memory_space<hbm>>
      %dma_wait3A_321 = tpu.memref_squeeze %dma_wait3A_320 : memref<1x64x128xf32, #tpu.memory_space<hbm>> -> memref<64x128xf32, #tpu.memory_space<hbm>>
      %dma_wait3A_322 = arith.constant 0 : i32
      %dma_wait3A_323 = tpu.memref_slice %arg9[%add3A_287, %dma_wait3A_322] : memref<10240x128xf32, #tpu.memory_space<vmem_shared>> -> memref<64x128xf32, #tpu.memory_space<vmem_shared>>
      tpu.wait_dma2 semaphore(%run_scoped3A_314 : memref<!tpu.dma_semaphore, #tpu.memory_space<semaphore_mem>>) src(%dma_wait3A_323 : memref<64x128xf32, #tpu.memory_space<vmem_shared>>) dst(%dma_wait3A_321 : memref<64x128xf32, #tpu.memory_space<hbm>>)
      tpu.yield
    }) : () -> ()
    %add3A_290 = arith.constant 256 : i32
    %add3A_291 = arith.addi %mul3A_8, %add3A_290 : i32
    %add3A_292 = arith.constant 256 : i32
    %add3A_293 = arith.addi %mul3A_8, %add3A_292 : i32
    "tpu.region"() ({
      %run_scoped3A_314 = tpu.sem_alloc : memref<!tpu.dma_semaphore, #tpu.memory_space<semaphore_mem>>
      %dma_start3A_315 = arith.constant 0 : i32
      %dma_start3A_316 = tpu.memref_slice %arg5[%arg0, %add3A_293, %dma_start3A_315] : memref<2x10240x128xf32, #tpu.memory_space<hbm>> -> memref<1x64x128xf32, #tpu.memory_space<hbm>>
      %dma_start3A_317 = tpu.memref_squeeze %dma_start3A_316 : memref<1x64x128xf32, #tpu.memory_space<hbm>> -> memref<64x128xf32, #tpu.memory_space<hbm>>
      %dma_start3A_318 = arith.constant 0 : i32
      %dma_start3A_319 = tpu.memref_slice %arg9[%add3A_291, %dma_start3A_318] : memref<10240x128xf32, #tpu.memory_space<vmem_shared>> -> memref<64x128xf32, #tpu.memory_space<vmem_shared>>
      tpu.enqueue_dma source(%dma_start3A_319 : memref<64x128xf32, #tpu.memory_space<vmem_shared>>) target(%dma_start3A_317 : memref<64x128xf32, #tpu.memory_space<hbm>>) target_semaphore(%run_scoped3A_314 : memref<!tpu.dma_semaphore, #tpu.memory_space<semaphore_mem>>)
      %dma_wait3A = arith.constant 0 : i32
      %dma_wait3A_320 = tpu.memref_slice %arg5[%arg0, %add3A_293, %dma_wait3A] : memref<2x10240x128xf32, #tpu.memory_space<hbm>> -> memref<1x64x128xf32, #tpu.memory_space<hbm>>
      %dma_wait3A_321 = tpu.memref_squeeze %dma_wait3A_320 : memref<1x64x128xf32, #tpu.memory_space<hbm>> -> memref<64x128xf32, #tpu.memory_space<hbm>>
      %dma_wait3A_322 = arith.constant 0 : i32
      %dma_wait3A_323 = tpu.memref_slice %arg9[%add3A_291, %dma_wait3A_322] : memref<10240x128xf32, #tpu.memory_space<vmem_shared>> -> memref<64x128xf32, #tpu.memory_space<vmem_shared>>
      tpu.wait_dma2 semaphore(%run_scoped3A_314 : memref<!tpu.dma_semaphore, #tpu.memory_space<semaphore_mem>>) src(%dma_wait3A_323 : memref<64x128xf32, #tpu.memory_space<vmem_shared>>) dst(%dma_wait3A_321 : memref<64x128xf32, #tpu.memory_space<hbm>>)
      tpu.yield
    }) : () -> ()
    %add3A_294 = arith.constant 320 : i32
    %add3A_295 = arith.addi %mul3A_8, %add3A_294 : i32
    %add3A_296 = arith.constant 320 : i32
    %add3A_297 = arith.addi %mul3A_8, %add3A_296 : i32
    "tpu.region"() ({
      %run_scoped3A_314 = tpu.sem_alloc : memref<!tpu.dma_semaphore, #tpu.memory_space<semaphore_mem>>
      %dma_start3A_315 = arith.constant 0 : i32
      %dma_start3A_316 = tpu.memref_slice %arg5[%arg0, %add3A_297, %dma_start3A_315] : memref<2x10240x128xf32, #tpu.memory_space<hbm>> -> memref<1x64x128xf32, #tpu.memory_space<hbm>>
      %dma_start3A_317 = tpu.memref_squeeze %dma_start3A_316 : memref<1x64x128xf32, #tpu.memory_space<hbm>> -> memref<64x128xf32, #tpu.memory_space<hbm>>
      %dma_start3A_318 = arith.constant 0 : i32
      %dma_start3A_319 = tpu.memref_slice %arg9[%add3A_295, %dma_start3A_318] : memref<10240x128xf32, #tpu.memory_space<vmem_shared>> -> memref<64x128xf32, #tpu.memory_space<vmem_shared>>
      tpu.enqueue_dma source(%dma_start3A_319 : memref<64x128xf32, #tpu.memory_space<vmem_shared>>) target(%dma_start3A_317 : memref<64x128xf32, #tpu.memory_space<hbm>>) target_semaphore(%run_scoped3A_314 : memref<!tpu.dma_semaphore, #tpu.memory_space<semaphore_mem>>)
      %dma_wait3A = arith.constant 0 : i32
      %dma_wait3A_320 = tpu.memref_slice %arg5[%arg0, %add3A_297, %dma_wait3A] : memref<2x10240x128xf32, #tpu.memory_space<hbm>> -> memref<1x64x128xf32, #tpu.memory_space<hbm>>
      %dma_wait3A_321 = tpu.memref_squeeze %dma_wait3A_320 : memref<1x64x128xf32, #tpu.memory_space<hbm>> -> memref<64x128xf32, #tpu.memory_space<hbm>>
      %dma_wait3A_322 = arith.constant 0 : i32
      %dma_wait3A_323 = tpu.memref_slice %arg9[%add3A_295, %dma_wait3A_322] : memref<10240x128xf32, #tpu.memory_space<vmem_shared>> -> memref<64x128xf32, #tpu.memory_space<vmem_shared>>
      tpu.wait_dma2 semaphore(%run_scoped3A_314 : memref<!tpu.dma_semaphore, #tpu.memory_space<semaphore_mem>>) src(%dma_wait3A_323 : memref<64x128xf32, #tpu.memory_space<vmem_shared>>) dst(%dma_wait3A_321 : memref<64x128xf32, #tpu.memory_space<hbm>>)
      tpu.yield
    }) : () -> ()
    %add3A_298 = arith.constant 384 : i32
    %add3A_299 = arith.addi %mul3A_8, %add3A_298 : i32
    %add3A_300 = arith.constant 384 : i32
    %add3A_301 = arith.addi %mul3A_8, %add3A_300 : i32
    "tpu.region"() ({
      %run_scoped3A_314 = tpu.sem_alloc : memref<!tpu.dma_semaphore, #tpu.memory_space<semaphore_mem>>
      %dma_start3A_315 = arith.constant 0 : i32
      %dma_start3A_316 = tpu.memref_slice %arg5[%arg0, %add3A_301, %dma_start3A_315] : memref<2x10240x128xf32, #tpu.memory_space<hbm>> -> memref<1x64x128xf32, #tpu.memory_space<hbm>>
      %dma_start3A_317 = tpu.memref_squeeze %dma_start3A_316 : memref<1x64x128xf32, #tpu.memory_space<hbm>> -> memref<64x128xf32, #tpu.memory_space<hbm>>
      %dma_start3A_318 = arith.constant 0 : i32
      %dma_start3A_319 = tpu.memref_slice %arg9[%add3A_299, %dma_start3A_318] : memref<10240x128xf32, #tpu.memory_space<vmem_shared>> -> memref<64x128xf32, #tpu.memory_space<vmem_shared>>
      tpu.enqueue_dma source(%dma_start3A_319 : memref<64x128xf32, #tpu.memory_space<vmem_shared>>) target(%dma_start3A_317 : memref<64x128xf32, #tpu.memory_space<hbm>>) target_semaphore(%run_scoped3A_314 : memref<!tpu.dma_semaphore, #tpu.memory_space<semaphore_mem>>)
      %dma_wait3A = arith.constant 0 : i32
      %dma_wait3A_320 = tpu.memref_slice %arg5[%arg0, %add3A_301, %dma_wait3A] : memref<2x10240x128xf32, #tpu.memory_space<hbm>> -> memref<1x64x128xf32, #tpu.memory_space<hbm>>
      %dma_wait3A_321 = tpu.memref_squeeze %dma_wait3A_320 : memref<1x64x128xf32, #tpu.memory_space<hbm>> -> memref<64x128xf32, #tpu.memory_space<hbm>>
      %dma_wait3A_322 = arith.constant 0 : i32
      %dma_wait3A_323 = tpu.memref_slice %arg9[%add3A_299, %dma_wait3A_322] : memref<10240x128xf32, #tpu.memory_space<vmem_shared>> -> memref<64x128xf32, #tpu.memory_space<vmem_shared>>
      tpu.wait_dma2 semaphore(%run_scoped3A_314 : memref<!tpu.dma_semaphore, #tpu.memory_space<semaphore_mem>>) src(%dma_wait3A_323 : memref<64x128xf32, #tpu.memory_space<vmem_shared>>) dst(%dma_wait3A_321 : memref<64x128xf32, #tpu.memory_space<hbm>>)
      tpu.yield
    }) : () -> ()
    %add3A_302 = arith.constant 448 : i32
    %add3A_303 = arith.addi %mul3A_8, %add3A_302 : i32
    %add3A_304 = arith.constant 448 : i32
    %add3A_305 = arith.addi %mul3A_8, %add3A_304 : i32
    "tpu.region"() ({
      %run_scoped3A_314 = tpu.sem_alloc : memref<!tpu.dma_semaphore, #tpu.memory_space<semaphore_mem>>
      %dma_start3A_315 = arith.constant 0 : i32
      %dma_start3A_316 = tpu.memref_slice %arg5[%arg0, %add3A_305, %dma_start3A_315] : memref<2x10240x128xf32, #tpu.memory_space<hbm>> -> memref<1x64x128xf32, #tpu.memory_space<hbm>>
      %dma_start3A_317 = tpu.memref_squeeze %dma_start3A_316 : memref<1x64x128xf32, #tpu.memory_space<hbm>> -> memref<64x128xf32, #tpu.memory_space<hbm>>
      %dma_start3A_318 = arith.constant 0 : i32
      %dma_start3A_319 = tpu.memref_slice %arg9[%add3A_303, %dma_start3A_318] : memref<10240x128xf32, #tpu.memory_space<vmem_shared>> -> memref<64x128xf32, #tpu.memory_space<vmem_shared>>
      tpu.enqueue_dma source(%dma_start3A_319 : memref<64x128xf32, #tpu.memory_space<vmem_shared>>) target(%dma_start3A_317 : memref<64x128xf32, #tpu.memory_space<hbm>>) target_semaphore(%run_scoped3A_314 : memref<!tpu.dma_semaphore, #tpu.memory_space<semaphore_mem>>)
      %dma_wait3A = arith.constant 0 : i32
      %dma_wait3A_320 = tpu.memref_slice %arg5[%arg0, %add3A_305, %dma_wait3A] : memref<2x10240x128xf32, #tpu.memory_space<hbm>> -> memref<1x64x128xf32, #tpu.memory_space<hbm>>
      %dma_wait3A_321 = tpu.memref_squeeze %dma_wait3A_320 : memref<1x64x128xf32, #tpu.memory_space<hbm>> -> memref<64x128xf32, #tpu.memory_space<hbm>>
      %dma_wait3A_322 = arith.constant 0 : i32
      %dma_wait3A_323 = tpu.memref_slice %arg9[%add3A_303, %dma_wait3A_322] : memref<10240x128xf32, #tpu.memory_space<vmem_shared>> -> memref<64x128xf32, #tpu.memory_space<vmem_shared>>
      tpu.wait_dma2 semaphore(%run_scoped3A_314 : memref<!tpu.dma_semaphore, #tpu.memory_space<semaphore_mem>>) src(%dma_wait3A_323 : memref<64x128xf32, #tpu.memory_space<vmem_shared>>) dst(%dma_wait3A_321 : memref<64x128xf32, #tpu.memory_space<hbm>>)
      tpu.yield
    }) : () -> ()
    %add3A_306 = arith.constant 512 : i32
    %add3A_307 = arith.addi %mul3A_8, %add3A_306 : i32
    %add3A_308 = arith.constant 512 : i32
    %add3A_309 = arith.addi %mul3A_8, %add3A_308 : i32
    "tpu.region"() ({
      %run_scoped3A_314 = tpu.sem_alloc : memref<!tpu.dma_semaphore, #tpu.memory_space<semaphore_mem>>
      %dma_start3A_315 = arith.constant 0 : i32
      %dma_start3A_316 = tpu.memref_slice %arg5[%arg0, %add3A_309, %dma_start3A_315] : memref<2x10240x128xf32, #tpu.memory_space<hbm>> -> memref<1x64x128xf32, #tpu.memory_space<hbm>>
      %dma_start3A_317 = tpu.memref_squeeze %dma_start3A_316 : memref<1x64x128xf32, #tpu.memory_space<hbm>> -> memref<64x128xf32, #tpu.memory_space<hbm>>
      %dma_start3A_318 = arith.constant 0 : i32
      %dma_start3A_319 = tpu.memref_slice %arg9[%add3A_307, %dma_start3A_318] : memref<10240x128xf32, #tpu.memory_space<vmem_shared>> -> memref<64x128xf32, #tpu.memory_space<vmem_shared>>
      tpu.enqueue_dma source(%dma_start3A_319 : memref<64x128xf32, #tpu.memory_space<vmem_shared>>) target(%dma_start3A_317 : memref<64x128xf32, #tpu.memory_space<hbm>>) target_semaphore(%run_scoped3A_314 : memref<!tpu.dma_semaphore, #tpu.memory_space<semaphore_mem>>)
      %dma_wait3A = arith.constant 0 : i32
      %dma_wait3A_320 = tpu.memref_slice %arg5[%arg0, %add3A_309, %dma_wait3A] : memref<2x10240x128xf32, #tpu.memory_space<hbm>> -> memref<1x64x128xf32, #tpu.memory_space<hbm>>
      %dma_wait3A_321 = tpu.memref_squeeze %dma_wait3A_320 : memref<1x64x128xf32, #tpu.memory_space<hbm>> -> memref<64x128xf32, #tpu.memory_space<hbm>>
      %dma_wait3A_322 = arith.constant 0 : i32
      %dma_wait3A_323 = tpu.memref_slice %arg9[%add3A_307, %dma_wait3A_322] : memref<10240x128xf32, #tpu.memory_space<vmem_shared>> -> memref<64x128xf32, #tpu.memory_space<vmem_shared>>
      tpu.wait_dma2 semaphore(%run_scoped3A_314 : memref<!tpu.dma_semaphore, #tpu.memory_space<semaphore_mem>>) src(%dma_wait3A_323 : memref<64x128xf32, #tpu.memory_space<vmem_shared>>) dst(%dma_wait3A_321 : memref<64x128xf32, #tpu.memory_space<hbm>>)
      tpu.yield
    }) : () -> ()
    %add3A_310 = arith.constant 576 : i32
    %add3A_311 = arith.addi %mul3A_8, %add3A_310 : i32
    %add3A_312 = arith.constant 576 : i32
    %add3A_313 = arith.addi %mul3A_8, %add3A_312 : i32
    "tpu.region"() ({
      %run_scoped3A_314 = tpu.sem_alloc : memref<!tpu.dma_semaphore, #tpu.memory_space<semaphore_mem>>
      %dma_start3A_315 = arith.constant 0 : i32
      %dma_start3A_316 = tpu.memref_slice %arg5[%arg0, %add3A_313, %dma_start3A_315] : memref<2x10240x128xf32, #tpu.memory_space<hbm>> -> memref<1x64x128xf32, #tpu.memory_space<hbm>>
      %dma_start3A_317 = tpu.memref_squeeze %dma_start3A_316 : memref<1x64x128xf32, #tpu.memory_space<hbm>> -> memref<64x128xf32, #tpu.memory_space<hbm>>
      %dma_start3A_318 = arith.constant 0 : i32
      %dma_start3A_319 = tpu.memref_slice %arg9[%add3A_311, %dma_start3A_318] : memref<10240x128xf32, #tpu.memory_space<vmem_shared>> -> memref<64x128xf32, #tpu.memory_space<vmem_shared>>
      tpu.enqueue_dma source(%dma_start3A_319 : memref<64x128xf32, #tpu.memory_space<vmem_shared>>) target(%dma_start3A_317 : memref<64x128xf32, #tpu.memory_space<hbm>>) target_semaphore(%run_scoped3A_314 : memref<!tpu.dma_semaphore, #tpu.memory_space<semaphore_mem>>)
      %dma_wait3A = arith.constant 0 : i32
      %dma_wait3A_320 = tpu.memref_slice %arg5[%arg0, %add3A_313, %dma_wait3A] : memref<2x10240x128xf32, #tpu.memory_space<hbm>> -> memref<1x64x128xf32, #tpu.memory_space<hbm>>
      %dma_wait3A_321 = tpu.memref_squeeze %dma_wait3A_320 : memref<1x64x128xf32, #tpu.memory_space<hbm>> -> memref<64x128xf32, #tpu.memory_space<hbm>>
      %dma_wait3A_322 = arith.constant 0 : i32
      %dma_wait3A_323 = tpu.memref_slice %arg9[%add3A_311, %dma_wait3A_322] : memref<10240x128xf32, #tpu.memory_space<vmem_shared>> -> memref<64x128xf32, #tpu.memory_space<vmem_shared>>
      tpu.wait_dma2 semaphore(%run_scoped3A_314 : memref<!tpu.dma_semaphore, #tpu.memory_space<semaphore_mem>>) src(%dma_wait3A_323 : memref<64x128xf32, #tpu.memory_space<vmem_shared>>) dst(%dma_wait3A_321 : memref<64x128xf32, #tpu.memory_space<hbm>>)
      tpu.yield
    }) : () -> ()
    return
  }
}

module attributes {stable_mosaic.version = 14 : i64} {
  func.func @_xws_body(%arg0: i32, %arg1: memref<1024x128xf32, #tpu.memory_space<vmem>>, %arg2: memref<128x128xf32, #tpu.memory_space<vmem>>, %arg3: memref<2x1024x1xf32, #tpu.memory_space<vmem>>, %arg4: memref<1024x128xf32, #tpu.memory_space<vmem>>) attributes {dimension_semantics = [#tpu.dimension_semantics<arbitrary>], iteration_bounds = array<i64: 10>, scalar_prefetch = 0 : i64, scratch_operands = 0 : i64, tpu.core_type = #tpu.core_type<tc>, window_params = [{transform_indices = @transform_0, window_bounds = array<i64: 1024, 128>}, {pipeline_mode = #tpu.pipeline_mode<synchronous>, transform_indices = @transform_1, window_bounds = array<i64: 128, 128>}, {transform_indices = @transform_2, window_bounds = array<i64: 2, 1024, 1>}, {transform_indices = @transform_3, window_bounds = array<i64: 1024, 128>}]} {
    %get3A = arith.constant 0 : index
    %get3A_0 = arith.constant 0 : index
    %get3A_1 = arith.constant 0 : index
    %get3A_2 = vector.load %arg3[%get3A, %get3A_0, %get3A_1] : memref<2x1024x1xf32, #tpu.memory_space<vmem>>, vector<1x1024x1xf32>
    %get3A_3 = vector.shape_cast %get3A_2 : vector<1x1024x1xf32> to vector<1024x1xf32>
    %get3A_4 = arith.constant 1 : index
    %get3A_5 = arith.constant 0 : index
    %get3A_6 = arith.constant 0 : index
    %get3A_7 = vector.load %arg3[%get3A_4, %get3A_5, %get3A_6] : memref<2x1024x1xf32, #tpu.memory_space<vmem>>, vector<1x1024x1xf32>
    %get3A_8 = vector.shape_cast %get3A_7 : vector<1x1024x1xf32> to vector<1024x1xf32>
    %add3A = arith.addf %get3A_3, %get3A_8 : vector<1024x1xf32>
    %add3A_9 = arith.constant 1.000000e+00 : f32
    %add3A_10 = vector.broadcast %add3A_9 : f32 to vector<1024x1xf32>
    %add3A_11 = arith.addf %add3A, %add3A_10 : vector<1024x1xf32>
    %rsqrt3A = math.rsqrt %add3A_11 : vector<1024x1xf32>
    %get3A_12 = arith.constant 0 : index
    %get3A_13 = arith.constant 0 : index
    %get3A_14 = vector.load %arg1[%get3A_12, %get3A_13] : memref<1024x128xf32, #tpu.memory_space<vmem>>, vector<1024x128xf32>
    %get3A_15 = arith.constant 0 : index
    %get3A_16 = arith.constant 0 : index
    %get3A_17 = vector.load %arg2[%get3A_15, %get3A_16] : memref<128x128xf32, #tpu.memory_space<vmem>>, vector<128x128xf32>
    %dot_general3A = arith.constant dense<0.000000e+00> : vector<1024x128xf32>
    %dot_general3A_18 = tpu.matmul %get3A_14, %get3A_17, %dot_general3A {dimension_numbers = #tpu.dot_dimension_numbers<[1], [0], [0], [1], [0, 0, 1, 1], [], []>, transpose_lhs_hint = false} : vector<1024x128xf32>, vector<128x128xf32>, vector<1024x128xf32> -> vector<1024x128xf32>
    %mul3A = vector.broadcast %rsqrt3A : vector<1024x1xf32> to vector<1024x128xf32>
    %mul3A_19 = arith.mulf %dot_general3A_18, %mul3A : vector<1024x128xf32>
    %swap3A = arith.constant 0 : index
    %swap3A_20 = arith.constant 0 : index
    %swap3A_21 = vector.load %arg4[%swap3A, %swap3A_20] : memref<1024x128xf32, #tpu.memory_space<vmem>>, vector<1024x128xf32>
    tpu.vector_store %arg4[%swap3A, %swap3A_20], %mul3A_19 {strides = array<i32>} : memref<1024x128xf32, #tpu.memory_space<vmem>>, vector<1024x128xf32>,
    return
  }
  func.func @transform_0(%arg0: i32) -> (i32, i32) {
    %c0_i32 = arith.constant 0 : i32
    %c0_i32_0 = arith.constant 0 : i32
    return %arg0, %c0_i32 : i32, i32
  }
  func.func @transform_1(%arg0: i32) -> (i32, i32) {
    %c0_i32 = arith.constant 0 : i32
    %c0_i32_0 = arith.constant 0 : i32
    %c0_i32_1 = arith.constant 0 : i32
    return %c0_i32, %c0_i32_0 : i32, i32
  }
  func.func @transform_2(%arg0: i32) -> (i32, i32, i32) {
    %c0_i32 = arith.constant 0 : i32
    %c0_i32_0 = arith.constant 0 : i32
    %c0_i32_1 = arith.constant 0 : i32
    return %c0_i32, %arg0, %c0_i32_0 : i32, i32, i32
  }
  func.func @transform_3(%arg0: i32) -> (i32, i32) {
    %c0_i32 = arith.constant 0 : i32
    %c0_i32_0 = arith.constant 0 : i32
    return %arg0, %c0_i32 : i32, i32
  }
}

module attributes {stable_mosaic.version = 14 : i64} {
  func.func @_head_body(%arg0: i32, %arg1: memref<2x1000x128xf32, #tpu.memory_space<vmem>>, %arg2: memref<1000x128xf32, #tpu.memory_space<vmem>>, %arg3: memref<2x1000x1xf32, #tpu.memory_space<vmem>>, %arg4: memref<1x128xf32, #tpu.memory_space<vmem>>, %arg5: memref<128x64xf32, #tpu.memory_space<vmem>>, %arg6: memref<1x64xf32, #tpu.memory_space<vmem>>, %arg7: memref<1000x64xf32, #tpu.memory_space<vmem>>) attributes {dimension_semantics = [#tpu.dimension_semantics<arbitrary>], iteration_bounds = array<i64: 10>, scalar_prefetch = 0 : i64, scratch_operands = 0 : i64, tpu.core_type = #tpu.core_type<tc>, window_params = [{transform_indices = @transform_0, window_bounds = array<i64: 2, 1000, 128>}, {transform_indices = @transform_1, window_bounds = array<i64: 1000, 128>}, {transform_indices = @transform_2, window_bounds = array<i64: 2, 1000, 1>}, {pipeline_mode = #tpu.pipeline_mode<synchronous>, transform_indices = @transform_3, window_bounds = array<i64: 1, 128>}, {pipeline_mode = #tpu.pipeline_mode<synchronous>, transform_indices = @transform_4, window_bounds = array<i64: 128, 64>}, {pipeline_mode = #tpu.pipeline_mode<synchronous>, transform_indices = @transform_5, window_bounds = array<i64: 1, 64>}, {transform_indices = @transform_6, window_bounds = array<i64: 1000, 64>}]} {
    %get3A = arith.constant 0 : index
    %get3A_0 = arith.constant 0 : index
    %get3A_1 = arith.constant 0 : index
    %get3A_2 = vector.load %arg3[%get3A, %get3A_0, %get3A_1] : memref<2x1000x1xf32, #tpu.memory_space<vmem>>, vector<1x1000x1xf32>
    %get3A_3 = vector.shape_cast %get3A_2 : vector<1x1000x1xf32> to vector<1000x1xf32>
    %get3A_4 = arith.constant 1 : index
    %get3A_5 = arith.constant 0 : index
    %get3A_6 = arith.constant 0 : index
    %get3A_7 = vector.load %arg3[%get3A_4, %get3A_5, %get3A_6] : memref<2x1000x1xf32, #tpu.memory_space<vmem>>, vector<1x1000x1xf32>
    %get3A_8 = vector.shape_cast %get3A_7 : vector<1x1000x1xf32> to vector<1000x1xf32>
    %add3A = arith.addf %get3A_3, %get3A_8 : vector<1000x1xf32>
    %add3A_9 = arith.constant 1.000000e+00 : f32
    %add3A_10 = vector.broadcast %add3A_9 : f32 to vector<1000x1xf32>
    %add3A_11 = arith.addf %add3A, %add3A_10 : vector<1000x1xf32>
    %rsqrt3A = math.rsqrt %add3A_11 : vector<1000x1xf32>
    %get3A_12 = arith.constant 0 : index
    %get3A_13 = arith.constant 0 : index
    %get3A_14 = arith.constant 0 : index
    %get3A_15 = vector.load %arg1[%get3A_12, %get3A_13, %get3A_14] : memref<2x1000x128xf32, #tpu.memory_space<vmem>>, vector<1x1000x128xf32>
    %get3A_16 = vector.shape_cast %get3A_15 : vector<1x1000x128xf32> to vector<1000x128xf32>
    %get3A_17 = arith.constant 1 : index
    %get3A_18 = arith.constant 0 : index
    %get3A_19 = arith.constant 0 : index
    %get3A_20 = vector.load %arg1[%get3A_17, %get3A_18, %get3A_19] : memref<2x1000x128xf32, #tpu.memory_space<vmem>>, vector<1x1000x128xf32>
    %get3A_21 = vector.shape_cast %get3A_20 : vector<1x1000x128xf32> to vector<1000x128xf32>
    %add3A_22 = arith.addf %get3A_16, %get3A_21 : vector<1000x128xf32>
    %get3A_23 = arith.constant 0 : index
    %get3A_24 = arith.constant 0 : index
    %get3A_25 = vector.load %arg2[%get3A_23, %get3A_24] : memref<1000x128xf32, #tpu.memory_space<vmem>>, vector<1000x128xf32>
    %add3A_26 = arith.addf %add3A_22, %get3A_25 : vector<1000x128xf32>
    %mul3A = vector.broadcast %rsqrt3A : vector<1000x1xf32> to vector<1000x128xf32>
    %mul3A_27 = arith.mulf %add3A_26, %mul3A : vector<1000x128xf32>
    %get3A_28 = arith.constant 0 : index
    %get3A_29 = arith.constant 0 : index
    %get3A_30 = vector.load %arg4[%get3A_28, %get3A_29] : memref<1x128xf32, #tpu.memory_space<vmem>>, vector<1x128xf32>
    %add3A_31 = vector.broadcast %get3A_30 : vector<1x128xf32> to vector<1000x128xf32>
    %add3A_32 = arith.addf %mul3A_27, %add3A_31 : vector<1000x128xf32>
    %max3A = arith.constant 0.000000e+00 : f32
    %max3A_33 = vector.broadcast %max3A : f32 to vector<1000x128xf32>
    %max3A_34 = arith.maximumf %add3A_32, %max3A_33 : vector<1000x128xf32>
    %get3A_35 = arith.constant 0 : index
    %get3A_36 = arith.constant 0 : index
    %get3A_37 = vector.load %arg5[%get3A_35, %get3A_36] : memref<128x64xf32, #tpu.memory_space<vmem>>, vector<128x64xf32>
    %dot_general3A = arith.constant dense<0.000000e+00> : vector<1000x64xf32>
    %dot_general3A_38 = tpu.matmul %max3A_34, %get3A_37, %dot_general3A {dimension_numbers = #tpu.dot_dimension_numbers<[1], [0], [0], [1], [0, 0, 1, 1], [], []>, transpose_lhs_hint = false} : vector<1000x128xf32>, vector<128x64xf32>, vector<1000x64xf32> -> vector<1000x64xf32>
    %get3A_39 = arith.constant 0 : index
    %get3A_40 = arith.constant 0 : index
    %get3A_41 = vector.load %arg6[%get3A_39, %get3A_40] : memref<1x64xf32, #tpu.memory_space<vmem>>, vector<1x64xf32>
    %add3A_42 = vector.broadcast %get3A_41 : vector<1x64xf32> to vector<1000x64xf32>
    %add3A_43 = arith.addf %dot_general3A_38, %add3A_42 : vector<1000x64xf32>
    %swap3A = arith.constant 0 : index
    %swap3A_44 = arith.constant 0 : index
    %swap3A_45 = vector.load %arg7[%swap3A, %swap3A_44] : memref<1000x64xf32, #tpu.memory_space<vmem>>, vector<1000x64xf32>
    tpu.vector_store %arg7[%swap3A, %swap3A_44], %add3A_43 {strides = array<i32>} : memref<1000x64xf32, #tpu.memory_space<vmem>>, vector<1000x64xf32>,
    return
  }
  func.func @transform_0(%arg0: i32) -> (i32, i32, i32) {
    %c0_i32 = arith.constant 0 : i32
    %c0_i32_0 = arith.constant 0 : i32
    %c0_i32_1 = arith.constant 0 : i32
    return %c0_i32, %arg0, %c0_i32_0 : i32, i32, i32
  }
  func.func @transform_1(%arg0: i32) -> (i32, i32) {
    %c0_i32 = arith.constant 0 : i32
    %c0_i32_0 = arith.constant 0 : i32
    return %arg0, %c0_i32 : i32, i32
  }
  func.func @transform_2(%arg0: i32) -> (i32, i32, i32) {
    %c0_i32 = arith.constant 0 : i32
    %c0_i32_0 = arith.constant 0 : i32
    %c0_i32_1 = arith.constant 0 : i32
    return %c0_i32, %arg0, %c0_i32_0 : i32, i32, i32
  }
  func.func @transform_3(%arg0: i32) -> (i32, i32) {
    %c0_i32 = arith.constant 0 : i32
    %c0_i32_0 = arith.constant 0 : i32
    %c0_i32_1 = arith.constant 0 : i32
    return %c0_i32, %c0_i32_0 : i32, i32
  }
  func.func @transform_4(%arg0: i32) -> (i32, i32) {
    %c0_i32 = arith.constant 0 : i32
    %c0_i32_0 = arith.constant 0 : i32
    %c0_i32_1 = arith.constant 0 : i32
    return %c0_i32, %c0_i32_0 : i32, i32
  }
  func.func @transform_5(%arg0: i32) -> (i32, i32) {
    %c0_i32 = arith.constant 0 : i32
    %c0_i32_0 = arith.constant 0 : i32
    %c0_i32_1 = arith.constant 0 : i32
    return %c0_i32, %c0_i32_0 : i32, i32
  }
  func.func @transform_6(%arg0: i32) -> (i32, i32) {
    %c0_i32 = arith.constant 0 : i32
    %c0_i32_0 = arith.constant 0 : i32
    return %arg0, %c0_i32 : i32, i32
  }
}

</mosaic_0001>

<sc_bundles>
// kernel: kernel.6.cloned.1.call-start
scs
__scs_entry_jumppad:
0x0: {  	(pc) =	sbr.rel $0x88, $3  }
0x1: {  	(tag) =	ssettag $0x0;
	lr =	simm.s32 $0x1  }
0x2: {  	[smem:$0x3F9B] =	sst lr;
	_ =	strace $0xD0000000  }
0x3: {  	_ = 	snop  }
0x4: {  	_ = 	snop  }
0x5: {  	_ = 	snop  }
0x6: {  	_ = 	snop  }
0x7: {  	_ = 	snop  }
__scs_overlays_trampoline_lowered:
0x8: {  	[smem:$0x3FAA] =	sst s0  }
0x9: {  	[smem:$0x3FAB] =	sst s1  }
0xa: {  	[smem:$0x3FAC] =	sst s2  }
0xb: {  	[smem:$0x3FAD] =	sst s3  }
0xc: {  	[smem:$0x3FAE] =	sst s4  }
0xd: {  	[smem:$0x3FAF] =	sst s5  }
0xe: {  	[smem:$0x3FB0] =	sst s6  }
0xf: {  	[smem:$0x3FB1] =	sst s7  }
0x10: {  	[smem:$0x3FB2] =	sst s8  }
0x11: {  	[smem:$0x3FB3] =	sst s9;
	s0 =	simm.s32 @!p0 $0x0  }
0x12: {  	s1 =	sld [smem:$0x3F99];
	s0 =	simm.s32 @p0 $0x1  }
0x13: {  	[smem:$0x3FB4] =	sst s0;
	s0 =	simm.s32 @!p1 $0x0  }
0x14: {  	s2 =	sld [smem:$0x3F98];
	s0 =	simm.s32 @p1 $0x1  }
0x15: {  	[smem:$0x3FB5] =	sst s0;
	s0 =	simm.s32 @!p2 $0x0  }
0x16: {  	s3 =	sld [smem:$0x3FDB];
	s0 =	simm.s32 @p2 $0x1  }
0x17: {  	s4 =	simm.s32 $0x1BF5;
	[smem:$0x3FB7] =	sst s0  }
0x18: {  	s0 =	sld [smem:$0x3F9A];
	_ =	swait.ge [sflag:s4], $0x0  }
0x19: {  	s7 =	sld [smem:$0x3F9B]  }
0x1a: {  	s8 =	sadd.s32 $0xFFFFE003, lr  }
0x1b: {  	s9 =	sadd.s32 $0xFFFFFEF7, lr;
	s5 =	simm.s32 $0xFFFFFFFF;
	p2 =	slt.u32 s8, $0xFFFFF086  }
0x1c: {  	p1 =	slt.u32 s9, $0xF7A;
	s5 =	simm.s32 @!p2 $0x0  }
0x1d: {  	s5 =	simm.s32 @p1 $0x1;
	p0 =	seq.s32 s7, s2  }
0x1e: {  	s7 =	smul.u32 @!p0 $0xF7A, s2;
	p2 =	seq.s32 @!p0 s5, $0x0  }
0x1f: {  	s9 =	smul.u32 $0xF7A, s1;
	s8 =	simm.s32 @!p0 $0x1BF5;
	p2 =	por !p2, p0  }
0x20: {  	[sflag:s8] =	ssyncset.s32 @!p0 $0xFFFFF086;
	s6 =	sadd.s32 @!p0 s3, s7;
	s7 =	simm.s32 @!p0 $0x108  }
0x21: {  	s3 =	sadd.s32 s3, s9;
	s6 =	sadd.s32 @!p0 $0x88, s6;
	s7 =	simm.s32 @p2 $0x1082  }
0x22: {  	[simem:s7], [sflag:s8] =	dma.local @!p0 [hbm:s6], $0xF7A  }
0x23: {  	s9 =	sor.u32 $0xD0000000, s2;
	s6 =	simm.s32 $0x108;
	_ =	swait.ge @!p0 [sflag:s8], $0x0  }
0x24: {  	s3 =	sadd.s32 $0x88, s3;
	s6 =	simm.s32 @!p1 $0x1082;
	[sflag:s4] =	ssyncset.s32 $0xFFFFF086  }
0x25: {  	[simem:s6], [sflag:s4] =	dma.local [hbm:s3], $0xF7A  }
0x26: {  	[smem:$0x3F9B] =	sst s1;
	(tag) =	ssettag s2;
	_ =	strace s9  }
0x27: {  	s1 =	sld [smem:$0x3FAB]  }
0x28: {  	s2 =	sld [smem:$0x3FAC]  }
0x29: {  	s4 =	sld [smem:$0x3FAE]  }
0x2a: {  	p0 =	seq.s32 s5, $0x0;
	s5 =	sld [smem:$0x3FAF]  }
0x2b: {  	s6 =	sld [smem:$0x3FB0]  }
0x2c: {  	s7 =	sld [smem:$0x3FB1]  }
0x2d: {  	s3 =	simm.s32 $0x108;
	s8 =	sld [smem:$0x3FB2]  }
0x2e: {  	s3 =	simm.s32 @!p0 $0x1082;
	s9 =	sld [smem:$0x3FB3]  }
0x2f: {  	lr =	sadd.s32 s0, s3;
	s0 =	sld [smem:$0x3FAA]  }
0x30: {  	s3 =	sld [smem:$0x3FAD]  }
0x31: {  	[smem:$0x3FB6] =	sst s10  }
0x32: {  	s10 =	sld [smem:$0x3FB4];
	_ =	sdelay $0x3  }
0x33: {  	p0 =	seq.s32 s10, $0x1;
	s10 =	sld [smem:$0x3FB6];
	_ =	sdelay $0x3  }
0x34: {  	[smem:$0x3FB6] =	sst s10  }
0x35: {  	s10 =	sld [smem:$0x3FB5];
	_ =	sdelay $0x3  }
0x36: {  	p1 =	seq.s32 s10, $0x1;
	s10 =	sld [smem:$0x3FB6];
	_ =	sdelay $0x3  }
0x37: {  	[smem:$0x3FB6] =	sst s10  }
0x38: {  	s10 =	sld [smem:$0x3FB7]  }
0x39: {  	_ = 	snop;
	(pc) =	sbr.ind lr, $3  }
0x3a: {  	_ = 	snop  }
0x3b: {  	_ = 	snop  }
0x3c: {  	p2 =	seq.s32 s10, $0x1;
	s10 =	sld [smem:$0x3FB6]  }
0x3d: {  	_ =	shalt  }
0x3e: {  	_ =	shalt  }
0x3f: {  	_ =	shalt  }
0x40: {  	_ =	shalt  }
0x41: {  	_ =	shalt  }
0x42: {  	_ =	shalt  }
0x43: {  	_ =	shalt  }
0x44: {  	_ =	shalt  }
0x45: {  	_ =	shalt  }
0x46: {  	_ =	shalt  }
0x47: {  	_ =	shalt  }
0x48: {  	_ =	shalt  }
0x49: {  	_ =	shalt  }
0x4a: {  	_ =	shalt  }
0x4b: {  	_ =	shalt  }
0x4c: {  	_ =	shalt  }
0x4d: {  	_ =	shalt  }
0x4e: {  	_ =	shalt  }
0x4f: {  	_ =	shalt  }
0x50: {  	_ =	shalt  }
0x51: {  	_ =	shalt  }
0x52: {  	_ =	shalt  }
0x53: {  	_ =	shalt  }
0x54: {  	_ =	shalt  }
0x55: {  	_ =	shalt  }
0x56: {  	_ =	shalt  }
0x57: {  	_ =	shalt  }
0x58: {  	_ =	shalt  }
0x59: {  	_ =	shalt  }
0x5a: {  	_ =	shalt  }
0x5b: {  	_ =	shalt  }
0x5c: {  	_ =	shalt  }
0x5d: {  	_ =	shalt  }
0x5e: {  	_ =	shalt  }
0x5f: {  	_ =	shalt  }
0x60: {  	_ =	shalt  }
0x61: {  	_ =	shalt  }
0x62: {  	_ =	shalt  }
0x63: {  	_ =	shalt  }
0x64: {  	_ =	shalt  }
0x65: {  	_ =	shalt  }
0x66: {  	_ =	shalt  }
0x67: {  	_ =	shalt  }
0x68: {  	_ =	shalt  }
0x69: {  	_ =	shalt  }
0x6a: {  	_ =	shalt  }
0x6b: {  	_ =	shalt  }
0x6c: {  	_ =	shalt  }
0x6d: {  	_ =	shalt  }
0x6e: {  	_ =	shalt  }
0x6f: {  	_ =	shalt  }
0x70: {  	_ =	shalt  }
0x71: {  	_ =	shalt  }
0x72: {  	_ =	shalt  }
0x73: {  	_ =	shalt  }
0x74: {  	_ =	shalt  }
0x75: {  	_ =	shalt  }
0x76: {  	_ =	shalt  }
0x77: {  	_ =	shalt  }
0x78: {  	_ =	shalt  }
0x79: {  	_ =	shalt  }
0x7a: {  	_ =	shalt  }
0x7b: {  	_ =	shalt  }
0x7c: {  	_ =	shalt  }
0x7d: {  	_ =	shalt  }
0x7e: {  	_ =	shalt  }
0x7f: {  	_ =	shalt  }
0x80: {  	_ =	shalt  }
0x81: {  	_ =	shalt  }
0x82: {  	_ =	shalt  }
0x83: {  	_ =	shalt  }
0x84: {  	_ =	shalt  }
0x85: {  	_ =	shalt  }
0x86: {  	_ =	shalt  }
0x87: {  	_ =	shalt  }
.Lfunc_end0:
.L_simem_size_0:
called_computation_lowered:
.L_overlay_start_0:
0x88: {  	s2 =	sld [smem:$0x3FD9]  }
0x89: {  	s3 =	sld [smem:$0x3FFE];
	_ =	sdelay $0x1  }
0x8a: {  	s1 =	srdreg.scid  }
0x8b: {  	s0 =	sand.u32 $0x1, s1  }
0x8c: {  	s17 =	sshll.u32 s0, $0xA;
	s2 =	sadd.s32 s3, s2  }
0x8d: {  	s2 =	sadd.s32 s2, s17  }
0x8e: {  	[smem:$0x3FC2] =	sst s2  }
0x8f: {  	_ = 	snop  }
0x90: {  	s2 =	sld [smem:$0x3FD0];
	(tm) =	ssettm $0x1  }
0x91: {  	s18 =	sld [smem:$0x3FFB];
	_ =	sdelay $0x3  }
0x92: {  	_ =	strace s18  }
0x93: {  	s3 =	sld [smem:$0x3FFC];
	_ =	sdelay $0x3  }
0x94: {  	_ =	strace s3  }
0x95: {  	s3 =	sld [smem:$0x3FFD];
	_ =	sdelay $0x3  }
0x96: {  	_ =	strace s3  }
0x97: {  	_ =	strace $0x8FFFFFFF  }
0x98: {  	s19 =	sld [smem:$0x3FDB];
	_ =	sdelay $0x1  }
0x99: {  	s4 =	simm.s32 $_scs_section_size  }
0x9a: {  	s5 =	simm.s32 $_size__tile_overlayer_lowered;
	s6 =	simm.s32 $_tile_overlayer_lowered  }
0x9b: {  	s22 =	simm.s32 $0x1BFF;
	s21 =	sshll.u32 s6, $0x1;
	s3 =	sadd.s32 s4, s19  }
0x9c: {  	s7 =	simm.s32 $0x0;
	s20 =	sshll.u32 s5, $0x1;
	s5 =	sadd.s32 s21, s3  }
0x9d: {  	[timem:s7], [sflag:s22] =	dma.local [hbm:s5], s20  }
0x9e: {  	_ =	swait.ge [sflag:s22], s20  }
0x9f: {  	s4 =	ssub.s32 $0x0, s20;
	[sflag:s22] =	ssyncset.done $0x0  }
0xa0: {  	[sflag:s22] =	ssyncadd.s32 s4;
	_ =	sdelay $0x1  }
0xa1: {  	s23 =	simm.s32 $0x1B8B  }
0xa2: {  	_ =	swait.ge [sflag:s23], $0x1  }
0xa3: {  	[sflag:s23] =	ssyncset.done $0x0  }
0xa4: {  	s25 =	simm.s32 $0x1B8E;
	s24 =	sld [smem:$0x3FFE];
	[sflag:s23] =	ssyncadd.s32 $0xFFFFFFFF  }
0xa5: {  	s26 =	simm.s32 $execute0_lowered;
	[smem:$0x3FD2] =	sst s25  }
0xa6: {  	s5 =	sshll.u32 s26, $0x1;
	_ =	strace $0x80000046;
	[dreg:$0x1] =	wrdreg $0xFFFFFFFF  }
0xa7: {  	s28 =	simm.s32 $_size_execute0_lowered;
	s3 =	sadd.s32 s3, s5;
	[dreg:$0x0] =	wrdreg $0x0  }
0xa8: {  	s5 =	sshll.u32 s28, $0x1;
	[dreg:$0x2] =	wrdreg s3  }
0xa9: {  	[dreg:$0x3] =	wrdreg s5  }
0xaa: {  	[dreg:$0x4] =	wrdreg $0xC0  }
0xab: {  	_ =	task [dreg:s7], $0x5FFFF  }
0xac: {  	[dreg:$0x1] =	wrdreg $0xFFFFFFFF  }
0xad: {  	[dreg:$0x0] =	wrdreg $0x60  }
0xae: {  	[dreg:$0x2] =	wrdreg s24  }
0xaf: {  	[dreg:$0x3] =	wrdreg s2  }
0xb0: {  	[dreg:$0x4] =	wrdreg $0x53000  }
0xb1: {  	[dreg:$0x5] =	wrdreg $0x9  }
0xb2: {  	_ =	task.clear_ibuf [dreg:s7], $0x6FFFF;
	_ =	strace $0x90000046  }
0xb3: {  	s29 =	simm.s32 $0x9;
	_ =	strace $0x80000048  }
0xb4: {  	_ =	swait.ge [sflag:s29], $0x1  }
0xb5: {  	[sflag:s29] =	ssyncadd.s32 $0xFFFFFFFF  }
0xb6: {  	_ =	strace $0x90000048  }
0xb7: {  	_ =	sfence  }
0xb8: {  	s30 =	sld [smem:$0x0];
	_ =	sdelay $0x2  }
0xb9: {  	s31 =	sshll.u32 s1, $0xD;
	s1 =	sshrl.u32 s1, $0x2  }
0xba: {  	s3 =	sand.u32 $0x4000, s31;
	s1 =	sadd.s32 s1, s30  }
0xbb: {  	s0 =	sor.u32 s3, s0;
	s1 =	sshll.u32 s1, $0x11  }
0xbc: {  	s0 =	sor.u32 s1, s0  }
0xbd: {  	s0 =	sadd.s32 $0x8F2B, s0  }
0xbe: {  	[sflag:s0] =	ssyncadd.remote.s32 $0x1  }
0xbf: {  	_ =	sfence.sel $0xFFFF  }
0xc0: {  	[dreg:$0x0] =	wrdreg $0xFFFFFFFF;
	(pc) =	sbr.abs _section_cstart, $3  }
0xc1: {  	[dreg:$0x1] =	wrdreg $0xFFFFFFFF  }
0xc2: {  	_ =	task.clear_ibuf [dreg:s7], $0x2FFFF;
	_ =	strace $0x9FFFFFFF  }
0xc3: {  	(tm) =	ssettm $0x7FFFFFFF  }
tec
execute0_lowered:
.L_overlay_start_1:
0x0: {  	(tag) =	ssettag $0x1  }
0x1: {  	s1 =	srdreg.scid;
	s4 =	rddreg [dreg:$0x0]  }
0x2: {  	s0 =	stileid.u32;
	s6 =	rddreg [dreg:$0x1]  }
0x3: {  	s2 =	rddreg [dreg:$0x2];
	s3 =	simm.s32 $0x0;
	s11 =	simm.s32 $0x40  }
0x4: {  	s12 =	simm.s32 $0x1;
	s15 =	simm.s32 $0x0;
	s5 =	sand.u32 $0x1, s1  }
0x5: {  	s29 =	sshll.u32 s0, $0x1;
	s8 =	smul.u32 $0x280, s0;
	[smem:$0x7FF] =	sst s3  }
0x6: {  	s13 =	sshll.u32 s0, $0x6;
	s1 =	sor.u32 s5, s29;
	s9 =	smul.u32 $0x2800, s5  }
0x7: {  	s5 =	ssub.s32 $0x2, s5;
	s13 =	sor.u32 $0x1C02, s13;
	s7 =	smul.u32 $0xA00, s1  }
0x8: {  	s1 =	rddreg [dreg:$0x3];
	_ =	strace $0x80000047;
	s30 =	sshrl.u32 s5, $0x1  }
0x9: {  	s9 =	sadd.s32 s8, s9;
	s10 =	ssub.s32 s5, s30;
	s7 =	sadd.s32 s7, s4  }
0xa: {  	s4 =	sadd.s32 s8, s2;
	s31 =	sshrl.u32 s9, $0x3;
	s8 =	simm.s32 $0x80  }
0xb: {  	s9 =	simm.s32 $0x2;
	s5 =	sadd.s32 $0x15E00, s7;
	s6 =	sadd.s32 s6, s31  }
0xc: {  	v0 =	vimm.f32 $1.000000000e+00;
	v1 =	vimm.f32 $0.0e+00;
	s7 =	smax.u32 s10, $0x1;
	s10 =	simm.s32 $0x300;
	s14 =	sshrl.u32 s4, $0x3  }
.LBB2_1:
0xd: {  	[tilespmem:$0x0] =	vst v0  }
0xe: {  	[tilespmem:$0x10] =	vst v0  }
0xf: {  	[tilespmem:$0x20] =	vst v0  }
0x10: {  	[tilespmem:$0x30] =	vst v0  }
0x11: {  	[tilespmem:$0x80] =	vst v1  }
0x12: {  	[tilespmem:$0x90] =	vst v1  }
0x13: {  	[tilespmem:$0xA0] =	vst v1  }
0x14: {  	[tilespmem:$0xB0] =	vst v1  }
0x15: {  	[tilespmem:$0xC0] =	vst v1  }
0x16: {  	[tilespmem:$0xD0] =	vst v1  }
0x17: {  	[tilespmem:$0xE0] =	vst v1  }
0x18: {  	[tilespmem:$0xF0] =	vst v1  }
0x19: {  	[tilespmem:$0x100] =	vst v1  }
0x1a: {  	[tilespmem:$0x110] =	vst v1  }
0x1b: {  	[tilespmem:$0x120] =	vst v1  }
0x1c: {  	[tilespmem:$0x130] =	vst v1  }
0x1d: {  	[tilespmem:$0x140] =	vst v1  }
0x1e: {  	[tilespmem:$0x150] =	vst v1  }
0x1f: {  	[tilespmem:$0x160] =	vst v1  }
0x20: {  	[tilespmem:$0x170] =	vst v1  }
0x21: {  	[tilespmem:$0x180] =	vst v1  }
0x22: {  	[tilespmem:$0x190] =	vst v1  }
0x23: {  	[tilespmem:$0x1A0] =	vst v1  }
0x24: {  	[tilespmem:$0x1B0] =	vst v1  }
0x25: {  	[tilespmem:$0x1C0] =	vst v1  }
0x26: {  	[tilespmem:$0x1D0] =	vst v1  }
0x27: {  	[tilespmem:$0x1E0] =	vst v1  }
0x28: {  	[tilespmem:$0x1F0] =	vst v1  }
0x29: {  	[tilespmem:$0x200] =	vst v1  }
0x2a: {  	[tilespmem:$0x210] =	vst v1  }
0x2b: {  	[tilespmem:$0x220] =	vst v1  }
0x2c: {  	[tilespmem:$0x230] =	vst v1  }
0x2d: {  	[tilespmem:$0x240] =	vst v1  }
0x2e: {  	[tilespmem:$0x250] =	vst v1  }
0x2f: {  	[tilespmem:$0x260] =	vst v1  }
0x30: {  	[tilespmem:$0x270] =	vst v1  }
0x31: {  	[tilespmem:$0x280] =	vst v1  }
0x32: {  	[tilespmem:$0x290] =	vst v1  }
0x33: {  	[tilespmem:$0x2A0] =	vst v1  }
0x34: {  	[tilespmem:$0x2B0] =	vst v1  }
0x35: {  	[tilespmem:$0x2C0] =	vst v1  }
0x36: {  	[tilespmem:$0x2D0] =	vst v1  }
0x37: {  	[tilespmem:$0x2E0] =	vst v1  }
0x38: {  	[tilespmem:$0x2F0] =	vst v1  }
0x39: {  	[spmem:s4] =	stream.linear.scatter [tilespmem:s8], [sflag:$0x2], $0x280, $0x38;
	[tilespmem:$0x5580] =	vst v63  }
0x3a: {  	_ =	swait.ge [sflag:s9], $0x280  }
0x3b: {  	[sflag:s9] =	ssyncset.done $0x0  }
0x3c: {  	[sflag:s9] =	ssyncadd.s32 $0xFFFFFD80  }
0x3d: {  	[tilespmem:s10], [sflag:$0x2] =	stream.linear.gather [hbm4b:s5+s3], $0x5000, $0x38;
	[tilespmem:$0x5580] =	vst v63  }
0x3e: {  	_ =	swait.ge [sflag:s9], $0x5000  }
0x3f: {  	[sflag:s9] =	ssyncset.done $0x0  }
0x40: {  	[sflag:s9] =	ssyncadd.s32 $0xFFFFB000  }
0x41: {  	s16 =	simm.s32 $0x0;
	[bflag:$0x0] =	sbarrier.arrive $0xFFFF  }
.LBB2_2:
0x42: {  	p0 =	sne.s32 s16, $0x13E00  }
.Ltmp0:
0x43: {  	_ = 	snop;
	(pc) =	sbr.rel @p0 .LBB2_2-.Ltmp0, $4  }
0x44: {  	_ = 	snop  }
0x45: {  	s17 =	sshra.s32 s16, $0x2  }
0x46: {  	s16 =	sadd.s32 $0x200, s16;
	s17 =	sadd.s32 $0x300, s17  }
0x47: {  	[spmem:s2] =	stream.indirect.scatter.add.f32 [tilespmem:s3], [sflag:$0x1], $0x1, s17, s11, $0xb8;
	[tilespmem:$0x5580] =	vst v63  }
0x48: {  	_ =	swait.ge [sflag:s12], $0x40  }
0x49: {  	s16 =	simm.s32 $0x9F;
	[sflag:s12] =	ssyncset.done $0x0  }
.LBB2_4:
0x4a: {  	p0 =	sne.s32 s16, $0x1;
	s16 =	sadd.s32 $0xFFFFFFFF, s16;
	[sflag:s12] =	ssyncadd.s32 $0xFFFFFFC0  }
.Ltmp1:
0x4b: {  	(pc) =	sbr.rel @p0 .LBB2_4-.Ltmp1, $3  }
0x4c: {  	_ =	sdelay $0x1  }
0x4d: {  	_ =	swait.ge [sflag:s12], $0x40  }
0x4e: {  	[sflag:s12] =	ssyncset.done $0x0  }
0x4f: {  	s15 =	sadd.s32 $0x1, s15  }
0x50: {  	[sflag:s12] =	ssyncadd.s32 $0xFFFFFFC0;
	p0 =	sne.s32 s15, s7  }
.Ltmp2:
0x51: {  	[bflag:$0x0] =	sbarrier.arrive $0xFFFF;
	(pc) =	sbr.rel @p0 .LBB2_1-.Ltmp2, $4  }
0x52: {  	[hbm:s6], [sflag:s13] =	dma.local [spmem:s14], $0x50  }
0x53: {  	_ =	swait.ge [sflag:s9], $0x50  }
0x54: {  	[sflag:s9] =	ssyncset.done $0x0  }
0x55: {  	[sflag:s9] =	ssyncadd.s32 $0xFFFFFFB0  }
0x56: {  	_ =	sfence.sel $0x180000  }
0x57: {  	[bflag:$0x0] =	sbarrier.arrive $0xFFFF  }
0x58: {  	p0 =	sne.s32 s0, $0x0;
	_ =	strace $0x90000047  }
0x59: {  	s0 =	sadd.s32 @!p0 $0x100000, s1;
	[bflag:$0x2] =	sbarrier.arrive $0xFFFF  }
0x5a: {  	[sflag:s0] =	ssyncadd.tile.s32 @!p0 $0x1;
	_ =	shalt  }
.Lfunc_end2:
_tile_overlayer_lowered:
.L_overlay_start_2:
0x5b: {  	(tag) =	ssettag $0x2  }
0x5c: {  	s0 =	rddreg [dreg:$0x0];
	s2 =	stileid.u32  }
0x5d: {  	s1 =	rddreg [dreg:$0x1];
	p0 =	sne.s32 s2, $0x0  }
0x5e: {  	s3 =	rddreg [dreg:$0x2];
	[bflag:$0x3] =	sbarrier.arrive $0xFFFF;
	s2 =	simm.s32 @!p0 $0x1C02  }
0x5f: {  	[timem:s3], [sflag:s2] =	dma.local @!p0 [hbm:s0], s1  }
0x60: {  	s0 =	simm.s32 @!p0 $0x2  }
0x61: {  	_ =	swait.ge @!p0 [sflag:s0], s1  }
0x62: {  	s1 =	ssub.s32 @!p0 $0x0, s1;
	[sflag:s0] =	ssyncset.done @!p0 $0x0  }
0x63: {  	[sflag:s0] =	ssyncadd.s32 @!p0 s1  }
0x64: {  	[bflag:$0x3] =	sbarrier.arrive $0xFFFF  }
0x65: {  	_ =	shalt  }

// kernel: kernel.9.cloned.1.call-start
scs
__scs_entry_jumppad:
0x0: {  	(pc) =	sbr.rel $0x88, $3  }
0x1: {  	(tag) =	ssettag $0x0;
	lr =	simm.s32 $0x1  }
0x2: {  	[smem:$0x3F9B] =	sst lr;
	_ =	strace $0xD0000000  }
0x3: {  	_ = 	snop  }
0x4: {  	_ = 	snop  }
0x5: {  	_ = 	snop  }
0x6: {  	_ = 	snop  }
0x7: {  	_ = 	snop  }
__scs_overlays_trampoline_lowered:
0x8: {  	[smem:$0x3FAA] =	sst s0  }
0x9: {  	[smem:$0x3FAB] =	sst s1  }
0xa: {  	[smem:$0x3FAC] =	sst s2  }
0xb: {  	[smem:$0x3FAD] =	sst s3  }
0xc: {  	[smem:$0x3FAE] =	sst s4  }
0xd: {  	[smem:$0x3FAF] =	sst s5  }
0xe: {  	[smem:$0x3FB0] =	sst s6  }
0xf: {  	[smem:$0x3FB1] =	sst s7  }
0x10: {  	[smem:$0x3FB2] =	sst s8  }
0x11: {  	[smem:$0x3FB3] =	sst s9;
	s0 =	simm.s32 @!p0 $0x0  }
0x12: {  	s1 =	sld [smem:$0x3F99];
	s0 =	simm.s32 @p0 $0x1  }
0x13: {  	[smem:$0x3FB4] =	sst s0;
	s0 =	simm.s32 @!p1 $0x0  }
0x14: {  	s2 =	sld [smem:$0x3F98];
	s0 =	simm.s32 @p1 $0x1  }
0x15: {  	[smem:$0x3FB5] =	sst s0;
	s0 =	simm.s32 @!p2 $0x0  }
0x16: {  	s3 =	sld [smem:$0x3FDB];
	s0 =	simm.s32 @p2 $0x1  }
0x17: {  	s4 =	simm.s32 $0x1BF5;
	[smem:$0x3FB7] =	sst s0  }
0x18: {  	s0 =	sld [smem:$0x3F9A];
	_ =	swait.ge [sflag:s4], $0x0  }
0x19: {  	s7 =	sld [smem:$0x3F9B]  }
0x1a: {  	s8 =	sadd.s32 $0xFFFFE003, lr  }
0x1b: {  	s9 =	sadd.s32 $0xFFFFFEF7, lr;
	s5 =	simm.s32 $0xFFFFFFFF;
	p2 =	slt.u32 s8, $0xFFFFF086  }
0x1c: {  	p1 =	slt.u32 s9, $0xF7A;
	s5 =	simm.s32 @!p2 $0x0  }
0x1d: {  	s5 =	simm.s32 @p1 $0x1;
	p0 =	seq.s32 s7, s2  }
0x1e: {  	s7 =	smul.u32 @!p0 $0xF7A, s2;
	p2 =	seq.s32 @!p0 s5, $0x0  }
0x1f: {  	s9 =	smul.u32 $0xF7A, s1;
	s8 =	simm.s32 @!p0 $0x1BF5;
	p2 =	por !p2, p0  }
0x20: {  	[sflag:s8] =	ssyncset.s32 @!p0 $0xFFFFF086;
	s6 =	sadd.s32 @!p0 s3, s7;
	s7 =	simm.s32 @!p0 $0x108  }
0x21: {  	s3 =	sadd.s32 s3, s9;
	s6 =	sadd.s32 @!p0 $0x88, s6;
	s7 =	simm.s32 @p2 $0x1082  }
0x22: {  	[simem:s7], [sflag:s8] =	dma.local @!p0 [hbm:s6], $0xF7A  }
0x23: {  	s9 =	sor.u32 $0xD0000000, s2;
	s6 =	simm.s32 $0x108;
	_ =	swait.ge @!p0 [sflag:s8], $0x0  }
0x24: {  	s3 =	sadd.s32 $0x88, s3;
	s6 =	simm.s32 @!p1 $0x1082;
	[sflag:s4] =	ssyncset.s32 $0xFFFFF086  }
0x25: {  	[simem:s6], [sflag:s4] =	dma.local [hbm:s3], $0xF7A  }
0x26: {  	[smem:$0x3F9B] =	sst s1;
	(tag) =	ssettag s2;
	_ =	strace s9  }
0x27: {  	s1 =	sld [smem:$0x3FAB]  }
0x28: {  	s2 =	sld [smem:$0x3FAC]  }
0x29: {  	s4 =	sld [smem:$0x3FAE]  }
0x2a: {  	p0 =	seq.s32 s5, $0x0;
	s5 =	sld [smem:$0x3FAF]  }
0x2b: {  	s6 =	sld [smem:$0x3FB0]  }
0x2c: {  	s7 =	sld [smem:$0x3FB1]  }
0x2d: {  	s3 =	simm.s32 $0x108;
	s8 =	sld [smem:$0x3FB2]  }
0x2e: {  	s3 =	simm.s32 @!p0 $0x1082;
	s9 =	sld [smem:$0x3FB3]  }
0x2f: {  	lr =	sadd.s32 s0, s3;
	s0 =	sld [smem:$0x3FAA]  }
0x30: {  	s3 =	sld [smem:$0x3FAD]  }
0x31: {  	[smem:$0x3FB6] =	sst s10  }
0x32: {  	s10 =	sld [smem:$0x3FB4];
	_ =	sdelay $0x3  }
0x33: {  	p0 =	seq.s32 s10, $0x1;
	s10 =	sld [smem:$0x3FB6];
	_ =	sdelay $0x3  }
0x34: {  	[smem:$0x3FB6] =	sst s10  }
0x35: {  	s10 =	sld [smem:$0x3FB5];
	_ =	sdelay $0x3  }
0x36: {  	p1 =	seq.s32 s10, $0x1;
	s10 =	sld [smem:$0x3FB6];
	_ =	sdelay $0x3  }
0x37: {  	[smem:$0x3FB6] =	sst s10  }
0x38: {  	s10 =	sld [smem:$0x3FB7]  }
0x39: {  	_ = 	snop;
	(pc) =	sbr.ind lr, $3  }
0x3a: {  	_ = 	snop  }
0x3b: {  	_ = 	snop  }
0x3c: {  	p2 =	seq.s32 s10, $0x1;
	s10 =	sld [smem:$0x3FB6]  }
0x3d: {  	_ =	shalt  }
0x3e: {  	_ =	shalt  }
0x3f: {  	_ =	shalt  }
0x40: {  	_ =	shalt  }
0x41: {  	_ =	shalt  }
0x42: {  	_ =	shalt  }
0x43: {  	_ =	shalt  }
0x44: {  	_ =	shalt  }
0x45: {  	_ =	shalt  }
0x46: {  	_ =	shalt  }
0x47: {  	_ =	shalt  }
0x48: {  	_ =	shalt  }
0x49: {  	_ =	shalt  }
0x4a: {  	_ =	shalt  }
0x4b: {  	_ =	shalt  }
0x4c: {  	_ =	shalt  }
0x4d: {  	_ =	shalt  }
0x4e: {  	_ =	shalt  }
0x4f: {  	_ =	shalt  }
0x50: {  	_ =	shalt  }
0x51: {  	_ =	shalt  }
0x52: {  	_ =	shalt  }
0x53: {  	_ =	shalt  }
0x54: {  	_ =	shalt  }
0x55: {  	_ =	shalt  }
0x56: {  	_ =	shalt  }
0x57: {  	_ =	shalt  }
0x58: {  	_ =	shalt  }
0x59: {  	_ =	shalt  }
0x5a: {  	_ =	shalt  }
0x5b: {  	_ =	shalt  }
0x5c: {  	_ =	shalt  }
0x5d: {  	_ =	shalt  }
0x5e: {  	_ =	shalt  }
0x5f: {  	_ =	shalt  }
0x60: {  	_ =	shalt  }
0x61: {  	_ =	shalt  }
0x62: {  	_ =	shalt  }
0x63: {  	_ =	shalt  }
0x64: {  	_ =	shalt  }
0x65: {  	_ =	shalt  }
0x66: {  	_ =	shalt  }
0x67: {  	_ =	shalt  }
0x68: {  	_ =	shalt  }
0x69: {  	_ =	shalt  }
0x6a: {  	_ =	shalt  }
0x6b: {  	_ =	shalt  }
0x6c: {  	_ =	shalt  }
0x6d: {  	_ =	shalt  }
0x6e: {  	_ =	shalt  }
0x6f: {  	_ =	shalt  }
0x70: {  	_ =	shalt  }
0x71: {  	_ =	shalt  }
0x72: {  	_ =	shalt  }
0x73: {  	_ =	shalt  }
0x74: {  	_ =	shalt  }
0x75: {  	_ =	shalt  }
0x76: {  	_ =	shalt  }
0x77: {  	_ =	shalt  }
0x78: {  	_ =	shalt  }
0x79: {  	_ =	shalt  }
0x7a: {  	_ =	shalt  }
0x7b: {  	_ =	shalt  }
0x7c: {  	_ =	shalt  }
0x7d: {  	_ =	shalt  }
0x7e: {  	_ =	shalt  }
0x7f: {  	_ =	shalt  }
0x80: {  	_ =	shalt  }
0x81: {  	_ =	shalt  }
0x82: {  	_ =	shalt  }
0x83: {  	_ =	shalt  }
0x84: {  	_ =	shalt  }
0x85: {  	_ =	shalt  }
0x86: {  	_ =	shalt  }
0x87: {  	_ =	shalt  }
.Lfunc_end0:
.L_simem_size_0:
called_computation.1_lowered:
.L_overlay_start_0:
0x88: {  	s2 =	sld [smem:$0x3FD9]  }
0x89: {  	s3 =	sld [smem:$0x3FFE];
	_ =	sdelay $0x1  }
0x8a: {  	s1 =	srdreg.scid  }
0x8b: {  	s0 =	sand.u32 $0x1, s1  }
0x8c: {  	s16 =	sshll.u32 s0, $0xA;
	s2 =	sadd.s32 s3, s2  }
0x8d: {  	s2 =	sadd.s32 s2, s16  }
0x8e: {  	[smem:$0x3FC2] =	sst s2  }
0x8f: {  	_ = 	snop  }
0x90: {  	(tm) =	ssettm $0x1  }
0x91: {  	s17 =	sld [smem:$0x3FFB];
	_ =	sdelay $0x3  }
0x92: {  	_ =	strace s17  }
0x93: {  	s2 =	sld [smem:$0x3FFC];
	_ =	sdelay $0x3  }
0x94: {  	_ =	strace s2  }
0x95: {  	s2 =	sld [smem:$0x3FFD];
	_ =	sdelay $0x3  }
0x96: {  	_ =	strace s2  }
0x97: {  	_ =	strace $0x8FFFFFFF  }
0x98: {  	s18 =	sld [smem:$0x3FDB];
	_ =	sdelay $0x1  }
0x99: {  	s19 =	simm.s32 $_scs_section_size  }
0x9a: {  	s4 =	simm.s32 $_size__tile_overlayer_lowered;
	s5 =	simm.s32 $_tile_overlayer_lowered  }
0x9b: {  	s22 =	simm.s32 $0x1BFF;
	s21 =	sshll.u32 s5, $0x1;
	s2 =	sadd.s32 s19, s18  }
0x9c: {  	s6 =	simm.s32 $0x0;
	s20 =	sshll.u32 s4, $0x1;
	s4 =	sadd.s32 s21, s2  }
0x9d: {  	[timem:s6], [sflag:s22] =	dma.local [hbm:s4], s20  }
0x9e: {  	_ =	swait.ge [sflag:s22], s20  }
0x9f: {  	s3 =	ssub.s32 $0x0, s20;
	[sflag:s22] =	ssyncset.done $0x0  }
0xa0: {  	[sflag:s22] =	ssyncadd.s32 s3;
	_ =	sdelay $0x1  }
0xa1: {  	s23 =	simm.s32 $0x1B8B  }
0xa2: {  	_ =	swait.ge [sflag:s23], $0x1  }
0xa3: {  	[sflag:s23] =	ssyncset.done $0x0  }
0xa4: {  	s25 =	simm.s32 $0x1B8E;
	s24 =	sld [smem:$0x3FFE];
	[sflag:s23] =	ssyncadd.s32 $0xFFFFFFFF  }
0xa5: {  	s26 =	simm.s32 $execute0_lowered;
	[smem:$0x3FD2] =	sst s25  }
0xa6: {  	s4 =	sshll.u32 s26, $0x1;
	_ =	strace $0x80000049;
	[dreg:$0x1] =	wrdreg $0xFFFFFFFF  }
0xa7: {  	s28 =	simm.s32 $_size_execute0_lowered;
	s2 =	sadd.s32 s2, s4;
	[dreg:$0x0] =	wrdreg $0x0  }
0xa8: {  	s4 =	sshll.u32 s28, $0x1;
	[dreg:$0x2] =	wrdreg s2  }
0xa9: {  	[dreg:$0x3] =	wrdreg s4  }
0xaa: {  	[dreg:$0x4] =	wrdreg $0xC0  }
0xab: {  	_ =	task [dreg:s6], $0x5FFFF  }
0xac: {  	[dreg:$0x1] =	wrdreg $0xFFFFFFFF  }
0xad: {  	[dreg:$0x0] =	wrdreg $0x60  }
0xae: {  	[dreg:$0x2] =	wrdreg s24  }
0xaf: {  	[dreg:$0x3] =	wrdreg $0xA8000  }
0xb0: {  	[dreg:$0x4] =	wrdreg $0x9  }
0xb1: {  	_ =	task.clear_ibuf [dreg:s6], $0x5FFFF;
	_ =	strace $0x90000049  }
0xb2: {  	s29 =	simm.s32 $0x9;
	_ =	strace $0x8000004B  }
0xb3: {  	_ =	swait.ge [sflag:s29], $0x1  }
0xb4: {  	[sflag:s29] =	ssyncadd.s32 $0xFFFFFFFF  }
0xb5: {  	_ =	strace $0x9000004B  }
0xb6: {  	_ =	sfence  }
0xb7: {  	s30 =	sld [smem:$0x0];
	_ =	sdelay $0x2  }
0xb8: {  	s31 =	sshll.u32 s1, $0xD;
	s1 =	sshrl.u32 s1, $0x2  }
0xb9: {  	s3 =	sand.u32 $0x4000, s31;
	s1 =	sadd.s32 s1, s30  }
0xba: {  	s0 =	sor.u32 s3, s0;
	s1 =	sshll.u32 s1, $0x11  }
0xbb: {  	s0 =	sor.u32 s1, s0  }
0xbc: {  	s0 =	sadd.s32 $0x8F2B, s0  }
0xbd: {  	[sflag:s0] =	ssyncadd.remote.s32 $0x1  }
0xbe: {  	_ =	sfence.sel $0xFFFF  }
0xbf: {  	[dreg:$0x0] =	wrdreg $0xFFFFFFFF;
	(pc) =	sbr.abs _section_cstart, $3  }
0xc0: {  	[dreg:$0x1] =	wrdreg $0xFFFFFFFF  }
0xc1: {  	_ =	task.clear_ibuf [dreg:s6], $0x2FFFF;
	_ =	strace $0x9FFFFFFF  }
0xc2: {  	(tm) =	ssettm $0x7FFFFFFF  }
0xc3: {  	_ =	shalt  }
tec
execute0_lowered:
.L_overlay_start_1:
0x0: {  	(tag) =	ssettag $0x1  }
0x1: {  	s1 =	rddreg [dreg:$0x0]  }
0x2: {  	s0 =	simm.s32 $0x0;
	s2 =	srdreg.scid;
	s21 =	stileid.u32  }
0x3: {  	[smem:$0x7FF] =	sst s0;
	s3 =	sadd.s32 $0x1E00, s1;
	s4 =	sand.u32 $0x1, s2  }
0x4: {  	s5 =	sadd.s32 $0x15E00, s1;
	s7 =	sshll.u32 s21, $0x1;
	s8 =	smul.u32 $0x14000, s21  }
0x5: {  	s9 =	sadd.s32 $0xA1E00, s1;
	s21 =	smul.u32 $0x50000, s21;
	s2 =	ssub.s32 $0x2, s4  }
0x6: {  	s24 =	sor.u32 s4, s7;
	s4 =	smul.u32 $0x140000, s4;
	s6 =	sshrl.u32 s2, $0x1  }
0x7: {  	s7 =	sor.u32 $0x2000, s8;
	s10 =	sadd.s32 $0x4000, s8;
	s14 =	smul.u32 $0x5000, s24  }
0x8: {  	s11 =	sadd.s32 $0x6000, s8;
	s2 =	ssub.s32 s2, s6;
	s6 =	smul.u32 $0xA00, s24  }
0x9: {  	s12 =	sadd.s32 $0x8000, s8;
	s13 =	sadd.s32 $0xA000, s8;
	s15 =	sadd.s32 $0xC000, s8  }
0xa: {  	s16 =	sadd.s32 $0xE000, s8;
	s14 =	sshrl.u32 s14, $0x3;
	s18 =	sadd.s32 s3, s6  }
0xb: {  	s6 =	sadd.s32 s5, s6;
	s25 =	sadd.s32 $0x280, s14;
	[dreg:$0x3] =	wrdreg s18  }
0xc: {  	s17 =	sadd.s32 $0x10000, s8;
	[dreg:$0x4] =	wrdreg s6;
	s26 =	sadd.s32 s3, s25  }
0xd: {  	s19 =	sadd.s32 $0x500, s14;
	s6 =	sadd.s32 s5, s25;
	[dreg:$0x5] =	wrdreg s26  }
0xe: {  	s20 =	sadd.s32 $0x12000, s8;
	s22 =	sadd.s32 s3, s19;
	[dreg:$0x6] =	wrdreg s6  }
0xf: {  	s23 =	sadd.s32 $0x780, s14;
	s24 =	sadd.s32 s5, s19;
	[dreg:$0x7] =	wrdreg s22  }
0x10: {  	s2 =	smax.u32 s2, $0x1;
	s3 =	sadd.s32 s3, s23;
	[dreg:$0x8] =	wrdreg s24  }
0x11: {  	s25 =	sadd.s32 s8, s4;
	s5 =	sadd.s32 s5, s23;
	[dreg:$0x9] =	wrdreg s3  }
0x12: {  	s8 =	sadd.s32 s4, s10;
	s18 =	sadd.s32 s4, s11;
	[dreg:$0xa] =	wrdreg s5  }
0x13: {  	s3 =	sshrl.u32 s25, $0x3;
	s26 =	sadd.s32 s4, s7;
	s14 =	sshrl.u32 s8, $0x3  }
0x14: {  	s19 =	sshrl.u32 s18, $0x3;
	s22 =	sadd.s32 s4, s12;
	s24 =	sadd.s32 s4, s13  }
0x15: {  	s3 =	sadd.s32 s9, s3;
	s6 =	sshrl.u32 s26, $0x3;
	s23 =	sshrl.u32 s22, $0x3  }
0x16: {  	s25 =	sshrl.u32 s24, $0x3;
	s26 =	sadd.s32 s4, s15;
	[dreg:$0xb] =	wrdreg s3  }
0x17: {  	s3 =	sadd.s32 s9, s6;
	s5 =	sshrl.u32 s26, $0x3;
	s6 =	sadd.s32 s4, s16  }
0x18: {  	[dreg:$0xc] =	wrdreg s3;
	s3 =	sadd.s32 s9, s14;
	s8 =	sshrl.u32 s6, $0x3  }
0x19: {  	s14 =	sadd.s32 s4, s17;
	s4 =	sadd.s32 s4, s20;
	s6 =	simm.s32 $0x40  }
0x1a: {  	[dreg:$0xd] =	wrdreg s3;
	s3 =	sadd.s32 s9, s19;
	s18 =	sshrl.u32 s14, $0x3  }
0x1b: {  	s4 =	sshrl.u32 s4, $0x3;
	s19 =	rddreg [dreg:$0x1];
	s14 =	simm.s32 $0x2  }
0x1c: {  	[dreg:$0xe] =	wrdreg s3;
	s3 =	sadd.s32 s9, s23;
	s22 =	sadd.s32 s9, s4  }
0x1d: {  	s23 =	sshrl.u32 s21, $0x2;
	s24 =	sadd.s32 s7, s19;
	s26 =	sadd.s32 s11, s19  }
0x1e: {  	s28 =	sadd.s32 s12, s19;
	s29 =	sadd.s32 s13, s19;
	s30 =	sadd.s32 s15, s19  }
0x1f: {  	s31 =	sadd.s32 s16, s19;
	s4 =	simm.s32 $0x8000;
	s7 =	simm.s32 $0x8080  }
0x20: {  	s11 =	simm.s32 $0x8180;
	s12 =	simm.s32 $0x6000;
	s13 =	simm.s32 $0x1  }
0x21: {  	s15 =	simm.s32 $0x3;
	s16 =	simm.s32 $0x4;
	[dreg:$0xf] =	wrdreg s3  }
0x22: {  	s21 =	simm.s32 $0xA700;
	s3 =	sadd.s32 s9, s25;
	[dreg:$0x14] =	wrdreg s22  }
0x23: {  	s22 =	sadd.s32 $0x79E00, s1;
	[dreg:$0x10] =	wrdreg s3;
	s3 =	sadd.s32 s9, s5  }
0x24: {  	s1 =	sadd.s32 s23, s19;
	[dreg:$0x11] =	wrdreg s3;
	s3 =	sadd.s32 s9, s8  }
0x25: {  	s25 =	sadd.s32 s10, s19;
	[dreg:$0x12] =	wrdreg s3;
	s3 =	sadd.s32 s9, s18  }
0x26: {  	s10 =	simm.s32 $0x4000;
	s23 =	simm.s32 $0x0;
	[dreg:$0x13] =	wrdreg s3  }
0x27: {  	s5 =	simm.s32 $0x9400;
	_ =	strace $0x8000004A;
	[dreg:$0x15] =	wrdreg s1  }
0x28: {  	s8 =	simm.s32 $0x2000;
	s18 =	sadd.s32 s17, s19;
	[dreg:$0x16] =	wrdreg s24  }
0x29: {  	s9 =	simm.s32 $0x8100;
	s17 =	simm.s32 $0xA600;
	[dreg:$0x17] =	wrdreg s25  }
0x2a: {  	s3 =	simm.s32 $0x5;
	[dreg:$0x18] =	wrdreg s26;
	s1 =	sadd.s32 s20, s19  }
0x2b: {  	v0 =	vimm.f32 $0.0e+00;
	[dreg:$0x19] =	wrdreg s2;
	s20 =	simm.s32 $0xA680;
	s2 =	simm.s32 $0xA780  }
.LBB2_1:
0x2c: {  	s24 =	simm.s32 $0x0;
	s25 =	simm.s32 $0x200  }
.LBB2_2:
0x2d: {  	p0 =	sne.s32 s25, $0x7E00;
	[tilespmem:s24+$0x70] =	vst v0  }
0x2e: {  	[tilespmem:s24+$0x0] =	vst v0  }
0x2f: {  	[tilespmem:s24+$0x10] =	vst v0  }
.Ltmp0:
0x30: {  	[tilespmem:s24+$0x20] =	vst v0;
	(pc) =	sbr.rel @p0 .LBB2_2-.Ltmp0, $4  }
0x31: {  	[tilespmem:s24+$0x30] =	vst v0  }
0x32: {  	[tilespmem:s24+$0x40] =	vst v0  }
0x33: {  	[tilespmem:s24+$0x50] =	vst v0  }
0x34: {  	[tilespmem:s24+$0x60] =	vst v0;
	s24 =	sshra.s32 s25, $0x2;
	s25 =	sadd.s32 $0x200, s25  }
0x35: {  	[tilespmem:s24+$0x70] =	vst v0  }
0x36: {  	[tilespmem:s24+$0x0] =	vst v0  }
0x37: {  	[tilespmem:s24+$0x10] =	vst v0  }
0x38: {  	[tilespmem:s24+$0x20] =	vst v0  }
0x39: {  	[tilespmem:s24+$0x30] =	vst v0  }
0x3a: {  	[tilespmem:s24+$0x40] =	vst v0  }
0x3b: {  	[tilespmem:s24+$0x50] =	vst v0  }
0x3c: {  	[tilespmem:s24+$0x60] =	vst v0;
	s24 =	simm.s32 $0x0;
	s25 =	rddreg [dreg:$0x15]  }
0x3d: {  	[spmem:s25] =	stream.linear.scatter [tilespmem:s24], [sflag:$0x5], $0x2000, $0x38;
	[tilespmem:$0x1E800] =	vst v63  }
0x3e: {  	_ =	swait.ge [sflag:s3], $0x2000  }
0x3f: {  	[sflag:s3] =	ssyncset.done $0x0  }
0x40: {  	s26 =	rddreg [dreg:$0x16];
	[sflag:s3] =	ssyncadd.s32 $0xFFFFE000  }
0x41: {  	[spmem:s26] =	stream.linear.scatter [tilespmem:s24], [sflag:$0x5], $0x2000, $0x38;
	[tilespmem:$0x1E800] =	vst v63  }
0x42: {  	_ =	swait.ge [sflag:s3], $0x2000  }
0x43: {  	[sflag:s3] =	ssyncset.done $0x0  }
0x44: {  	s26 =	rddreg [dreg:$0x17];
	[sflag:s3] =	ssyncadd.s32 $0xFFFFE000  }
0x45: {  	[spmem:s26] =	stream.linear.scatter [tilespmem:s24], [sflag:$0x5], $0x2000, $0x38;
	[tilespmem:$0x1E800] =	vst v63  }
0x46: {  	_ =	swait.ge [sflag:s3], $0x2000  }
0x47: {  	[sflag:s3] =	ssyncset.done $0x0  }
0x48: {  	s26 =	rddreg [dreg:$0x18];
	[sflag:s3] =	ssyncadd.s32 $0xFFFFE000  }
0x49: {  	[spmem:s26] =	stream.linear.scatter [tilespmem:s24], [sflag:$0x5], $0x2000, $0x38;
	[tilespmem:$0x1E800] =	vst v63  }
0x4a: {  	_ =	swait.ge [sflag:s3], $0x2000  }
0x4b: {  	[sflag:s3] =	ssyncset.done $0x0  }
0x4c: {  	[sflag:s3] =	ssyncadd.s32 $0xFFFFE000  }
0x4d: {  	[spmem:s28] =	stream.linear.scatter [tilespmem:s24], [sflag:$0x5], $0x2000, $0x38;
	[tilespmem:$0x1E800] =	vst v63  }
0x4e: {  	_ =	swait.ge [sflag:s3], $0x2000  }
0x4f: {  	[sflag:s3] =	ssyncset.done $0x0  }
0x50: {  	[sflag:s3] =	ssyncadd.s32 $0xFFFFE000  }
0x51: {  	[spmem:s29] =	stream.linear.scatter [tilespmem:s24], [sflag:$0x5], $0x2000, $0x38;
	[tilespmem:$0x1E800] =	vst v63  }
0x52: {  	_ =	swait.ge [sflag:s3], $0x2000  }
0x53: {  	[sflag:s3] =	ssyncset.done $0x0  }
0x54: {  	[sflag:s3] =	ssyncadd.s32 $0xFFFFE000  }
0x55: {  	[spmem:s30] =	stream.linear.scatter [tilespmem:s24], [sflag:$0x5], $0x2000, $0x38;
	[tilespmem:$0x1E800] =	vst v63  }
0x56: {  	_ =	swait.ge [sflag:s3], $0x2000  }
0x57: {  	[sflag:s3] =	ssyncset.done $0x0  }
0x58: {  	[sflag:s3] =	ssyncadd.s32 $0xFFFFE000  }
0x59: {  	[spmem:s31] =	stream.linear.scatter [tilespmem:s24], [sflag:$0x5], $0x2000, $0x38;
	[tilespmem:$0x1E800] =	vst v63  }
0x5a: {  	_ =	swait.ge [sflag:s3], $0x2000  }
0x5b: {  	[sflag:s3] =	ssyncset.done $0x0  }
0x5c: {  	[sflag:s3] =	ssyncadd.s32 $0xFFFFE000  }
0x5d: {  	[spmem:s18] =	stream.linear.scatter [tilespmem:s24], [sflag:$0x5], $0x2000, $0x38;
	[tilespmem:$0x1E800] =	vst v63  }
0x5e: {  	_ =	swait.ge [sflag:s3], $0x2000  }
0x5f: {  	[sflag:s3] =	ssyncset.done $0x0  }
0x60: {  	[sflag:s3] =	ssyncadd.s32 $0xFFFFE000  }
0x61: {  	[spmem:s1] =	stream.linear.scatter [tilespmem:s24], [sflag:$0x5], $0x2000, $0x38;
	[tilespmem:$0x1E800] =	vst v63  }
0x62: {  	_ =	swait.ge [sflag:s3], $0x2000  }
0x63: {  	[sflag:s3] =	ssyncset.done $0x0  }
0x64: {  	[sflag:s3] =	ssyncadd.s32 $0xFFFFE000  }
0x65: {  	[bflag:$0x0] =	sbarrier.arrive $0xFFFF  }
0x66: {  	s26 =	rddreg [dreg:$0x3]  }
0x67: {  	[tilespmem:s4], [sflag:$0x5] =	stream.linear.gather [hbm4b:s26+s24], $0x1400, $0x38;
	[tilespmem:$0x1E800] =	vst v63  }
0x68: {  	_ =	swait.ge [sflag:s3], $0x1400  }
0x69: {  	[sflag:s3] =	ssyncset.done $0x0  }
0x6a: {  	s26 =	rddreg [dreg:$0x4];
	[sflag:s3] =	ssyncadd.s32 $0xFFFFEC00  }
0x6b: {  	[tilespmem:s5], [sflag:$0x5] =	stream.linear.gather [hbm4b:s26+s24], $0x1400, $0x38;
	[tilespmem:$0x1E800] =	vst v63  }
0x6c: {  	_ =	swait.ge [sflag:s3], $0x1400  }
0x6d: {  	[sflag:s3] =	ssyncset.done $0x0  }
0x6e: {  	[sflag:s3] =	ssyncadd.s32 $0xFFFFEC00  }
0x6f: {  	[tilespmem:s24], [sflag:$0x1] =	stream.indirect.gather [hbm4b:s22+s6], $0x80, s4, s6, $0xb8;
	[tilespmem:$0x1E800] =	vst v63  }
0x70: {  	_ = 	snop  }
0x71: {  	[tilespmem:s8], [sflag:$0x2] =	stream.indirect.gather [hbm4b:s22+s6], $0x80, s7, s6, $0xb8;
	[tilespmem:$0x1E800] =	vst v63  }
0x72: {  	_ = 	snop  }
0x73: {  	[tilespmem:s10], [sflag:$0x3] =	stream.indirect.gather [hbm4b:s22+s6], $0x80, s9, s6, $0xb8;
	[tilespmem:$0x1E800] =	vst v63  }
0x74: {  	_ = 	snop  }
0x75: {  	[tilespmem:s12], [sflag:$0x4] =	stream.indirect.gather [hbm4b:s22+s6], $0x80, s11, s6, $0xb8;
	[tilespmem:$0x1E800] =	vst v63  }
0x76: {  	_ =	swait.ge [sflag:s13], $0x2000  }
0x77: {  	[sflag:s13] =	ssyncset.done $0x0  }
0x78: {  	s26 =	simm.s32 $0x9400;
	[sflag:s13] =	ssyncadd.s32 $0xFFFFE000  }
0x79: {  	[spmem:s19] =	stream.indirect.scatter.add.f32 [tilespmem:s0], [sflag:$0x5], $0x80, s26, s6, $0xb8;
	[tilespmem:$0x1E800] =	vst v63  }
0x7a: {  	_ =	swait.ge [sflag:s3], $0x2000  }
0x7b: {  	[sflag:s3] =	ssyncset.done $0x0  }
0x7c: {  	s25 =	simm.s32 $0x8200;
	[sflag:s3] =	ssyncadd.s32 $0xFFFFE000  }
0x7d: {  	[tilespmem:s0], [sflag:$0x1] =	stream.indirect.gather [hbm4b:s22+s6], $0x80, s25, s6, $0xb8;
	[tilespmem:$0x1E800] =	vst v63  }
0x7e: {  	_ =	swait.ge [sflag:s14], $0x2000  }
0x7f: {  	[sflag:s14] =	ssyncset.done $0x0  }
0x80: {  	s26 =	simm.s32 $0x9480;
	[sflag:s14] =	ssyncadd.s32 $0xFFFFE000  }
0x81: {  	[spmem:s19] =	stream.indirect.scatter.add.f32 [tilespmem:s8], [sflag:$0x5], $0x80, s26, s6, $0xb8;
	[tilespmem:$0x1E800] =	vst v63  }
0x82: {  	_ =	swait.ge [sflag:s3], $0x2000  }
0x83: {  	[sflag:s3] =	ssyncset.done $0x0  }
0x84: {  	s25 =	simm.s32 $0x8280;
	[sflag:s3] =	ssyncadd.s32 $0xFFFFE000  }
0x85: {  	[tilespmem:s8], [sflag:$0x2] =	stream.indirect.gather [hbm4b:s22+s6], $0x80, s25, s6, $0xb8;
	[tilespmem:$0x1E800] =	vst v63  }
0x86: {  	_ =	swait.ge [sflag:s15], $0x2000  }
0x87: {  	[sflag:s15] =	ssyncset.done $0x0  }
0x88: {  	s26 =	simm.s32 $0x9500;
	[sflag:s15] =	ssyncadd.s32 $0xFFFFE000  }
0x89: {  	[spmem:s19] =	stream.indirect.scatter.add.f32 [tilespmem:s10], [sflag:$0x5], $0x80, s26, s6, $0xb8;
	[tilespmem:$0x1E800] =	vst v63  }
0x8a: {  	_ =	swait.ge [sflag:s3], $0x2000  }
0x8b: {  	[sflag:s3] =	ssyncset.done $0x0  }
0x8c: {  	s25 =	simm.s32 $0x8300;
	[sflag:s3] =	ssyncadd.s32 $0xFFFFE000  }
0x8d: {  	[tilespmem:s10], [sflag:$0x3] =	stream.indirect.gather [hbm4b:s22+s6], $0x80, s25, s6, $0xb8;
	[tilespmem:$0x1E800] =	vst v63  }
0x8e: {  	_ =	swait.ge [sflag:s16], $0x2000  }
0x8f: {  	[sflag:s16] =	ssyncset.done $0x0  }
0x90: {  	s26 =	simm.s32 $0x9580;
	[sflag:s16] =	ssyncadd.s32 $0xFFFFE000  }
0x91: {  	[spmem:s19] =	stream.indirect.scatter.add.f32 [tilespmem:s12], [sflag:$0x5], $0x80, s26, s6, $0xb8;
	[tilespmem:$0x1E800] =	vst v63  }
0x92: {  	_ =	swait.ge [sflag:s3], $0x2000  }
0x93: {  	[sflag:s3] =	ssyncset.done $0x0  }
0x94: {  	s24 =	simm.s32 $0x800;
	s25 =	simm.s32 $0x8380;
	[sflag:s3] =	ssyncadd.s32 $0xFFFFE000  }
.LBB2_4:
0x95: {  	[tilespmem:s12], [sflag:$0x4] =	stream.indirect.gather [hbm4b:s22+s6], $0x80, s25, s6, $0xb8;
	[tilespmem:$0x1E800] =	vst v63  }
0x96: {  	s25 =	smov.u32 s24  }
0x97: {  	p0 =	sne.s32 s24, $0x4000;
	s24 =	sadd.s32 $0x800, s24;
	_ =	swait.ge [sflag:s13], $0x2000  }
0x98: {  	s25 =	sshra.s32 s25, $0x2;
	[sflag:s13] =	ssyncset.done $0x0  }
0x99: {  	s26 =	sadd.s32 $0x9400, s25;
	[sflag:s13] =	ssyncadd.s32 $0xFFFFE000  }
0x9a: {  	[spmem:s19] =	stream.indirect.scatter.add.f32 [tilespmem:s0], [sflag:$0x5], $0x80, s26, s6, $0xb8;
	[tilespmem:$0x1E800] =	vst v63  }
0x9b: {  	_ =	swait.ge [sflag:s3], $0x2000  }
0x9c: {  	[sflag:s3] =	ssyncset.done $0x0  }
0x9d: {  	s26 =	sadd.s32 $0x8200, s25;
	[sflag:s3] =	ssyncadd.s32 $0xFFFFE000  }
0x9e: {  	[tilespmem:s0], [sflag:$0x1] =	stream.indirect.gather [hbm4b:s22+s6], $0x80, s26, s6, $0xb8;
	[tilespmem:$0x1E800] =	vst v63  }
0x9f: {  	_ =	swait.ge [sflag:s14], $0x2000  }
0xa0: {  	[sflag:s14] =	ssyncset.done $0x0  }
0xa1: {  	s26 =	sadd.s32 $0x9480, s25;
	[sflag:s14] =	ssyncadd.s32 $0xFFFFE000  }
0xa2: {  	[spmem:s19] =	stream.indirect.scatter.add.f32 [tilespmem:s8], [sflag:$0x5], $0x80, s26, s6, $0xb8;
	[tilespmem:$0x1E800] =	vst v63  }
0xa3: {  	_ =	swait.ge [sflag:s3], $0x2000  }
0xa4: {  	[sflag:s3] =	ssyncset.done $0x0  }
0xa5: {  	s26 =	sadd.s32 $0x8280, s25;
	[sflag:s3] =	ssyncadd.s32 $0xFFFFE000  }
0xa6: {  	[tilespmem:s8], [sflag:$0x2] =	stream.indirect.gather [hbm4b:s22+s6], $0x80, s26, s6, $0xb8;
	[tilespmem:$0x1E800] =	vst v63  }
0xa7: {  	_ =	swait.ge [sflag:s15], $0x2000  }
0xa8: {  	[sflag:s15] =	ssyncset.done $0x0  }
0xa9: {  	s26 =	sadd.s32 $0x9500, s25;
	[sflag:s15] =	ssyncadd.s32 $0xFFFFE000  }
0xaa: {  	[spmem:s19] =	stream.indirect.scatter.add.f32 [tilespmem:s10], [sflag:$0x5], $0x80, s26, s6, $0xb8;
	[tilespmem:$0x1E800] =	vst v63  }
0xab: {  	_ =	swait.ge [sflag:s3], $0x2000  }
0xac: {  	[sflag:s3] =	ssyncset.done $0x0  }
0xad: {  	s26 =	sadd.s32 $0x8300, s25;
	[sflag:s3] =	ssyncadd.s32 $0xFFFFE000  }
0xae: {  	[tilespmem:s10], [sflag:$0x3] =	stream.indirect.gather [hbm4b:s22+s6], $0x80, s26, s6, $0xb8;
	[tilespmem:$0x1E800] =	vst v63  }
0xaf: {  	_ =	swait.ge [sflag:s16], $0x2000  }
0xb0: {  	[sflag:s16] =	ssyncset.done $0x0  }
.Ltmp1:
0xb1: {  	s26 =	sadd.s32 $0x9580, s25;
	[sflag:s16] =	ssyncadd.s32 $0xFFFFE000;
	(pc) =	sbr.rel @p0 .LBB2_4-.Ltmp1, $4  }
0xb2: {  	[spmem:s19] =	stream.indirect.scatter.add.f32 [tilespmem:s12], [sflag:$0x5], $0x80, s26, s6, $0xb8;
	[tilespmem:$0x1E800] =	vst v63  }
0xb3: {  	_ =	swait.ge [sflag:s3], $0x2000  }
0xb4: {  	[sflag:s3] =	ssyncset.done $0x0  }
0xb5: {  	s25 =	sadd.s32 $0x8380, s25;
	[sflag:s3] =	ssyncadd.s32 $0xFFFFE000  }
0xb6: {  	[tilespmem:s12], [sflag:$0x4] =	stream.indirect.gather [hbm4b:s22+s6], $0x80, s25, s6, $0xb8;
	[tilespmem:$0x1E800] =	vst v63  }
0xb7: {  	_ =	swait.ge [sflag:s13], $0x2000  }
0xb8: {  	[sflag:s13] =	ssyncset.done $0x0  }
0xb9: {  	s24 =	simm.s32 $0x0;
	[sflag:s13] =	ssyncadd.s32 $0xFFFFE000  }
0xba: {  	[spmem:s19] =	stream.indirect.scatter.add.f32 [tilespmem:s24], [sflag:$0x5], $0x80, s17, s6, $0xb8;
	[tilespmem:$0x1E800] =	vst v63  }
0xbb: {  	_ =	swait.ge [sflag:s3], $0x2000  }
0xbc: {  	[sflag:s3] =	ssyncset.done $0x0  }
0xbd: {  	[sflag:s3] =	ssyncadd.s32 $0xFFFFE000  }
0xbe: {  	_ =	swait.ge [sflag:s14], $0x2000  }
0xbf: {  	[sflag:s14] =	ssyncset.done $0x0  }
0xc0: {  	[sflag:s14] =	ssyncadd.s32 $0xFFFFE000  }
0xc1: {  	[spmem:s19] =	stream.indirect.scatter.add.f32 [tilespmem:s8], [sflag:$0x5], $0x80, s20, s6, $0xb8;
	[tilespmem:$0x1E800] =	vst v63  }
0xc2: {  	_ =	swait.ge [sflag:s3], $0x2000  }
0xc3: {  	[sflag:s3] =	ssyncset.done $0x0  }
0xc4: {  	[sflag:s3] =	ssyncadd.s32 $0xFFFFE000  }
0xc5: {  	_ =	swait.ge [sflag:s15], $0x2000  }
0xc6: {  	[sflag:s15] =	ssyncset.done $0x0  }
0xc7: {  	[sflag:s15] =	ssyncadd.s32 $0xFFFFE000  }
0xc8: {  	[spmem:s19] =	stream.indirect.scatter.add.f32 [tilespmem:s10], [sflag:$0x5], $0x80, s21, s6, $0xb8;
	[tilespmem:$0x1E800] =	vst v63  }
0xc9: {  	_ =	swait.ge [sflag:s3], $0x2000  }
0xca: {  	[sflag:s3] =	ssyncset.done $0x0  }
0xcb: {  	[sflag:s3] =	ssyncadd.s32 $0xFFFFE000  }
0xcc: {  	_ =	swait.ge [sflag:s16], $0x2000  }
0xcd: {  	[sflag:s16] =	ssyncset.done $0x0  }
0xce: {  	[sflag:s16] =	ssyncadd.s32 $0xFFFFE000  }
0xcf: {  	[spmem:s19] =	stream.indirect.scatter.add.f32 [tilespmem:s12], [sflag:$0x5], $0x80, s2, s6, $0xb8;
	[tilespmem:$0x1E800] =	vst v63  }
0xd0: {  	_ =	swait.ge [sflag:s3], $0x2000  }
0xd1: {  	[sflag:s3] =	ssyncset.done $0x0  }
0xd2: {  	s26 =	rddreg [dreg:$0x5];
	[sflag:s3] =	ssyncadd.s32 $0xFFFFE000  }
0xd3: {  	[tilespmem:s4], [sflag:$0x5] =	stream.linear.gather [hbm4b:s26+s24], $0x1400, $0x38;
	[tilespmem:$0x1E800] =	vst v63  }
0xd4: {  	_ =	swait.ge [sflag:s3], $0x1400  }
0xd5: {  	[sflag:s3] =	ssyncset.done $0x0  }
0xd6: {  	s26 =	rddreg [dreg:$0x6];
	[sflag:s3] =	ssyncadd.s32 $0xFFFFEC00  }
0xd7: {  	[tilespmem:s5], [sflag:$0x5] =	stream.linear.gather [hbm4b:s26+s24], $0x1400, $0x38;
	[tilespmem:$0x1E800] =	vst v63  }
0xd8: {  	_ =	swait.ge [sflag:s3], $0x1400  }
0xd9: {  	[sflag:s3] =	ssyncset.done $0x0  }
0xda: {  	[sflag:s3] =	ssyncadd.s32 $0xFFFFEC00  }
0xdb: {  	[tilespmem:s24], [sflag:$0x1] =	stream.indirect.gather [hbm4b:s22+s6], $0x80, s4, s6, $0xb8;
	[tilespmem:$0x1E800] =	vst v63  }
0xdc: {  	_ = 	snop  }
0xdd: {  	[tilespmem:s8], [sflag:$0x2] =	stream.indirect.gather [hbm4b:s22+s6], $0x80, s7, s6, $0xb8;
	[tilespmem:$0x1E800] =	vst v63  }
0xde: {  	_ = 	snop  }
0xdf: {  	[tilespmem:s10], [sflag:$0x3] =	stream.indirect.gather [hbm4b:s22+s6], $0x80, s9, s6, $0xb8;
	[tilespmem:$0x1E800] =	vst v63  }
0xe0: {  	_ = 	snop  }
0xe1: {  	[tilespmem:s12], [sflag:$0x4] =	stream.indirect.gather [hbm4b:s22+s6], $0x80, s11, s6, $0xb8;
	[tilespmem:$0x1E800] =	vst v63  }
0xe2: {  	_ =	swait.ge [sflag:s13], $0x2000  }
0xe3: {  	[sflag:s13] =	ssyncset.done $0x0  }
0xe4: {  	s26 =	simm.s32 $0x9400;
	[sflag:s13] =	ssyncadd.s32 $0xFFFFE000  }
0xe5: {  	[spmem:s19] =	stream.indirect.scatter.add.f32 [tilespmem:s0], [sflag:$0x5], $0x80, s26, s6, $0xb8;
	[tilespmem:$0x1E800] =	vst v63  }
0xe6: {  	_ =	swait.ge [sflag:s3], $0x2000  }
0xe7: {  	[sflag:s3] =	ssyncset.done $0x0  }
0xe8: {  	s25 =	simm.s32 $0x8200;
	[sflag:s3] =	ssyncadd.s32 $0xFFFFE000  }
0xe9: {  	[tilespmem:s0], [sflag:$0x1] =	stream.indirect.gather [hbm4b:s22+s6], $0x80, s25, s6, $0xb8;
	[tilespmem:$0x1E800] =	vst v63  }
0xea: {  	_ =	swait.ge [sflag:s14], $0x2000  }
0xeb: {  	[sflag:s14] =	ssyncset.done $0x0  }
0xec: {  	s26 =	simm.s32 $0x9480;
	[sflag:s14] =	ssyncadd.s32 $0xFFFFE000  }
0xed: {  	[spmem:s19] =	stream.indirect.scatter.add.f32 [tilespmem:s8], [sflag:$0x5], $0x80, s26, s6, $0xb8;
	[tilespmem:$0x1E800] =	vst v63  }
0xee: {  	_ =	swait.ge [sflag:s3], $0x2000  }
0xef: {  	[sflag:s3] =	ssyncset.done $0x0  }
0xf0: {  	s25 =	simm.s32 $0x8280;
	[sflag:s3] =	ssyncadd.s32 $0xFFFFE000  }
0xf1: {  	[tilespmem:s8], [sflag:$0x2] =	stream.indirect.gather [hbm4b:s22+s6], $0x80, s25, s6, $0xb8;
	[tilespmem:$0x1E800] =	vst v63  }
0xf2: {  	_ =	swait.ge [sflag:s15], $0x2000  }
0xf3: {  	[sflag:s15] =	ssyncset.done $0x0  }
0xf4: {  	s26 =	simm.s32 $0x9500;
	[sflag:s15] =	ssyncadd.s32 $0xFFFFE000  }
0xf5: {  	[spmem:s19] =	stream.indirect.scatter.add.f32 [tilespmem:s10], [sflag:$0x5], $0x80, s26, s6, $0xb8;
	[tilespmem:$0x1E800] =	vst v63  }
0xf6: {  	_ =	swait.ge [sflag:s3], $0x2000  }
0xf7: {  	[sflag:s3] =	ssyncset.done $0x0  }
0xf8: {  	s25 =	simm.s32 $0x8300;
	[sflag:s3] =	ssyncadd.s32 $0xFFFFE000  }
0xf9: {  	[tilespmem:s10], [sflag:$0x3] =	stream.indirect.gather [hbm4b:s22+s6], $0x80, s25, s6, $0xb8;
	[tilespmem:$0x1E800] =	vst v63  }
0xfa: {  	_ =	swait.ge [sflag:s16], $0x2000  }
0xfb: {  	[sflag:s16] =	ssyncset.done $0x0  }
0xfc: {  	s26 =	simm.s32 $0x9580;
	[sflag:s16] =	ssyncadd.s32 $0xFFFFE000  }
0xfd: {  	[spmem:s19] =	stream.indirect.scatter.add.f32 [tilespmem:s12], [sflag:$0x5], $0x80, s26, s6, $0xb8;
	[tilespmem:$0x1E800] =	vst v63  }
0xfe: {  	_ =	swait.ge [sflag:s3], $0x2000  }
0xff: {  	[sflag:s3] =	ssyncset.done $0x0  }
0x100: {  	s24 =	simm.s32 $0x800;
	s25 =	simm.s32 $0x8380;
	[sflag:s3] =	ssyncadd.s32 $0xFFFFE000  }
.LBB2_6:
0x101: {  	[tilespmem:s12], [sflag:$0x4] =	stream.indirect.gather [hbm4b:s22+s6], $0x80, s25, s6, $0xb8;
	[tilespmem:$0x1E800] =	vst v63  }
0x102: {  	s25 =	smov.u32 s24  }
0x103: {  	p0 =	sne.s32 s24, $0x4000;
	s24 =	sadd.s32 $0x800, s24;
	_ =	swait.ge [sflag:s13], $0x2000  }
0x104: {  	s25 =	sshra.s32 s25, $0x2;
	[sflag:s13] =	ssyncset.done $0x0  }
0x105: {  	s26 =	sadd.s32 $0x9400, s25;
	[sflag:s13] =	ssyncadd.s32 $0xFFFFE000  }
0x106: {  	[spmem:s19] =	stream.indirect.scatter.add.f32 [tilespmem:s0], [sflag:$0x5], $0x80, s26, s6, $0xb8;
	[tilespmem:$0x1E800] =	vst v63  }
0x107: {  	_ =	swait.ge [sflag:s3], $0x2000  }
0x108: {  	[sflag:s3] =	ssyncset.done $0x0  }
0x109: {  	s26 =	sadd.s32 $0x8200, s25;
	[sflag:s3] =	ssyncadd.s32 $0xFFFFE000  }
0x10a: {  	[tilespmem:s0], [sflag:$0x1] =	stream.indirect.gather [hbm4b:s22+s6], $0x80, s26, s6, $0xb8;
	[tilespmem:$0x1E800] =	vst v63  }
0x10b: {  	_ =	swait.ge [sflag:s14], $0x2000  }
0x10c: {  	[sflag:s14] =	ssyncset.done $0x0  }
0x10d: {  	s26 =	sadd.s32 $0x9480, s25;
	[sflag:s14] =	ssyncadd.s32 $0xFFFFE000  }
0x10e: {  	[spmem:s19] =	stream.indirect.scatter.add.f32 [tilespmem:s8], [sflag:$0x5], $0x80, s26, s6, $0xb8;
	[tilespmem:$0x1E800] =	vst v63  }
0x10f: {  	_ =	swait.ge [sflag:s3], $0x2000  }
0x110: {  	[sflag:s3] =	ssyncset.done $0x0  }
0x111: {  	s26 =	sadd.s32 $0x8280, s25;
	[sflag:s3] =	ssyncadd.s32 $0xFFFFE000  }
0x112: {  	[tilespmem:s8], [sflag:$0x2] =	stream.indirect.gather [hbm4b:s22+s6], $0x80, s26, s6, $0xb8;
	[tilespmem:$0x1E800] =	vst v63  }
0x113: {  	_ =	swait.ge [sflag:s15], $0x2000  }
0x114: {  	[sflag:s15] =	ssyncset.done $0x0  }
0x115: {  	s26 =	sadd.s32 $0x9500, s25;
	[sflag:s15] =	ssyncadd.s32 $0xFFFFE000  }
0x116: {  	[spmem:s19] =	stream.indirect.scatter.add.f32 [tilespmem:s10], [sflag:$0x5], $0x80, s26, s6, $0xb8;
	[tilespmem:$0x1E800] =	vst v63  }
0x117: {  	_ =	swait.ge [sflag:s3], $0x2000  }
0x118: {  	[sflag:s3] =	ssyncset.done $0x0  }
0x119: {  	s26 =	sadd.s32 $0x8300, s25;
	[sflag:s3] =	ssyncadd.s32 $0xFFFFE000  }
0x11a: {  	[tilespmem:s10], [sflag:$0x3] =	stream.indirect.gather [hbm4b:s22+s6], $0x80, s26, s6, $0xb8;
	[tilespmem:$0x1E800] =	vst v63  }
0x11b: {  	_ =	swait.ge [sflag:s16], $0x2000  }
0x11c: {  	[sflag:s16] =	ssyncset.done $0x0  }
.Ltmp2:
0x11d: {  	s26 =	sadd.s32 $0x9580, s25;
	[sflag:s16] =	ssyncadd.s32 $0xFFFFE000;
	(pc) =	sbr.rel @p0 .LBB2_6-.Ltmp2, $4  }
0x11e: {  	[spmem:s19] =	stream.indirect.scatter.add.f32 [tilespmem:s12], [sflag:$0x5], $0x80, s26, s6, $0xb8;
	[tilespmem:$0x1E800] =	vst v63  }
0x11f: {  	_ =	swait.ge [sflag:s3], $0x2000  }
0x120: {  	[sflag:s3] =	ssyncset.done $0x0  }
0x121: {  	s25 =	sadd.s32 $0x8380, s25;
	[sflag:s3] =	ssyncadd.s32 $0xFFFFE000  }
0x122: {  	[tilespmem:s12], [sflag:$0x4] =	stream.indirect.gather [hbm4b:s22+s6], $0x80, s25, s6, $0xb8;
	[tilespmem:$0x1E800] =	vst v63  }
0x123: {  	_ =	swait.ge [sflag:s13], $0x2000  }
0x124: {  	[sflag:s13] =	ssyncset.done $0x0  }
0x125: {  	s24 =	simm.s32 $0x0;
	[sflag:s13] =	ssyncadd.s32 $0xFFFFE000  }
0x126: {  	[spmem:s19] =	stream.indirect.scatter.add.f32 [tilespmem:s24], [sflag:$0x5], $0x80, s17, s6, $0xb8;
	[tilespmem:$0x1E800] =	vst v63  }
0x127: {  	_ =	swait.ge [sflag:s3], $0x2000  }
0x128: {  	[sflag:s3] =	ssyncset.done $0x0  }
0x129: {  	[sflag:s3] =	ssyncadd.s32 $0xFFFFE000  }
0x12a: {  	_ =	swait.ge [sflag:s14], $0x2000  }
0x12b: {  	[sflag:s14] =	ssyncset.done $0x0  }
0x12c: {  	[sflag:s14] =	ssyncadd.s32 $0xFFFFE000  }
0x12d: {  	[spmem:s19] =	stream.indirect.scatter.add.f32 [tilespmem:s8], [sflag:$0x5], $0x80, s20, s6, $0xb8;
	[tilespmem:$0x1E800] =	vst v63  }
0x12e: {  	_ =	swait.ge [sflag:s3], $0x2000  }
0x12f: {  	[sflag:s3] =	ssyncset.done $0x0  }
0x130: {  	[sflag:s3] =	ssyncadd.s32 $0xFFFFE000  }
0x131: {  	_ =	swait.ge [sflag:s15], $0x2000  }
0x132: {  	[sflag:s15] =	ssyncset.done $0x0  }
0x133: {  	[sflag:s15] =	ssyncadd.s32 $0xFFFFE000  }
0x134: {  	[spmem:s19] =	stream.indirect.scatter.add.f32 [tilespmem:s10], [sflag:$0x5], $0x80, s21, s6, $0xb8;
	[tilespmem:$0x1E800] =	vst v63  }
0x135: {  	_ =	swait.ge [sflag:s3], $0x2000  }
0x136: {  	[sflag:s3] =	ssyncset.done $0x0  }
0x137: {  	[sflag:s3] =	ssyncadd.s32 $0xFFFFE000  }
0x138: {  	_ =	swait.ge [sflag:s16], $0x2000  }
0x139: {  	[sflag:s16] =	ssyncset.done $0x0  }
0x13a: {  	[sflag:s16] =	ssyncadd.s32 $0xFFFFE000  }
0x13b: {  	[spmem:s19] =	stream.indirect.scatter.add.f32 [tilespmem:s12], [sflag:$0x5], $0x80, s2, s6, $0xb8;
	[tilespmem:$0x1E800] =	vst v63  }
0x13c: {  	_ =	swait.ge [sflag:s3], $0x2000  }
0x13d: {  	[sflag:s3] =	ssyncset.done $0x0  }
0x13e: {  	s26 =	rddreg [dreg:$0x7];
	[sflag:s3] =	ssyncadd.s32 $0xFFFFE000  }
0x13f: {  	[tilespmem:s4], [sflag:$0x5] =	stream.linear.gather [hbm4b:s26+s24], $0x1400, $0x38;
	[tilespmem:$0x1E800] =	vst v63  }
0x140: {  	_ =	swait.ge [sflag:s3], $0x1400  }
0x141: {  	[sflag:s3] =	ssyncset.done $0x0  }
0x142: {  	s26 =	rddreg [dreg:$0x8];
	[sflag:s3] =	ssyncadd.s32 $0xFFFFEC00  }
0x143: {  	[tilespmem:s5], [sflag:$0x5] =	stream.linear.gather [hbm4b:s26+s24], $0x1400, $0x38;
	[tilespmem:$0x1E800] =	vst v63  }
0x144: {  	_ =	swait.ge [sflag:s3], $0x1400  }
0x145: {  	[sflag:s3] =	ssyncset.done $0x0  }
0x146: {  	[sflag:s3] =	ssyncadd.s32 $0xFFFFEC00  }
0x147: {  	[tilespmem:s24], [sflag:$0x1] =	stream.indirect.gather [hbm4b:s22+s6], $0x80, s4, s6, $0xb8;
	[tilespmem:$0x1E800] =	vst v63  }
0x148: {  	_ = 	snop  }
0x149: {  	[tilespmem:s8], [sflag:$0x2] =	stream.indirect.gather [hbm4b:s22+s6], $0x80, s7, s6, $0xb8;
	[tilespmem:$0x1E800] =	vst v63  }
0x14a: {  	_ = 	snop  }
0x14b: {  	[tilespmem:s10], [sflag:$0x3] =	stream.indirect.gather [hbm4b:s22+s6], $0x80, s9, s6, $0xb8;
	[tilespmem:$0x1E800] =	vst v63  }
0x14c: {  	_ = 	snop  }
0x14d: {  	[tilespmem:s12], [sflag:$0x4] =	stream.indirect.gather [hbm4b:s22+s6], $0x80, s11, s6, $0xb8;
	[tilespmem:$0x1E800] =	vst v63  }
0x14e: {  	_ =	swait.ge [sflag:s13], $0x2000  }
0x14f: {  	[sflag:s13] =	ssyncset.done $0x0  }
0x150: {  	s26 =	simm.s32 $0x9400;
	[sflag:s13] =	ssyncadd.s32 $0xFFFFE000  }
0x151: {  	[spmem:s19] =	stream.indirect.scatter.add.f32 [tilespmem:s0], [sflag:$0x5], $0x80, s26, s6, $0xb8;
	[tilespmem:$0x1E800] =	vst v63  }
0x152: {  	_ =	swait.ge [sflag:s3], $0x2000  }
0x153: {  	[sflag:s3] =	ssyncset.done $0x0  }
0x154: {  	s25 =	simm.s32 $0x8200;
	[sflag:s3] =	ssyncadd.s32 $0xFFFFE000  }
0x155: {  	[tilespmem:s0], [sflag:$0x1] =	stream.indirect.gather [hbm4b:s22+s6], $0x80, s25, s6, $0xb8;
	[tilespmem:$0x1E800] =	vst v63  }
0x156: {  	_ =	swait.ge [sflag:s14], $0x2000  }
0x157: {  	[sflag:s14] =	ssyncset.done $0x0  }
0x158: {  	s26 =	simm.s32 $0x9480;
	[sflag:s14] =	ssyncadd.s32 $0xFFFFE000  }
0x159: {  	[spmem:s19] =	stream.indirect.scatter.add.f32 [tilespmem:s8], [sflag:$0x5], $0x80, s26, s6, $0xb8;
	[tilespmem:$0x1E800] =	vst v63  }
0x15a: {  	_ =	swait.ge [sflag:s3], $0x2000  }
0x15b: {  	[sflag:s3] =	ssyncset.done $0x0  }
0x15c: {  	s25 =	simm.s32 $0x8280;
	[sflag:s3] =	ssyncadd.s32 $0xFFFFE000  }
0x15d: {  	[tilespmem:s8], [sflag:$0x2] =	stream.indirect.gather [hbm4b:s22+s6], $0x80, s25, s6, $0xb8;
	[tilespmem:$0x1E800] =	vst v63  }
0x15e: {  	_ =	swait.ge [sflag:s15], $0x2000  }
0x15f: {  	[sflag:s15] =	ssyncset.done $0x0  }
0x160: {  	s26 =	simm.s32 $0x9500;
	[sflag:s15] =	ssyncadd.s32 $0xFFFFE000  }
0x161: {  	[spmem:s19] =	stream.indirect.scatter.add.f32 [tilespmem:s10], [sflag:$0x5], $0x80, s26, s6, $0xb8;
	[tilespmem:$0x1E800] =	vst v63  }
0x162: {  	_ =	swait.ge [sflag:s3], $0x2000  }
0x163: {  	[sflag:s3] =	ssyncset.done $0x0  }
0x164: {  	s25 =	simm.s32 $0x8300;
	[sflag:s3] =	ssyncadd.s32 $0xFFFFE000  }
0x165: {  	[tilespmem:s10], [sflag:$0x3] =	stream.indirect.gather [hbm4b:s22+s6], $0x80, s25, s6, $0xb8;
	[tilespmem:$0x1E800] =	vst v63  }
0x166: {  	_ =	swait.ge [sflag:s16], $0x2000  }
0x167: {  	[sflag:s16] =	ssyncset.done $0x0  }
0x168: {  	s26 =	simm.s32 $0x9580;
	[sflag:s16] =	ssyncadd.s32 $0xFFFFE000  }
0x169: {  	[spmem:s19] =	stream.indirect.scatter.add.f32 [tilespmem:s12], [sflag:$0x5], $0x80, s26, s6, $0xb8;
	[tilespmem:$0x1E800] =	vst v63  }
0x16a: {  	_ =	swait.ge [sflag:s3], $0x2000  }
0x16b: {  	[sflag:s3] =	ssyncset.done $0x0  }
0x16c: {  	s24 =	simm.s32 $0x800;
	s25 =	simm.s32 $0x8380;
	[sflag:s3] =	ssyncadd.s32 $0xFFFFE000  }
.LBB2_8:
0x16d: {  	[tilespmem:s12], [sflag:$0x4] =	stream.indirect.gather [hbm4b:s22+s6], $0x80, s25, s6, $0xb8;
	[tilespmem:$0x1E800] =	vst v63  }
0x16e: {  	s25 =	smov.u32 s24  }
0x16f: {  	p0 =	sne.s32 s24, $0x4000;
	s24 =	sadd.s32 $0x800, s24;
	_ =	swait.ge [sflag:s13], $0x2000  }
0x170: {  	s25 =	sshra.s32 s25, $0x2;
	[sflag:s13] =	ssyncset.done $0x0  }
0x171: {  	s26 =	sadd.s32 $0x9400, s25;
	[sflag:s13] =	ssyncadd.s32 $0xFFFFE000  }
0x172: {  	[spmem:s19] =	stream.indirect.scatter.add.f32 [tilespmem:s0], [sflag:$0x5], $0x80, s26, s6, $0xb8;
	[tilespmem:$0x1E800] =	vst v63  }
0x173: {  	_ =	swait.ge [sflag:s3], $0x2000  }
0x174: {  	[sflag:s3] =	ssyncset.done $0x0  }
0x175: {  	s26 =	sadd.s32 $0x8200, s25;
	[sflag:s3] =	ssyncadd.s32 $0xFFFFE000  }
0x176: {  	[tilespmem:s0], [sflag:$0x1] =	stream.indirect.gather [hbm4b:s22+s6], $0x80, s26, s6, $0xb8;
	[tilespmem:$0x1E800] =	vst v63  }
0x177: {  	_ =	swait.ge [sflag:s14], $0x2000  }
0x178: {  	[sflag:s14] =	ssyncset.done $0x0  }
0x179: {  	s26 =	sadd.s32 $0x9480, s25;
	[sflag:s14] =	ssyncadd.s32 $0xFFFFE000  }
0x17a: {  	[spmem:s19] =	stream.indirect.scatter.add.f32 [tilespmem:s8], [sflag:$0x5], $0x80, s26, s6, $0xb8;
	[tilespmem:$0x1E800] =	vst v63  }
0x17b: {  	_ =	swait.ge [sflag:s3], $0x2000  }
0x17c: {  	[sflag:s3] =	ssyncset.done $0x0  }
0x17d: {  	s26 =	sadd.s32 $0x8280, s25;
	[sflag:s3] =	ssyncadd.s32 $0xFFFFE000  }
0x17e: {  	[tilespmem:s8], [sflag:$0x2] =	stream.indirect.gather [hbm4b:s22+s6], $0x80, s26, s6, $0xb8;
	[tilespmem:$0x1E800] =	vst v63  }
0x17f: {  	_ =	swait.ge [sflag:s15], $0x2000  }
0x180: {  	[sflag:s15] =	ssyncset.done $0x0  }
0x181: {  	s26 =	sadd.s32 $0x9500, s25;
	[sflag:s15] =	ssyncadd.s32 $0xFFFFE000  }
0x182: {  	[spmem:s19] =	stream.indirect.scatter.add.f32 [tilespmem:s10], [sflag:$0x5], $0x80, s26, s6, $0xb8;
	[tilespmem:$0x1E800] =	vst v63  }
0x183: {  	_ =	swait.ge [sflag:s3], $0x2000  }
0x184: {  	[sflag:s3] =	ssyncset.done $0x0  }
0x185: {  	s26 =	sadd.s32 $0x8300, s25;
	[sflag:s3] =	ssyncadd.s32 $0xFFFFE000  }
0x186: {  	[tilespmem:s10], [sflag:$0x3] =	stream.indirect.gather [hbm4b:s22+s6], $0x80, s26, s6, $0xb8;
	[tilespmem:$0x1E800] =	vst v63  }
0x187: {  	_ =	swait.ge [sflag:s16], $0x2000  }
0x188: {  	[sflag:s16] =	ssyncset.done $0x0  }
.Ltmp3:
0x189: {  	s26 =	sadd.s32 $0x9580, s25;
	[sflag:s16] =	ssyncadd.s32 $0xFFFFE000;
	(pc) =	sbr.rel @p0 .LBB2_8-.Ltmp3, $4  }
0x18a: {  	[spmem:s19] =	stream.indirect.scatter.add.f32 [tilespmem:s12], [sflag:$0x5], $0x80, s26, s6, $0xb8;
	[tilespmem:$0x1E800] =	vst v63  }
0x18b: {  	_ =	swait.ge [sflag:s3], $0x2000  }
0x18c: {  	[sflag:s3] =	ssyncset.done $0x0  }
0x18d: {  	s25 =	sadd.s32 $0x8380, s25;
	[sflag:s3] =	ssyncadd.s32 $0xFFFFE000  }
0x18e: {  	[tilespmem:s12], [sflag:$0x4] =	stream.indirect.gather [hbm4b:s22+s6], $0x80, s25, s6, $0xb8;
	[tilespmem:$0x1E800] =	vst v63  }
0x18f: {  	_ =	swait.ge [sflag:s13], $0x2000  }
0x190: {  	[sflag:s13] =	ssyncset.done $0x0  }
0x191: {  	s24 =	simm.s32 $0x0;
	[sflag:s13] =	ssyncadd.s32 $0xFFFFE000  }
0x192: {  	[spmem:s19] =	stream.indirect.scatter.add.f32 [tilespmem:s24], [sflag:$0x5], $0x80, s17, s6, $0xb8;
	[tilespmem:$0x1E800] =	vst v63  }
0x193: {  	_ =	swait.ge [sflag:s3], $0x2000  }
0x194: {  	[sflag:s3] =	ssyncset.done $0x0  }
0x195: {  	[sflag:s3] =	ssyncadd.s32 $0xFFFFE000  }
0x196: {  	_ =	swait.ge [sflag:s14], $0x2000  }
0x197: {  	[sflag:s14] =	ssyncset.done $0x0  }
0x198: {  	[sflag:s14] =	ssyncadd.s32 $0xFFFFE000  }
0x199: {  	[spmem:s19] =	stream.indirect.scatter.add.f32 [tilespmem:s8], [sflag:$0x5], $0x80, s20, s6, $0xb8;
	[tilespmem:$0x1E800] =	vst v63  }
0x19a: {  	_ =	swait.ge [sflag:s3], $0x2000  }
0x19b: {  	[sflag:s3] =	ssyncset.done $0x0  }
0x19c: {  	[sflag:s3] =	ssyncadd.s32 $0xFFFFE000  }
0x19d: {  	_ =	swait.ge [sflag:s15], $0x2000  }
0x19e: {  	[sflag:s15] =	ssyncset.done $0x0  }
0x19f: {  	[sflag:s15] =	ssyncadd.s32 $0xFFFFE000  }
0x1a0: {  	[spmem:s19] =	stream.indirect.scatter.add.f32 [tilespmem:s10], [sflag:$0x5], $0x80, s21, s6, $0xb8;
	[tilespmem:$0x1E800] =	vst v63  }
0x1a1: {  	_ =	swait.ge [sflag:s3], $0x2000  }
0x1a2: {  	[sflag:s3] =	ssyncset.done $0x0  }
0x1a3: {  	[sflag:s3] =	ssyncadd.s32 $0xFFFFE000  }
0x1a4: {  	_ =	swait.ge [sflag:s16], $0x2000  }
0x1a5: {  	[sflag:s16] =	ssyncset.done $0x0  }
0x1a6: {  	[sflag:s16] =	ssyncadd.s32 $0xFFFFE000  }
0x1a7: {  	[spmem:s19] =	stream.indirect.scatter.add.f32 [tilespmem:s12], [sflag:$0x5], $0x80, s2, s6, $0xb8;
	[tilespmem:$0x1E800] =	vst v63  }
0x1a8: {  	_ =	swait.ge [sflag:s3], $0x2000  }
0x1a9: {  	[sflag:s3] =	ssyncset.done $0x0  }
0x1aa: {  	s26 =	rddreg [dreg:$0x9];
	[sflag:s3] =	ssyncadd.s32 $0xFFFFE000  }
0x1ab: {  	[tilespmem:s4], [sflag:$0x5] =	stream.linear.gather [hbm4b:s26+s24], $0x1400, $0x38;
	[tilespmem:$0x1E800] =	vst v63  }
0x1ac: {  	_ =	swait.ge [sflag:s3], $0x1400  }
0x1ad: {  	[sflag:s3] =	ssyncset.done $0x0  }
0x1ae: {  	s26 =	rddreg [dreg:$0xa];
	[sflag:s3] =	ssyncadd.s32 $0xFFFFEC00  }
0x1af: {  	[tilespmem:s5], [sflag:$0x5] =	stream.linear.gather [hbm4b:s26+s24], $0x1400, $0x38;
	[tilespmem:$0x1E800] =	vst v63  }
0x1b0: {  	_ =	swait.ge [sflag:s3], $0x1400  }
0x1b1: {  	[sflag:s3] =	ssyncset.done $0x0  }
0x1b2: {  	[sflag:s3] =	ssyncadd.s32 $0xFFFFEC00  }
0x1b3: {  	[tilespmem:s24], [sflag:$0x1] =	stream.indirect.gather [hbm4b:s22+s6], $0x80, s4, s6, $0xb8;
	[tilespmem:$0x1E800] =	vst v63  }
0x1b4: {  	_ = 	snop  }
0x1b5: {  	[tilespmem:s8], [sflag:$0x2] =	stream.indirect.gather [hbm4b:s22+s6], $0x80, s7, s6, $0xb8;
	[tilespmem:$0x1E800] =	vst v63  }
0x1b6: {  	_ = 	snop  }
0x1b7: {  	[tilespmem:s10], [sflag:$0x3] =	stream.indirect.gather [hbm4b:s22+s6], $0x80, s9, s6, $0xb8;
	[tilespmem:$0x1E800] =	vst v63  }
0x1b8: {  	_ = 	snop  }
0x1b9: {  	[tilespmem:s12], [sflag:$0x4] =	stream.indirect.gather [hbm4b:s22+s6], $0x80, s11, s6, $0xb8;
	[tilespmem:$0x1E800] =	vst v63  }
0x1ba: {  	_ =	swait.ge [sflag:s13], $0x2000  }
0x1bb: {  	[sflag:s13] =	ssyncset.done $0x0  }
0x1bc: {  	s26 =	simm.s32 $0x9400;
	[sflag:s13] =	ssyncadd.s32 $0xFFFFE000  }
0x1bd: {  	[spmem:s19] =	stream.indirect.scatter.add.f32 [tilespmem:s0], [sflag:$0x5], $0x80, s26, s6, $0xb8;
	[tilespmem:$0x1E800] =	vst v63  }
0x1be: {  	_ =	swait.ge [sflag:s3], $0x2000  }
0x1bf: {  	[sflag:s3] =	ssyncset.done $0x0  }
0x1c0: {  	s25 =	simm.s32 $0x8200;
	[sflag:s3] =	ssyncadd.s32 $0xFFFFE000  }
0x1c1: {  	[tilespmem:s0], [sflag:$0x1] =	stream.indirect.gather [hbm4b:s22+s6], $0x80, s25, s6, $0xb8;
	[tilespmem:$0x1E800] =	vst v63  }
0x1c2: {  	_ =	swait.ge [sflag:s14], $0x2000  }
0x1c3: {  	[sflag:s14] =	ssyncset.done $0x0  }
0x1c4: {  	s26 =	simm.s32 $0x9480;
	[sflag:s14] =	ssyncadd.s32 $0xFFFFE000  }
0x1c5: {  	[spmem:s19] =	stream.indirect.scatter.add.f32 [tilespmem:s8], [sflag:$0x5], $0x80, s26, s6, $0xb8;
	[tilespmem:$0x1E800] =	vst v63  }
0x1c6: {  	_ =	swait.ge [sflag:s3], $0x2000  }
0x1c7: {  	[sflag:s3] =	ssyncset.done $0x0  }
0x1c8: {  	s25 =	simm.s32 $0x8280;
	[sflag:s3] =	ssyncadd.s32 $0xFFFFE000  }
0x1c9: {  	[tilespmem:s8], [sflag:$0x2] =	stream.indirect.gather [hbm4b:s22+s6], $0x80, s25, s6, $0xb8;
	[tilespmem:$0x1E800] =	vst v63  }
0x1ca: {  	_ =	swait.ge [sflag:s15], $0x2000  }
0x1cb: {  	[sflag:s15] =	ssyncset.done $0x0  }
0x1cc: {  	s26 =	simm.s32 $0x9500;
	[sflag:s15] =	ssyncadd.s32 $0xFFFFE000  }
0x1cd: {  	[spmem:s19] =	stream.indirect.scatter.add.f32 [tilespmem:s10], [sflag:$0x5], $0x80, s26, s6, $0xb8;
	[tilespmem:$0x1E800] =	vst v63  }
0x1ce: {  	_ =	swait.ge [sflag:s3], $0x2000  }
0x1cf: {  	[sflag:s3] =	ssyncset.done $0x0  }
0x1d0: {  	s25 =	simm.s32 $0x8300;
	[sflag:s3] =	ssyncadd.s32 $0xFFFFE000  }
0x1d1: {  	[tilespmem:s10], [sflag:$0x3] =	stream.indirect.gather [hbm4b:s22+s6], $0x80, s25, s6, $0xb8;
	[tilespmem:$0x1E800] =	vst v63  }
0x1d2: {  	_ =	swait.ge [sflag:s16], $0x2000  }
0x1d3: {  	[sflag:s16] =	ssyncset.done $0x0  }
0x1d4: {  	s26 =	simm.s32 $0x9580;
	[sflag:s16] =	ssyncadd.s32 $0xFFFFE000  }
0x1d5: {  	[spmem:s19] =	stream.indirect.scatter.add.f32 [tilespmem:s12], [sflag:$0x5], $0x80, s26, s6, $0xb8;
	[tilespmem:$0x1E800] =	vst v63  }
0x1d6: {  	_ =	swait.ge [sflag:s3], $0x2000  }
0x1d7: {  	[sflag:s3] =	ssyncset.done $0x0  }
0x1d8: {  	s24 =	simm.s32 $0x800;
	s25 =	simm.s32 $0x8380;
	[sflag:s3] =	ssyncadd.s32 $0xFFFFE000  }
.LBB2_10:
0x1d9: {  	[tilespmem:s12], [sflag:$0x4] =	stream.indirect.gather [hbm4b:s22+s6], $0x80, s25, s6, $0xb8;
	[tilespmem:$0x1E800] =	vst v63  }
0x1da: {  	s25 =	smov.u32 s24  }
0x1db: {  	p0 =	sne.s32 s24, $0x4000;
	s24 =	sadd.s32 $0x800, s24;
	_ =	swait.ge [sflag:s13], $0x2000  }
0x1dc: {  	s25 =	sshra.s32 s25, $0x2;
	[sflag:s13] =	ssyncset.done $0x0  }
0x1dd: {  	s26 =	sadd.s32 $0x9400, s25;
	[sflag:s13] =	ssyncadd.s32 $0xFFFFE000  }
0x1de: {  	[spmem:s19] =	stream.indirect.scatter.add.f32 [tilespmem:s0], [sflag:$0x5], $0x80, s26, s6, $0xb8;
	[tilespmem:$0x1E800] =	vst v63  }
0x1df: {  	_ =	swait.ge [sflag:s3], $0x2000  }
0x1e0: {  	[sflag:s3] =	ssyncset.done $0x0  }
0x1e1: {  	s26 =	sadd.s32 $0x8200, s25;
	[sflag:s3] =	ssyncadd.s32 $0xFFFFE000  }
0x1e2: {  	[tilespmem:s0], [sflag:$0x1] =	stream.indirect.gather [hbm4b:s22+s6], $0x80, s26, s6, $0xb8;
	[tilespmem:$0x1E800] =	vst v63  }
0x1e3: {  	_ =	swait.ge [sflag:s14], $0x2000  }
0x1e4: {  	[sflag:s14] =	ssyncset.done $0x0  }
0x1e5: {  	s26 =	sadd.s32 $0x9480, s25;
	[sflag:s14] =	ssyncadd.s32 $0xFFFFE000  }
0x1e6: {  	[spmem:s19] =	stream.indirect.scatter.add.f32 [tilespmem:s8], [sflag:$0x5], $0x80, s26, s6, $0xb8;
	[tilespmem:$0x1E800] =	vst v63  }
0x1e7: {  	_ =	swait.ge [sflag:s3], $0x2000  }
0x1e8: {  	[sflag:s3] =	ssyncset.done $0x0  }
0x1e9: {  	s26 =	sadd.s32 $0x8280, s25;
	[sflag:s3] =	ssyncadd.s32 $0xFFFFE000  }
0x1ea: {  	[tilespmem:s8], [sflag:$0x2] =	stream.indirect.gather [hbm4b:s22+s6], $0x80, s26, s6, $0xb8;
	[tilespmem:$0x1E800] =	vst v63  }
0x1eb: {  	_ =	swait.ge [sflag:s15], $0x2000  }
0x1ec: {  	[sflag:s15] =	ssyncset.done $0x0  }
0x1ed: {  	s26 =	sadd.s32 $0x9500, s25;
	[sflag:s15] =	ssyncadd.s32 $0xFFFFE000  }
0x1ee: {  	[spmem:s19] =	stream.indirect.scatter.add.f32 [tilespmem:s10], [sflag:$0x5], $0x80, s26, s6, $0xb8;
	[tilespmem:$0x1E800] =	vst v63  }
0x1ef: {  	_ =	swait.ge [sflag:s3], $0x2000  }
0x1f0: {  	[sflag:s3] =	ssyncset.done $0x0  }
0x1f1: {  	s26 =	sadd.s32 $0x8300, s25;
	[sflag:s3] =	ssyncadd.s32 $0xFFFFE000  }
0x1f2: {  	[tilespmem:s10], [sflag:$0x3] =	stream.indirect.gather [hbm4b:s22+s6], $0x80, s26, s6, $0xb8;
	[tilespmem:$0x1E800] =	vst v63  }
0x1f3: {  	_ =	swait.ge [sflag:s16], $0x2000  }
0x1f4: {  	[sflag:s16] =	ssyncset.done $0x0  }
.Ltmp4:
0x1f5: {  	s26 =	sadd.s32 $0x9580, s25;
	[sflag:s16] =	ssyncadd.s32 $0xFFFFE000;
	(pc) =	sbr.rel @p0 .LBB2_10-.Ltmp4, $4  }
0x1f6: {  	[spmem:s19] =	stream.indirect.scatter.add.f32 [tilespmem:s12], [sflag:$0x5], $0x80, s26, s6, $0xb8;
	[tilespmem:$0x1E800] =	vst v63  }
0x1f7: {  	_ =	swait.ge [sflag:s3], $0x2000  }
0x1f8: {  	[sflag:s3] =	ssyncset.done $0x0  }
0x1f9: {  	s25 =	sadd.s32 $0x8380, s25;
	[sflag:s3] =	ssyncadd.s32 $0xFFFFE000  }
0x1fa: {  	[tilespmem:s12], [sflag:$0x4] =	stream.indirect.gather [hbm4b:s22+s6], $0x80, s25, s6, $0xb8;
	[tilespmem:$0x1E800] =	vst v63  }
0x1fb: {  	_ =	swait.ge [sflag:s13], $0x2000  }
0x1fc: {  	[sflag:s13] =	ssyncset.done $0x0  }
0x1fd: {  	[sflag:s13] =	ssyncadd.s32 $0xFFFFE000  }
0x1fe: {  	[spmem:s19] =	stream.indirect.scatter.add.f32 [tilespmem:s0], [sflag:$0x5], $0x80, s17, s6, $0xb8;
	[tilespmem:$0x1E800] =	vst v63  }
0x1ff: {  	_ =	swait.ge [sflag:s3], $0x2000  }
0x200: {  	[sflag:s3] =	ssyncset.done $0x0  }
0x201: {  	[sflag:s3] =	ssyncadd.s32 $0xFFFFE000  }
0x202: {  	_ =	swait.ge [sflag:s14], $0x2000  }
0x203: {  	[sflag:s14] =	ssyncset.done $0x0  }
0x204: {  	[sflag:s14] =	ssyncadd.s32 $0xFFFFE000  }
0x205: {  	[spmem:s19] =	stream.indirect.scatter.add.f32 [tilespmem:s8], [sflag:$0x5], $0x80, s20, s6, $0xb8;
	[tilespmem:$0x1E800] =	vst v63  }
0x206: {  	_ =	swait.ge [sflag:s3], $0x2000  }
0x207: {  	[sflag:s3] =	ssyncset.done $0x0  }
0x208: {  	[sflag:s3] =	ssyncadd.s32 $0xFFFFE000  }
0x209: {  	_ =	swait.ge [sflag:s15], $0x2000  }
0x20a: {  	[sflag:s15] =	ssyncset.done $0x0  }
0x20b: {  	[sflag:s15] =	ssyncadd.s32 $0xFFFFE000  }
0x20c: {  	[spmem:s19] =	stream.indirect.scatter.add.f32 [tilespmem:s10], [sflag:$0x5], $0x80, s21, s6, $0xb8;
	[tilespmem:$0x1E800] =	vst v63  }
0x20d: {  	_ =	swait.ge [sflag:s3], $0x2000  }
0x20e: {  	[sflag:s3] =	ssyncset.done $0x0  }
0x20f: {  	[sflag:s3] =	ssyncadd.s32 $0xFFFFE000  }
0x210: {  	_ =	swait.ge [sflag:s16], $0x2000  }
0x211: {  	[sflag:s16] =	ssyncset.done $0x0  }
0x212: {  	[sflag:s16] =	ssyncadd.s32 $0xFFFFE000  }
0x213: {  	[spmem:s19] =	stream.indirect.scatter.add.f32 [tilespmem:s12], [sflag:$0x5], $0x80, s2, s6, $0xb8;
	[tilespmem:$0x1E800] =	vst v63  }
0x214: {  	_ =	swait.ge [sflag:s3], $0x2000  }
0x215: {  	[sflag:s3] =	ssyncset.done $0x0  }
0x216: {  	[sflag:s3] =	ssyncadd.s32 $0xFFFFE000  }
0x217: {  	s24 =	stileid.u32;
	[bflag:$0x0] =	sbarrier.arrive $0xFFFF  }
0x218: {  	s24 =	sshll.u32 s24, $0x6;
	s26 =	rddreg [dreg:$0x15]  }
0x219: {  	s24 =	sor.u32 $0x1C05, s24;
	s25 =	sshrl.u32 s26, $0x3;
	s26 =	rddreg [dreg:$0xb]  }
0x21a: {  	[hbm:s26], [sflag:s24] =	dma.local [spmem:s25], $0x400  }
0x21b: {  	_ =	swait.ge [sflag:s3], $0x400  }
0x21c: {  	[sflag:s3] =	ssyncset.done $0x0;
	s26 =	rddreg [dreg:$0x16]  }
0x21d: {  	[sflag:s3] =	ssyncadd.s32 $0xFFFFFC00;
	s25 =	sshrl.u32 s26, $0x3;
	s26 =	rddreg [dreg:$0xc]  }
0x21e: {  	[hbm:s26], [sflag:s24] =	dma.local [spmem:s25], $0x400  }
0x21f: {  	_ =	swait.ge [sflag:s3], $0x400  }
0x220: {  	[sflag:s3] =	ssyncset.done $0x0;
	s26 =	rddreg [dreg:$0x17]  }
0x221: {  	[sflag:s3] =	ssyncadd.s32 $0xFFFFFC00;
	s25 =	sshrl.u32 s26, $0x3;
	s26 =	rddreg [dreg:$0xd]  }
0x222: {  	[hbm:s26], [sflag:s24] =	dma.local [spmem:s25], $0x400  }
0x223: {  	_ =	swait.ge [sflag:s3], $0x400  }
0x224: {  	[sflag:s3] =	ssyncset.done $0x0;
	s26 =	rddreg [dreg:$0x18]  }
0x225: {  	[sflag:s3] =	ssyncadd.s32 $0xFFFFFC00;
	s25 =	sshrl.u32 s26, $0x3;
	s26 =	rddreg [dreg:$0xe]  }
0x226: {  	[hbm:s26], [sflag:s24] =	dma.local [spmem:s25], $0x400  }
0x227: {  	_ =	swait.ge [sflag:s3], $0x400  }
0x228: {  	[sflag:s3] =	ssyncset.done $0x0  }
0x229: {  	s25 =	sshrl.u32 s28, $0x3;
	s26 =	rddreg [dreg:$0xf];
	[sflag:s3] =	ssyncadd.s32 $0xFFFFFC00  }
0x22a: {  	[hbm:s26], [sflag:s24] =	dma.local [spmem:s25], $0x400  }
0x22b: {  	_ =	swait.ge [sflag:s3], $0x400  }
0x22c: {  	[sflag:s3] =	ssyncset.done $0x0  }
0x22d: {  	s25 =	sshrl.u32 s29, $0x3;
	s26 =	rddreg [dreg:$0x10];
	[sflag:s3] =	ssyncadd.s32 $0xFFFFFC00  }
0x22e: {  	[hbm:s26], [sflag:s24] =	dma.local [spmem:s25], $0x400  }
0x22f: {  	_ =	swait.ge [sflag:s3], $0x400  }
0x230: {  	[sflag:s3] =	ssyncset.done $0x0  }
0x231: {  	s25 =	sshrl.u32 s30, $0x3;
	s26 =	rddreg [dreg:$0x11];
	[sflag:s3] =	ssyncadd.s32 $0xFFFFFC00  }
0x232: {  	[hbm:s26], [sflag:s24] =	dma.local [spmem:s25], $0x400  }
0x233: {  	_ =	swait.ge [sflag:s3], $0x400  }
0x234: {  	[sflag:s3] =	ssyncset.done $0x0  }
0x235: {  	s25 =	sshrl.u32 s31, $0x3;
	s26 =	rddreg [dreg:$0x12];
	[sflag:s3] =	ssyncadd.s32 $0xFFFFFC00  }
0x236: {  	[hbm:s26], [sflag:s24] =	dma.local [spmem:s25], $0x400  }
0x237: {  	_ =	swait.ge [sflag:s3], $0x400  }
0x238: {  	[sflag:s3] =	ssyncset.done $0x0  }
0x239: {  	s25 =	sshrl.u32 s18, $0x3;
	s26 =	rddreg [dreg:$0x13];
	[sflag:s3] =	ssyncadd.s32 $0xFFFFFC00  }
0x23a: {  	[hbm:s26], [sflag:s24] =	dma.local [spmem:s25], $0x400  }
0x23b: {  	_ =	swait.ge [sflag:s3], $0x400  }
0x23c: {  	[sflag:s3] =	ssyncset.done $0x0  }
0x23d: {  	s25 =	sshrl.u32 s1, $0x3;
	s26 =	rddreg [dreg:$0x14];
	[sflag:s3] =	ssyncadd.s32 $0xFFFFFC00  }
0x23e: {  	[hbm:s26], [sflag:s24] =	dma.local [spmem:s25], $0x400  }
0x23f: {  	_ =	swait.ge [sflag:s3], $0x400  }
0x240: {  	s23 =	sadd.s32 $0x1, s23;
	s26 =	rddreg [dreg:$0x19]  }
0x241: {  	p0 =	sne.s32 s23, s26  }
.Ltmp5:
0x242: {  	_ = 	snop;
	(pc) =	sbr.rel @p0 .LBB2_1-.Ltmp5, $3  }
0x243: {  	_ =	sdelay $0x1  }
0x244: {  	[sflag:s3] =	ssyncset.done $0x0  }
0x245: {  	[sflag:s3] =	ssyncadd.s32 $0xFFFFFC00  }
0x246: {  	_ =	sfence.sel $0x180000  }
0x247: {  	[bflag:$0x0] =	sbarrier.arrive $0xFFFF  }
0x248: {  	_ =	strace $0x9000004A  }
0x249: {  	s0 =	stileid.u32;
	[bflag:$0x2] =	sbarrier.arrive $0xFFFF  }
0x24a: {  	p0 =	sne.s32 s0, $0x0;
	s0 =	rddreg [dreg:$0x2]  }
0x24b: {  	s0 =	sadd.s32 @!p0 $0x100000, s0  }
0x24c: {  	[sflag:s0] =	ssyncadd.tile.s32 @!p0 $0x1;
	_ =	shalt  }
.Lfunc_end2:
_tile_overlayer_lowered:
.L_overlay_start_2:
0x24d: {  	(tag) =	ssettag $0x2  }
0x24e: {  	s0 =	rddreg [dreg:$0x0];
	s2 =	stileid.u32  }
0x24f: {  	s1 =	rddreg [dreg:$0x1];
	p0 =	sne.s32 s2, $0x0  }
0x250: {  	s3 =	rddreg [dreg:$0x2];
	[bflag:$0x3] =	sbarrier.arrive $0xFFFF;
	s2 =	simm.s32 @!p0 $0x1C05  }
0x251: {  	[timem:s3], [sflag:s2] =	dma.local @!p0 [hbm:s0], s1  }
0x252: {  	s0 =	simm.s32 @!p0 $0x5  }
0x253: {  	_ =	swait.ge @!p0 [sflag:s0], s1  }
0x254: {  	s1 =	ssub.s32 @!p0 $0x0, s1;
	[sflag:s0] =	ssyncset.done @!p0 $0x0  }
0x255: {  	[sflag:s0] =	ssyncadd.s32 @!p0 s1  }
0x256: {  	[bflag:$0x3] =	sbarrier.arrive $0xFFFF  }
0x257: {  	_ =	shalt  }

</sc_bundles>
